<compile_context>
chip_gen: v7x
topology: tpu7x:2x2x1
jax: 0.10.2.dev20260603
libtpu: 0.0.44.dev20260713+nightly
codegen_flags: <defaults>
</compile_context>

<pallas_src>
import functools

import jax
import jax.numpy as jnp
from jax import lax
from jax.experimental import pallas as pl
from jax.experimental.pallas import tpu as pltpu
from jax.experimental.pallas import tpu_sc as plsc

B = 25000
D = 128
S = 20
NV = D // 16
NS = 16
BPW = 1568
B_PAD = NS * BPW
Q = 16
NCH = BPW // Q
G = 1
GROWS = Q * S // G

LAST_VALID = B - (NS - 1) * BPW
LAST_VALID_N = LAST_VALID * S

_mesh = plsc.VectorSubcoreMesh(core_axis_name="c", subcore_axis_name="s")


@functools.partial(
    pl.kernel,
    out_type=jax.ShapeDtypeStruct((B_PAD, D), jnp.int32),
    mesh=_mesh,
    scratch_types=[
        pltpu.VMEM((BPW,), jnp.int32),
        pltpu.VMEM((BPW * S,), jnp.int32),
        pltpu.VMEM((Q * S, D), jnp.float32),
        pltpu.VMEM((Q * S, D), jnp.float32),
        pltpu.VMEM((Q, D), jnp.float32),
        pltpu.VMEM((Q, D), jnp.float32),
        pltpu.VMEM((Q, D), jnp.int32),
        pltpu.VMEM((Q, D), jnp.int32),
        pltpu.SemaphoreType.DMA,
        pltpu.SemaphoreType.DMA,
        pltpu.SemaphoreType.DMA,
        pltpu.SemaphoreType.DMA,
    ],
)
def _sc_gather(feat_hbm, nodes_hbm, neigh_hbm, comb_hbm,
               nodes_v, nidx_v, rows0, rows1, srows0, srows1,
               stage0, stage1, gsem0, gsem1, osem0, osem1):
    cid = lax.axis_index("c")
    sid = lax.axis_index("s")

    @pl.when(cid == 0)
    def _run():
        base = sid * BPW

        @pl.when(sid < NS - 1)
        def _load_idx_full():
            pltpu.sync_copy(nodes_hbm.at[pl.ds(base, BPW)], nodes_v)
            pltpu.sync_copy(neigh_hbm.at[pl.ds(base * S, BPW * S)], nidx_v)

        @pl.when(sid == NS - 1)
        def _load_idx_tail():
            zi = jnp.zeros((16,), jnp.int32)

            def zn(i, carry):
                nidx_v[pl.ds(i * 16, 16)] = zi
                return carry

            lax.fori_loop(0, BPW * S // 16, zn, 0)

            def zs(i, carry):
                nodes_v[pl.ds(i * 16, 16)] = zi
                return carry

            lax.fori_loop(0, BPW // 16, zs, 0)
            pltpu.sync_copy(nodes_hbm.at[pl.ds(base, LAST_VALID)],
                            nodes_v.at[pl.ds(0, LAST_VALID)])
            pltpu.sync_copy(neigh_hbm.at[pl.ds(base * S, LAST_VALID_N)],
                            nidx_v.at[pl.ds(0, LAST_VALID_N)])

        rows = (rows0, rows1)
        srows = (srows0, srows1)
        stage = (stage0, stage1)
        gsem = (gsem0, gsem1)
        osem = (osem0, osem1)

        def issue(c, p):
            for g in range(G):
                pltpu.async_copy(
                    feat_hbm.at[
                        nidx_v.at[pl.ds(c * (Q * S) + g * GROWS, GROWS)]],
                    rows[p].at[pl.ds(g * GROWS, GROWS)],
                    gsem[p])
            pltpu.async_copy(feat_hbm.at[nodes_v.at[pl.ds(c * Q, Q)]],
                             srows[p], gsem[p])

        def wait_gathers(p):
            for g in range(G):
                pltpu.make_async_copy(
                    feat_hbm.at[pl.ds(0, GROWS)],
                    rows[p].at[pl.ds(g * GROWS, GROWS)],
                    gsem[p]).wait()
            pltpu.make_async_copy(feat_hbm.at[pl.ds(0, Q)], srows[p],
                                  gsem[p]).wait()

        def rb16(x):
            xi = lax.bitcast_convert_type(x, jnp.int32)
            rnd = lax.shift_right_logical(xi, 16) & jnp.int32(1)
            return lax.shift_right_logical(xi + jnp.int32(0x7FFF) + rnd, 16)

        def accum(p):
            r = rows[p]
            sr = srows[p]
            st = stage[p]

            def qbody(q, carry):
                accs = [r[q * S, pl.ds(v * 16, 16)] for v in range(NV)]
                for s in range(1, S):
                    for v in range(NV):
                        accs[v] = accs[v] + r[q * S + s, pl.ds(v * 16, 16)]
                for v in range(NV):
                    sl = pl.ds(v * 16, 16)
                    pk = rb16(sr[q, sl]) | (rb16(accs[v] * (1.0 / S)) << 16)
                    st[q, sl] = pk
                return carry

            lax.fori_loop(0, Q, qbody, 0)

        issue(0, 0)
        issue(1, 1)

        def tbody(t, carry):
            for p in (0, 1):
                c = 2 * t + p
                wait_gathers(p)

                @pl.when(t > 0)
                def _wait_out():
                    pltpu.make_async_copy(stage[p], comb_hbm.at[pl.ds(0, Q)],
                                          osem[p]).wait()

                accum(p)
                pltpu.async_copy(stage[p],
                                 comb_hbm.at[pl.ds(base + c * Q, Q)],
                                 osem[p])
                cn = c + 2

                @pl.when(cn < NCH)
                def _issue_next():
                    issue(cn, p)
            return carry

        lax.fori_loop(0, NCH // 2, tbody, 0)
        for p in (0, 1):
            pltpu.make_async_copy(stage[p], comb_hbm.at[pl.ds(0, Q)],
                                  osem[p]).wait()


BLK = 5000


def _mm_body(x_ref, w_ref, o_ref):
    xbf = pltpu.bitcast(x_ref[...], jnp.bfloat16)
    xr = xbf.reshape(BLK, 2, D)
    res = lax.dot_general(
        xr, w_ref[...],
        dimension_numbers=(((2,), (1,)), ((1,), (0,))),
        preferred_element_type=jnp.float32)
    o_ref[...] = jnp.maximum(res[0] + res[1], 0.0)


def _tc_matmul(comb, w2):
    return pl.pallas_call(
        _mm_body,
        grid=(B // BLK,),
        in_specs=[
            pl.BlockSpec((BLK, D), lambda i: (i, 0)),
            pl.BlockSpec((2, D, D), lambda i: (0, 0, 0)),
        ],
        out_specs=pl.BlockSpec((BLK, D), lambda i: (i, 0)),
        out_shape=jax.ShapeDtypeStruct((B, D), jnp.float32),
    )(comb, w2)


@jax.jit
def kernel(nodes, neigh_idx, features, weight):
    nodes_i = nodes.astype(jnp.int32)
    neigh_i = neigh_idx.astype(jnp.int32).reshape(-1)
    w2 = jnp.stack([weight[:D], weight[D:]])
    comb = _sc_gather(features, nodes_i, neigh_i)
    return _tc_matmul(comb, w2)

# --- scband reference (transcript-rebuilt; emitter-appended) ---
"""Pipeline reference for scband-encoder-36103495090681 (READ-ONLY COPY).

The authoritative reference and input builder live on the scoring server;
editing this copy changes nothing except your own understanding.
"""

import jax, jax.numpy as jnp
import numpy as np

N_NODES = 100000
FEAT_DIM = 128
EMBED_DIM = 128
NUM_SAMPLE = 20
BATCH = 25000

def setup_inputs(seed: int = 0) -> dict:
    key = jax.random.key(seed)
    k1, k2, k3, k4 = jax.random.split(key, 4)
    nodes = jax.random.randint(k1, (BATCH,), 0, N_NODES, dtype=jnp.int64) if jax.config.jax_enable_x64 else jax.random.randint(k1, (BATCH,), 0, N_NODES, dtype=jnp.int32)
    neigh_idx = jax.random.randint(k2, (BATCH, NUM_SAMPLE), 0, N_NODES, dtype=nodes.dtype)
    features = jax.random.normal(k3, (N_NODES, FEAT_DIM), dtype=jnp.float32)
    # xavier_uniform for weight [2*feat_dim, embed_dim]
    fan_in, fan_out = 2 * FEAT_DIM, EMBED_DIM
    bound = float(np.sqrt(6.0 / (fan_in + fan_out)))
    weight = jax.random.uniform(k4, (2 * FEAT_DIM, EMBED_DIM), dtype=jnp.float32, minval=-bound, maxval=bound)
    return {"nodes": nodes, "neigh_idx": neigh_idx, "features": features, "weight": weight}

def reference(nodes, neigh_idx, features, weight):
    # aggregator.forward(nodes, adj_lists, num_sample): mean of sampled neighbor features
    neigh_feats = jnp.mean(jnp.take(features, neigh_idx, axis=0), axis=1)  # [B, feat_dim]
    # self features: embedding lookup
    self_feats = jnp.take(features, nodes, axis=0)  # [B, feat_dim]
    combined = jnp.concatenate([self_feats, neigh_feats], axis=1)  # [B, 2*feat_dim]
    out = jax.nn.relu(combined @ weight)  # [B, embed_dim]
    return out

if __name__ == "__main__":
    import jax
    _d = setup_inputs()
    print(jax.jit(kernel)(*tuple(_d.values())))

</pallas_src>

<mosaic_0001>
#map = affine_map<(d0, d1) -> (0, 0)>
#map1 = affine_map<(d0, d1) -> (0)>
module attributes {stable_mosaic.version = 14 : i64} {
  func.func @_sc_gather(%arg0: i32, %arg1: i32, %arg2: memref<100000x128xf32, #tpu.memory_space<hbm>>, %arg3: memref<25000xi32, #tpu.memory_space<hbm>>, %arg4: memref<500000xi32, #tpu.memory_space<hbm>>, %arg5: memref<25088x128xi32, #tpu.memory_space<hbm>>, %arg6: memref<1568xi32, #tpu.memory_space<vmem>>, %arg7: memref<31360xi32, #tpu.memory_space<vmem>>, %arg8: memref<320x128xf32, #tpu.memory_space<vmem>>, %arg9: memref<320x128xf32, #tpu.memory_space<vmem>>, %arg10: memref<16x128xf32, #tpu.memory_space<vmem>>, %arg11: memref<16x128xf32, #tpu.memory_space<vmem>>, %arg12: memref<16x128xi32, #tpu.memory_space<vmem>>, %arg13: memref<16x128xi32, #tpu.memory_space<vmem>>, %arg14: memref<!tpu.dma_semaphore, #tpu.memory_space<semaphore_mem>>, %arg15: memref<!tpu.dma_semaphore, #tpu.memory_space<semaphore_mem>>, %arg16: memref<!tpu.dma_semaphore, #tpu.memory_space<semaphore_mem>>, %arg17: memref<!tpu.dma_semaphore, #tpu.memory_space<semaphore_mem>>) attributes {dimension_semantics = [#tpu.dimension_semantics<core_parallel>, #tpu.dimension_semantics<subcore_parallel>], iteration_bounds = array<i64: 2, 16>, scalar_prefetch = 0 : i64, scratch_operands = 12 : i64, tpu.core_type = #tpu.core_type<sc_vector_subcore>, window_params = [{transform_indices = #map}, {transform_indices = #map1}, {transform_indices = #map1}, {transform_indices = #map}]} {
    %eq3A = arith.constant 0 : i32
    %eq3A_0 = arith.cmpi eq, %arg0, %eq3A : i32
    %convert_element_type3A = arith.extui %eq3A_0 : i1 to i32
    %cond3A = arith.constant 0 : i32
    %cond3A_1 = arith.cmpi ne, %convert_element_type3A, %cond3A : i32
    scf.if %cond3A_1 {
      %mul3A = arith.constant 1568 : i32
      %mul3A_2 = arith.muli %arg1, %mul3A : i32
      %lt3A = arith.constant 15 : i32
      %lt3A_3 = arith.cmpi slt, %arg1, %lt3A : i32
      %convert_element_type3A_4 = arith.extui %lt3A_3 : i1 to i32
      %cond3A_5 = arith.constant 0 : i32
      %cond3A_6 = arith.cmpi ne, %convert_element_type3A_4, %cond3A_5 : i32
      scf.if %cond3A_6 {
        "tpu.region"() ({
          %run_scoped3A = tpu.sem_alloc : memref<!tpu.dma_semaphore, #tpu.memory_space<semaphore_mem>>
          %dma_start3A_55 = tpu.memref_slice %arg3[%mul3A_2] : memref<25000xi32, #tpu.memory_space<hbm>> -> memref<1568xi32, #tpu.memory_space<hbm>>
          %dma_start3A_56 = tpu.memref_slice %arg3[%mul3A_2] : memref<25000xi32, #tpu.memory_space<hbm>> -> memref<1568xi32, #tpu.memory_space<hbm>>
          tpu.enqueue_dma source(%dma_start3A_56 : memref<1568xi32, #tpu.memory_space<hbm>>) target(%arg6 : memref<1568xi32, #tpu.memory_space<vmem>>) target_semaphore(%run_scoped3A : memref<!tpu.dma_semaphore, #tpu.memory_space<semaphore_mem>>)
          %dma_wait3A_57 = tpu.memref_slice %arg3[%mul3A_2] : memref<25000xi32, #tpu.memory_space<hbm>> -> memref<1568xi32, #tpu.memory_space<hbm>>
          %dma_wait3A_58 = tpu.memref_slice %arg3[%mul3A_2] : memref<25000xi32, #tpu.memory_space<hbm>> -> memref<1568xi32, #tpu.memory_space<hbm>>
          tpu.wait_dma2 semaphore(%run_scoped3A : memref<!tpu.dma_semaphore, #tpu.memory_space<semaphore_mem>>) src(%dma_wait3A_58 : memref<1568xi32, #tpu.memory_space<hbm>>) dst(%arg6 : memref<1568xi32, #tpu.memory_space<vmem>>)
          tpu.yield
        }) : () -> ()
        %mul3A_53 = arith.constant 20 : i32
        %mul3A_54 = arith.muli %mul3A_2, %mul3A_53 : i32
        "tpu.region"() ({
          %run_scoped3A = tpu.sem_alloc : memref<!tpu.dma_semaphore, #tpu.memory_space<semaphore_mem>>
          %dma_start3A_55 = tpu.memref_slice %arg4[%mul3A_54] : memref<500000xi32, #tpu.memory_space<hbm>> -> memref<31360xi32, #tpu.memory_space<hbm>>
          %dma_start3A_56 = tpu.memref_slice %arg4[%mul3A_54] : memref<500000xi32, #tpu.memory_space<hbm>> -> memref<31360xi32, #tpu.memory_space<hbm>>
          tpu.enqueue_dma source(%dma_start3A_56 : memref<31360xi32, #tpu.memory_space<hbm>>) target(%arg7 : memref<31360xi32, #tpu.memory_space<vmem>>) target_semaphore(%run_scoped3A : memref<!tpu.dma_semaphore, #tpu.memory_space<semaphore_mem>>)
          %dma_wait3A_57 = tpu.memref_slice %arg4[%mul3A_54] : memref<500000xi32, #tpu.memory_space<hbm>> -> memref<31360xi32, #tpu.memory_space<hbm>>
          %dma_wait3A_58 = tpu.memref_slice %arg4[%mul3A_54] : memref<500000xi32, #tpu.memory_space<hbm>> -> memref<31360xi32, #tpu.memory_space<hbm>>
          tpu.wait_dma2 semaphore(%run_scoped3A : memref<!tpu.dma_semaphore, #tpu.memory_space<semaphore_mem>>) src(%dma_wait3A_58 : memref<31360xi32, #tpu.memory_space<hbm>>) dst(%arg7 : memref<31360xi32, #tpu.memory_space<vmem>>)
          tpu.yield
        }) : () -> ()
      } else {
      }
      %eq3A_7 = arith.constant 15 : i32
      %eq3A_8 = arith.cmpi eq, %arg1, %eq3A_7 : i32
      %convert_element_type3A_9 = arith.extui %eq3A_8 : i1 to i32
      %cond3A_10 = arith.constant 0 : i32
      %cond3A_11 = arith.cmpi ne, %convert_element_type3A_9, %cond3A_10 : i32
      scf.if %cond3A_11 {
        %broadcast_in_dim3A = arith.constant 0 : i32
        %broadcast_in_dim3A_53 = vector.broadcast %broadcast_in_dim3A : i32 to vector<16xi32>
        %scan3A_54 = arith.constant 0 : i32
        %scan3A_55 = arith.constant 0 : i32
        %scan3A_56 = arith.constant 1960 : i32
        %scan3A_57 = arith.addi %scan3A_55, %scan3A_56 : i32
        %scan3A_58 = arith.constant 1 : i32
        scf.for %scan3A_68 = %scan3A_55 to %scan3A_57 step %scan3A_58  : i32 {
          %mul3A_69 = arith.constant 16 : i32
          %mul3A_70 = arith.muli %scan3A_68, %mul3A_69 : i32
          %swap3A = arith.index_cast %mul3A_70 : i32 to index
          %swap3A_71 = tpu.vector_load %arg7[%swap3A] {strides = array<i32>} : memref<31360xi32, #tpu.memory_space<vmem>>, vector<16xi32>,
          %swap3A_72 = vector.shape_cast %swap3A_71 : vector<16xi32> to vector<16xi32>
          %swap3A_73 = vector.shape_cast %broadcast_in_dim3A_53 : vector<16xi32> to vector<16xi32>
          tpu.vector_store %arg7[%swap3A], %swap3A_73 {strides = array<i32>} : memref<31360xi32, #tpu.memory_space<vmem>>, vector<16xi32>,
        }
        %scan3A_59 = arith.constant 1960 : i32
        %scan3A_60 = arith.constant 0 : i32
        %scan3A_61 = arith.constant 0 : i32
        %scan3A_62 = arith.constant 98 : i32
        %scan3A_63 = arith.addi %scan3A_61, %scan3A_62 : i32
        %scan3A_64 = arith.constant 1 : i32
        scf.for %scan3A_68 = %scan3A_61 to %scan3A_63 step %scan3A_64  : i32 {
          %mul3A_69 = arith.constant 16 : i32
          %mul3A_70 = arith.muli %scan3A_68, %mul3A_69 : i32
          %swap3A = arith.index_cast %mul3A_70 : i32 to index
          %swap3A_71 = tpu.vector_load %arg6[%swap3A] {strides = array<i32>} : memref<1568xi32, #tpu.memory_space<vmem>>, vector<16xi32>,
          %swap3A_72 = vector.shape_cast %swap3A_71 : vector<16xi32> to vector<16xi32>
          %swap3A_73 = vector.shape_cast %broadcast_in_dim3A_53 : vector<16xi32> to vector<16xi32>
          tpu.vector_store %arg6[%swap3A], %swap3A_73 {strides = array<i32>} : memref<1568xi32, #tpu.memory_space<vmem>>, vector<16xi32>,
        }
        %scan3A_65 = arith.constant 98 : i32
        "tpu.region"() ({
          %run_scoped3A = tpu.sem_alloc : memref<!tpu.dma_semaphore, #tpu.memory_space<semaphore_mem>>
          %dma_start3A_68 = arith.constant 0 : i32
          %dma_start3A_69 = tpu.memref_slice %arg6[%dma_start3A_68] : memref<1568xi32, #tpu.memory_space<vmem>> -> memref<1480xi32, #tpu.memory_space<vmem>>
          %dma_start3A_70 = tpu.memref_slice %arg3[%mul3A_2] : memref<25000xi32, #tpu.memory_space<hbm>> -> memref<1480xi32, #tpu.memory_space<hbm>>
          %dma_start3A_71 = arith.constant 0 : i32
          %dma_start3A_72 = tpu.memref_slice %arg6[%dma_start3A_71] : memref<1568xi32, #tpu.memory_space<vmem>> -> memref<1480xi32, #tpu.memory_space<vmem>>
          %dma_start3A_73 = tpu.memref_slice %arg3[%mul3A_2] : memref<25000xi32, #tpu.memory_space<hbm>> -> memref<1480xi32, #tpu.memory_space<hbm>>
          tpu.enqueue_dma source(%dma_start3A_73 : memref<1480xi32, #tpu.memory_space<hbm>>) target(%dma_start3A_72 : memref<1480xi32, #tpu.memory_space<vmem>>) target_semaphore(%run_scoped3A : memref<!tpu.dma_semaphore, #tpu.memory_space<semaphore_mem>>)
          %dma_wait3A_74 = arith.constant 0 : i32
          %dma_wait3A_75 = tpu.memref_slice %arg6[%dma_wait3A_74] : memref<1568xi32, #tpu.memory_space<vmem>> -> memref<1480xi32, #tpu.memory_space<vmem>>
          %dma_wait3A_76 = tpu.memref_slice %arg3[%mul3A_2] : memref<25000xi32, #tpu.memory_space<hbm>> -> memref<1480xi32, #tpu.memory_space<hbm>>
          %dma_wait3A_77 = arith.constant 0 : i32
          %dma_wait3A_78 = tpu.memref_slice %arg6[%dma_wait3A_77] : memref<1568xi32, #tpu.memory_space<vmem>> -> memref<1480xi32, #tpu.memory_space<vmem>>
          %dma_wait3A_79 = tpu.memref_slice %arg3[%mul3A_2] : memref<25000xi32, #tpu.memory_space<hbm>> -> memref<1480xi32, #tpu.memory_space<hbm>>
          tpu.wait_dma2 semaphore(%run_scoped3A : memref<!tpu.dma_semaphore, #tpu.memory_space<semaphore_mem>>) src(%dma_wait3A_79 : memref<1480xi32, #tpu.memory_space<hbm>>) dst(%dma_wait3A_78 : memref<1480xi32, #tpu.memory_space<vmem>>)
          tpu.yield
        }) : () -> ()
        %mul3A_66 = arith.constant 20 : i32
        %mul3A_67 = arith.muli %mul3A_2, %mul3A_66 : i32
        "tpu.region"() ({
          %run_scoped3A = tpu.sem_alloc : memref<!tpu.dma_semaphore, #tpu.memory_space<semaphore_mem>>
          %dma_start3A_68 = arith.constant 0 : i32
          %dma_start3A_69 = tpu.memref_slice %arg7[%dma_start3A_68] : memref<31360xi32, #tpu.memory_space<vmem>> -> memref<29600xi32, #tpu.memory_space<vmem>>
          %dma_start3A_70 = tpu.memref_slice %arg4[%mul3A_67] : memref<500000xi32, #tpu.memory_space<hbm>> -> memref<29600xi32, #tpu.memory_space<hbm>>
          %dma_start3A_71 = arith.constant 0 : i32
          %dma_start3A_72 = tpu.memref_slice %arg7[%dma_start3A_71] : memref<31360xi32, #tpu.memory_space<vmem>> -> memref<29600xi32, #tpu.memory_space<vmem>>
          %dma_start3A_73 = tpu.memref_slice %arg4[%mul3A_67] : memref<500000xi32, #tpu.memory_space<hbm>> -> memref<29600xi32, #tpu.memory_space<hbm>>
          tpu.enqueue_dma source(%dma_start3A_73 : memref<29600xi32, #tpu.memory_space<hbm>>) target(%dma_start3A_72 : memref<29600xi32, #tpu.memory_space<vmem>>) target_semaphore(%run_scoped3A : memref<!tpu.dma_semaphore, #tpu.memory_space<semaphore_mem>>)
          %dma_wait3A_74 = arith.constant 0 : i32
          %dma_wait3A_75 = tpu.memref_slice %arg7[%dma_wait3A_74] : memref<31360xi32, #tpu.memory_space<vmem>> -> memref<29600xi32, #tpu.memory_space<vmem>>
          %dma_wait3A_76 = tpu.memref_slice %arg4[%mul3A_67] : memref<500000xi32, #tpu.memory_space<hbm>> -> memref<29600xi32, #tpu.memory_space<hbm>>
          %dma_wait3A_77 = arith.constant 0 : i32
          %dma_wait3A_78 = tpu.memref_slice %arg7[%dma_wait3A_77] : memref<31360xi32, #tpu.memory_space<vmem>> -> memref<29600xi32, #tpu.memory_space<vmem>>
          %dma_wait3A_79 = tpu.memref_slice %arg4[%mul3A_67] : memref<500000xi32, #tpu.memory_space<hbm>> -> memref<29600xi32, #tpu.memory_space<hbm>>
          tpu.wait_dma2 semaphore(%run_scoped3A : memref<!tpu.dma_semaphore, #tpu.memory_space<semaphore_mem>>) src(%dma_wait3A_79 : memref<29600xi32, #tpu.memory_space<hbm>>) dst(%dma_wait3A_78 : memref<29600xi32, #tpu.memory_space<vmem>>)
          tpu.yield
        }) : () -> ()
      } else {
      }
      %dma_start3A = arith.constant 0 : i32
      %dma_start3A_12 = arith.constant 0 : i32
      %dma_start3A_13 = tpu.memref_slice %arg8[%dma_start3A, %dma_start3A_12] : memref<320x128xf32, #tpu.memory_space<vmem>> -> memref<320x128xf32, #tpu.memory_space<vmem>>
      %dma_start3A_14 = arith.constant 0 : i32
      %dma_start3A_15 = tpu.memref_slice %arg7[%dma_start3A_14] : memref<31360xi32, #tpu.memory_space<vmem>> -> memref<320xi32, #tpu.memory_space<vmem>>
      %dma_start3A_16 = arith.constant 0 : i32
      %dma_start3A_17 = arith.constant 0 : i32
      %dma_start3A_18 = tpu.memref_slice %arg2[%dma_start3A_16, %dma_start3A_17] : memref<100000x128xf32, #tpu.memory_space<hbm>> -> memref<100000x128xf32, #tpu.memory_space<hbm>>
      tpu.enqueue_indirect_dma source(%dma_start3A_18 : memref<100000x128xf32, #tpu.memory_space<hbm>>) target(%dma_start3A_13 : memref<320x128xf32, #tpu.memory_space<vmem>>) offsets(%dma_start3A_15 : memref<320xi32, #tpu.memory_space<vmem>>) semaphore(%arg14 : memref<!tpu.dma_semaphore, #tpu.memory_space<semaphore_mem>>)
      %dma_start3A_19 = arith.constant 0 : i32
      %dma_start3A_20 = tpu.memref_slice %arg6[%dma_start3A_19] : memref<1568xi32, #tpu.memory_space<vmem>> -> memref<16xi32, #tpu.memory_space<vmem>>
      %dma_start3A_21 = arith.constant 0 : i32
      %dma_start3A_22 = arith.constant 0 : i32
      %dma_start3A_23 = tpu.memref_slice %arg2[%dma_start3A_21, %dma_start3A_22] : memref<100000x128xf32, #tpu.memory_space<hbm>> -> memref<100000x128xf32, #tpu.memory_space<hbm>>
      tpu.enqueue_indirect_dma source(%dma_start3A_23 : memref<100000x128xf32, #tpu.memory_space<hbm>>) target(%arg10 : memref<16x128xf32, #tpu.memory_space<vmem>>) offsets(%dma_start3A_20 : memref<16xi32, #tpu.memory_space<vmem>>) semaphore(%arg14 : memref<!tpu.dma_semaphore, #tpu.memory_space<semaphore_mem>>)
      %dma_start3A_24 = arith.constant 0 : i32
      %dma_start3A_25 = arith.constant 0 : i32
      %dma_start3A_26 = tpu.memref_slice %arg9[%dma_start3A_24, %dma_start3A_25] : memref<320x128xf32, #tpu.memory_space<vmem>> -> memref<320x128xf32, #tpu.memory_space<vmem>>
      %dma_start3A_27 = arith.constant 320 : i32
      %dma_start3A_28 = tpu.memref_slice %arg7[%dma_start3A_27] : memref<31360xi32, #tpu.memory_space<vmem>> -> memref<320xi32, #tpu.memory_space<vmem>>
      %dma_start3A_29 = arith.constant 0 : i32
      %dma_start3A_30 = arith.constant 0 : i32
      %dma_start3A_31 = tpu.memref_slice %arg2[%dma_start3A_29, %dma_start3A_30] : memref<100000x128xf32, #tpu.memory_space<hbm>> -> memref<100000x128xf32, #tpu.memory_space<hbm>>
      tpu.enqueue_indirect_dma source(%dma_start3A_31 : memref<100000x128xf32, #tpu.memory_space<hbm>>) target(%dma_start3A_26 : memref<320x128xf32, #tpu.memory_space<vmem>>) offsets(%dma_start3A_28 : memref<320xi32, #tpu.memory_space<vmem>>) semaphore(%arg15 : memref<!tpu.dma_semaphore, #tpu.memory_space<semaphore_mem>>)
      %dma_start3A_32 = arith.constant 16 : i32
      %dma_start3A_33 = tpu.memref_slice %arg6[%dma_start3A_32] : memref<1568xi32, #tpu.memory_space<vmem>> -> memref<16xi32, #tpu.memory_space<vmem>>
      %dma_start3A_34 = arith.constant 0 : i32
      %dma_start3A_35 = arith.constant 0 : i32
      %dma_start3A_36 = tpu.memref_slice %arg2[%dma_start3A_34, %dma_start3A_35] : memref<100000x128xf32, #tpu.memory_space<hbm>> -> memref<100000x128xf32, #tpu.memory_space<hbm>>
      tpu.enqueue_indirect_dma source(%dma_start3A_36 : memref<100000x128xf32, #tpu.memory_space<hbm>>) target(%arg11 : memref<16x128xf32, #tpu.memory_space<vmem>>) offsets(%dma_start3A_33 : memref<16xi32, #tpu.memory_space<vmem>>) semaphore(%arg15 : memref<!tpu.dma_semaphore, #tpu.memory_space<semaphore_mem>>)
      %scan3A = arith.constant 0 : i32
      %scan3A_37 = arith.constant 0 : i32
      %scan3A_38 = arith.constant 49 : i32
      %scan3A_39 = arith.addi %scan3A_37, %scan3A_38 : i32
      %scan3A_40 = arith.constant 1 : i32
      scf.for %scan3A_53 = %scan3A_37 to %scan3A_39 step %scan3A_40  : i32 {
        %mul3A_54 = arith.constant 2 : i32
        %mul3A_55 = arith.muli %mul3A_54, %scan3A_53 : i32
        %add3A = arith.constant 0 : i32
        %add3A_56 = arith.addi %mul3A_55, %add3A : i32
        %dma_wait3A_57 = arith.constant 0 : i32
        %dma_wait3A_58 = arith.constant 0 : i32
        %dma_wait3A_59 = tpu.memref_slice %arg8[%dma_wait3A_57, %dma_wait3A_58] : memref<320x128xf32, #tpu.memory_space<vmem>> -> memref<320x128xf32, #tpu.memory_space<vmem>>
        %dma_wait3A_60 = arith.constant 0 : i32
        %dma_wait3A_61 = arith.constant 0 : i32
        %dma_wait3A_62 = tpu.memref_slice %arg2[%dma_wait3A_60, %dma_wait3A_61] : memref<100000x128xf32, #tpu.memory_space<hbm>> -> memref<320x128xf32, #tpu.memory_space<hbm>>
        %dma_wait3A_63 = arith.constant 0 : i32
        %dma_wait3A_64 = arith.constant 0 : i32
        %dma_wait3A_65 = tpu.memref_slice %arg8[%dma_wait3A_63, %dma_wait3A_64] : memref<320x128xf32, #tpu.memory_space<vmem>> -> memref<320x128xf32, #tpu.memory_space<vmem>>
        %dma_wait3A_66 = arith.constant 0 : i32
        %dma_wait3A_67 = arith.constant 0 : i32
        %dma_wait3A_68 = tpu.memref_slice %arg2[%dma_wait3A_66, %dma_wait3A_67] : memref<100000x128xf32, #tpu.memory_space<hbm>> -> memref<320x128xf32, #tpu.memory_space<hbm>>
        tpu.wait_dma2 semaphore(%arg14 : memref<!tpu.dma_semaphore, #tpu.memory_space<semaphore_mem>>) src(%dma_wait3A_68 : memref<320x128xf32, #tpu.memory_space<hbm>>) dst(%dma_wait3A_65 : memref<320x128xf32, #tpu.memory_space<vmem>>)
        %dma_wait3A_69 = arith.constant 0 : i32
        %dma_wait3A_70 = arith.constant 0 : i32
        %dma_wait3A_71 = tpu.memref_slice %arg2[%dma_wait3A_69, %dma_wait3A_70] : memref<100000x128xf32, #tpu.memory_space<hbm>> -> memref<16x128xf32, #tpu.memory_space<hbm>>
        %dma_wait3A_72 = arith.constant 0 : i32
        %dma_wait3A_73 = arith.constant 0 : i32
        %dma_wait3A_74 = tpu.memref_slice %arg2[%dma_wait3A_72, %dma_wait3A_73] : memref<100000x128xf32, #tpu.memory_space<hbm>> -> memref<16x128xf32, #tpu.memory_space<hbm>>
        tpu.wait_dma2 semaphore(%arg14 : memref<!tpu.dma_semaphore, #tpu.memory_space<semaphore_mem>>) src(%dma_wait3A_74 : memref<16x128xf32, #tpu.memory_space<hbm>>) dst(%arg10 : memref<16x128xf32, #tpu.memory_space<vmem>>)
        %gt3A = arith.constant 0 : i32
        %gt3A_75 = arith.cmpi sgt, %scan3A_53, %gt3A : i32
        %convert_element_type3A_76 = arith.extui %gt3A_75 : i1 to i32
        %cond3A_77 = arith.constant 0 : i32
        %cond3A_78 = arith.cmpi ne, %convert_element_type3A_76, %cond3A_77 : i32
        scf.if %cond3A_78 {
          %dma_wait3A_146 = arith.constant 0 : i32
          %dma_wait3A_147 = arith.constant 0 : i32
          %dma_wait3A_148 = tpu.memref_slice %arg5[%dma_wait3A_146, %dma_wait3A_147] : memref<25088x128xi32, #tpu.memory_space<hbm>> -> memref<16x128xi32, #tpu.memory_space<hbm>>
          %dma_wait3A_149 = arith.constant 0 : i32
          %dma_wait3A_150 = arith.constant 0 : i32
          %dma_wait3A_151 = tpu.memref_slice %arg5[%dma_wait3A_149, %dma_wait3A_150] : memref<25088x128xi32, #tpu.memory_space<hbm>> -> memref<16x128xi32, #tpu.memory_space<hbm>>
          tpu.wait_dma2 semaphore(%arg16 : memref<!tpu.dma_semaphore, #tpu.memory_space<semaphore_mem>>) src(%arg12 : memref<16x128xi32, #tpu.memory_space<vmem>>) dst(%dma_wait3A_151 : memref<16x128xi32, #tpu.memory_space<hbm>>)
        } else {
        }
        %scan3A_79 = arith.constant 0 : i32
        %scan3A_80 = arith.constant 0 : i32
        %scan3A_81 = arith.constant 16 : i32
        %scan3A_82 = arith.addi %scan3A_80, %scan3A_81 : i32
        %scan3A_83 = arith.constant 1 : i32
        scf.for %scan3A_146 = %scan3A_80 to %scan3A_82 step %scan3A_83  : i32 {
          %mul3A_147 = arith.constant 20 : i32
          %mul3A_148 = arith.muli %scan3A_146, %mul3A_147 : i32
          %get3A = arith.index_cast %mul3A_148 : i32 to index
          %get3A_149 = arith.constant 0 : index
          %get3A_150 = tpu.vector_load %arg8[%get3A, %get3A_149] {strides = array<i32>} : memref<320x128xf32, #tpu.memory_space<vmem>>, vector<1x16xf32>,
          %get3A_151 = vector.shape_cast %get3A_150 : vector<1x16xf32> to vector<16xf32>
          %mul3A_152 = arith.constant 20 : i32
          %mul3A_153 = arith.muli %scan3A_146, %mul3A_152 : i32
          %get3A_154 = arith.index_cast %mul3A_153 : i32 to index
          %get3A_155 = arith.constant 16 : index
          %get3A_156 = tpu.vector_load %arg8[%get3A_154, %get3A_155] {strides = array<i32>} : memref<320x128xf32, #tpu.memory_space<vmem>>, vector<1x16xf32>,
          %get3A_157 = vector.shape_cast %get3A_156 : vector<1x16xf32> to vector<16xf32>
          %mul3A_158 = arith.constant 20 : i32
          %mul3A_159 = arith.muli %scan3A_146, %mul3A_158 : i32
          %get3A_160 = arith.index_cast %mul3A_159 : i32 to index
          %get3A_161 = arith.constant 32 : index
          %get3A_162 = tpu.vector_load %arg8[%get3A_160, %get3A_161] {strides = array<i32>} : memref<320x128xf32, #tpu.memory_space<vmem>>, vector<1x16xf32>,
          %get3A_163 = vector.shape_cast %get3A_162 : vector<1x16xf32> to vector<16xf32>
          %mul3A_164 = arith.constant 20 : i32
          %mul3A_165 = arith.muli %scan3A_146, %mul3A_164 : i32
          %get3A_166 = arith.index_cast %mul3A_165 : i32 to index
          %get3A_167 = arith.constant 48 : index
          %get3A_168 = tpu.vector_load %arg8[%get3A_166, %get3A_167] {strides = array<i32>} : memref<320x128xf32, #tpu.memory_space<vmem>>, vector<1x16xf32>,
          %get3A_169 = vector.shape_cast %get3A_168 : vector<1x16xf32> to vector<16xf32>
          %mul3A_170 = arith.constant 20 : i32
          %mul3A_171 = arith.muli %scan3A_146, %mul3A_170 : i32
          %get3A_172 = arith.index_cast %mul3A_171 : i32 to index
          %get3A_173 = arith.constant 64 : index
          %get3A_174 = tpu.vector_load %arg8[%get3A_172, %get3A_173] {strides = array<i32>} : memref<320x128xf32, #tpu.memory_space<vmem>>, vector<1x16xf32>,
          %get3A_175 = vector.shape_cast %get3A_174 : vector<1x16xf32> to vector<16xf32>
          %mul3A_176 = arith.constant 20 : i32
          %mul3A_177 = arith.muli %scan3A_146, %mul3A_176 : i32
          %get3A_178 = arith.index_cast %mul3A_177 : i32 to index
          %get3A_179 = arith.constant 80 : index
          %get3A_180 = tpu.vector_load %arg8[%get3A_178, %get3A_179] {strides = array<i32>} : memref<320x128xf32, #tpu.memory_space<vmem>>, vector<1x16xf32>,
          %get3A_181 = vector.shape_cast %get3A_180 : vector<1x16xf32> to vector<16xf32>
          %mul3A_182 = arith.constant 20 : i32
          %mul3A_183 = arith.muli %scan3A_146, %mul3A_182 : i32
          %get3A_184 = arith.index_cast %mul3A_183 : i32 to index
          %get3A_185 = arith.constant 96 : index
          %get3A_186 = tpu.vector_load %arg8[%get3A_184, %get3A_185] {strides = array<i32>} : memref<320x128xf32, #tpu.memory_space<vmem>>, vector<1x16xf32>,
          %get3A_187 = vector.shape_cast %get3A_186 : vector<1x16xf32> to vector<16xf32>
          %mul3A_188 = arith.constant 20 : i32
          %mul3A_189 = arith.muli %scan3A_146, %mul3A_188 : i32
          %get3A_190 = arith.index_cast %mul3A_189 : i32 to index
          %get3A_191 = arith.constant 112 : index
          %get3A_192 = tpu.vector_load %arg8[%get3A_190, %get3A_191] {strides = array<i32>} : memref<320x128xf32, #tpu.memory_space<vmem>>, vector<1x16xf32>,
          %get3A_193 = vector.shape_cast %get3A_192 : vector<1x16xf32> to vector<16xf32>
          %mul3A_194 = arith.constant 20 : i32
          %mul3A_195 = arith.muli %scan3A_146, %mul3A_194 : i32
          %add3A_196 = arith.constant 1 : i32
          %add3A_197 = arith.addi %mul3A_195, %add3A_196 : i32
          %get3A_198 = arith.index_cast %add3A_197 : i32 to index
          %get3A_199 = arith.constant 0 : index
          %get3A_200 = tpu.vector_load %arg8[%get3A_198, %get3A_199] {strides = array<i32>} : memref<320x128xf32, #tpu.memory_space<vmem>>, vector<1x16xf32>,
          %get3A_201 = vector.shape_cast %get3A_200 : vector<1x16xf32> to vector<16xf32>
          %add3A_202 = arith.addf %get3A_151, %get3A_201 : vector<16xf32>
          %mul3A_203 = arith.constant 20 : i32
          %mul3A_204 = arith.muli %scan3A_146, %mul3A_203 : i32
          %add3A_205 = arith.constant 1 : i32
          %add3A_206 = arith.addi %mul3A_204, %add3A_205 : i32
          %get3A_207 = arith.index_cast %add3A_206 : i32 to index
          %get3A_208 = arith.constant 16 : index
          %get3A_209 = tpu.vector_load %arg8[%get3A_207, %get3A_208] {strides = array<i32>} : memref<320x128xf32, #tpu.memory_space<vmem>>, vector<1x16xf32>,
          %get3A_210 = vector.shape_cast %get3A_209 : vector<1x16xf32> to vector<16xf32>
          %add3A_211 = arith.addf %get3A_157, %get3A_210 : vector<16xf32>
          %mul3A_212 = arith.constant 20 : i32
          %mul3A_213 = arith.muli %scan3A_146, %mul3A_212 : i32
          %add3A_214 = arith.constant 1 : i32
          %add3A_215 = arith.addi %mul3A_213, %add3A_214 : i32
          %get3A_216 = arith.index_cast %add3A_215 : i32 to index
          %get3A_217 = arith.constant 32 : index
          %get3A_218 = tpu.vector_load %arg8[%get3A_216, %get3A_217] {strides = array<i32>} : memref<320x128xf32, #tpu.memory_space<vmem>>, vector<1x16xf32>,
          %get3A_219 = vector.shape_cast %get3A_218 : vector<1x16xf32> to vector<16xf32>
          %add3A_220 = arith.addf %get3A_163, %get3A_219 : vector<16xf32>
          %mul3A_221 = arith.constant 20 : i32
          %mul3A_222 = arith.muli %scan3A_146, %mul3A_221 : i32
          %add3A_223 = arith.constant 1 : i32
          %add3A_224 = arith.addi %mul3A_222, %add3A_223 : i32
          %get3A_225 = arith.index_cast %add3A_224 : i32 to index
          %get3A_226 = arith.constant 48 : index
          %get3A_227 = tpu.vector_load %arg8[%get3A_225, %get3A_226] {strides = array<i32>} : memref<320x128xf32, #tpu.memory_space<vmem>>, vector<1x16xf32>,
          %get3A_228 = vector.shape_cast %get3A_227 : vector<1x16xf32> to vector<16xf32>
          %add3A_229 = arith.addf %get3A_169, %get3A_228 : vector<16xf32>
          %mul3A_230 = arith.constant 20 : i32
          %mul3A_231 = arith.muli %scan3A_146, %mul3A_230 : i32
          %add3A_232 = arith.constant 1 : i32
          %add3A_233 = arith.addi %mul3A_231, %add3A_232 : i32
          %get3A_234 = arith.index_cast %add3A_233 : i32 to index
          %get3A_235 = arith.constant 64 : index
          %get3A_236 = tpu.vector_load %arg8[%get3A_234, %get3A_235] {strides = array<i32>} : memref<320x128xf32, #tpu.memory_space<vmem>>, vector<1x16xf32>,
          %get3A_237 = vector.shape_cast %get3A_236 : vector<1x16xf32> to vector<16xf32>
          %add3A_238 = arith.addf %get3A_175, %get3A_237 : vector<16xf32>
          %mul3A_239 = arith.constant 20 : i32
          %mul3A_240 = arith.muli %scan3A_146, %mul3A_239 : i32
          %add3A_241 = arith.constant 1 : i32
          %add3A_242 = arith.addi %mul3A_240, %add3A_241 : i32
          %get3A_243 = arith.index_cast %add3A_242 : i32 to index
          %get3A_244 = arith.constant 80 : index
          %get3A_245 = tpu.vector_load %arg8[%get3A_243, %get3A_244] {strides = array<i32>} : memref<320x128xf32, #tpu.memory_space<vmem>>, vector<1x16xf32>,
          %get3A_246 = vector.shape_cast %get3A_245 : vector<1x16xf32> to vector<16xf32>
          %add3A_247 = arith.addf %get3A_181, %get3A_246 : vector<16xf32>
          %mul3A_248 = arith.constant 20 : i32
          %mul3A_249 = arith.muli %scan3A_146, %mul3A_248 : i32
          %add3A_250 = arith.constant 1 : i32
          %add3A_251 = arith.addi %mul3A_249, %add3A_250 : i32
          %get3A_252 = arith.index_cast %add3A_251 : i32 to index
          %get3A_253 = arith.constant 96 : index
          %get3A_254 = tpu.vector_load %arg8[%get3A_252, %get3A_253] {strides = array<i32>} : memref<320x128xf32, #tpu.memory_space<vmem>>, vector<1x16xf32>,
          %get3A_255 = vector.shape_cast %get3A_254 : vector<1x16xf32> to vector<16xf32>
          %add3A_256 = arith.addf %get3A_187, %get3A_255 : vector<16xf32>
          %mul3A_257 = arith.constant 20 : i32
          %mul3A_258 = arith.muli %scan3A_146, %mul3A_257 : i32
          %add3A_259 = arith.constant 1 : i32
          %add3A_260 = arith.addi %mul3A_258, %add3A_259 : i32
          %get3A_261 = arith.index_cast %add3A_260 : i32 to index
          %get3A_262 = arith.constant 112 : index
          %get3A_263 = tpu.vector_load %arg8[%get3A_261, %get3A_262] {strides = array<i32>} : memref<320x128xf32, #tpu.memory_space<vmem>>, vector<1x16xf32>,
          %get3A_264 = vector.shape_cast %get3A_263 : vector<1x16xf32> to vector<16xf32>
          %add3A_265 = arith.addf %get3A_193, %get3A_264 : vector<16xf32>
          %mul3A_266 = arith.constant 20 : i32
          %mul3A_267 = arith.muli %scan3A_146, %mul3A_266 : i32
          %add3A_268 = arith.constant 2 : i32
          %add3A_269 = arith.addi %mul3A_267, %add3A_268 : i32
          %get3A_270 = arith.index_cast %add3A_269 : i32 to index
          %get3A_271 = arith.constant 0 : index
          %get3A_272 = tpu.vector_load %arg8[%get3A_270, %get3A_271] {strides = array<i32>} : memref<320x128xf32, #tpu.memory_space<vmem>>, vector<1x16xf32>,
          %get3A_273 = vector.shape_cast %get3A_272 : vector<1x16xf32> to vector<16xf32>
          %add3A_274 = arith.addf %add3A_202, %get3A_273 : vector<16xf32>
          %mul3A_275 = arith.constant 20 : i32
          %mul3A_276 = arith.muli %scan3A_146, %mul3A_275 : i32
          %add3A_277 = arith.constant 2 : i32
          %add3A_278 = arith.addi %mul3A_276, %add3A_277 : i32
          %get3A_279 = arith.index_cast %add3A_278 : i32 to index
          %get3A_280 = arith.constant 16 : index
          %get3A_281 = tpu.vector_load %arg8[%get3A_279, %get3A_280] {strides = array<i32>} : memref<320x128xf32, #tpu.memory_space<vmem>>, vector<1x16xf32>,
          %get3A_282 = vector.shape_cast %get3A_281 : vector<1x16xf32> to vector<16xf32>
          %add3A_283 = arith.addf %add3A_211, %get3A_282 : vector<16xf32>
          %mul3A_284 = arith.constant 20 : i32
          %mul3A_285 = arith.muli %scan3A_146, %mul3A_284 : i32
          %add3A_286 = arith.constant 2 : i32
          %add3A_287 = arith.addi %mul3A_285, %add3A_286 : i32
          %get3A_288 = arith.index_cast %add3A_287 : i32 to index
          %get3A_289 = arith.constant 32 : index
          %get3A_290 = tpu.vector_load %arg8[%get3A_288, %get3A_289] {strides = array<i32>} : memref<320x128xf32, #tpu.memory_space<vmem>>, vector<1x16xf32>,
          %get3A_291 = vector.shape_cast %get3A_290 : vector<1x16xf32> to vector<16xf32>
          %add3A_292 = arith.addf %add3A_220, %get3A_291 : vector<16xf32>
          %mul3A_293 = arith.constant 20 : i32
          %mul3A_294 = arith.muli %scan3A_146, %mul3A_293 : i32
          %add3A_295 = arith.constant 2 : i32
          %add3A_296 = arith.addi %mul3A_294, %add3A_295 : i32
          %get3A_297 = arith.index_cast %add3A_296 : i32 to index
          %get3A_298 = arith.constant 48 : index
          %get3A_299 = tpu.vector_load %arg8[%get3A_297, %get3A_298] {strides = array<i32>} : memref<320x128xf32, #tpu.memory_space<vmem>>, vector<1x16xf32>,
          %get3A_300 = vector.shape_cast %get3A_299 : vector<1x16xf32> to vector<16xf32>
          %add3A_301 = arith.addf %add3A_229, %get3A_300 : vector<16xf32>
          %mul3A_302 = arith.constant 20 : i32
          %mul3A_303 = arith.muli %scan3A_146, %mul3A_302 : i32
          %add3A_304 = arith.constant 2 : i32
          %add3A_305 = arith.addi %mul3A_303, %add3A_304 : i32
          %get3A_306 = arith.index_cast %add3A_305 : i32 to index
          %get3A_307 = arith.constant 64 : index
          %get3A_308 = tpu.vector_load %arg8[%get3A_306, %get3A_307] {strides = array<i32>} : memref<320x128xf32, #tpu.memory_space<vmem>>, vector<1x16xf32>,
          %get3A_309 = vector.shape_cast %get3A_308 : vector<1x16xf32> to vector<16xf32>
          %add3A_310 = arith.addf %add3A_238, %get3A_309 : vector<16xf32>
          %mul3A_311 = arith.constant 20 : i32
          %mul3A_312 = arith.muli %scan3A_146, %mul3A_311 : i32
          %add3A_313 = arith.constant 2 : i32
          %add3A_314 = arith.addi %mul3A_312, %add3A_313 : i32
          %get3A_315 = arith.index_cast %add3A_314 : i32 to index
          %get3A_316 = arith.constant 80 : index
          %get3A_317 = tpu.vector_load %arg8[%get3A_315, %get3A_316] {strides = array<i32>} : memref<320x128xf32, #tpu.memory_space<vmem>>, vector<1x16xf32>,
          %get3A_318 = vector.shape_cast %get3A_317 : vector<1x16xf32> to vector<16xf32>
          %add3A_319 = arith.addf %add3A_247, %get3A_318 : vector<16xf32>
          %mul3A_320 = arith.constant 20 : i32
          %mul3A_321 = arith.muli %scan3A_146, %mul3A_320 : i32
          %add3A_322 = arith.constant 2 : i32
          %add3A_323 = arith.addi %mul3A_321, %add3A_322 : i32
          %get3A_324 = arith.index_cast %add3A_323 : i32 to index
          %get3A_325 = arith.constant 96 : index
          %get3A_326 = tpu.vector_load %arg8[%get3A_324, %get3A_325] {strides = array<i32>} : memref<320x128xf32, #tpu.memory_space<vmem>>, vector<1x16xf32>,
          %get3A_327 = vector.shape_cast %get3A_326 : vector<1x16xf32> to vector<16xf32>
          %add3A_328 = arith.addf %add3A_256, %get3A_327 : vector<16xf32>
          %mul3A_329 = arith.constant 20 : i32
          %mul3A_330 = arith.muli %scan3A_146, %mul3A_329 : i32
          %add3A_331 = arith.constant 2 : i32
          %add3A_332 = arith.addi %mul3A_330, %add3A_331 : i32
          %get3A_333 = arith.index_cast %add3A_332 : i32 to index
          %get3A_334 = arith.constant 112 : index
          %get3A_335 = tpu.vector_load %arg8[%get3A_333, %get3A_334] {strides = array<i32>} : memref<320x128xf32, #tpu.memory_space<vmem>>, vector<1x16xf32>,
          %get3A_336 = vector.shape_cast %get3A_335 : vector<1x16xf32> to vector<16xf32>
          %add3A_337 = arith.addf %add3A_265, %get3A_336 : vector<16xf32>
          %mul3A_338 = arith.constant 20 : i32
          %mul3A_339 = arith.muli %scan3A_146, %mul3A_338 : i32
          %add3A_340 = arith.constant 3 : i32
          %add3A_341 = arith.addi %mul3A_339, %add3A_340 : i32
          %get3A_342 = arith.index_cast %add3A_341 : i32 to index
          %get3A_343 = arith.constant 0 : index
          %get3A_344 = tpu.vector_load %arg8[%get3A_342, %get3A_343] {strides = array<i32>} : memref<320x128xf32, #tpu.memory_space<vmem>>, vector<1x16xf32>,
          %get3A_345 = vector.shape_cast %get3A_344 : vector<1x16xf32> to vector<16xf32>
          %add3A_346 = arith.addf %add3A_274, %get3A_345 : vector<16xf32>
          %mul3A_347 = arith.constant 20 : i32
          %mul3A_348 = arith.muli %scan3A_146, %mul3A_347 : i32
          %add3A_349 = arith.constant 3 : i32
          %add3A_350 = arith.addi %mul3A_348, %add3A_349 : i32
          %get3A_351 = arith.index_cast %add3A_350 : i32 to index
          %get3A_352 = arith.constant 16 : index
          %get3A_353 = tpu.vector_load %arg8[%get3A_351, %get3A_352] {strides = array<i32>} : memref<320x128xf32, #tpu.memory_space<vmem>>, vector<1x16xf32>,
          %get3A_354 = vector.shape_cast %get3A_353 : vector<1x16xf32> to vector<16xf32>
          %add3A_355 = arith.addf %add3A_283, %get3A_354 : vector<16xf32>
          %mul3A_356 = arith.constant 20 : i32
          %mul3A_357 = arith.muli %scan3A_146, %mul3A_356 : i32
          %add3A_358 = arith.constant 3 : i32
          %add3A_359 = arith.addi %mul3A_357, %add3A_358 : i32
          %get3A_360 = arith.index_cast %add3A_359 : i32 to index
          %get3A_361 = arith.constant 32 : index
          %get3A_362 = tpu.vector_load %arg8[%get3A_360, %get3A_361] {strides = array<i32>} : memref<320x128xf32, #tpu.memory_space<vmem>>, vector<1x16xf32>,
          %get3A_363 = vector.shape_cast %get3A_362 : vector<1x16xf32> to vector<16xf32>
          %add3A_364 = arith.addf %add3A_292, %get3A_363 : vector<16xf32>
          %mul3A_365 = arith.constant 20 : i32
          %mul3A_366 = arith.muli %scan3A_146, %mul3A_365 : i32
          %add3A_367 = arith.constant 3 : i32
          %add3A_368 = arith.addi %mul3A_366, %add3A_367 : i32
          %get3A_369 = arith.index_cast %add3A_368 : i32 to index
          %get3A_370 = arith.constant 48 : index
          %get3A_371 = tpu.vector_load %arg8[%get3A_369, %get3A_370] {strides = array<i32>} : memref<320x128xf32, #tpu.memory_space<vmem>>, vector<1x16xf32>,
          %get3A_372 = vector.shape_cast %get3A_371 : vector<1x16xf32> to vector<16xf32>
          %add3A_373 = arith.addf %add3A_301, %get3A_372 : vector<16xf32>
          %mul3A_374 = arith.constant 20 : i32
          %mul3A_375 = arith.muli %scan3A_146, %mul3A_374 : i32
          %add3A_376 = arith.constant 3 : i32
          %add3A_377 = arith.addi %mul3A_375, %add3A_376 : i32
          %get3A_378 = arith.index_cast %add3A_377 : i32 to index
          %get3A_379 = arith.constant 64 : index
          %get3A_380 = tpu.vector_load %arg8[%get3A_378, %get3A_379] {strides = array<i32>} : memref<320x128xf32, #tpu.memory_space<vmem>>, vector<1x16xf32>,
          %get3A_381 = vector.shape_cast %get3A_380 : vector<1x16xf32> to vector<16xf32>
          %add3A_382 = arith.addf %add3A_310, %get3A_381 : vector<16xf32>
          %mul3A_383 = arith.constant 20 : i32
          %mul3A_384 = arith.muli %scan3A_146, %mul3A_383 : i32
          %add3A_385 = arith.constant 3 : i32
          %add3A_386 = arith.addi %mul3A_384, %add3A_385 : i32
          %get3A_387 = arith.index_cast %add3A_386 : i32 to index
          %get3A_388 = arith.constant 80 : index
          %get3A_389 = tpu.vector_load %arg8[%get3A_387, %get3A_388] {strides = array<i32>} : memref<320x128xf32, #tpu.memory_space<vmem>>, vector<1x16xf32>,
          %get3A_390 = vector.shape_cast %get3A_389 : vector<1x16xf32> to vector<16xf32>
          %add3A_391 = arith.addf %add3A_319, %get3A_390 : vector<16xf32>
          %mul3A_392 = arith.constant 20 : i32
          %mul3A_393 = arith.muli %scan3A_146, %mul3A_392 : i32
          %add3A_394 = arith.constant 3 : i32
          %add3A_395 = arith.addi %mul3A_393, %add3A_394 : i32
          %get3A_396 = arith.index_cast %add3A_395 : i32 to index
          %get3A_397 = arith.constant 96 : index
          %get3A_398 = tpu.vector_load %arg8[%get3A_396, %get3A_397] {strides = array<i32>} : memref<320x128xf32, #tpu.memory_space<vmem>>, vector<1x16xf32>,
          %get3A_399 = vector.shape_cast %get3A_398 : vector<1x16xf32> to vector<16xf32>
          %add3A_400 = arith.addf %add3A_328, %get3A_399 : vector<16xf32>
          %mul3A_401 = arith.constant 20 : i32
          %mul3A_402 = arith.muli %scan3A_146, %mul3A_401 : i32
          %add3A_403 = arith.constant 3 : i32
          %add3A_404 = arith.addi %mul3A_402, %add3A_403 : i32
          %get3A_405 = arith.index_cast %add3A_404 : i32 to index
          %get3A_406 = arith.constant 112 : index
          %get3A_407 = tpu.vector_load %arg8[%get3A_405, %get3A_406] {strides = array<i32>} : memref<320x128xf32, #tpu.memory_space<vmem>>, vector<1x16xf32>,
          %get3A_408 = vector.shape_cast %get3A_407 : vector<1x16xf32> to vector<16xf32>
          %add3A_409 = arith.addf %add3A_337, %get3A_408 : vector<16xf32>
          %mul3A_410 = arith.constant 20 : i32
          %mul3A_411 = arith.muli %scan3A_146, %mul3A_410 : i32
          %add3A_412 = arith.constant 4 : i32
          %add3A_413 = arith.addi %mul3A_411, %add3A_412 : i32
          %get3A_414 = arith.index_cast %add3A_413 : i32 to index
          %get3A_415 = arith.constant 0 : index
          %get3A_416 = tpu.vector_load %arg8[%get3A_414, %get3A_415] {strides = array<i32>} : memref<320x128xf32, #tpu.memory_space<vmem>>, vector<1x16xf32>,
          %get3A_417 = vector.shape_cast %get3A_416 : vector<1x16xf32> to vector<16xf32>
          %add3A_418 = arith.addf %add3A_346, %get3A_417 : vector<16xf32>
          %mul3A_419 = arith.constant 20 : i32
          %mul3A_420 = arith.muli %scan3A_146, %mul3A_419 : i32
          %add3A_421 = arith.constant 4 : i32
          %add3A_422 = arith.addi %mul3A_420, %add3A_421 : i32
          %get3A_423 = arith.index_cast %add3A_422 : i32 to index
          %get3A_424 = arith.constant 16 : index
          %get3A_425 = tpu.vector_load %arg8[%get3A_423, %get3A_424] {strides = array<i32>} : memref<320x128xf32, #tpu.memory_space<vmem>>, vector<1x16xf32>,
          %get3A_426 = vector.shape_cast %get3A_425 : vector<1x16xf32> to vector<16xf32>
          %add3A_427 = arith.addf %add3A_355, %get3A_426 : vector<16xf32>
          %mul3A_428 = arith.constant 20 : i32
          %mul3A_429 = arith.muli %scan3A_146, %mul3A_428 : i32
          %add3A_430 = arith.constant 4 : i32
          %add3A_431 = arith.addi %mul3A_429, %add3A_430 : i32
          %get3A_432 = arith.index_cast %add3A_431 : i32 to index
          %get3A_433 = arith.constant 32 : index
          %get3A_434 = tpu.vector_load %arg8[%get3A_432, %get3A_433] {strides = array<i32>} : memref<320x128xf32, #tpu.memory_space<vmem>>, vector<1x16xf32>,
          %get3A_435 = vector.shape_cast %get3A_434 : vector<1x16xf32> to vector<16xf32>
          %add3A_436 = arith.addf %add3A_364, %get3A_435 : vector<16xf32>
          %mul3A_437 = arith.constant 20 : i32
          %mul3A_438 = arith.muli %scan3A_146, %mul3A_437 : i32
          %add3A_439 = arith.constant 4 : i32
          %add3A_440 = arith.addi %mul3A_438, %add3A_439 : i32
          %get3A_441 = arith.index_cast %add3A_440 : i32 to index
          %get3A_442 = arith.constant 48 : index
          %get3A_443 = tpu.vector_load %arg8[%get3A_441, %get3A_442] {strides = array<i32>} : memref<320x128xf32, #tpu.memory_space<vmem>>, vector<1x16xf32>,
          %get3A_444 = vector.shape_cast %get3A_443 : vector<1x16xf32> to vector<16xf32>
          %add3A_445 = arith.addf %add3A_373, %get3A_444 : vector<16xf32>
          %mul3A_446 = arith.constant 20 : i32
          %mul3A_447 = arith.muli %scan3A_146, %mul3A_446 : i32
          %add3A_448 = arith.constant 4 : i32
          %add3A_449 = arith.addi %mul3A_447, %add3A_448 : i32
          %get3A_450 = arith.index_cast %add3A_449 : i32 to index
          %get3A_451 = arith.constant 64 : index
          %get3A_452 = tpu.vector_load %arg8[%get3A_450, %get3A_451] {strides = array<i32>} : memref<320x128xf32, #tpu.memory_space<vmem>>, vector<1x16xf32>,
          %get3A_453 = vector.shape_cast %get3A_452 : vector<1x16xf32> to vector<16xf32>
          %add3A_454 = arith.addf %add3A_382, %get3A_453 : vector<16xf32>
          %mul3A_455 = arith.constant 20 : i32
          %mul3A_456 = arith.muli %scan3A_146, %mul3A_455 : i32
          %add3A_457 = arith.constant 4 : i32
          %add3A_458 = arith.addi %mul3A_456, %add3A_457 : i32
          %get3A_459 = arith.index_cast %add3A_458 : i32 to index
          %get3A_460 = arith.constant 80 : index
          %get3A_461 = tpu.vector_load %arg8[%get3A_459, %get3A_460] {strides = array<i32>} : memref<320x128xf32, #tpu.memory_space<vmem>>, vector<1x16xf32>,
          %get3A_462 = vector.shape_cast %get3A_461 : vector<1x16xf32> to vector<16xf32>
          %add3A_463 = arith.addf %add3A_391, %get3A_462 : vector<16xf32>
          %mul3A_464 = arith.constant 20 : i32
          %mul3A_465 = arith.muli %scan3A_146, %mul3A_464 : i32
          %add3A_466 = arith.constant 4 : i32
          %add3A_467 = arith.addi %mul3A_465, %add3A_466 : i32
          %get3A_468 = arith.index_cast %add3A_467 : i32 to index
          %get3A_469 = arith.constant 96 : index
          %get3A_470 = tpu.vector_load %arg8[%get3A_468, %get3A_469] {strides = array<i32>} : memref<320x128xf32, #tpu.memory_space<vmem>>, vector<1x16xf32>,
          %get3A_471 = vector.shape_cast %get3A_470 : vector<1x16xf32> to vector<16xf32>
          %add3A_472 = arith.addf %add3A_400, %get3A_471 : vector<16xf32>
          %mul3A_473 = arith.constant 20 : i32
          %mul3A_474 = arith.muli %scan3A_146, %mul3A_473 : i32
          %add3A_475 = arith.constant 4 : i32
          %add3A_476 = arith.addi %mul3A_474, %add3A_475 : i32
          %get3A_477 = arith.index_cast %add3A_476 : i32 to index
          %get3A_478 = arith.constant 112 : index
          %get3A_479 = tpu.vector_load %arg8[%get3A_477, %get3A_478] {strides = array<i32>} : memref<320x128xf32, #tpu.memory_space<vmem>>, vector<1x16xf32>,
          %get3A_480 = vector.shape_cast %get3A_479 : vector<1x16xf32> to vector<16xf32>
          %add3A_481 = arith.addf %add3A_409, %get3A_480 : vector<16xf32>
          %mul3A_482 = arith.constant 20 : i32
          %mul3A_483 = arith.muli %scan3A_146, %mul3A_482 : i32
          %add3A_484 = arith.constant 5 : i32
          %add3A_485 = arith.addi %mul3A_483, %add3A_484 : i32
          %get3A_486 = arith.index_cast %add3A_485 : i32 to index
          %get3A_487 = arith.constant 0 : index
          %get3A_488 = tpu.vector_load %arg8[%get3A_486, %get3A_487] {strides = array<i32>} : memref<320x128xf32, #tpu.memory_space<vmem>>, vector<1x16xf32>,
          %get3A_489 = vector.shape_cast %get3A_488 : vector<1x16xf32> to vector<16xf32>
          %add3A_490 = arith.addf %add3A_418, %get3A_489 : vector<16xf32>
          %mul3A_491 = arith.constant 20 : i32
          %mul3A_492 = arith.muli %scan3A_146, %mul3A_491 : i32
          %add3A_493 = arith.constant 5 : i32
          %add3A_494 = arith.addi %mul3A_492, %add3A_493 : i32
          %get3A_495 = arith.index_cast %add3A_494 : i32 to index
          %get3A_496 = arith.constant 16 : index
          %get3A_497 = tpu.vector_load %arg8[%get3A_495, %get3A_496] {strides = array<i32>} : memref<320x128xf32, #tpu.memory_space<vmem>>, vector<1x16xf32>,
          %get3A_498 = vector.shape_cast %get3A_497 : vector<1x16xf32> to vector<16xf32>
          %add3A_499 = arith.addf %add3A_427, %get3A_498 : vector<16xf32>
          %mul3A_500 = arith.constant 20 : i32
          %mul3A_501 = arith.muli %scan3A_146, %mul3A_500 : i32
          %add3A_502 = arith.constant 5 : i32
          %add3A_503 = arith.addi %mul3A_501, %add3A_502 : i32
          %get3A_504 = arith.index_cast %add3A_503 : i32 to index
          %get3A_505 = arith.constant 32 : index
          %get3A_506 = tpu.vector_load %arg8[%get3A_504, %get3A_505] {strides = array<i32>} : memref<320x128xf32, #tpu.memory_space<vmem>>, vector<1x16xf32>,
          %get3A_507 = vector.shape_cast %get3A_506 : vector<1x16xf32> to vector<16xf32>
          %add3A_508 = arith.addf %add3A_436, %get3A_507 : vector<16xf32>
          %mul3A_509 = arith.constant 20 : i32
          %mul3A_510 = arith.muli %scan3A_146, %mul3A_509 : i32
          %add3A_511 = arith.constant 5 : i32
          %add3A_512 = arith.addi %mul3A_510, %add3A_511 : i32
          %get3A_513 = arith.index_cast %add3A_512 : i32 to index
          %get3A_514 = arith.constant 48 : index
          %get3A_515 = tpu.vector_load %arg8[%get3A_513, %get3A_514] {strides = array<i32>} : memref<320x128xf32, #tpu.memory_space<vmem>>, vector<1x16xf32>,
          %get3A_516 = vector.shape_cast %get3A_515 : vector<1x16xf32> to vector<16xf32>
          %add3A_517 = arith.addf %add3A_445, %get3A_516 : vector<16xf32>
          %mul3A_518 = arith.constant 20 : i32
          %mul3A_519 = arith.muli %scan3A_146, %mul3A_518 : i32
          %add3A_520 = arith.constant 5 : i32
          %add3A_521 = arith.addi %mul3A_519, %add3A_520 : i32
          %get3A_522 = arith.index_cast %add3A_521 : i32 to index
          %get3A_523 = arith.constant 64 : index
          %get3A_524 = tpu.vector_load %arg8[%get3A_522, %get3A_523] {strides = array<i32>} : memref<320x128xf32, #tpu.memory_space<vmem>>, vector<1x16xf32>,
          %get3A_525 = vector.shape_cast %get3A_524 : vector<1x16xf32> to vector<16xf32>
          %add3A_526 = arith.addf %add3A_454, %get3A_525 : vector<16xf32>
          %mul3A_527 = arith.constant 20 : i32
          %mul3A_528 = arith.muli %scan3A_146, %mul3A_527 : i32
          %add3A_529 = arith.constant 5 : i32
          %add3A_530 = arith.addi %mul3A_528, %add3A_529 : i32
          %get3A_531 = arith.index_cast %add3A_530 : i32 to index
          %get3A_532 = arith.constant 80 : index
          %get3A_533 = tpu.vector_load %arg8[%get3A_531, %get3A_532] {strides = array<i32>} : memref<320x128xf32, #tpu.memory_space<vmem>>, vector<1x16xf32>,
          %get3A_534 = vector.shape_cast %get3A_533 : vector<1x16xf32> to vector<16xf32>
          %add3A_535 = arith.addf %add3A_463, %get3A_534 : vector<16xf32>
          %mul3A_536 = arith.constant 20 : i32
          %mul3A_537 = arith.muli %scan3A_146, %mul3A_536 : i32
          %add3A_538 = arith.constant 5 : i32
          %add3A_539 = arith.addi %mul3A_537, %add3A_538 : i32
          %get3A_540 = arith.index_cast %add3A_539 : i32 to index
          %get3A_541 = arith.constant 96 : index
          %get3A_542 = tpu.vector_load %arg8[%get3A_540, %get3A_541] {strides = array<i32>} : memref<320x128xf32, #tpu.memory_space<vmem>>, vector<1x16xf32>,
          %get3A_543 = vector.shape_cast %get3A_542 : vector<1x16xf32> to vector<16xf32>
          %add3A_544 = arith.addf %add3A_472, %get3A_543 : vector<16xf32>
          %mul3A_545 = arith.constant 20 : i32
          %mul3A_546 = arith.muli %scan3A_146, %mul3A_545 : i32
          %add3A_547 = arith.constant 5 : i32
          %add3A_548 = arith.addi %mul3A_546, %add3A_547 : i32
          %get3A_549 = arith.index_cast %add3A_548 : i32 to index
          %get3A_550 = arith.constant 112 : index
          %get3A_551 = tpu.vector_load %arg8[%get3A_549, %get3A_550] {strides = array<i32>} : memref<320x128xf32, #tpu.memory_space<vmem>>, vector<1x16xf32>,
          %get3A_552 = vector.shape_cast %get3A_551 : vector<1x16xf32> to vector<16xf32>
          %add3A_553 = arith.addf %add3A_481, %get3A_552 : vector<16xf32>
          %mul3A_554 = arith.constant 20 : i32
          %mul3A_555 = arith.muli %scan3A_146, %mul3A_554 : i32
          %add3A_556 = arith.constant 6 : i32
          %add3A_557 = arith.addi %mul3A_555, %add3A_556 : i32
          %get3A_558 = arith.index_cast %add3A_557 : i32 to index
          %get3A_559 = arith.constant 0 : index
          %get3A_560 = tpu.vector_load %arg8[%get3A_558, %get3A_559] {strides = array<i32>} : memref<320x128xf32, #tpu.memory_space<vmem>>, vector<1x16xf32>,
          %get3A_561 = vector.shape_cast %get3A_560 : vector<1x16xf32> to vector<16xf32>
          %add3A_562 = arith.addf %add3A_490, %get3A_561 : vector<16xf32>
          %mul3A_563 = arith.constant 20 : i32
          %mul3A_564 = arith.muli %scan3A_146, %mul3A_563 : i32
          %add3A_565 = arith.constant 6 : i32
          %add3A_566 = arith.addi %mul3A_564, %add3A_565 : i32
          %get3A_567 = arith.index_cast %add3A_566 : i32 to index
          %get3A_568 = arith.constant 16 : index
          %get3A_569 = tpu.vector_load %arg8[%get3A_567, %get3A_568] {strides = array<i32>} : memref<320x128xf32, #tpu.memory_space<vmem>>, vector<1x16xf32>,
          %get3A_570 = vector.shape_cast %get3A_569 : vector<1x16xf32> to vector<16xf32>
          %add3A_571 = arith.addf %add3A_499, %get3A_570 : vector<16xf32>
          %mul3A_572 = arith.constant 20 : i32
          %mul3A_573 = arith.muli %scan3A_146, %mul3A_572 : i32
          %add3A_574 = arith.constant 6 : i32
          %add3A_575 = arith.addi %mul3A_573, %add3A_574 : i32
          %get3A_576 = arith.index_cast %add3A_575 : i32 to index
          %get3A_577 = arith.constant 32 : index
          %get3A_578 = tpu.vector_load %arg8[%get3A_576, %get3A_577] {strides = array<i32>} : memref<320x128xf32, #tpu.memory_space<vmem>>, vector<1x16xf32>,
          %get3A_579 = vector.shape_cast %get3A_578 : vector<1x16xf32> to vector<16xf32>
          %add3A_580 = arith.addf %add3A_508, %get3A_579 : vector<16xf32>
          %mul3A_581 = arith.constant 20 : i32
          %mul3A_582 = arith.muli %scan3A_146, %mul3A_581 : i32
          %add3A_583 = arith.constant 6 : i32
          %add3A_584 = arith.addi %mul3A_582, %add3A_583 : i32
          %get3A_585 = arith.index_cast %add3A_584 : i32 to index
          %get3A_586 = arith.constant 48 : index
          %get3A_587 = tpu.vector_load %arg8[%get3A_585, %get3A_586] {strides = array<i32>} : memref<320x128xf32, #tpu.memory_space<vmem>>, vector<1x16xf32>,
          %get3A_588 = vector.shape_cast %get3A_587 : vector<1x16xf32> to vector<16xf32>
          %add3A_589 = arith.addf %add3A_517, %get3A_588 : vector<16xf32>
          %mul3A_590 = arith.constant 20 : i32
          %mul3A_591 = arith.muli %scan3A_146, %mul3A_590 : i32
          %add3A_592 = arith.constant 6 : i32
          %add3A_593 = arith.addi %mul3A_591, %add3A_592 : i32
          %get3A_594 = arith.index_cast %add3A_593 : i32 to index
          %get3A_595 = arith.constant 64 : index
          %get3A_596 = tpu.vector_load %arg8[%get3A_594, %get3A_595] {strides = array<i32>} : memref<320x128xf32, #tpu.memory_space<vmem>>, vector<1x16xf32>,
          %get3A_597 = vector.shape_cast %get3A_596 : vector<1x16xf32> to vector<16xf32>
          %add3A_598 = arith.addf %add3A_526, %get3A_597 : vector<16xf32>
          %mul3A_599 = arith.constant 20 : i32
          %mul3A_600 = arith.muli %scan3A_146, %mul3A_599 : i32
          %add3A_601 = arith.constant 6 : i32
          %add3A_602 = arith.addi %mul3A_600, %add3A_601 : i32
          %get3A_603 = arith.index_cast %add3A_602 : i32 to index
          %get3A_604 = arith.constant 80 : index
          %get3A_605 = tpu.vector_load %arg8[%get3A_603, %get3A_604] {strides = array<i32>} : memref<320x128xf32, #tpu.memory_space<vmem>>, vector<1x16xf32>,
          %get3A_606 = vector.shape_cast %get3A_605 : vector<1x16xf32> to vector<16xf32>
          %add3A_607 = arith.addf %add3A_535, %get3A_606 : vector<16xf32>
          %mul3A_608 = arith.constant 20 : i32
          %mul3A_609 = arith.muli %scan3A_146, %mul3A_608 : i32
          %add3A_610 = arith.constant 6 : i32
          %add3A_611 = arith.addi %mul3A_609, %add3A_610 : i32
          %get3A_612 = arith.index_cast %add3A_611 : i32 to index
          %get3A_613 = arith.constant 96 : index
          %get3A_614 = tpu.vector_load %arg8[%get3A_612, %get3A_613] {strides = array<i32>} : memref<320x128xf32, #tpu.memory_space<vmem>>, vector<1x16xf32>,
          %get3A_615 = vector.shape_cast %get3A_614 : vector<1x16xf32> to vector<16xf32>
          %add3A_616 = arith.addf %add3A_544, %get3A_615 : vector<16xf32>
          %mul3A_617 = arith.constant 20 : i32
          %mul3A_618 = arith.muli %scan3A_146, %mul3A_617 : i32
          %add3A_619 = arith.constant 6 : i32
          %add3A_620 = arith.addi %mul3A_618, %add3A_619 : i32
          %get3A_621 = arith.index_cast %add3A_620 : i32 to index
          %get3A_622 = arith.constant 112 : index
          %get3A_623 = tpu.vector_load %arg8[%get3A_621, %get3A_622] {strides = array<i32>} : memref<320x128xf32, #tpu.memory_space<vmem>>, vector<1x16xf32>,
          %get3A_624 = vector.shape_cast %get3A_623 : vector<1x16xf32> to vector<16xf32>
          %add3A_625 = arith.addf %add3A_553, %get3A_624 : vector<16xf32>
          %mul3A_626 = arith.constant 20 : i32
          %mul3A_627 = arith.muli %scan3A_146, %mul3A_626 : i32
          %add3A_628 = arith.constant 7 : i32
          %add3A_629 = arith.addi %mul3A_627, %add3A_628 : i32
          %get3A_630 = arith.index_cast %add3A_629 : i32 to index
          %get3A_631 = arith.constant 0 : index
          %get3A_632 = tpu.vector_load %arg8[%get3A_630, %get3A_631] {strides = array<i32>} : memref<320x128xf32, #tpu.memory_space<vmem>>, vector<1x16xf32>,
          %get3A_633 = vector.shape_cast %get3A_632 : vector<1x16xf32> to vector<16xf32>
          %add3A_634 = arith.addf %add3A_562, %get3A_633 : vector<16xf32>
          %mul3A_635 = arith.constant 20 : i32
          %mul3A_636 = arith.muli %scan3A_146, %mul3A_635 : i32
          %add3A_637 = arith.constant 7 : i32
          %add3A_638 = arith.addi %mul3A_636, %add3A_637 : i32
          %get3A_639 = arith.index_cast %add3A_638 : i32 to index
          %get3A_640 = arith.constant 16 : index
          %get3A_641 = tpu.vector_load %arg8[%get3A_639, %get3A_640] {strides = array<i32>} : memref<320x128xf32, #tpu.memory_space<vmem>>, vector<1x16xf32>,
          %get3A_642 = vector.shape_cast %get3A_641 : vector<1x16xf32> to vector<16xf32>
          %add3A_643 = arith.addf %add3A_571, %get3A_642 : vector<16xf32>
          %mul3A_644 = arith.constant 20 : i32
          %mul3A_645 = arith.muli %scan3A_146, %mul3A_644 : i32
          %add3A_646 = arith.constant 7 : i32
          %add3A_647 = arith.addi %mul3A_645, %add3A_646 : i32
          %get3A_648 = arith.index_cast %add3A_647 : i32 to index
          %get3A_649 = arith.constant 32 : index
          %get3A_650 = tpu.vector_load %arg8[%get3A_648, %get3A_649] {strides = array<i32>} : memref<320x128xf32, #tpu.memory_space<vmem>>, vector<1x16xf32>,
          %get3A_651 = vector.shape_cast %get3A_650 : vector<1x16xf32> to vector<16xf32>
          %add3A_652 = arith.addf %add3A_580, %get3A_651 : vector<16xf32>
          %mul3A_653 = arith.constant 20 : i32
          %mul3A_654 = arith.muli %scan3A_146, %mul3A_653 : i32
          %add3A_655 = arith.constant 7 : i32
          %add3A_656 = arith.addi %mul3A_654, %add3A_655 : i32
          %get3A_657 = arith.index_cast %add3A_656 : i32 to index
          %get3A_658 = arith.constant 48 : index
          %get3A_659 = tpu.vector_load %arg8[%get3A_657, %get3A_658] {strides = array<i32>} : memref<320x128xf32, #tpu.memory_space<vmem>>, vector<1x16xf32>,
          %get3A_660 = vector.shape_cast %get3A_659 : vector<1x16xf32> to vector<16xf32>
          %add3A_661 = arith.addf %add3A_589, %get3A_660 : vector<16xf32>
          %mul3A_662 = arith.constant 20 : i32
          %mul3A_663 = arith.muli %scan3A_146, %mul3A_662 : i32
          %add3A_664 = arith.constant 7 : i32
          %add3A_665 = arith.addi %mul3A_663, %add3A_664 : i32
          %get3A_666 = arith.index_cast %add3A_665 : i32 to index
          %get3A_667 = arith.constant 64 : index
          %get3A_668 = tpu.vector_load %arg8[%get3A_666, %get3A_667] {strides = array<i32>} : memref<320x128xf32, #tpu.memory_space<vmem>>, vector<1x16xf32>,
          %get3A_669 = vector.shape_cast %get3A_668 : vector<1x16xf32> to vector<16xf32>
          %add3A_670 = arith.addf %add3A_598, %get3A_669 : vector<16xf32>
          %mul3A_671 = arith.constant 20 : i32
          %mul3A_672 = arith.muli %scan3A_146, %mul3A_671 : i32
          %add3A_673 = arith.constant 7 : i32
          %add3A_674 = arith.addi %mul3A_672, %add3A_673 : i32
          %get3A_675 = arith.index_cast %add3A_674 : i32 to index
          %get3A_676 = arith.constant 80 : index
          %get3A_677 = tpu.vector_load %arg8[%get3A_675, %get3A_676] {strides = array<i32>} : memref<320x128xf32, #tpu.memory_space<vmem>>, vector<1x16xf32>,
          %get3A_678 = vector.shape_cast %get3A_677 : vector<1x16xf32> to vector<16xf32>
          %add3A_679 = arith.addf %add3A_607, %get3A_678 : vector<16xf32>
          %mul3A_680 = arith.constant 20 : i32
          %mul3A_681 = arith.muli %scan3A_146, %mul3A_680 : i32
          %add3A_682 = arith.constant 7 : i32
          %add3A_683 = arith.addi %mul3A_681, %add3A_682 : i32
          %get3A_684 = arith.index_cast %add3A_683 : i32 to index
          %get3A_685 = arith.constant 96 : index
          %get3A_686 = tpu.vector_load %arg8[%get3A_684, %get3A_685] {strides = array<i32>} : memref<320x128xf32, #tpu.memory_space<vmem>>, vector<1x16xf32>,
          %get3A_687 = vector.shape_cast %get3A_686 : vector<1x16xf32> to vector<16xf32>
          %add3A_688 = arith.addf %add3A_616, %get3A_687 : vector<16xf32>
          %mul3A_689 = arith.constant 20 : i32
          %mul3A_690 = arith.muli %scan3A_146, %mul3A_689 : i32
          %add3A_691 = arith.constant 7 : i32
          %add3A_692 = arith.addi %mul3A_690, %add3A_691 : i32
          %get3A_693 = arith.index_cast %add3A_692 : i32 to index
          %get3A_694 = arith.constant 112 : index
          %get3A_695 = tpu.vector_load %arg8[%get3A_693, %get3A_694] {strides = array<i32>} : memref<320x128xf32, #tpu.memory_space<vmem>>, vector<1x16xf32>,
          %get3A_696 = vector.shape_cast %get3A_695 : vector<1x16xf32> to vector<16xf32>
          %add3A_697 = arith.addf %add3A_625, %get3A_696 : vector<16xf32>
          %mul3A_698 = arith.constant 20 : i32
          %mul3A_699 = arith.muli %scan3A_146, %mul3A_698 : i32
          %add3A_700 = arith.constant 8 : i32
          %add3A_701 = arith.addi %mul3A_699, %add3A_700 : i32
          %get3A_702 = arith.index_cast %add3A_701 : i32 to index
          %get3A_703 = arith.constant 0 : index
          %get3A_704 = tpu.vector_load %arg8[%get3A_702, %get3A_703] {strides = array<i32>} : memref<320x128xf32, #tpu.memory_space<vmem>>, vector<1x16xf32>,
          %get3A_705 = vector.shape_cast %get3A_704 : vector<1x16xf32> to vector<16xf32>
          %add3A_706 = arith.addf %add3A_634, %get3A_705 : vector<16xf32>
          %mul3A_707 = arith.constant 20 : i32
          %mul3A_708 = arith.muli %scan3A_146, %mul3A_707 : i32
          %add3A_709 = arith.constant 8 : i32
          %add3A_710 = arith.addi %mul3A_708, %add3A_709 : i32
          %get3A_711 = arith.index_cast %add3A_710 : i32 to index
          %get3A_712 = arith.constant 16 : index
          %get3A_713 = tpu.vector_load %arg8[%get3A_711, %get3A_712] {strides = array<i32>} : memref<320x128xf32, #tpu.memory_space<vmem>>, vector<1x16xf32>,
          %get3A_714 = vector.shape_cast %get3A_713 : vector<1x16xf32> to vector<16xf32>
          %add3A_715 = arith.addf %add3A_643, %get3A_714 : vector<16xf32>
          %mul3A_716 = arith.constant 20 : i32
          %mul3A_717 = arith.muli %scan3A_146, %mul3A_716 : i32
          %add3A_718 = arith.constant 8 : i32
          %add3A_719 = arith.addi %mul3A_717, %add3A_718 : i32
          %get3A_720 = arith.index_cast %add3A_719 : i32 to index
          %get3A_721 = arith.constant 32 : index
          %get3A_722 = tpu.vector_load %arg8[%get3A_720, %get3A_721] {strides = array<i32>} : memref<320x128xf32, #tpu.memory_space<vmem>>, vector<1x16xf32>,
          %get3A_723 = vector.shape_cast %get3A_722 : vector<1x16xf32> to vector<16xf32>
          %add3A_724 = arith.addf %add3A_652, %get3A_723 : vector<16xf32>
          %mul3A_725 = arith.constant 20 : i32
          %mul3A_726 = arith.muli %scan3A_146, %mul3A_725 : i32
          %add3A_727 = arith.constant 8 : i32
          %add3A_728 = arith.addi %mul3A_726, %add3A_727 : i32
          %get3A_729 = arith.index_cast %add3A_728 : i32 to index
          %get3A_730 = arith.constant 48 : index
          %get3A_731 = tpu.vector_load %arg8[%get3A_729, %get3A_730] {strides = array<i32>} : memref<320x128xf32, #tpu.memory_space<vmem>>, vector<1x16xf32>,
          %get3A_732 = vector.shape_cast %get3A_731 : vector<1x16xf32> to vector<16xf32>
          %add3A_733 = arith.addf %add3A_661, %get3A_732 : vector<16xf32>
          %mul3A_734 = arith.constant 20 : i32
          %mul3A_735 = arith.muli %scan3A_146, %mul3A_734 : i32
          %add3A_736 = arith.constant 8 : i32
          %add3A_737 = arith.addi %mul3A_735, %add3A_736 : i32
          %get3A_738 = arith.index_cast %add3A_737 : i32 to index
          %get3A_739 = arith.constant 64 : index
          %get3A_740 = tpu.vector_load %arg8[%get3A_738, %get3A_739] {strides = array<i32>} : memref<320x128xf32, #tpu.memory_space<vmem>>, vector<1x16xf32>,
          %get3A_741 = vector.shape_cast %get3A_740 : vector<1x16xf32> to vector<16xf32>
          %add3A_742 = arith.addf %add3A_670, %get3A_741 : vector<16xf32>
          %mul3A_743 = arith.constant 20 : i32
          %mul3A_744 = arith.muli %scan3A_146, %mul3A_743 : i32
          %add3A_745 = arith.constant 8 : i32
          %add3A_746 = arith.addi %mul3A_744, %add3A_745 : i32
          %get3A_747 = arith.index_cast %add3A_746 : i32 to index
          %get3A_748 = arith.constant 80 : index
          %get3A_749 = tpu.vector_load %arg8[%get3A_747, %get3A_748] {strides = array<i32>} : memref<320x128xf32, #tpu.memory_space<vmem>>, vector<1x16xf32>,
          %get3A_750 = vector.shape_cast %get3A_749 : vector<1x16xf32> to vector<16xf32>
          %add3A_751 = arith.addf %add3A_679, %get3A_750 : vector<16xf32>
          %mul3A_752 = arith.constant 20 : i32
          %mul3A_753 = arith.muli %scan3A_146, %mul3A_752 : i32
          %add3A_754 = arith.constant 8 : i32
          %add3A_755 = arith.addi %mul3A_753, %add3A_754 : i32
          %get3A_756 = arith.index_cast %add3A_755 : i32 to index
          %get3A_757 = arith.constant 96 : index
          %get3A_758 = tpu.vector_load %arg8[%get3A_756, %get3A_757] {strides = array<i32>} : memref<320x128xf32, #tpu.memory_space<vmem>>, vector<1x16xf32>,
          %get3A_759 = vector.shape_cast %get3A_758 : vector<1x16xf32> to vector<16xf32>
          %add3A_760 = arith.addf %add3A_688, %get3A_759 : vector<16xf32>
          %mul3A_761 = arith.constant 20 : i32
          %mul3A_762 = arith.muli %scan3A_146, %mul3A_761 : i32
          %add3A_763 = arith.constant 8 : i32
          %add3A_764 = arith.addi %mul3A_762, %add3A_763 : i32
          %get3A_765 = arith.index_cast %add3A_764 : i32 to index
          %get3A_766 = arith.constant 112 : index
          %get3A_767 = tpu.vector_load %arg8[%get3A_765, %get3A_766] {strides = array<i32>} : memref<320x128xf32, #tpu.memory_space<vmem>>, vector<1x16xf32>,
          %get3A_768 = vector.shape_cast %get3A_767 : vector<1x16xf32> to vector<16xf32>
          %add3A_769 = arith.addf %add3A_697, %get3A_768 : vector<16xf32>
          %mul3A_770 = arith.constant 20 : i32
          %mul3A_771 = arith.muli %scan3A_146, %mul3A_770 : i32
          %add3A_772 = arith.constant 9 : i32
          %add3A_773 = arith.addi %mul3A_771, %add3A_772 : i32
          %get3A_774 = arith.index_cast %add3A_773 : i32 to index
          %get3A_775 = arith.constant 0 : index
          %get3A_776 = tpu.vector_load %arg8[%get3A_774, %get3A_775] {strides = array<i32>} : memref<320x128xf32, #tpu.memory_space<vmem>>, vector<1x16xf32>,
          %get3A_777 = vector.shape_cast %get3A_776 : vector<1x16xf32> to vector<16xf32>
          %add3A_778 = arith.addf %add3A_706, %get3A_777 : vector<16xf32>
          %mul3A_779 = arith.constant 20 : i32
          %mul3A_780 = arith.muli %scan3A_146, %mul3A_779 : i32
          %add3A_781 = arith.constant 9 : i32
          %add3A_782 = arith.addi %mul3A_780, %add3A_781 : i32
          %get3A_783 = arith.index_cast %add3A_782 : i32 to index
          %get3A_784 = arith.constant 16 : index
          %get3A_785 = tpu.vector_load %arg8[%get3A_783, %get3A_784] {strides = array<i32>} : memref<320x128xf32, #tpu.memory_space<vmem>>, vector<1x16xf32>,
          %get3A_786 = vector.shape_cast %get3A_785 : vector<1x16xf32> to vector<16xf32>
          %add3A_787 = arith.addf %add3A_715, %get3A_786 : vector<16xf32>
          %mul3A_788 = arith.constant 20 : i32
          %mul3A_789 = arith.muli %scan3A_146, %mul3A_788 : i32
          %add3A_790 = arith.constant 9 : i32
          %add3A_791 = arith.addi %mul3A_789, %add3A_790 : i32
          %get3A_792 = arith.index_cast %add3A_791 : i32 to index
          %get3A_793 = arith.constant 32 : index
          %get3A_794 = tpu.vector_load %arg8[%get3A_792, %get3A_793] {strides = array<i32>} : memref<320x128xf32, #tpu.memory_space<vmem>>, vector<1x16xf32>,
          %get3A_795 = vector.shape_cast %get3A_794 : vector<1x16xf32> to vector<16xf32>
          %add3A_796 = arith.addf %add3A_724, %get3A_795 : vector<16xf32>
          %mul3A_797 = arith.constant 20 : i32
          %mul3A_798 = arith.muli %scan3A_146, %mul3A_797 : i32
          %add3A_799 = arith.constant 9 : i32
          %add3A_800 = arith.addi %mul3A_798, %add3A_799 : i32
          %get3A_801 = arith.index_cast %add3A_800 : i32 to index
          %get3A_802 = arith.constant 48 : index
          %get3A_803 = tpu.vector_load %arg8[%get3A_801, %get3A_802] {strides = array<i32>} : memref<320x128xf32, #tpu.memory_space<vmem>>, vector<1x16xf32>,
          %get3A_804 = vector.shape_cast %get3A_803 : vector<1x16xf32> to vector<16xf32>
          %add3A_805 = arith.addf %add3A_733, %get3A_804 : vector<16xf32>
          %mul3A_806 = arith.constant 20 : i32
          %mul3A_807 = arith.muli %scan3A_146, %mul3A_806 : i32
          %add3A_808 = arith.constant 9 : i32
          %add3A_809 = arith.addi %mul3A_807, %add3A_808 : i32
          %get3A_810 = arith.index_cast %add3A_809 : i32 to index
          %get3A_811 = arith.constant 64 : index
          %get3A_812 = tpu.vector_load %arg8[%get3A_810, %get3A_811] {strides = array<i32>} : memref<320x128xf32, #tpu.memory_space<vmem>>, vector<1x16xf32>,
          %get3A_813 = vector.shape_cast %get3A_812 : vector<1x16xf32> to vector<16xf32>
          %add3A_814 = arith.addf %add3A_742, %get3A_813 : vector<16xf32>
          %mul3A_815 = arith.constant 20 : i32
          %mul3A_816 = arith.muli %scan3A_146, %mul3A_815 : i32
          %add3A_817 = arith.constant 9 : i32
          %add3A_818 = arith.addi %mul3A_816, %add3A_817 : i32
          %get3A_819 = arith.index_cast %add3A_818 : i32 to index
          %get3A_820 = arith.constant 80 : index
          %get3A_821 = tpu.vector_load %arg8[%get3A_819, %get3A_820] {strides = array<i32>} : memref<320x128xf32, #tpu.memory_space<vmem>>, vector<1x16xf32>,
          %get3A_822 = vector.shape_cast %get3A_821 : vector<1x16xf32> to vector<16xf32>
          %add3A_823 = arith.addf %add3A_751, %get3A_822 : vector<16xf32>
          %mul3A_824 = arith.constant 20 : i32
          %mul3A_825 = arith.muli %scan3A_146, %mul3A_824 : i32
          %add3A_826 = arith.constant 9 : i32
          %add3A_827 = arith.addi %mul3A_825, %add3A_826 : i32
          %get3A_828 = arith.index_cast %add3A_827 : i32 to index
          %get3A_829 = arith.constant 96 : index
          %get3A_830 = tpu.vector_load %arg8[%get3A_828, %get3A_829] {strides = array<i32>} : memref<320x128xf32, #tpu.memory_space<vmem>>, vector<1x16xf32>,
          %get3A_831 = vector.shape_cast %get3A_830 : vector<1x16xf32> to vector<16xf32>
          %add3A_832 = arith.addf %add3A_760, %get3A_831 : vector<16xf32>
          %mul3A_833 = arith.constant 20 : i32
          %mul3A_834 = arith.muli %scan3A_146, %mul3A_833 : i32
          %add3A_835 = arith.constant 9 : i32
          %add3A_836 = arith.addi %mul3A_834, %add3A_835 : i32
          %get3A_837 = arith.index_cast %add3A_836 : i32 to index
          %get3A_838 = arith.constant 112 : index
          %get3A_839 = tpu.vector_load %arg8[%get3A_837, %get3A_838] {strides = array<i32>} : memref<320x128xf32, #tpu.memory_space<vmem>>, vector<1x16xf32>,
          %get3A_840 = vector.shape_cast %get3A_839 : vector<1x16xf32> to vector<16xf32>
          %add3A_841 = arith.addf %add3A_769, %get3A_840 : vector<16xf32>
          %mul3A_842 = arith.constant 20 : i32
          %mul3A_843 = arith.muli %scan3A_146, %mul3A_842 : i32
          %add3A_844 = arith.constant 10 : i32
          %add3A_845 = arith.addi %mul3A_843, %add3A_844 : i32
          %get3A_846 = arith.index_cast %add3A_845 : i32 to index
          %get3A_847 = arith.constant 0 : index
          %get3A_848 = tpu.vector_load %arg8[%get3A_846, %get3A_847] {strides = array<i32>} : memref<320x128xf32, #tpu.memory_space<vmem>>, vector<1x16xf32>,
          %get3A_849 = vector.shape_cast %get3A_848 : vector<1x16xf32> to vector<16xf32>
          %add3A_850 = arith.addf %add3A_778, %get3A_849 : vector<16xf32>
          %mul3A_851 = arith.constant 20 : i32
          %mul3A_852 = arith.muli %scan3A_146, %mul3A_851 : i32
          %add3A_853 = arith.constant 10 : i32
          %add3A_854 = arith.addi %mul3A_852, %add3A_853 : i32
          %get3A_855 = arith.index_cast %add3A_854 : i32 to index
          %get3A_856 = arith.constant 16 : index
          %get3A_857 = tpu.vector_load %arg8[%get3A_855, %get3A_856] {strides = array<i32>} : memref<320x128xf32, #tpu.memory_space<vmem>>, vector<1x16xf32>,
          %get3A_858 = vector.shape_cast %get3A_857 : vector<1x16xf32> to vector<16xf32>
          %add3A_859 = arith.addf %add3A_787, %get3A_858 : vector<16xf32>
          %mul3A_860 = arith.constant 20 : i32
          %mul3A_861 = arith.muli %scan3A_146, %mul3A_860 : i32
          %add3A_862 = arith.constant 10 : i32
          %add3A_863 = arith.addi %mul3A_861, %add3A_862 : i32
          %get3A_864 = arith.index_cast %add3A_863 : i32 to index
          %get3A_865 = arith.constant 32 : index
          %get3A_866 = tpu.vector_load %arg8[%get3A_864, %get3A_865] {strides = array<i32>} : memref<320x128xf32, #tpu.memory_space<vmem>>, vector<1x16xf32>,
          %get3A_867 = vector.shape_cast %get3A_866 : vector<1x16xf32> to vector<16xf32>
          %add3A_868 = arith.addf %add3A_796, %get3A_867 : vector<16xf32>
          %mul3A_869 = arith.constant 20 : i32
          %mul3A_870 = arith.muli %scan3A_146, %mul3A_869 : i32
          %add3A_871 = arith.constant 10 : i32
          %add3A_872 = arith.addi %mul3A_870, %add3A_871 : i32
          %get3A_873 = arith.index_cast %add3A_872 : i32 to index
          %get3A_874 = arith.constant 48 : index
          %get3A_875 = tpu.vector_load %arg8[%get3A_873, %get3A_874] {strides = array<i32>} : memref<320x128xf32, #tpu.memory_space<vmem>>, vector<1x16xf32>,
          %get3A_876 = vector.shape_cast %get3A_875 : vector<1x16xf32> to vector<16xf32>
          %add3A_877 = arith.addf %add3A_805, %get3A_876 : vector<16xf32>
          %mul3A_878 = arith.constant 20 : i32
          %mul3A_879 = arith.muli %scan3A_146, %mul3A_878 : i32
          %add3A_880 = arith.constant 10 : i32
          %add3A_881 = arith.addi %mul3A_879, %add3A_880 : i32
          %get3A_882 = arith.index_cast %add3A_881 : i32 to index
          %get3A_883 = arith.constant 64 : index
          %get3A_884 = tpu.vector_load %arg8[%get3A_882, %get3A_883] {strides = array<i32>} : memref<320x128xf32, #tpu.memory_space<vmem>>, vector<1x16xf32>,
          %get3A_885 = vector.shape_cast %get3A_884 : vector<1x16xf32> to vector<16xf32>
          %add3A_886 = arith.addf %add3A_814, %get3A_885 : vector<16xf32>
          %mul3A_887 = arith.constant 20 : i32
          %mul3A_888 = arith.muli %scan3A_146, %mul3A_887 : i32
          %add3A_889 = arith.constant 10 : i32
          %add3A_890 = arith.addi %mul3A_888, %add3A_889 : i32
          %get3A_891 = arith.index_cast %add3A_890 : i32 to index
          %get3A_892 = arith.constant 80 : index
          %get3A_893 = tpu.vector_load %arg8[%get3A_891, %get3A_892] {strides = array<i32>} : memref<320x128xf32, #tpu.memory_space<vmem>>, vector<1x16xf32>,
          %get3A_894 = vector.shape_cast %get3A_893 : vector<1x16xf32> to vector<16xf32>
          %add3A_895 = arith.addf %add3A_823, %get3A_894 : vector<16xf32>
          %mul3A_896 = arith.constant 20 : i32
          %mul3A_897 = arith.muli %scan3A_146, %mul3A_896 : i32
          %add3A_898 = arith.constant 10 : i32
          %add3A_899 = arith.addi %mul3A_897, %add3A_898 : i32
          %get3A_900 = arith.index_cast %add3A_899 : i32 to index
          %get3A_901 = arith.constant 96 : index
          %get3A_902 = tpu.vector_load %arg8[%get3A_900, %get3A_901] {strides = array<i32>} : memref<320x128xf32, #tpu.memory_space<vmem>>, vector<1x16xf32>,
          %get3A_903 = vector.shape_cast %get3A_902 : vector<1x16xf32> to vector<16xf32>
          %add3A_904 = arith.addf %add3A_832, %get3A_903 : vector<16xf32>
          %mul3A_905 = arith.constant 20 : i32
          %mul3A_906 = arith.muli %scan3A_146, %mul3A_905 : i32
          %add3A_907 = arith.constant 10 : i32
          %add3A_908 = arith.addi %mul3A_906, %add3A_907 : i32
          %get3A_909 = arith.index_cast %add3A_908 : i32 to index
          %get3A_910 = arith.constant 112 : index
          %get3A_911 = tpu.vector_load %arg8[%get3A_909, %get3A_910] {strides = array<i32>} : memref<320x128xf32, #tpu.memory_space<vmem>>, vector<1x16xf32>,
          %get3A_912 = vector.shape_cast %get3A_911 : vector<1x16xf32> to vector<16xf32>
          %add3A_913 = arith.addf %add3A_841, %get3A_912 : vector<16xf32>
          %mul3A_914 = arith.constant 20 : i32
          %mul3A_915 = arith.muli %scan3A_146, %mul3A_914 : i32
          %add3A_916 = arith.constant 11 : i32
          %add3A_917 = arith.addi %mul3A_915, %add3A_916 : i32
          %get3A_918 = arith.index_cast %add3A_917 : i32 to index
          %get3A_919 = arith.constant 0 : index
          %get3A_920 = tpu.vector_load %arg8[%get3A_918, %get3A_919] {strides = array<i32>} : memref<320x128xf32, #tpu.memory_space<vmem>>, vector<1x16xf32>,
          %get3A_921 = vector.shape_cast %get3A_920 : vector<1x16xf32> to vector<16xf32>
          %add3A_922 = arith.addf %add3A_850, %get3A_921 : vector<16xf32>
          %mul3A_923 = arith.constant 20 : i32
          %mul3A_924 = arith.muli %scan3A_146, %mul3A_923 : i32
          %add3A_925 = arith.constant 11 : i32
          %add3A_926 = arith.addi %mul3A_924, %add3A_925 : i32
          %get3A_927 = arith.index_cast %add3A_926 : i32 to index
          %get3A_928 = arith.constant 16 : index
          %get3A_929 = tpu.vector_load %arg8[%get3A_927, %get3A_928] {strides = array<i32>} : memref<320x128xf32, #tpu.memory_space<vmem>>, vector<1x16xf32>,
          %get3A_930 = vector.shape_cast %get3A_929 : vector<1x16xf32> to vector<16xf32>
          %add3A_931 = arith.addf %add3A_859, %get3A_930 : vector<16xf32>
          %mul3A_932 = arith.constant 20 : i32
          %mul3A_933 = arith.muli %scan3A_146, %mul3A_932 : i32
          %add3A_934 = arith.constant 11 : i32
          %add3A_935 = arith.addi %mul3A_933, %add3A_934 : i32
          %get3A_936 = arith.index_cast %add3A_935 : i32 to index
          %get3A_937 = arith.constant 32 : index
          %get3A_938 = tpu.vector_load %arg8[%get3A_936, %get3A_937] {strides = array<i32>} : memref<320x128xf32, #tpu.memory_space<vmem>>, vector<1x16xf32>,
          %get3A_939 = vector.shape_cast %get3A_938 : vector<1x16xf32> to vector<16xf32>
          %add3A_940 = arith.addf %add3A_868, %get3A_939 : vector<16xf32>
          %mul3A_941 = arith.constant 20 : i32
          %mul3A_942 = arith.muli %scan3A_146, %mul3A_941 : i32
          %add3A_943 = arith.constant 11 : i32
          %add3A_944 = arith.addi %mul3A_942, %add3A_943 : i32
          %get3A_945 = arith.index_cast %add3A_944 : i32 to index
          %get3A_946 = arith.constant 48 : index
          %get3A_947 = tpu.vector_load %arg8[%get3A_945, %get3A_946] {strides = array<i32>} : memref<320x128xf32, #tpu.memory_space<vmem>>, vector<1x16xf32>,
          %get3A_948 = vector.shape_cast %get3A_947 : vector<1x16xf32> to vector<16xf32>
          %add3A_949 = arith.addf %add3A_877, %get3A_948 : vector<16xf32>
          %mul3A_950 = arith.constant 20 : i32
          %mul3A_951 = arith.muli %scan3A_146, %mul3A_950 : i32
          %add3A_952 = arith.constant 11 : i32
          %add3A_953 = arith.addi %mul3A_951, %add3A_952 : i32
          %get3A_954 = arith.index_cast %add3A_953 : i32 to index
          %get3A_955 = arith.constant 64 : index
          %get3A_956 = tpu.vector_load %arg8[%get3A_954, %get3A_955] {strides = array<i32>} : memref<320x128xf32, #tpu.memory_space<vmem>>, vector<1x16xf32>,
          %get3A_957 = vector.shape_cast %get3A_956 : vector<1x16xf32> to vector<16xf32>
          %add3A_958 = arith.addf %add3A_886, %get3A_957 : vector<16xf32>
          %mul3A_959 = arith.constant 20 : i32
          %mul3A_960 = arith.muli %scan3A_146, %mul3A_959 : i32
          %add3A_961 = arith.constant 11 : i32
          %add3A_962 = arith.addi %mul3A_960, %add3A_961 : i32
          %get3A_963 = arith.index_cast %add3A_962 : i32 to index
          %get3A_964 = arith.constant 80 : index
          %get3A_965 = tpu.vector_load %arg8[%get3A_963, %get3A_964] {strides = array<i32>} : memref<320x128xf32, #tpu.memory_space<vmem>>, vector<1x16xf32>,
          %get3A_966 = vector.shape_cast %get3A_965 : vector<1x16xf32> to vector<16xf32>
          %add3A_967 = arith.addf %add3A_895, %get3A_966 : vector<16xf32>
          %mul3A_968 = arith.constant 20 : i32
          %mul3A_969 = arith.muli %scan3A_146, %mul3A_968 : i32
          %add3A_970 = arith.constant 11 : i32
          %add3A_971 = arith.addi %mul3A_969, %add3A_970 : i32
          %get3A_972 = arith.index_cast %add3A_971 : i32 to index
          %get3A_973 = arith.constant 96 : index
          %get3A_974 = tpu.vector_load %arg8[%get3A_972, %get3A_973] {strides = array<i32>} : memref<320x128xf32, #tpu.memory_space<vmem>>, vector<1x16xf32>,
          %get3A_975 = vector.shape_cast %get3A_974 : vector<1x16xf32> to vector<16xf32>
          %add3A_976 = arith.addf %add3A_904, %get3A_975 : vector<16xf32>
          %mul3A_977 = arith.constant 20 : i32
          %mul3A_978 = arith.muli %scan3A_146, %mul3A_977 : i32
          %add3A_979 = arith.constant 11 : i32
          %add3A_980 = arith.addi %mul3A_978, %add3A_979 : i32
          %get3A_981 = arith.index_cast %add3A_980 : i32 to index
          %get3A_982 = arith.constant 112 : index
          %get3A_983 = tpu.vector_load %arg8[%get3A_981, %get3A_982] {strides = array<i32>} : memref<320x128xf32, #tpu.memory_space<vmem>>, vector<1x16xf32>,
          %get3A_984 = vector.shape_cast %get3A_983 : vector<1x16xf32> to vector<16xf32>
          %add3A_985 = arith.addf %add3A_913, %get3A_984 : vector<16xf32>
          %mul3A_986 = arith.constant 20 : i32
          %mul3A_987 = arith.muli %scan3A_146, %mul3A_986 : i32
          %add3A_988 = arith.constant 12 : i32
          %add3A_989 = arith.addi %mul3A_987, %add3A_988 : i32
          %get3A_990 = arith.index_cast %add3A_989 : i32 to index
          %get3A_991 = arith.constant 0 : index
          %get3A_992 = tpu.vector_load %arg8[%get3A_990, %get3A_991] {strides = array<i32>} : memref<320x128xf32, #tpu.memory_space<vmem>>, vector<1x16xf32>,
          %get3A_993 = vector.shape_cast %get3A_992 : vector<1x16xf32> to vector<16xf32>
          %add3A_994 = arith.addf %add3A_922, %get3A_993 : vector<16xf32>
          %mul3A_995 = arith.constant 20 : i32
          %mul3A_996 = arith.muli %scan3A_146, %mul3A_995 : i32
          %add3A_997 = arith.constant 12 : i32
          %add3A_998 = arith.addi %mul3A_996, %add3A_997 : i32
          %get3A_999 = arith.index_cast %add3A_998 : i32 to index
          %get3A_1000 = arith.constant 16 : index
          %get3A_1001 = tpu.vector_load %arg8[%get3A_999, %get3A_1000] {strides = array<i32>} : memref<320x128xf32, #tpu.memory_space<vmem>>, vector<1x16xf32>,
          %get3A_1002 = vector.shape_cast %get3A_1001 : vector<1x16xf32> to vector<16xf32>
          %add3A_1003 = arith.addf %add3A_931, %get3A_1002 : vector<16xf32>
          %mul3A_1004 = arith.constant 20 : i32
          %mul3A_1005 = arith.muli %scan3A_146, %mul3A_1004 : i32
          %add3A_1006 = arith.constant 12 : i32
          %add3A_1007 = arith.addi %mul3A_1005, %add3A_1006 : i32
          %get3A_1008 = arith.index_cast %add3A_1007 : i32 to index
          %get3A_1009 = arith.constant 32 : index
          %get3A_1010 = tpu.vector_load %arg8[%get3A_1008, %get3A_1009] {strides = array<i32>} : memref<320x128xf32, #tpu.memory_space<vmem>>, vector<1x16xf32>,
          %get3A_1011 = vector.shape_cast %get3A_1010 : vector<1x16xf32> to vector<16xf32>
          %add3A_1012 = arith.addf %add3A_940, %get3A_1011 : vector<16xf32>
          %mul3A_1013 = arith.constant 20 : i32
          %mul3A_1014 = arith.muli %scan3A_146, %mul3A_1013 : i32
          %add3A_1015 = arith.constant 12 : i32
          %add3A_1016 = arith.addi %mul3A_1014, %add3A_1015 : i32
          %get3A_1017 = arith.index_cast %add3A_1016 : i32 to index
          %get3A_1018 = arith.constant 48 : index
          %get3A_1019 = tpu.vector_load %arg8[%get3A_1017, %get3A_1018] {strides = array<i32>} : memref<320x128xf32, #tpu.memory_space<vmem>>, vector<1x16xf32>,
          %get3A_1020 = vector.shape_cast %get3A_1019 : vector<1x16xf32> to vector<16xf32>
          %add3A_1021 = arith.addf %add3A_949, %get3A_1020 : vector<16xf32>
          %mul3A_1022 = arith.constant 20 : i32
          %mul3A_1023 = arith.muli %scan3A_146, %mul3A_1022 : i32
          %add3A_1024 = arith.constant 12 : i32
          %add3A_1025 = arith.addi %mul3A_1023, %add3A_1024 : i32
          %get3A_1026 = arith.index_cast %add3A_1025 : i32 to index
          %get3A_1027 = arith.constant 64 : index
          %get3A_1028 = tpu.vector_load %arg8[%get3A_1026, %get3A_1027] {strides = array<i32>} : memref<320x128xf32, #tpu.memory_space<vmem>>, vector<1x16xf32>,
          %get3A_1029 = vector.shape_cast %get3A_1028 : vector<1x16xf32> to vector<16xf32>
          %add3A_1030 = arith.addf %add3A_958, %get3A_1029 : vector<16xf32>
          %mul3A_1031 = arith.constant 20 : i32
          %mul3A_1032 = arith.muli %scan3A_146, %mul3A_1031 : i32
          %add3A_1033 = arith.constant 12 : i32
          %add3A_1034 = arith.addi %mul3A_1032, %add3A_1033 : i32
          %get3A_1035 = arith.index_cast %add3A_1034 : i32 to index
          %get3A_1036 = arith.constant 80 : index
          %get3A_1037 = tpu.vector_load %arg8[%get3A_1035, %get3A_1036] {strides = array<i32>} : memref<320x128xf32, #tpu.memory_space<vmem>>, vector<1x16xf32>,
          %get3A_1038 = vector.shape_cast %get3A_1037 : vector<1x16xf32> to vector<16xf32>
          %add3A_1039 = arith.addf %add3A_967, %get3A_1038 : vector<16xf32>
          %mul3A_1040 = arith.constant 20 : i32
          %mul3A_1041 = arith.muli %scan3A_146, %mul3A_1040 : i32
          %add3A_1042 = arith.constant 12 : i32
          %add3A_1043 = arith.addi %mul3A_1041, %add3A_1042 : i32
          %get3A_1044 = arith.index_cast %add3A_1043 : i32 to index
          %get3A_1045 = arith.constant 96 : index
          %get3A_1046 = tpu.vector_load %arg8[%get3A_1044, %get3A_1045] {strides = array<i32>} : memref<320x128xf32, #tpu.memory_space<vmem>>, vector<1x16xf32>,
          %get3A_1047 = vector.shape_cast %get3A_1046 : vector<1x16xf32> to vector<16xf32>
          %add3A_1048 = arith.addf %add3A_976, %get3A_1047 : vector<16xf32>
          %mul3A_1049 = arith.constant 20 : i32
          %mul3A_1050 = arith.muli %scan3A_146, %mul3A_1049 : i32
          %add3A_1051 = arith.constant 12 : i32
          %add3A_1052 = arith.addi %mul3A_1050, %add3A_1051 : i32
          %get3A_1053 = arith.index_cast %add3A_1052 : i32 to index
          %get3A_1054 = arith.constant 112 : index
          %get3A_1055 = tpu.vector_load %arg8[%get3A_1053, %get3A_1054] {strides = array<i32>} : memref<320x128xf32, #tpu.memory_space<vmem>>, vector<1x16xf32>,
          %get3A_1056 = vector.shape_cast %get3A_1055 : vector<1x16xf32> to vector<16xf32>
          %add3A_1057 = arith.addf %add3A_985, %get3A_1056 : vector<16xf32>
          %mul3A_1058 = arith.constant 20 : i32
          %mul3A_1059 = arith.muli %scan3A_146, %mul3A_1058 : i32
          %add3A_1060 = arith.constant 13 : i32
          %add3A_1061 = arith.addi %mul3A_1059, %add3A_1060 : i32
          %get3A_1062 = arith.index_cast %add3A_1061 : i32 to index
          %get3A_1063 = arith.constant 0 : index
          %get3A_1064 = tpu.vector_load %arg8[%get3A_1062, %get3A_1063] {strides = array<i32>} : memref<320x128xf32, #tpu.memory_space<vmem>>, vector<1x16xf32>,
          %get3A_1065 = vector.shape_cast %get3A_1064 : vector<1x16xf32> to vector<16xf32>
          %add3A_1066 = arith.addf %add3A_994, %get3A_1065 : vector<16xf32>
          %mul3A_1067 = arith.constant 20 : i32
          %mul3A_1068 = arith.muli %scan3A_146, %mul3A_1067 : i32
          %add3A_1069 = arith.constant 13 : i32
          %add3A_1070 = arith.addi %mul3A_1068, %add3A_1069 : i32
          %get3A_1071 = arith.index_cast %add3A_1070 : i32 to index
          %get3A_1072 = arith.constant 16 : index
          %get3A_1073 = tpu.vector_load %arg8[%get3A_1071, %get3A_1072] {strides = array<i32>} : memref<320x128xf32, #tpu.memory_space<vmem>>, vector<1x16xf32>,
          %get3A_1074 = vector.shape_cast %get3A_1073 : vector<1x16xf32> to vector<16xf32>
          %add3A_1075 = arith.addf %add3A_1003, %get3A_1074 : vector<16xf32>
          %mul3A_1076 = arith.constant 20 : i32
          %mul3A_1077 = arith.muli %scan3A_146, %mul3A_1076 : i32
          %add3A_1078 = arith.constant 13 : i32
          %add3A_1079 = arith.addi %mul3A_1077, %add3A_1078 : i32
          %get3A_1080 = arith.index_cast %add3A_1079 : i32 to index
          %get3A_1081 = arith.constant 32 : index
          %get3A_1082 = tpu.vector_load %arg8[%get3A_1080, %get3A_1081] {strides = array<i32>} : memref<320x128xf32, #tpu.memory_space<vmem>>, vector<1x16xf32>,
          %get3A_1083 = vector.shape_cast %get3A_1082 : vector<1x16xf32> to vector<16xf32>
          %add3A_1084 = arith.addf %add3A_1012, %get3A_1083 : vector<16xf32>
          %mul3A_1085 = arith.constant 20 : i32
          %mul3A_1086 = arith.muli %scan3A_146, %mul3A_1085 : i32
          %add3A_1087 = arith.constant 13 : i32
          %add3A_1088 = arith.addi %mul3A_1086, %add3A_1087 : i32
          %get3A_1089 = arith.index_cast %add3A_1088 : i32 to index
          %get3A_1090 = arith.constant 48 : index
          %get3A_1091 = tpu.vector_load %arg8[%get3A_1089, %get3A_1090] {strides = array<i32>} : memref<320x128xf32, #tpu.memory_space<vmem>>, vector<1x16xf32>,
          %get3A_1092 = vector.shape_cast %get3A_1091 : vector<1x16xf32> to vector<16xf32>
          %add3A_1093 = arith.addf %add3A_1021, %get3A_1092 : vector<16xf32>
          %mul3A_1094 = arith.constant 20 : i32
          %mul3A_1095 = arith.muli %scan3A_146, %mul3A_1094 : i32
          %add3A_1096 = arith.constant 13 : i32
          %add3A_1097 = arith.addi %mul3A_1095, %add3A_1096 : i32
          %get3A_1098 = arith.index_cast %add3A_1097 : i32 to index
          %get3A_1099 = arith.constant 64 : index
          %get3A_1100 = tpu.vector_load %arg8[%get3A_1098, %get3A_1099] {strides = array<i32>} : memref<320x128xf32, #tpu.memory_space<vmem>>, vector<1x16xf32>,
          %get3A_1101 = vector.shape_cast %get3A_1100 : vector<1x16xf32> to vector<16xf32>
          %add3A_1102 = arith.addf %add3A_1030, %get3A_1101 : vector<16xf32>
          %mul3A_1103 = arith.constant 20 : i32
          %mul3A_1104 = arith.muli %scan3A_146, %mul3A_1103 : i32
          %add3A_1105 = arith.constant 13 : i32
          %add3A_1106 = arith.addi %mul3A_1104, %add3A_1105 : i32
          %get3A_1107 = arith.index_cast %add3A_1106 : i32 to index
          %get3A_1108 = arith.constant 80 : index
          %get3A_1109 = tpu.vector_load %arg8[%get3A_1107, %get3A_1108] {strides = array<i32>} : memref<320x128xf32, #tpu.memory_space<vmem>>, vector<1x16xf32>,
          %get3A_1110 = vector.shape_cast %get3A_1109 : vector<1x16xf32> to vector<16xf32>
          %add3A_1111 = arith.addf %add3A_1039, %get3A_1110 : vector<16xf32>
          %mul3A_1112 = arith.constant 20 : i32
          %mul3A_1113 = arith.muli %scan3A_146, %mul3A_1112 : i32
          %add3A_1114 = arith.constant 13 : i32
          %add3A_1115 = arith.addi %mul3A_1113, %add3A_1114 : i32
          %get3A_1116 = arith.index_cast %add3A_1115 : i32 to index
          %get3A_1117 = arith.constant 96 : index
          %get3A_1118 = tpu.vector_load %arg8[%get3A_1116, %get3A_1117] {strides = array<i32>} : memref<320x128xf32, #tpu.memory_space<vmem>>, vector<1x16xf32>,
          %get3A_1119 = vector.shape_cast %get3A_1118 : vector<1x16xf32> to vector<16xf32>
          %add3A_1120 = arith.addf %add3A_1048, %get3A_1119 : vector<16xf32>
          %mul3A_1121 = arith.constant 20 : i32
          %mul3A_1122 = arith.muli %scan3A_146, %mul3A_1121 : i32
          %add3A_1123 = arith.constant 13 : i32
          %add3A_1124 = arith.addi %mul3A_1122, %add3A_1123 : i32
          %get3A_1125 = arith.index_cast %add3A_1124 : i32 to index
          %get3A_1126 = arith.constant 112 : index
          %get3A_1127 = tpu.vector_load %arg8[%get3A_1125, %get3A_1126] {strides = array<i32>} : memref<320x128xf32, #tpu.memory_space<vmem>>, vector<1x16xf32>,
          %get3A_1128 = vector.shape_cast %get3A_1127 : vector<1x16xf32> to vector<16xf32>
          %add3A_1129 = arith.addf %add3A_1057, %get3A_1128 : vector<16xf32>
          %mul3A_1130 = arith.constant 20 : i32
          %mul3A_1131 = arith.muli %scan3A_146, %mul3A_1130 : i32
          %add3A_1132 = arith.constant 14 : i32
          %add3A_1133 = arith.addi %mul3A_1131, %add3A_1132 : i32
          %get3A_1134 = arith.index_cast %add3A_1133 : i32 to index
          %get3A_1135 = arith.constant 0 : index
          %get3A_1136 = tpu.vector_load %arg8[%get3A_1134, %get3A_1135] {strides = array<i32>} : memref<320x128xf32, #tpu.memory_space<vmem>>, vector<1x16xf32>,
          %get3A_1137 = vector.shape_cast %get3A_1136 : vector<1x16xf32> to vector<16xf32>
          %add3A_1138 = arith.addf %add3A_1066, %get3A_1137 : vector<16xf32>
          %mul3A_1139 = arith.constant 20 : i32
          %mul3A_1140 = arith.muli %scan3A_146, %mul3A_1139 : i32
          %add3A_1141 = arith.constant 14 : i32
          %add3A_1142 = arith.addi %mul3A_1140, %add3A_1141 : i32
          %get3A_1143 = arith.index_cast %add3A_1142 : i32 to index
          %get3A_1144 = arith.constant 16 : index
          %get3A_1145 = tpu.vector_load %arg8[%get3A_1143, %get3A_1144] {strides = array<i32>} : memref<320x128xf32, #tpu.memory_space<vmem>>, vector<1x16xf32>,
          %get3A_1146 = vector.shape_cast %get3A_1145 : vector<1x16xf32> to vector<16xf32>
          %add3A_1147 = arith.addf %add3A_1075, %get3A_1146 : vector<16xf32>
          %mul3A_1148 = arith.constant 20 : i32
          %mul3A_1149 = arith.muli %scan3A_146, %mul3A_1148 : i32
          %add3A_1150 = arith.constant 14 : i32
          %add3A_1151 = arith.addi %mul3A_1149, %add3A_1150 : i32
          %get3A_1152 = arith.index_cast %add3A_1151 : i32 to index
          %get3A_1153 = arith.constant 32 : index
          %get3A_1154 = tpu.vector_load %arg8[%get3A_1152, %get3A_1153] {strides = array<i32>} : memref<320x128xf32, #tpu.memory_space<vmem>>, vector<1x16xf32>,
          %get3A_1155 = vector.shape_cast %get3A_1154 : vector<1x16xf32> to vector<16xf32>
          %add3A_1156 = arith.addf %add3A_1084, %get3A_1155 : vector<16xf32>
          %mul3A_1157 = arith.constant 20 : i32
          %mul3A_1158 = arith.muli %scan3A_146, %mul3A_1157 : i32
          %add3A_1159 = arith.constant 14 : i32
          %add3A_1160 = arith.addi %mul3A_1158, %add3A_1159 : i32
          %get3A_1161 = arith.index_cast %add3A_1160 : i32 to index
          %get3A_1162 = arith.constant 48 : index
          %get3A_1163 = tpu.vector_load %arg8[%get3A_1161, %get3A_1162] {strides = array<i32>} : memref<320x128xf32, #tpu.memory_space<vmem>>, vector<1x16xf32>,
          %get3A_1164 = vector.shape_cast %get3A_1163 : vector<1x16xf32> to vector<16xf32>
          %add3A_1165 = arith.addf %add3A_1093, %get3A_1164 : vector<16xf32>
          %mul3A_1166 = arith.constant 20 : i32
          %mul3A_1167 = arith.muli %scan3A_146, %mul3A_1166 : i32
          %add3A_1168 = arith.constant 14 : i32
          %add3A_1169 = arith.addi %mul3A_1167, %add3A_1168 : i32
          %get3A_1170 = arith.index_cast %add3A_1169 : i32 to index
          %get3A_1171 = arith.constant 64 : index
          %get3A_1172 = tpu.vector_load %arg8[%get3A_1170, %get3A_1171] {strides = array<i32>} : memref<320x128xf32, #tpu.memory_space<vmem>>, vector<1x16xf32>,
          %get3A_1173 = vector.shape_cast %get3A_1172 : vector<1x16xf32> to vector<16xf32>
          %add3A_1174 = arith.addf %add3A_1102, %get3A_1173 : vector<16xf32>
          %mul3A_1175 = arith.constant 20 : i32
          %mul3A_1176 = arith.muli %scan3A_146, %mul3A_1175 : i32
          %add3A_1177 = arith.constant 14 : i32
          %add3A_1178 = arith.addi %mul3A_1176, %add3A_1177 : i32
          %get3A_1179 = arith.index_cast %add3A_1178 : i32 to index
          %get3A_1180 = arith.constant 80 : index
          %get3A_1181 = tpu.vector_load %arg8[%get3A_1179, %get3A_1180] {strides = array<i32>} : memref<320x128xf32, #tpu.memory_space<vmem>>, vector<1x16xf32>,
          %get3A_1182 = vector.shape_cast %get3A_1181 : vector<1x16xf32> to vector<16xf32>
          %add3A_1183 = arith.addf %add3A_1111, %get3A_1182 : vector<16xf32>
          %mul3A_1184 = arith.constant 20 : i32
          %mul3A_1185 = arith.muli %scan3A_146, %mul3A_1184 : i32
          %add3A_1186 = arith.constant 14 : i32
          %add3A_1187 = arith.addi %mul3A_1185, %add3A_1186 : i32
          %get3A_1188 = arith.index_cast %add3A_1187 : i32 to index
          %get3A_1189 = arith.constant 96 : index
          %get3A_1190 = tpu.vector_load %arg8[%get3A_1188, %get3A_1189] {strides = array<i32>} : memref<320x128xf32, #tpu.memory_space<vmem>>, vector<1x16xf32>,
          %get3A_1191 = vector.shape_cast %get3A_1190 : vector<1x16xf32> to vector<16xf32>
          %add3A_1192 = arith.addf %add3A_1120, %get3A_1191 : vector<16xf32>
          %mul3A_1193 = arith.constant 20 : i32
          %mul3A_1194 = arith.muli %scan3A_146, %mul3A_1193 : i32
          %add3A_1195 = arith.constant 14 : i32
          %add3A_1196 = arith.addi %mul3A_1194, %add3A_1195 : i32
          %get3A_1197 = arith.index_cast %add3A_1196 : i32 to index
          %get3A_1198 = arith.constant 112 : index
          %get3A_1199 = tpu.vector_load %arg8[%get3A_1197, %get3A_1198] {strides = array<i32>} : memref<320x128xf32, #tpu.memory_space<vmem>>, vector<1x16xf32>,
          %get3A_1200 = vector.shape_cast %get3A_1199 : vector<1x16xf32> to vector<16xf32>
          %add3A_1201 = arith.addf %add3A_1129, %get3A_1200 : vector<16xf32>
          %mul3A_1202 = arith.constant 20 : i32
          %mul3A_1203 = arith.muli %scan3A_146, %mul3A_1202 : i32
          %add3A_1204 = arith.constant 15 : i32
          %add3A_1205 = arith.addi %mul3A_1203, %add3A_1204 : i32
          %get3A_1206 = arith.index_cast %add3A_1205 : i32 to index
          %get3A_1207 = arith.constant 0 : index
          %get3A_1208 = tpu.vector_load %arg8[%get3A_1206, %get3A_1207] {strides = array<i32>} : memref<320x128xf32, #tpu.memory_space<vmem>>, vector<1x16xf32>,
          %get3A_1209 = vector.shape_cast %get3A_1208 : vector<1x16xf32> to vector<16xf32>
          %add3A_1210 = arith.addf %add3A_1138, %get3A_1209 : vector<16xf32>
          %mul3A_1211 = arith.constant 20 : i32
          %mul3A_1212 = arith.muli %scan3A_146, %mul3A_1211 : i32
          %add3A_1213 = arith.constant 15 : i32
          %add3A_1214 = arith.addi %mul3A_1212, %add3A_1213 : i32
          %get3A_1215 = arith.index_cast %add3A_1214 : i32 to index
          %get3A_1216 = arith.constant 16 : index
          %get3A_1217 = tpu.vector_load %arg8[%get3A_1215, %get3A_1216] {strides = array<i32>} : memref<320x128xf32, #tpu.memory_space<vmem>>, vector<1x16xf32>,
          %get3A_1218 = vector.shape_cast %get3A_1217 : vector<1x16xf32> to vector<16xf32>
          %add3A_1219 = arith.addf %add3A_1147, %get3A_1218 : vector<16xf32>
          %mul3A_1220 = arith.constant 20 : i32
          %mul3A_1221 = arith.muli %scan3A_146, %mul3A_1220 : i32
          %add3A_1222 = arith.constant 15 : i32
          %add3A_1223 = arith.addi %mul3A_1221, %add3A_1222 : i32
          %get3A_1224 = arith.index_cast %add3A_1223 : i32 to index
          %get3A_1225 = arith.constant 32 : index
          %get3A_1226 = tpu.vector_load %arg8[%get3A_1224, %get3A_1225] {strides = array<i32>} : memref<320x128xf32, #tpu.memory_space<vmem>>, vector<1x16xf32>,
          %get3A_1227 = vector.shape_cast %get3A_1226 : vector<1x16xf32> to vector<16xf32>
          %add3A_1228 = arith.addf %add3A_1156, %get3A_1227 : vector<16xf32>
          %mul3A_1229 = arith.constant 20 : i32
          %mul3A_1230 = arith.muli %scan3A_146, %mul3A_1229 : i32
          %add3A_1231 = arith.constant 15 : i32
          %add3A_1232 = arith.addi %mul3A_1230, %add3A_1231 : i32
          %get3A_1233 = arith.index_cast %add3A_1232 : i32 to index
          %get3A_1234 = arith.constant 48 : index
          %get3A_1235 = tpu.vector_load %arg8[%get3A_1233, %get3A_1234] {strides = array<i32>} : memref<320x128xf32, #tpu.memory_space<vmem>>, vector<1x16xf32>,
          %get3A_1236 = vector.shape_cast %get3A_1235 : vector<1x16xf32> to vector<16xf32>
          %add3A_1237 = arith.addf %add3A_1165, %get3A_1236 : vector<16xf32>
          %mul3A_1238 = arith.constant 20 : i32
          %mul3A_1239 = arith.muli %scan3A_146, %mul3A_1238 : i32
          %add3A_1240 = arith.constant 15 : i32
          %add3A_1241 = arith.addi %mul3A_1239, %add3A_1240 : i32
          %get3A_1242 = arith.index_cast %add3A_1241 : i32 to index
          %get3A_1243 = arith.constant 64 : index
          %get3A_1244 = tpu.vector_load %arg8[%get3A_1242, %get3A_1243] {strides = array<i32>} : memref<320x128xf32, #tpu.memory_space<vmem>>, vector<1x16xf32>,
          %get3A_1245 = vector.shape_cast %get3A_1244 : vector<1x16xf32> to vector<16xf32>
          %add3A_1246 = arith.addf %add3A_1174, %get3A_1245 : vector<16xf32>
          %mul3A_1247 = arith.constant 20 : i32
          %mul3A_1248 = arith.muli %scan3A_146, %mul3A_1247 : i32
          %add3A_1249 = arith.constant 15 : i32
          %add3A_1250 = arith.addi %mul3A_1248, %add3A_1249 : i32
          %get3A_1251 = arith.index_cast %add3A_1250 : i32 to index
          %get3A_1252 = arith.constant 80 : index
          %get3A_1253 = tpu.vector_load %arg8[%get3A_1251, %get3A_1252] {strides = array<i32>} : memref<320x128xf32, #tpu.memory_space<vmem>>, vector<1x16xf32>,
          %get3A_1254 = vector.shape_cast %get3A_1253 : vector<1x16xf32> to vector<16xf32>
          %add3A_1255 = arith.addf %add3A_1183, %get3A_1254 : vector<16xf32>
          %mul3A_1256 = arith.constant 20 : i32
          %mul3A_1257 = arith.muli %scan3A_146, %mul3A_1256 : i32
          %add3A_1258 = arith.constant 15 : i32
          %add3A_1259 = arith.addi %mul3A_1257, %add3A_1258 : i32
          %get3A_1260 = arith.index_cast %add3A_1259 : i32 to index
          %get3A_1261 = arith.constant 96 : index
          %get3A_1262 = tpu.vector_load %arg8[%get3A_1260, %get3A_1261] {strides = array<i32>} : memref<320x128xf32, #tpu.memory_space<vmem>>, vector<1x16xf32>,
          %get3A_1263 = vector.shape_cast %get3A_1262 : vector<1x16xf32> to vector<16xf32>
          %add3A_1264 = arith.addf %add3A_1192, %get3A_1263 : vector<16xf32>
          %mul3A_1265 = arith.constant 20 : i32
          %mul3A_1266 = arith.muli %scan3A_146, %mul3A_1265 : i32
          %add3A_1267 = arith.constant 15 : i32
          %add3A_1268 = arith.addi %mul3A_1266, %add3A_1267 : i32
          %get3A_1269 = arith.index_cast %add3A_1268 : i32 to index
          %get3A_1270 = arith.constant 112 : index
          %get3A_1271 = tpu.vector_load %arg8[%get3A_1269, %get3A_1270] {strides = array<i32>} : memref<320x128xf32, #tpu.memory_space<vmem>>, vector<1x16xf32>,
          %get3A_1272 = vector.shape_cast %get3A_1271 : vector<1x16xf32> to vector<16xf32>
          %add3A_1273 = arith.addf %add3A_1201, %get3A_1272 : vector<16xf32>
          %mul3A_1274 = arith.constant 20 : i32
          %mul3A_1275 = arith.muli %scan3A_146, %mul3A_1274 : i32
          %add3A_1276 = arith.constant 16 : i32
          %add3A_1277 = arith.addi %mul3A_1275, %add3A_1276 : i32
          %get3A_1278 = arith.index_cast %add3A_1277 : i32 to index
          %get3A_1279 = arith.constant 0 : index
          %get3A_1280 = tpu.vector_load %arg8[%get3A_1278, %get3A_1279] {strides = array<i32>} : memref<320x128xf32, #tpu.memory_space<vmem>>, vector<1x16xf32>,
          %get3A_1281 = vector.shape_cast %get3A_1280 : vector<1x16xf32> to vector<16xf32>
          %add3A_1282 = arith.addf %add3A_1210, %get3A_1281 : vector<16xf32>
          %mul3A_1283 = arith.constant 20 : i32
          %mul3A_1284 = arith.muli %scan3A_146, %mul3A_1283 : i32
          %add3A_1285 = arith.constant 16 : i32
          %add3A_1286 = arith.addi %mul3A_1284, %add3A_1285 : i32
          %get3A_1287 = arith.index_cast %add3A_1286 : i32 to index
          %get3A_1288 = arith.constant 16 : index
          %get3A_1289 = tpu.vector_load %arg8[%get3A_1287, %get3A_1288] {strides = array<i32>} : memref<320x128xf32, #tpu.memory_space<vmem>>, vector<1x16xf32>,
          %get3A_1290 = vector.shape_cast %get3A_1289 : vector<1x16xf32> to vector<16xf32>
          %add3A_1291 = arith.addf %add3A_1219, %get3A_1290 : vector<16xf32>
          %mul3A_1292 = arith.constant 20 : i32
          %mul3A_1293 = arith.muli %scan3A_146, %mul3A_1292 : i32
          %add3A_1294 = arith.constant 16 : i32
          %add3A_1295 = arith.addi %mul3A_1293, %add3A_1294 : i32
          %get3A_1296 = arith.index_cast %add3A_1295 : i32 to index
          %get3A_1297 = arith.constant 32 : index
          %get3A_1298 = tpu.vector_load %arg8[%get3A_1296, %get3A_1297] {strides = array<i32>} : memref<320x128xf32, #tpu.memory_space<vmem>>, vector<1x16xf32>,
          %get3A_1299 = vector.shape_cast %get3A_1298 : vector<1x16xf32> to vector<16xf32>
          %add3A_1300 = arith.addf %add3A_1228, %get3A_1299 : vector<16xf32>
          %mul3A_1301 = arith.constant 20 : i32
          %mul3A_1302 = arith.muli %scan3A_146, %mul3A_1301 : i32
          %add3A_1303 = arith.constant 16 : i32
          %add3A_1304 = arith.addi %mul3A_1302, %add3A_1303 : i32
          %get3A_1305 = arith.index_cast %add3A_1304 : i32 to index
          %get3A_1306 = arith.constant 48 : index
          %get3A_1307 = tpu.vector_load %arg8[%get3A_1305, %get3A_1306] {strides = array<i32>} : memref<320x128xf32, #tpu.memory_space<vmem>>, vector<1x16xf32>,
          %get3A_1308 = vector.shape_cast %get3A_1307 : vector<1x16xf32> to vector<16xf32>
          %add3A_1309 = arith.addf %add3A_1237, %get3A_1308 : vector<16xf32>
          %mul3A_1310 = arith.constant 20 : i32
          %mul3A_1311 = arith.muli %scan3A_146, %mul3A_1310 : i32
          %add3A_1312 = arith.constant 16 : i32
          %add3A_1313 = arith.addi %mul3A_1311, %add3A_1312 : i32
          %get3A_1314 = arith.index_cast %add3A_1313 : i32 to index
          %get3A_1315 = arith.constant 64 : index
          %get3A_1316 = tpu.vector_load %arg8[%get3A_1314, %get3A_1315] {strides = array<i32>} : memref<320x128xf32, #tpu.memory_space<vmem>>, vector<1x16xf32>,
          %get3A_1317 = vector.shape_cast %get3A_1316 : vector<1x16xf32> to vector<16xf32>
          %add3A_1318 = arith.addf %add3A_1246, %get3A_1317 : vector<16xf32>
          %mul3A_1319 = arith.constant 20 : i32
          %mul3A_1320 = arith.muli %scan3A_146, %mul3A_1319 : i32
          %add3A_1321 = arith.constant 16 : i32
          %add3A_1322 = arith.addi %mul3A_1320, %add3A_1321 : i32
          %get3A_1323 = arith.index_cast %add3A_1322 : i32 to index
          %get3A_1324 = arith.constant 80 : index
          %get3A_1325 = tpu.vector_load %arg8[%get3A_1323, %get3A_1324] {strides = array<i32>} : memref<320x128xf32, #tpu.memory_space<vmem>>, vector<1x16xf32>,
          %get3A_1326 = vector.shape_cast %get3A_1325 : vector<1x16xf32> to vector<16xf32>
          %add3A_1327 = arith.addf %add3A_1255, %get3A_1326 : vector<16xf32>
          %mul3A_1328 = arith.constant 20 : i32
          %mul3A_1329 = arith.muli %scan3A_146, %mul3A_1328 : i32
          %add3A_1330 = arith.constant 16 : i32
          %add3A_1331 = arith.addi %mul3A_1329, %add3A_1330 : i32
          %get3A_1332 = arith.index_cast %add3A_1331 : i32 to index
          %get3A_1333 = arith.constant 96 : index
          %get3A_1334 = tpu.vector_load %arg8[%get3A_1332, %get3A_1333] {strides = array<i32>} : memref<320x128xf32, #tpu.memory_space<vmem>>, vector<1x16xf32>,
          %get3A_1335 = vector.shape_cast %get3A_1334 : vector<1x16xf32> to vector<16xf32>
          %add3A_1336 = arith.addf %add3A_1264, %get3A_1335 : vector<16xf32>
          %mul3A_1337 = arith.constant 20 : i32
          %mul3A_1338 = arith.muli %scan3A_146, %mul3A_1337 : i32
          %add3A_1339 = arith.constant 16 : i32
          %add3A_1340 = arith.addi %mul3A_1338, %add3A_1339 : i32
          %get3A_1341 = arith.index_cast %add3A_1340 : i32 to index
          %get3A_1342 = arith.constant 112 : index
          %get3A_1343 = tpu.vector_load %arg8[%get3A_1341, %get3A_1342] {strides = array<i32>} : memref<320x128xf32, #tpu.memory_space<vmem>>, vector<1x16xf32>,
          %get3A_1344 = vector.shape_cast %get3A_1343 : vector<1x16xf32> to vector<16xf32>
          %add3A_1345 = arith.addf %add3A_1273, %get3A_1344 : vector<16xf32>
          %mul3A_1346 = arith.constant 20 : i32
          %mul3A_1347 = arith.muli %scan3A_146, %mul3A_1346 : i32
          %add3A_1348 = arith.constant 17 : i32
          %add3A_1349 = arith.addi %mul3A_1347, %add3A_1348 : i32
          %get3A_1350 = arith.index_cast %add3A_1349 : i32 to index
          %get3A_1351 = arith.constant 0 : index
          %get3A_1352 = tpu.vector_load %arg8[%get3A_1350, %get3A_1351] {strides = array<i32>} : memref<320x128xf32, #tpu.memory_space<vmem>>, vector<1x16xf32>,
          %get3A_1353 = vector.shape_cast %get3A_1352 : vector<1x16xf32> to vector<16xf32>
          %add3A_1354 = arith.addf %add3A_1282, %get3A_1353 : vector<16xf32>
          %mul3A_1355 = arith.constant 20 : i32
          %mul3A_1356 = arith.muli %scan3A_146, %mul3A_1355 : i32
          %add3A_1357 = arith.constant 17 : i32
          %add3A_1358 = arith.addi %mul3A_1356, %add3A_1357 : i32
          %get3A_1359 = arith.index_cast %add3A_1358 : i32 to index
          %get3A_1360 = arith.constant 16 : index
          %get3A_1361 = tpu.vector_load %arg8[%get3A_1359, %get3A_1360] {strides = array<i32>} : memref<320x128xf32, #tpu.memory_space<vmem>>, vector<1x16xf32>,
          %get3A_1362 = vector.shape_cast %get3A_1361 : vector<1x16xf32> to vector<16xf32>
          %add3A_1363 = arith.addf %add3A_1291, %get3A_1362 : vector<16xf32>
          %mul3A_1364 = arith.constant 20 : i32
          %mul3A_1365 = arith.muli %scan3A_146, %mul3A_1364 : i32
          %add3A_1366 = arith.constant 17 : i32
          %add3A_1367 = arith.addi %mul3A_1365, %add3A_1366 : i32
          %get3A_1368 = arith.index_cast %add3A_1367 : i32 to index
          %get3A_1369 = arith.constant 32 : index
          %get3A_1370 = tpu.vector_load %arg8[%get3A_1368, %get3A_1369] {strides = array<i32>} : memref<320x128xf32, #tpu.memory_space<vmem>>, vector<1x16xf32>,
          %get3A_1371 = vector.shape_cast %get3A_1370 : vector<1x16xf32> to vector<16xf32>
          %add3A_1372 = arith.addf %add3A_1300, %get3A_1371 : vector<16xf32>
          %mul3A_1373 = arith.constant 20 : i32
          %mul3A_1374 = arith.muli %scan3A_146, %mul3A_1373 : i32
          %add3A_1375 = arith.constant 17 : i32
          %add3A_1376 = arith.addi %mul3A_1374, %add3A_1375 : i32
          %get3A_1377 = arith.index_cast %add3A_1376 : i32 to index
          %get3A_1378 = arith.constant 48 : index
          %get3A_1379 = tpu.vector_load %arg8[%get3A_1377, %get3A_1378] {strides = array<i32>} : memref<320x128xf32, #tpu.memory_space<vmem>>, vector<1x16xf32>,
          %get3A_1380 = vector.shape_cast %get3A_1379 : vector<1x16xf32> to vector<16xf32>
          %add3A_1381 = arith.addf %add3A_1309, %get3A_1380 : vector<16xf32>
          %mul3A_1382 = arith.constant 20 : i32
          %mul3A_1383 = arith.muli %scan3A_146, %mul3A_1382 : i32
          %add3A_1384 = arith.constant 17 : i32
          %add3A_1385 = arith.addi %mul3A_1383, %add3A_1384 : i32
          %get3A_1386 = arith.index_cast %add3A_1385 : i32 to index
          %get3A_1387 = arith.constant 64 : index
          %get3A_1388 = tpu.vector_load %arg8[%get3A_1386, %get3A_1387] {strides = array<i32>} : memref<320x128xf32, #tpu.memory_space<vmem>>, vector<1x16xf32>,
          %get3A_1389 = vector.shape_cast %get3A_1388 : vector<1x16xf32> to vector<16xf32>
          %add3A_1390 = arith.addf %add3A_1318, %get3A_1389 : vector<16xf32>
          %mul3A_1391 = arith.constant 20 : i32
          %mul3A_1392 = arith.muli %scan3A_146, %mul3A_1391 : i32
          %add3A_1393 = arith.constant 17 : i32
          %add3A_1394 = arith.addi %mul3A_1392, %add3A_1393 : i32
          %get3A_1395 = arith.index_cast %add3A_1394 : i32 to index
          %get3A_1396 = arith.constant 80 : index
          %get3A_1397 = tpu.vector_load %arg8[%get3A_1395, %get3A_1396] {strides = array<i32>} : memref<320x128xf32, #tpu.memory_space<vmem>>, vector<1x16xf32>,
          %get3A_1398 = vector.shape_cast %get3A_1397 : vector<1x16xf32> to vector<16xf32>
          %add3A_1399 = arith.addf %add3A_1327, %get3A_1398 : vector<16xf32>
          %mul3A_1400 = arith.constant 20 : i32
          %mul3A_1401 = arith.muli %scan3A_146, %mul3A_1400 : i32
          %add3A_1402 = arith.constant 17 : i32
          %add3A_1403 = arith.addi %mul3A_1401, %add3A_1402 : i32
          %get3A_1404 = arith.index_cast %add3A_1403 : i32 to index
          %get3A_1405 = arith.constant 96 : index
          %get3A_1406 = tpu.vector_load %arg8[%get3A_1404, %get3A_1405] {strides = array<i32>} : memref<320x128xf32, #tpu.memory_space<vmem>>, vector<1x16xf32>,
          %get3A_1407 = vector.shape_cast %get3A_1406 : vector<1x16xf32> to vector<16xf32>
          %add3A_1408 = arith.addf %add3A_1336, %get3A_1407 : vector<16xf32>
          %mul3A_1409 = arith.constant 20 : i32
          %mul3A_1410 = arith.muli %scan3A_146, %mul3A_1409 : i32
          %add3A_1411 = arith.constant 17 : i32
          %add3A_1412 = arith.addi %mul3A_1410, %add3A_1411 : i32
          %get3A_1413 = arith.index_cast %add3A_1412 : i32 to index
          %get3A_1414 = arith.constant 112 : index
          %get3A_1415 = tpu.vector_load %arg8[%get3A_1413, %get3A_1414] {strides = array<i32>} : memref<320x128xf32, #tpu.memory_space<vmem>>, vector<1x16xf32>,
          %get3A_1416 = vector.shape_cast %get3A_1415 : vector<1x16xf32> to vector<16xf32>
          %add3A_1417 = arith.addf %add3A_1345, %get3A_1416 : vector<16xf32>
          %mul3A_1418 = arith.constant 20 : i32
          %mul3A_1419 = arith.muli %scan3A_146, %mul3A_1418 : i32
          %add3A_1420 = arith.constant 18 : i32
          %add3A_1421 = arith.addi %mul3A_1419, %add3A_1420 : i32
          %get3A_1422 = arith.index_cast %add3A_1421 : i32 to index
          %get3A_1423 = arith.constant 0 : index
          %get3A_1424 = tpu.vector_load %arg8[%get3A_1422, %get3A_1423] {strides = array<i32>} : memref<320x128xf32, #tpu.memory_space<vmem>>, vector<1x16xf32>,
          %get3A_1425 = vector.shape_cast %get3A_1424 : vector<1x16xf32> to vector<16xf32>
          %add3A_1426 = arith.addf %add3A_1354, %get3A_1425 : vector<16xf32>
          %mul3A_1427 = arith.constant 20 : i32
          %mul3A_1428 = arith.muli %scan3A_146, %mul3A_1427 : i32
          %add3A_1429 = arith.constant 18 : i32
          %add3A_1430 = arith.addi %mul3A_1428, %add3A_1429 : i32
          %get3A_1431 = arith.index_cast %add3A_1430 : i32 to index
          %get3A_1432 = arith.constant 16 : index
          %get3A_1433 = tpu.vector_load %arg8[%get3A_1431, %get3A_1432] {strides = array<i32>} : memref<320x128xf32, #tpu.memory_space<vmem>>, vector<1x16xf32>,
          %get3A_1434 = vector.shape_cast %get3A_1433 : vector<1x16xf32> to vector<16xf32>
          %add3A_1435 = arith.addf %add3A_1363, %get3A_1434 : vector<16xf32>
          %mul3A_1436 = arith.constant 20 : i32
          %mul3A_1437 = arith.muli %scan3A_146, %mul3A_1436 : i32
          %add3A_1438 = arith.constant 18 : i32
          %add3A_1439 = arith.addi %mul3A_1437, %add3A_1438 : i32
          %get3A_1440 = arith.index_cast %add3A_1439 : i32 to index
          %get3A_1441 = arith.constant 32 : index
          %get3A_1442 = tpu.vector_load %arg8[%get3A_1440, %get3A_1441] {strides = array<i32>} : memref<320x128xf32, #tpu.memory_space<vmem>>, vector<1x16xf32>,
          %get3A_1443 = vector.shape_cast %get3A_1442 : vector<1x16xf32> to vector<16xf32>
          %add3A_1444 = arith.addf %add3A_1372, %get3A_1443 : vector<16xf32>
          %mul3A_1445 = arith.constant 20 : i32
          %mul3A_1446 = arith.muli %scan3A_146, %mul3A_1445 : i32
          %add3A_1447 = arith.constant 18 : i32
          %add3A_1448 = arith.addi %mul3A_1446, %add3A_1447 : i32
          %get3A_1449 = arith.index_cast %add3A_1448 : i32 to index
          %get3A_1450 = arith.constant 48 : index
          %get3A_1451 = tpu.vector_load %arg8[%get3A_1449, %get3A_1450] {strides = array<i32>} : memref<320x128xf32, #tpu.memory_space<vmem>>, vector<1x16xf32>,
          %get3A_1452 = vector.shape_cast %get3A_1451 : vector<1x16xf32> to vector<16xf32>
          %add3A_1453 = arith.addf %add3A_1381, %get3A_1452 : vector<16xf32>
          %mul3A_1454 = arith.constant 20 : i32
          %mul3A_1455 = arith.muli %scan3A_146, %mul3A_1454 : i32
          %add3A_1456 = arith.constant 18 : i32
          %add3A_1457 = arith.addi %mul3A_1455, %add3A_1456 : i32
          %get3A_1458 = arith.index_cast %add3A_1457 : i32 to index
          %get3A_1459 = arith.constant 64 : index
          %get3A_1460 = tpu.vector_load %arg8[%get3A_1458, %get3A_1459] {strides = array<i32>} : memref<320x128xf32, #tpu.memory_space<vmem>>, vector<1x16xf32>,
          %get3A_1461 = vector.shape_cast %get3A_1460 : vector<1x16xf32> to vector<16xf32>
          %add3A_1462 = arith.addf %add3A_1390, %get3A_1461 : vector<16xf32>
          %mul3A_1463 = arith.constant 20 : i32
          %mul3A_1464 = arith.muli %scan3A_146, %mul3A_1463 : i32
          %add3A_1465 = arith.constant 18 : i32
          %add3A_1466 = arith.addi %mul3A_1464, %add3A_1465 : i32
          %get3A_1467 = arith.index_cast %add3A_1466 : i32 to index
          %get3A_1468 = arith.constant 80 : index
          %get3A_1469 = tpu.vector_load %arg8[%get3A_1467, %get3A_1468] {strides = array<i32>} : memref<320x128xf32, #tpu.memory_space<vmem>>, vector<1x16xf32>,
          %get3A_1470 = vector.shape_cast %get3A_1469 : vector<1x16xf32> to vector<16xf32>
          %add3A_1471 = arith.addf %add3A_1399, %get3A_1470 : vector<16xf32>
          %mul3A_1472 = arith.constant 20 : i32
          %mul3A_1473 = arith.muli %scan3A_146, %mul3A_1472 : i32
          %add3A_1474 = arith.constant 18 : i32
          %add3A_1475 = arith.addi %mul3A_1473, %add3A_1474 : i32
          %get3A_1476 = arith.index_cast %add3A_1475 : i32 to index
          %get3A_1477 = arith.constant 96 : index
          %get3A_1478 = tpu.vector_load %arg8[%get3A_1476, %get3A_1477] {strides = array<i32>} : memref<320x128xf32, #tpu.memory_space<vmem>>, vector<1x16xf32>,
          %get3A_1479 = vector.shape_cast %get3A_1478 : vector<1x16xf32> to vector<16xf32>
          %add3A_1480 = arith.addf %add3A_1408, %get3A_1479 : vector<16xf32>
          %mul3A_1481 = arith.constant 20 : i32
          %mul3A_1482 = arith.muli %scan3A_146, %mul3A_1481 : i32
          %add3A_1483 = arith.constant 18 : i32
          %add3A_1484 = arith.addi %mul3A_1482, %add3A_1483 : i32
          %get3A_1485 = arith.index_cast %add3A_1484 : i32 to index
          %get3A_1486 = arith.constant 112 : index
          %get3A_1487 = tpu.vector_load %arg8[%get3A_1485, %get3A_1486] {strides = array<i32>} : memref<320x128xf32, #tpu.memory_space<vmem>>, vector<1x16xf32>,
          %get3A_1488 = vector.shape_cast %get3A_1487 : vector<1x16xf32> to vector<16xf32>
          %add3A_1489 = arith.addf %add3A_1417, %get3A_1488 : vector<16xf32>
          %mul3A_1490 = arith.constant 20 : i32
          %mul3A_1491 = arith.muli %scan3A_146, %mul3A_1490 : i32
          %add3A_1492 = arith.constant 19 : i32
          %add3A_1493 = arith.addi %mul3A_1491, %add3A_1492 : i32
          %get3A_1494 = arith.index_cast %add3A_1493 : i32 to index
          %get3A_1495 = arith.constant 0 : index
          %get3A_1496 = tpu.vector_load %arg8[%get3A_1494, %get3A_1495] {strides = array<i32>} : memref<320x128xf32, #tpu.memory_space<vmem>>, vector<1x16xf32>,
          %get3A_1497 = vector.shape_cast %get3A_1496 : vector<1x16xf32> to vector<16xf32>
          %add3A_1498 = arith.addf %add3A_1426, %get3A_1497 : vector<16xf32>
          %mul3A_1499 = arith.constant 20 : i32
          %mul3A_1500 = arith.muli %scan3A_146, %mul3A_1499 : i32
          %add3A_1501 = arith.constant 19 : i32
          %add3A_1502 = arith.addi %mul3A_1500, %add3A_1501 : i32
          %get3A_1503 = arith.index_cast %add3A_1502 : i32 to index
          %get3A_1504 = arith.constant 16 : index
          %get3A_1505 = tpu.vector_load %arg8[%get3A_1503, %get3A_1504] {strides = array<i32>} : memref<320x128xf32, #tpu.memory_space<vmem>>, vector<1x16xf32>,
          %get3A_1506 = vector.shape_cast %get3A_1505 : vector<1x16xf32> to vector<16xf32>
          %add3A_1507 = arith.addf %add3A_1435, %get3A_1506 : vector<16xf32>
          %mul3A_1508 = arith.constant 20 : i32
          %mul3A_1509 = arith.muli %scan3A_146, %mul3A_1508 : i32
          %add3A_1510 = arith.constant 19 : i32
          %add3A_1511 = arith.addi %mul3A_1509, %add3A_1510 : i32
          %get3A_1512 = arith.index_cast %add3A_1511 : i32 to index
          %get3A_1513 = arith.constant 32 : index
          %get3A_1514 = tpu.vector_load %arg8[%get3A_1512, %get3A_1513] {strides = array<i32>} : memref<320x128xf32, #tpu.memory_space<vmem>>, vector<1x16xf32>,
          %get3A_1515 = vector.shape_cast %get3A_1514 : vector<1x16xf32> to vector<16xf32>
          %add3A_1516 = arith.addf %add3A_1444, %get3A_1515 : vector<16xf32>
          %mul3A_1517 = arith.constant 20 : i32
          %mul3A_1518 = arith.muli %scan3A_146, %mul3A_1517 : i32
          %add3A_1519 = arith.constant 19 : i32
          %add3A_1520 = arith.addi %mul3A_1518, %add3A_1519 : i32
          %get3A_1521 = arith.index_cast %add3A_1520 : i32 to index
          %get3A_1522 = arith.constant 48 : index
          %get3A_1523 = tpu.vector_load %arg8[%get3A_1521, %get3A_1522] {strides = array<i32>} : memref<320x128xf32, #tpu.memory_space<vmem>>, vector<1x16xf32>,
          %get3A_1524 = vector.shape_cast %get3A_1523 : vector<1x16xf32> to vector<16xf32>
          %add3A_1525 = arith.addf %add3A_1453, %get3A_1524 : vector<16xf32>
          %mul3A_1526 = arith.constant 20 : i32
          %mul3A_1527 = arith.muli %scan3A_146, %mul3A_1526 : i32
          %add3A_1528 = arith.constant 19 : i32
          %add3A_1529 = arith.addi %mul3A_1527, %add3A_1528 : i32
          %get3A_1530 = arith.index_cast %add3A_1529 : i32 to index
          %get3A_1531 = arith.constant 64 : index
          %get3A_1532 = tpu.vector_load %arg8[%get3A_1530, %get3A_1531] {strides = array<i32>} : memref<320x128xf32, #tpu.memory_space<vmem>>, vector<1x16xf32>,
          %get3A_1533 = vector.shape_cast %get3A_1532 : vector<1x16xf32> to vector<16xf32>
          %add3A_1534 = arith.addf %add3A_1462, %get3A_1533 : vector<16xf32>
          %mul3A_1535 = arith.constant 20 : i32
          %mul3A_1536 = arith.muli %scan3A_146, %mul3A_1535 : i32
          %add3A_1537 = arith.constant 19 : i32
          %add3A_1538 = arith.addi %mul3A_1536, %add3A_1537 : i32
          %get3A_1539 = arith.index_cast %add3A_1538 : i32 to index
          %get3A_1540 = arith.constant 80 : index
          %get3A_1541 = tpu.vector_load %arg8[%get3A_1539, %get3A_1540] {strides = array<i32>} : memref<320x128xf32, #tpu.memory_space<vmem>>, vector<1x16xf32>,
          %get3A_1542 = vector.shape_cast %get3A_1541 : vector<1x16xf32> to vector<16xf32>
          %add3A_1543 = arith.addf %add3A_1471, %get3A_1542 : vector<16xf32>
          %mul3A_1544 = arith.constant 20 : i32
          %mul3A_1545 = arith.muli %scan3A_146, %mul3A_1544 : i32
          %add3A_1546 = arith.constant 19 : i32
          %add3A_1547 = arith.addi %mul3A_1545, %add3A_1546 : i32
          %get3A_1548 = arith.index_cast %add3A_1547 : i32 to index
          %get3A_1549 = arith.constant 96 : index
          %get3A_1550 = tpu.vector_load %arg8[%get3A_1548, %get3A_1549] {strides = array<i32>} : memref<320x128xf32, #tpu.memory_space<vmem>>, vector<1x16xf32>,
          %get3A_1551 = vector.shape_cast %get3A_1550 : vector<1x16xf32> to vector<16xf32>
          %add3A_1552 = arith.addf %add3A_1480, %get3A_1551 : vector<16xf32>
          %mul3A_1553 = arith.constant 20 : i32
          %mul3A_1554 = arith.muli %scan3A_146, %mul3A_1553 : i32
          %add3A_1555 = arith.constant 19 : i32
          %add3A_1556 = arith.addi %mul3A_1554, %add3A_1555 : i32
          %get3A_1557 = arith.index_cast %add3A_1556 : i32 to index
          %get3A_1558 = arith.constant 112 : index
          %get3A_1559 = tpu.vector_load %arg8[%get3A_1557, %get3A_1558] {strides = array<i32>} : memref<320x128xf32, #tpu.memory_space<vmem>>, vector<1x16xf32>,
          %get3A_1560 = vector.shape_cast %get3A_1559 : vector<1x16xf32> to vector<16xf32>
          %add3A_1561 = arith.addf %add3A_1489, %get3A_1560 : vector<16xf32>
          %get3A_1562 = arith.index_cast %scan3A_146 : i32 to index
          %get3A_1563 = arith.constant 0 : index
          %get3A_1564 = tpu.vector_load %arg10[%get3A_1562, %get3A_1563] {strides = array<i32>} : memref<16x128xf32, #tpu.memory_space<vmem>>, vector<1x16xf32>,
          %get3A_1565 = vector.shape_cast %get3A_1564 : vector<1x16xf32> to vector<16xf32>
          %bitcast_convert_type3A = tpu.bitcast %get3A_1565 : vector<16xf32> -> vector<16xi32>
          %shift_right_logical3A = arith.constant 16 : i32
          %shift_right_logical3A_1566 = vector.broadcast %shift_right_logical3A : i32 to vector<16xi32>
          %shift_right_logical3A_1567 = arith.shrui %bitcast_convert_type3A, %shift_right_logical3A_1566 : vector<16xi32>
          %and3A = arith.constant 1 : i32
          %and3A_1568 = vector.broadcast %and3A : i32 to vector<16xi32>
          %and3A_1569 = arith.andi %shift_right_logical3A_1567, %and3A_1568 : vector<16xi32>
          %add3A_1570 = arith.constant 32767 : i32
          %add3A_1571 = vector.broadcast %add3A_1570 : i32 to vector<16xi32>
          %add3A_1572 = arith.addi %bitcast_convert_type3A, %add3A_1571 : vector<16xi32>
          %add3A_1573 = arith.addi %add3A_1572, %and3A_1569 : vector<16xi32>
          %shift_right_logical3A_1574 = arith.constant 16 : i32
          %shift_right_logical3A_1575 = vector.broadcast %shift_right_logical3A_1574 : i32 to vector<16xi32>
          %shift_right_logical3A_1576 = arith.shrui %add3A_1573, %shift_right_logical3A_1575 : vector<16xi32>
          %mul3A_1577 = arith.constant 5.000000e-02 : f32
          %mul3A_1578 = vector.broadcast %mul3A_1577 : f32 to vector<16xf32>
          %mul3A_1579 = arith.mulf %add3A_1498, %mul3A_1578 : vector<16xf32>
          %bitcast_convert_type3A_1580 = tpu.bitcast %mul3A_1579 : vector<16xf32> -> vector<16xi32>
          %shift_right_logical3A_1581 = arith.constant 16 : i32
          %shift_right_logical3A_1582 = vector.broadcast %shift_right_logical3A_1581 : i32 to vector<16xi32>
          %shift_right_logical3A_1583 = arith.shrui %bitcast_convert_type3A_1580, %shift_right_logical3A_1582 : vector<16xi32>
          %and3A_1584 = arith.constant 1 : i32
          %and3A_1585 = vector.broadcast %and3A_1584 : i32 to vector<16xi32>
          %and3A_1586 = arith.andi %shift_right_logical3A_1583, %and3A_1585 : vector<16xi32>
          %add3A_1587 = arith.constant 32767 : i32
          %add3A_1588 = vector.broadcast %add3A_1587 : i32 to vector<16xi32>
          %add3A_1589 = arith.addi %bitcast_convert_type3A_1580, %add3A_1588 : vector<16xi32>
          %add3A_1590 = arith.addi %add3A_1589, %and3A_1586 : vector<16xi32>
          %shift_right_logical3A_1591 = arith.constant 16 : i32
          %shift_right_logical3A_1592 = vector.broadcast %shift_right_logical3A_1591 : i32 to vector<16xi32>
          %shift_right_logical3A_1593 = arith.shrui %add3A_1590, %shift_right_logical3A_1592 : vector<16xi32>
          %shift_left3A = arith.constant 16 : i32
          %shift_left3A_1594 = vector.broadcast %shift_left3A : i32 to vector<16xi32>
          %shift_left3A_1595 = arith.shli %shift_right_logical3A_1593, %shift_left3A_1594 : vector<16xi32>
          %or3A = arith.ori %shift_right_logical3A_1576, %shift_left3A_1595 : vector<16xi32>
          %swap3A = arith.index_cast %scan3A_146 : i32 to index
          %swap3A_1596 = arith.constant 0 : index
          %swap3A_1597 = tpu.vector_load %arg12[%swap3A, %swap3A_1596] {strides = array<i32>} : memref<16x128xi32, #tpu.memory_space<vmem>>, vector<1x16xi32>,
          %swap3A_1598 = vector.shape_cast %swap3A_1597 : vector<1x16xi32> to vector<16xi32>
          %swap3A_1599 = vector.shape_cast %or3A : vector<16xi32> to vector<1x16xi32>
          tpu.vector_store %arg12[%swap3A, %swap3A_1596], %swap3A_1599 {strides = array<i32>} : memref<16x128xi32, #tpu.memory_space<vmem>>, vector<1x16xi32>,
          %get3A_1600 = arith.index_cast %scan3A_146 : i32 to index
          %get3A_1601 = arith.constant 16 : index
          %get3A_1602 = tpu.vector_load %arg10[%get3A_1600, %get3A_1601] {strides = array<i32>} : memref<16x128xf32, #tpu.memory_space<vmem>>, vector<1x16xf32>,
          %get3A_1603 = vector.shape_cast %get3A_1602 : vector<1x16xf32> to vector<16xf32>
          %bitcast_convert_type3A_1604 = tpu.bitcast %get3A_1603 : vector<16xf32> -> vector<16xi32>
          %shift_right_logical3A_1605 = arith.constant 16 : i32
          %shift_right_logical3A_1606 = vector.broadcast %shift_right_logical3A_1605 : i32 to vector<16xi32>
          %shift_right_logical3A_1607 = arith.shrui %bitcast_convert_type3A_1604, %shift_right_logical3A_1606 : vector<16xi32>
          %and3A_1608 = arith.constant 1 : i32
          %and3A_1609 = vector.broadcast %and3A_1608 : i32 to vector<16xi32>
          %and3A_1610 = arith.andi %shift_right_logical3A_1607, %and3A_1609 : vector<16xi32>
          %add3A_1611 = arith.constant 32767 : i32
          %add3A_1612 = vector.broadcast %add3A_1611 : i32 to vector<16xi32>
          %add3A_1613 = arith.addi %bitcast_convert_type3A_1604, %add3A_1612 : vector<16xi32>
          %add3A_1614 = arith.addi %add3A_1613, %and3A_1610 : vector<16xi32>
          %shift_right_logical3A_1615 = arith.constant 16 : i32
          %shift_right_logical3A_1616 = vector.broadcast %shift_right_logical3A_1615 : i32 to vector<16xi32>
          %shift_right_logical3A_1617 = arith.shrui %add3A_1614, %shift_right_logical3A_1616 : vector<16xi32>
          %mul3A_1618 = arith.constant 5.000000e-02 : f32
          %mul3A_1619 = vector.broadcast %mul3A_1618 : f32 to vector<16xf32>
          %mul3A_1620 = arith.mulf %add3A_1507, %mul3A_1619 : vector<16xf32>
          %bitcast_convert_type3A_1621 = tpu.bitcast %mul3A_1620 : vector<16xf32> -> vector<16xi32>
          %shift_right_logical3A_1622 = arith.constant 16 : i32
          %shift_right_logical3A_1623 = vector.broadcast %shift_right_logical3A_1622 : i32 to vector<16xi32>
          %shift_right_logical3A_1624 = arith.shrui %bitcast_convert_type3A_1621, %shift_right_logical3A_1623 : vector<16xi32>
          %and3A_1625 = arith.constant 1 : i32
          %and3A_1626 = vector.broadcast %and3A_1625 : i32 to vector<16xi32>
          %and3A_1627 = arith.andi %shift_right_logical3A_1624, %and3A_1626 : vector<16xi32>
          %add3A_1628 = arith.constant 32767 : i32
          %add3A_1629 = vector.broadcast %add3A_1628 : i32 to vector<16xi32>
          %add3A_1630 = arith.addi %bitcast_convert_type3A_1621, %add3A_1629 : vector<16xi32>
          %add3A_1631 = arith.addi %add3A_1630, %and3A_1627 : vector<16xi32>
          %shift_right_logical3A_1632 = arith.constant 16 : i32
          %shift_right_logical3A_1633 = vector.broadcast %shift_right_logical3A_1632 : i32 to vector<16xi32>
          %shift_right_logical3A_1634 = arith.shrui %add3A_1631, %shift_right_logical3A_1633 : vector<16xi32>
          %shift_left3A_1635 = arith.constant 16 : i32
          %shift_left3A_1636 = vector.broadcast %shift_left3A_1635 : i32 to vector<16xi32>
          %shift_left3A_1637 = arith.shli %shift_right_logical3A_1634, %shift_left3A_1636 : vector<16xi32>
          %or3A_1638 = arith.ori %shift_right_logical3A_1617, %shift_left3A_1637 : vector<16xi32>
          %swap3A_1639 = arith.index_cast %scan3A_146 : i32 to index
          %swap3A_1640 = arith.constant 16 : index
          %swap3A_1641 = tpu.vector_load %arg12[%swap3A_1639, %swap3A_1640] {strides = array<i32>} : memref<16x128xi32, #tpu.memory_space<vmem>>, vector<1x16xi32>,
          %swap3A_1642 = vector.shape_cast %swap3A_1641 : vector<1x16xi32> to vector<16xi32>
          %swap3A_1643 = vector.shape_cast %or3A_1638 : vector<16xi32> to vector<1x16xi32>
          tpu.vector_store %arg12[%swap3A_1639, %swap3A_1640], %swap3A_1643 {strides = array<i32>} : memref<16x128xi32, #tpu.memory_space<vmem>>, vector<1x16xi32>,
          %get3A_1644 = arith.index_cast %scan3A_146 : i32 to index
          %get3A_1645 = arith.constant 32 : index
          %get3A_1646 = tpu.vector_load %arg10[%get3A_1644, %get3A_1645] {strides = array<i32>} : memref<16x128xf32, #tpu.memory_space<vmem>>, vector<1x16xf32>,
          %get3A_1647 = vector.shape_cast %get3A_1646 : vector<1x16xf32> to vector<16xf32>
          %bitcast_convert_type3A_1648 = tpu.bitcast %get3A_1647 : vector<16xf32> -> vector<16xi32>
          %shift_right_logical3A_1649 = arith.constant 16 : i32
          %shift_right_logical3A_1650 = vector.broadcast %shift_right_logical3A_1649 : i32 to vector<16xi32>
          %shift_right_logical3A_1651 = arith.shrui %bitcast_convert_type3A_1648, %shift_right_logical3A_1650 : vector<16xi32>
          %and3A_1652 = arith.constant 1 : i32
          %and3A_1653 = vector.broadcast %and3A_1652 : i32 to vector<16xi32>
          %and3A_1654 = arith.andi %shift_right_logical3A_1651, %and3A_1653 : vector<16xi32>
          %add3A_1655 = arith.constant 32767 : i32
          %add3A_1656 = vector.broadcast %add3A_1655 : i32 to vector<16xi32>
          %add3A_1657 = arith.addi %bitcast_convert_type3A_1648, %add3A_1656 : vector<16xi32>
          %add3A_1658 = arith.addi %add3A_1657, %and3A_1654 : vector<16xi32>
          %shift_right_logical3A_1659 = arith.constant 16 : i32
          %shift_right_logical3A_1660 = vector.broadcast %shift_right_logical3A_1659 : i32 to vector<16xi32>
          %shift_right_logical3A_1661 = arith.shrui %add3A_1658, %shift_right_logical3A_1660 : vector<16xi32>
          %mul3A_1662 = arith.constant 5.000000e-02 : f32
          %mul3A_1663 = vector.broadcast %mul3A_1662 : f32 to vector<16xf32>
          %mul3A_1664 = arith.mulf %add3A_1516, %mul3A_1663 : vector<16xf32>
          %bitcast_convert_type3A_1665 = tpu.bitcast %mul3A_1664 : vector<16xf32> -> vector<16xi32>
          %shift_right_logical3A_1666 = arith.constant 16 : i32
          %shift_right_logical3A_1667 = vector.broadcast %shift_right_logical3A_1666 : i32 to vector<16xi32>
          %shift_right_logical3A_1668 = arith.shrui %bitcast_convert_type3A_1665, %shift_right_logical3A_1667 : vector<16xi32>
          %and3A_1669 = arith.constant 1 : i32
          %and3A_1670 = vector.broadcast %and3A_1669 : i32 to vector<16xi32>
          %and3A_1671 = arith.andi %shift_right_logical3A_1668, %and3A_1670 : vector<16xi32>
          %add3A_1672 = arith.constant 32767 : i32
          %add3A_1673 = vector.broadcast %add3A_1672 : i32 to vector<16xi32>
          %add3A_1674 = arith.addi %bitcast_convert_type3A_1665, %add3A_1673 : vector<16xi32>
          %add3A_1675 = arith.addi %add3A_1674, %and3A_1671 : vector<16xi32>
          %shift_right_logical3A_1676 = arith.constant 16 : i32
          %shift_right_logical3A_1677 = vector.broadcast %shift_right_logical3A_1676 : i32 to vector<16xi32>
          %shift_right_logical3A_1678 = arith.shrui %add3A_1675, %shift_right_logical3A_1677 : vector<16xi32>
          %shift_left3A_1679 = arith.constant 16 : i32
          %shift_left3A_1680 = vector.broadcast %shift_left3A_1679 : i32 to vector<16xi32>
          %shift_left3A_1681 = arith.shli %shift_right_logical3A_1678, %shift_left3A_1680 : vector<16xi32>
          %or3A_1682 = arith.ori %shift_right_logical3A_1661, %shift_left3A_1681 : vector<16xi32>
          %swap3A_1683 = arith.index_cast %scan3A_146 : i32 to index
          %swap3A_1684 = arith.constant 32 : index
          %swap3A_1685 = tpu.vector_load %arg12[%swap3A_1683, %swap3A_1684] {strides = array<i32>} : memref<16x128xi32, #tpu.memory_space<vmem>>, vector<1x16xi32>,
          %swap3A_1686 = vector.shape_cast %swap3A_1685 : vector<1x16xi32> to vector<16xi32>
          %swap3A_1687 = vector.shape_cast %or3A_1682 : vector<16xi32> to vector<1x16xi32>
          tpu.vector_store %arg12[%swap3A_1683, %swap3A_1684], %swap3A_1687 {strides = array<i32>} : memref<16x128xi32, #tpu.memory_space<vmem>>, vector<1x16xi32>,
          %get3A_1688 = arith.index_cast %scan3A_146 : i32 to index
          %get3A_1689 = arith.constant 48 : index
          %get3A_1690 = tpu.vector_load %arg10[%get3A_1688, %get3A_1689] {strides = array<i32>} : memref<16x128xf32, #tpu.memory_space<vmem>>, vector<1x16xf32>,
          %get3A_1691 = vector.shape_cast %get3A_1690 : vector<1x16xf32> to vector<16xf32>
          %bitcast_convert_type3A_1692 = tpu.bitcast %get3A_1691 : vector<16xf32> -> vector<16xi32>
          %shift_right_logical3A_1693 = arith.constant 16 : i32
          %shift_right_logical3A_1694 = vector.broadcast %shift_right_logical3A_1693 : i32 to vector<16xi32>
          %shift_right_logical3A_1695 = arith.shrui %bitcast_convert_type3A_1692, %shift_right_logical3A_1694 : vector<16xi32>
          %and3A_1696 = arith.constant 1 : i32
          %and3A_1697 = vector.broadcast %and3A_1696 : i32 to vector<16xi32>
          %and3A_1698 = arith.andi %shift_right_logical3A_1695, %and3A_1697 : vector<16xi32>
          %add3A_1699 = arith.constant 32767 : i32
          %add3A_1700 = vector.broadcast %add3A_1699 : i32 to vector<16xi32>
          %add3A_1701 = arith.addi %bitcast_convert_type3A_1692, %add3A_1700 : vector<16xi32>
          %add3A_1702 = arith.addi %add3A_1701, %and3A_1698 : vector<16xi32>
          %shift_right_logical3A_1703 = arith.constant 16 : i32
          %shift_right_logical3A_1704 = vector.broadcast %shift_right_logical3A_1703 : i32 to vector<16xi32>
          %shift_right_logical3A_1705 = arith.shrui %add3A_1702, %shift_right_logical3A_1704 : vector<16xi32>
          %mul3A_1706 = arith.constant 5.000000e-02 : f32
          %mul3A_1707 = vector.broadcast %mul3A_1706 : f32 to vector<16xf32>
          %mul3A_1708 = arith.mulf %add3A_1525, %mul3A_1707 : vector<16xf32>
          %bitcast_convert_type3A_1709 = tpu.bitcast %mul3A_1708 : vector<16xf32> -> vector<16xi32>
          %shift_right_logical3A_1710 = arith.constant 16 : i32
          %shift_right_logical3A_1711 = vector.broadcast %shift_right_logical3A_1710 : i32 to vector<16xi32>
          %shift_right_logical3A_1712 = arith.shrui %bitcast_convert_type3A_1709, %shift_right_logical3A_1711 : vector<16xi32>
          %and3A_1713 = arith.constant 1 : i32
          %and3A_1714 = vector.broadcast %and3A_1713 : i32 to vector<16xi32>
          %and3A_1715 = arith.andi %shift_right_logical3A_1712, %and3A_1714 : vector<16xi32>
          %add3A_1716 = arith.constant 32767 : i32
          %add3A_1717 = vector.broadcast %add3A_1716 : i32 to vector<16xi32>
          %add3A_1718 = arith.addi %bitcast_convert_type3A_1709, %add3A_1717 : vector<16xi32>
          %add3A_1719 = arith.addi %add3A_1718, %and3A_1715 : vector<16xi32>
          %shift_right_logical3A_1720 = arith.constant 16 : i32
          %shift_right_logical3A_1721 = vector.broadcast %shift_right_logical3A_1720 : i32 to vector<16xi32>
          %shift_right_logical3A_1722 = arith.shrui %add3A_1719, %shift_right_logical3A_1721 : vector<16xi32>
          %shift_left3A_1723 = arith.constant 16 : i32
          %shift_left3A_1724 = vector.broadcast %shift_left3A_1723 : i32 to vector<16xi32>
          %shift_left3A_1725 = arith.shli %shift_right_logical3A_1722, %shift_left3A_1724 : vector<16xi32>
          %or3A_1726 = arith.ori %shift_right_logical3A_1705, %shift_left3A_1725 : vector<16xi32>
          %swap3A_1727 = arith.index_cast %scan3A_146 : i32 to index
          %swap3A_1728 = arith.constant 48 : index
          %swap3A_1729 = tpu.vector_load %arg12[%swap3A_1727, %swap3A_1728] {strides = array<i32>} : memref<16x128xi32, #tpu.memory_space<vmem>>, vector<1x16xi32>,
          %swap3A_1730 = vector.shape_cast %swap3A_1729 : vector<1x16xi32> to vector<16xi32>
          %swap3A_1731 = vector.shape_cast %or3A_1726 : vector<16xi32> to vector<1x16xi32>
          tpu.vector_store %arg12[%swap3A_1727, %swap3A_1728], %swap3A_1731 {strides = array<i32>} : memref<16x128xi32, #tpu.memory_space<vmem>>, vector<1x16xi32>,
          %get3A_1732 = arith.index_cast %scan3A_146 : i32 to index
          %get3A_1733 = arith.constant 64 : index
          %get3A_1734 = tpu.vector_load %arg10[%get3A_1732, %get3A_1733] {strides = array<i32>} : memref<16x128xf32, #tpu.memory_space<vmem>>, vector<1x16xf32>,
          %get3A_1735 = vector.shape_cast %get3A_1734 : vector<1x16xf32> to vector<16xf32>
          %bitcast_convert_type3A_1736 = tpu.bitcast %get3A_1735 : vector<16xf32> -> vector<16xi32>
          %shift_right_logical3A_1737 = arith.constant 16 : i32
          %shift_right_logical3A_1738 = vector.broadcast %shift_right_logical3A_1737 : i32 to vector<16xi32>
          %shift_right_logical3A_1739 = arith.shrui %bitcast_convert_type3A_1736, %shift_right_logical3A_1738 : vector<16xi32>
          %and3A_1740 = arith.constant 1 : i32
          %and3A_1741 = vector.broadcast %and3A_1740 : i32 to vector<16xi32>
          %and3A_1742 = arith.andi %shift_right_logical3A_1739, %and3A_1741 : vector<16xi32>
          %add3A_1743 = arith.constant 32767 : i32
          %add3A_1744 = vector.broadcast %add3A_1743 : i32 to vector<16xi32>
          %add3A_1745 = arith.addi %bitcast_convert_type3A_1736, %add3A_1744 : vector<16xi32>
          %add3A_1746 = arith.addi %add3A_1745, %and3A_1742 : vector<16xi32>
          %shift_right_logical3A_1747 = arith.constant 16 : i32
          %shift_right_logical3A_1748 = vector.broadcast %shift_right_logical3A_1747 : i32 to vector<16xi32>
          %shift_right_logical3A_1749 = arith.shrui %add3A_1746, %shift_right_logical3A_1748 : vector<16xi32>
          %mul3A_1750 = arith.constant 5.000000e-02 : f32
          %mul3A_1751 = vector.broadcast %mul3A_1750 : f32 to vector<16xf32>
          %mul3A_1752 = arith.mulf %add3A_1534, %mul3A_1751 : vector<16xf32>
          %bitcast_convert_type3A_1753 = tpu.bitcast %mul3A_1752 : vector<16xf32> -> vector<16xi32>
          %shift_right_logical3A_1754 = arith.constant 16 : i32
          %shift_right_logical3A_1755 = vector.broadcast %shift_right_logical3A_1754 : i32 to vector<16xi32>
          %shift_right_logical3A_1756 = arith.shrui %bitcast_convert_type3A_1753, %shift_right_logical3A_1755 : vector<16xi32>
          %and3A_1757 = arith.constant 1 : i32
          %and3A_1758 = vector.broadcast %and3A_1757 : i32 to vector<16xi32>
          %and3A_1759 = arith.andi %shift_right_logical3A_1756, %and3A_1758 : vector<16xi32>
          %add3A_1760 = arith.constant 32767 : i32
          %add3A_1761 = vector.broadcast %add3A_1760 : i32 to vector<16xi32>
          %add3A_1762 = arith.addi %bitcast_convert_type3A_1753, %add3A_1761 : vector<16xi32>
          %add3A_1763 = arith.addi %add3A_1762, %and3A_1759 : vector<16xi32>
          %shift_right_logical3A_1764 = arith.constant 16 : i32
          %shift_right_logical3A_1765 = vector.broadcast %shift_right_logical3A_1764 : i32 to vector<16xi32>
          %shift_right_logical3A_1766 = arith.shrui %add3A_1763, %shift_right_logical3A_1765 : vector<16xi32>
          %shift_left3A_1767 = arith.constant 16 : i32
          %shift_left3A_1768 = vector.broadcast %shift_left3A_1767 : i32 to vector<16xi32>
          %shift_left3A_1769 = arith.shli %shift_right_logical3A_1766, %shift_left3A_1768 : vector<16xi32>
          %or3A_1770 = arith.ori %shift_right_logical3A_1749, %shift_left3A_1769 : vector<16xi32>
          %swap3A_1771 = arith.index_cast %scan3A_146 : i32 to index
          %swap3A_1772 = arith.constant 64 : index
          %swap3A_1773 = tpu.vector_load %arg12[%swap3A_1771, %swap3A_1772] {strides = array<i32>} : memref<16x128xi32, #tpu.memory_space<vmem>>, vector<1x16xi32>,
          %swap3A_1774 = vector.shape_cast %swap3A_1773 : vector<1x16xi32> to vector<16xi32>
          %swap3A_1775 = vector.shape_cast %or3A_1770 : vector<16xi32> to vector<1x16xi32>
          tpu.vector_store %arg12[%swap3A_1771, %swap3A_1772], %swap3A_1775 {strides = array<i32>} : memref<16x128xi32, #tpu.memory_space<vmem>>, vector<1x16xi32>,
          %get3A_1776 = arith.index_cast %scan3A_146 : i32 to index
          %get3A_1777 = arith.constant 80 : index
          %get3A_1778 = tpu.vector_load %arg10[%get3A_1776, %get3A_1777] {strides = array<i32>} : memref<16x128xf32, #tpu.memory_space<vmem>>, vector<1x16xf32>,
          %get3A_1779 = vector.shape_cast %get3A_1778 : vector<1x16xf32> to vector<16xf32>
          %bitcast_convert_type3A_1780 = tpu.bitcast %get3A_1779 : vector<16xf32> -> vector<16xi32>
          %shift_right_logical3A_1781 = arith.constant 16 : i32
          %shift_right_logical3A_1782 = vector.broadcast %shift_right_logical3A_1781 : i32 to vector<16xi32>
          %shift_right_logical3A_1783 = arith.shrui %bitcast_convert_type3A_1780, %shift_right_logical3A_1782 : vector<16xi32>
          %and3A_1784 = arith.constant 1 : i32
          %and3A_1785 = vector.broadcast %and3A_1784 : i32 to vector<16xi32>
          %and3A_1786 = arith.andi %shift_right_logical3A_1783, %and3A_1785 : vector<16xi32>
          %add3A_1787 = arith.constant 32767 : i32
          %add3A_1788 = vector.broadcast %add3A_1787 : i32 to vector<16xi32>
          %add3A_1789 = arith.addi %bitcast_convert_type3A_1780, %add3A_1788 : vector<16xi32>
          %add3A_1790 = arith.addi %add3A_1789, %and3A_1786 : vector<16xi32>
          %shift_right_logical3A_1791 = arith.constant 16 : i32
          %shift_right_logical3A_1792 = vector.broadcast %shift_right_logical3A_1791 : i32 to vector<16xi32>
          %shift_right_logical3A_1793 = arith.shrui %add3A_1790, %shift_right_logical3A_1792 : vector<16xi32>
          %mul3A_1794 = arith.constant 5.000000e-02 : f32
          %mul3A_1795 = vector.broadcast %mul3A_1794 : f32 to vector<16xf32>
          %mul3A_1796 = arith.mulf %add3A_1543, %mul3A_1795 : vector<16xf32>
          %bitcast_convert_type3A_1797 = tpu.bitcast %mul3A_1796 : vector<16xf32> -> vector<16xi32>
          %shift_right_logical3A_1798 = arith.constant 16 : i32
          %shift_right_logical3A_1799 = vector.broadcast %shift_right_logical3A_1798 : i32 to vector<16xi32>
          %shift_right_logical3A_1800 = arith.shrui %bitcast_convert_type3A_1797, %shift_right_logical3A_1799 : vector<16xi32>
          %and3A_1801 = arith.constant 1 : i32
          %and3A_1802 = vector.broadcast %and3A_1801 : i32 to vector<16xi32>
          %and3A_1803 = arith.andi %shift_right_logical3A_1800, %and3A_1802 : vector<16xi32>
          %add3A_1804 = arith.constant 32767 : i32
          %add3A_1805 = vector.broadcast %add3A_1804 : i32 to vector<16xi32>
          %add3A_1806 = arith.addi %bitcast_convert_type3A_1797, %add3A_1805 : vector<16xi32>
          %add3A_1807 = arith.addi %add3A_1806, %and3A_1803 : vector<16xi32>
          %shift_right_logical3A_1808 = arith.constant 16 : i32
          %shift_right_logical3A_1809 = vector.broadcast %shift_right_logical3A_1808 : i32 to vector<16xi32>
          %shift_right_logical3A_1810 = arith.shrui %add3A_1807, %shift_right_logical3A_1809 : vector<16xi32>
          %shift_left3A_1811 = arith.constant 16 : i32
          %shift_left3A_1812 = vector.broadcast %shift_left3A_1811 : i32 to vector<16xi32>
          %shift_left3A_1813 = arith.shli %shift_right_logical3A_1810, %shift_left3A_1812 : vector<16xi32>
          %or3A_1814 = arith.ori %shift_right_logical3A_1793, %shift_left3A_1813 : vector<16xi32>
          %swap3A_1815 = arith.index_cast %scan3A_146 : i32 to index
          %swap3A_1816 = arith.constant 80 : index
          %swap3A_1817 = tpu.vector_load %arg12[%swap3A_1815, %swap3A_1816] {strides = array<i32>} : memref<16x128xi32, #tpu.memory_space<vmem>>, vector<1x16xi32>,
          %swap3A_1818 = vector.shape_cast %swap3A_1817 : vector<1x16xi32> to vector<16xi32>
          %swap3A_1819 = vector.shape_cast %or3A_1814 : vector<16xi32> to vector<1x16xi32>
          tpu.vector_store %arg12[%swap3A_1815, %swap3A_1816], %swap3A_1819 {strides = array<i32>} : memref<16x128xi32, #tpu.memory_space<vmem>>, vector<1x16xi32>,
          %get3A_1820 = arith.index_cast %scan3A_146 : i32 to index
          %get3A_1821 = arith.constant 96 : index
          %get3A_1822 = tpu.vector_load %arg10[%get3A_1820, %get3A_1821] {strides = array<i32>} : memref<16x128xf32, #tpu.memory_space<vmem>>, vector<1x16xf32>,
          %get3A_1823 = vector.shape_cast %get3A_1822 : vector<1x16xf32> to vector<16xf32>
          %bitcast_convert_type3A_1824 = tpu.bitcast %get3A_1823 : vector<16xf32> -> vector<16xi32>
          %shift_right_logical3A_1825 = arith.constant 16 : i32
          %shift_right_logical3A_1826 = vector.broadcast %shift_right_logical3A_1825 : i32 to vector<16xi32>
          %shift_right_logical3A_1827 = arith.shrui %bitcast_convert_type3A_1824, %shift_right_logical3A_1826 : vector<16xi32>
          %and3A_1828 = arith.constant 1 : i32
          %and3A_1829 = vector.broadcast %and3A_1828 : i32 to vector<16xi32>
          %and3A_1830 = arith.andi %shift_right_logical3A_1827, %and3A_1829 : vector<16xi32>
          %add3A_1831 = arith.constant 32767 : i32
          %add3A_1832 = vector.broadcast %add3A_1831 : i32 to vector<16xi32>
          %add3A_1833 = arith.addi %bitcast_convert_type3A_1824, %add3A_1832 : vector<16xi32>
          %add3A_1834 = arith.addi %add3A_1833, %and3A_1830 : vector<16xi32>
          %shift_right_logical3A_1835 = arith.constant 16 : i32
          %shift_right_logical3A_1836 = vector.broadcast %shift_right_logical3A_1835 : i32 to vector<16xi32>
          %shift_right_logical3A_1837 = arith.shrui %add3A_1834, %shift_right_logical3A_1836 : vector<16xi32>
          %mul3A_1838 = arith.constant 5.000000e-02 : f32
          %mul3A_1839 = vector.broadcast %mul3A_1838 : f32 to vector<16xf32>
          %mul3A_1840 = arith.mulf %add3A_1552, %mul3A_1839 : vector<16xf32>
          %bitcast_convert_type3A_1841 = tpu.bitcast %mul3A_1840 : vector<16xf32> -> vector<16xi32>
          %shift_right_logical3A_1842 = arith.constant 16 : i32
          %shift_right_logical3A_1843 = vector.broadcast %shift_right_logical3A_1842 : i32 to vector<16xi32>
          %shift_right_logical3A_1844 = arith.shrui %bitcast_convert_type3A_1841, %shift_right_logical3A_1843 : vector<16xi32>
          %and3A_1845 = arith.constant 1 : i32
          %and3A_1846 = vector.broadcast %and3A_1845 : i32 to vector<16xi32>
          %and3A_1847 = arith.andi %shift_right_logical3A_1844, %and3A_1846 : vector<16xi32>
          %add3A_1848 = arith.constant 32767 : i32
          %add3A_1849 = vector.broadcast %add3A_1848 : i32 to vector<16xi32>
          %add3A_1850 = arith.addi %bitcast_convert_type3A_1841, %add3A_1849 : vector<16xi32>
          %add3A_1851 = arith.addi %add3A_1850, %and3A_1847 : vector<16xi32>
          %shift_right_logical3A_1852 = arith.constant 16 : i32
          %shift_right_logical3A_1853 = vector.broadcast %shift_right_logical3A_1852 : i32 to vector<16xi32>
          %shift_right_logical3A_1854 = arith.shrui %add3A_1851, %shift_right_logical3A_1853 : vector<16xi32>
          %shift_left3A_1855 = arith.constant 16 : i32
          %shift_left3A_1856 = vector.broadcast %shift_left3A_1855 : i32 to vector<16xi32>
          %shift_left3A_1857 = arith.shli %shift_right_logical3A_1854, %shift_left3A_1856 : vector<16xi32>
          %or3A_1858 = arith.ori %shift_right_logical3A_1837, %shift_left3A_1857 : vector<16xi32>
          %swap3A_1859 = arith.index_cast %scan3A_146 : i32 to index
          %swap3A_1860 = arith.constant 96 : index
          %swap3A_1861 = tpu.vector_load %arg12[%swap3A_1859, %swap3A_1860] {strides = array<i32>} : memref<16x128xi32, #tpu.memory_space<vmem>>, vector<1x16xi32>,
          %swap3A_1862 = vector.shape_cast %swap3A_1861 : vector<1x16xi32> to vector<16xi32>
          %swap3A_1863 = vector.shape_cast %or3A_1858 : vector<16xi32> to vector<1x16xi32>
          tpu.vector_store %arg12[%swap3A_1859, %swap3A_1860], %swap3A_1863 {strides = array<i32>} : memref<16x128xi32, #tpu.memory_space<vmem>>, vector<1x16xi32>,
          %get3A_1864 = arith.index_cast %scan3A_146 : i32 to index
          %get3A_1865 = arith.constant 112 : index
          %get3A_1866 = tpu.vector_load %arg10[%get3A_1864, %get3A_1865] {strides = array<i32>} : memref<16x128xf32, #tpu.memory_space<vmem>>, vector<1x16xf32>,
          %get3A_1867 = vector.shape_cast %get3A_1866 : vector<1x16xf32> to vector<16xf32>
          %bitcast_convert_type3A_1868 = tpu.bitcast %get3A_1867 : vector<16xf32> -> vector<16xi32>
          %shift_right_logical3A_1869 = arith.constant 16 : i32
          %shift_right_logical3A_1870 = vector.broadcast %shift_right_logical3A_1869 : i32 to vector<16xi32>
          %shift_right_logical3A_1871 = arith.shrui %bitcast_convert_type3A_1868, %shift_right_logical3A_1870 : vector<16xi32>
          %and3A_1872 = arith.constant 1 : i32
          %and3A_1873 = vector.broadcast %and3A_1872 : i32 to vector<16xi32>
          %and3A_1874 = arith.andi %shift_right_logical3A_1871, %and3A_1873 : vector<16xi32>
          %add3A_1875 = arith.constant 32767 : i32
          %add3A_1876 = vector.broadcast %add3A_1875 : i32 to vector<16xi32>
          %add3A_1877 = arith.addi %bitcast_convert_type3A_1868, %add3A_1876 : vector<16xi32>
          %add3A_1878 = arith.addi %add3A_1877, %and3A_1874 : vector<16xi32>
          %shift_right_logical3A_1879 = arith.constant 16 : i32
          %shift_right_logical3A_1880 = vector.broadcast %shift_right_logical3A_1879 : i32 to vector<16xi32>
          %shift_right_logical3A_1881 = arith.shrui %add3A_1878, %shift_right_logical3A_1880 : vector<16xi32>
          %mul3A_1882 = arith.constant 5.000000e-02 : f32
          %mul3A_1883 = vector.broadcast %mul3A_1882 : f32 to vector<16xf32>
          %mul3A_1884 = arith.mulf %add3A_1561, %mul3A_1883 : vector<16xf32>
          %bitcast_convert_type3A_1885 = tpu.bitcast %mul3A_1884 : vector<16xf32> -> vector<16xi32>
          %shift_right_logical3A_1886 = arith.constant 16 : i32
          %shift_right_logical3A_1887 = vector.broadcast %shift_right_logical3A_1886 : i32 to vector<16xi32>
          %shift_right_logical3A_1888 = arith.shrui %bitcast_convert_type3A_1885, %shift_right_logical3A_1887 : vector<16xi32>
          %and3A_1889 = arith.constant 1 : i32
          %and3A_1890 = vector.broadcast %and3A_1889 : i32 to vector<16xi32>
          %and3A_1891 = arith.andi %shift_right_logical3A_1888, %and3A_1890 : vector<16xi32>
          %add3A_1892 = arith.constant 32767 : i32
          %add3A_1893 = vector.broadcast %add3A_1892 : i32 to vector<16xi32>
          %add3A_1894 = arith.addi %bitcast_convert_type3A_1885, %add3A_1893 : vector<16xi32>
          %add3A_1895 = arith.addi %add3A_1894, %and3A_1891 : vector<16xi32>
          %shift_right_logical3A_1896 = arith.constant 16 : i32
          %shift_right_logical3A_1897 = vector.broadcast %shift_right_logical3A_1896 : i32 to vector<16xi32>
          %shift_right_logical3A_1898 = arith.shrui %add3A_1895, %shift_right_logical3A_1897 : vector<16xi32>
          %shift_left3A_1899 = arith.constant 16 : i32
          %shift_left3A_1900 = vector.broadcast %shift_left3A_1899 : i32 to vector<16xi32>
          %shift_left3A_1901 = arith.shli %shift_right_logical3A_1898, %shift_left3A_1900 : vector<16xi32>
          %or3A_1902 = arith.ori %shift_right_logical3A_1881, %shift_left3A_1901 : vector<16xi32>
          %swap3A_1903 = arith.index_cast %scan3A_146 : i32 to index
          %swap3A_1904 = arith.constant 112 : index
          %swap3A_1905 = tpu.vector_load %arg12[%swap3A_1903, %swap3A_1904] {strides = array<i32>} : memref<16x128xi32, #tpu.memory_space<vmem>>, vector<1x16xi32>,
          %swap3A_1906 = vector.shape_cast %swap3A_1905 : vector<1x16xi32> to vector<16xi32>
          %swap3A_1907 = vector.shape_cast %or3A_1902 : vector<16xi32> to vector<1x16xi32>
          tpu.vector_store %arg12[%swap3A_1903, %swap3A_1904], %swap3A_1907 {strides = array<i32>} : memref<16x128xi32, #tpu.memory_space<vmem>>, vector<1x16xi32>,
        }
        %scan3A_84 = arith.constant 16 : i32
        %mul3A_85 = arith.constant 16 : i32
        %mul3A_86 = arith.muli %add3A_56, %mul3A_85 : i32
        %add3A_87 = arith.addi %mul3A_2, %mul3A_86 : i32
        %dma_start3A_88 = arith.constant 0 : i32
        %dma_start3A_89 = tpu.memref_slice %arg5[%add3A_87, %dma_start3A_88] : memref<25088x128xi32, #tpu.memory_space<hbm>> -> memref<16x128xi32, #tpu.memory_space<hbm>>
        %dma_start3A_90 = arith.constant 0 : i32
        %dma_start3A_91 = tpu.memref_slice %arg5[%add3A_87, %dma_start3A_90] : memref<25088x128xi32, #tpu.memory_space<hbm>> -> memref<16x128xi32, #tpu.memory_space<hbm>>
        tpu.enqueue_dma source(%arg12 : memref<16x128xi32, #tpu.memory_space<vmem>>) target(%dma_start3A_91 : memref<16x128xi32, #tpu.memory_space<hbm>>) target_semaphore(%arg16 : memref<!tpu.dma_semaphore, #tpu.memory_space<semaphore_mem>>)
        %add3A_92 = arith.constant 2 : i32
        %add3A_93 = arith.addi %add3A_56, %add3A_92 : i32
        %lt3A_94 = arith.constant 98 : i32
        %lt3A_95 = arith.cmpi slt, %add3A_93, %lt3A_94 : i32
        %convert_element_type3A_96 = arith.extui %lt3A_95 : i1 to i32
        %cond3A_97 = arith.constant 0 : i32
        %cond3A_98 = arith.cmpi ne, %convert_element_type3A_96, %cond3A_97 : i32
        scf.if %cond3A_98 {
          %mul3A_146 = arith.constant 320 : i32
          %mul3A_147 = arith.muli %add3A_93, %mul3A_146 : i32
          %add3A_148 = arith.constant 0 : i32
          %add3A_149 = arith.addi %mul3A_147, %add3A_148 : i32
          %dma_start3A_150 = arith.constant 0 : i32
          %dma_start3A_151 = arith.constant 0 : i32
          %dma_start3A_152 = tpu.memref_slice %arg8[%dma_start3A_150, %dma_start3A_151] : memref<320x128xf32, #tpu.memory_space<vmem>> -> memref<320x128xf32, #tpu.memory_space<vmem>>
          %dma_start3A_153 = tpu.memref_slice %arg7[%add3A_149] : memref<31360xi32, #tpu.memory_space<vmem>> -> memref<320xi32, #tpu.memory_space<vmem>>
          %dma_start3A_154 = arith.constant 0 : i32
          %dma_start3A_155 = arith.constant 0 : i32
          %dma_start3A_156 = tpu.memref_slice %arg2[%dma_start3A_154, %dma_start3A_155] : memref<100000x128xf32, #tpu.memory_space<hbm>> -> memref<100000x128xf32, #tpu.memory_space<hbm>>
          tpu.enqueue_indirect_dma source(%dma_start3A_156 : memref<100000x128xf32, #tpu.memory_space<hbm>>) target(%dma_start3A_152 : memref<320x128xf32, #tpu.memory_space<vmem>>) offsets(%dma_start3A_153 : memref<320xi32, #tpu.memory_space<vmem>>) semaphore(%arg14 : memref<!tpu.dma_semaphore, #tpu.memory_space<semaphore_mem>>)
          %mul3A_157 = arith.constant 16 : i32
          %mul3A_158 = arith.muli %add3A_93, %mul3A_157 : i32
          %dma_start3A_159 = tpu.memref_slice %arg6[%mul3A_158] : memref<1568xi32, #tpu.memory_space<vmem>> -> memref<16xi32, #tpu.memory_space<vmem>>
          %dma_start3A_160 = arith.constant 0 : i32
          %dma_start3A_161 = arith.constant 0 : i32
          %dma_start3A_162 = tpu.memref_slice %arg2[%dma_start3A_160, %dma_start3A_161] : memref<100000x128xf32, #tpu.memory_space<hbm>> -> memref<100000x128xf32, #tpu.memory_space<hbm>>
          tpu.enqueue_indirect_dma source(%dma_start3A_162 : memref<100000x128xf32, #tpu.memory_space<hbm>>) target(%arg10 : memref<16x128xf32, #tpu.memory_space<vmem>>) offsets(%dma_start3A_159 : memref<16xi32, #tpu.memory_space<vmem>>) semaphore(%arg14 : memref<!tpu.dma_semaphore, #tpu.memory_space<semaphore_mem>>)
        } else {
        }
        %mul3A_99 = arith.constant 2 : i32
        %mul3A_100 = arith.muli %mul3A_99, %scan3A_53 : i32
        %add3A_101 = arith.constant 1 : i32
        %add3A_102 = arith.addi %mul3A_100, %add3A_101 : i32
        %dma_wait3A_103 = arith.constant 0 : i32
        %dma_wait3A_104 = arith.constant 0 : i32
        %dma_wait3A_105 = tpu.memref_slice %arg9[%dma_wait3A_103, %dma_wait3A_104] : memref<320x128xf32, #tpu.memory_space<vmem>> -> memref<320x128xf32, #tpu.memory_space<vmem>>
        %dma_wait3A_106 = arith.constant 0 : i32
        %dma_wait3A_107 = arith.constant 0 : i32
        %dma_wait3A_108 = tpu.memref_slice %arg2[%dma_wait3A_106, %dma_wait3A_107] : memref<100000x128xf32, #tpu.memory_space<hbm>> -> memref<320x128xf32, #tpu.memory_space<hbm>>
        %dma_wait3A_109 = arith.constant 0 : i32
        %dma_wait3A_110 = arith.constant 0 : i32
        %dma_wait3A_111 = tpu.memref_slice %arg9[%dma_wait3A_109, %dma_wait3A_110] : memref<320x128xf32, #tpu.memory_space<vmem>> -> memref<320x128xf32, #tpu.memory_space<vmem>>
        %dma_wait3A_112 = arith.constant 0 : i32
        %dma_wait3A_113 = arith.constant 0 : i32
        %dma_wait3A_114 = tpu.memref_slice %arg2[%dma_wait3A_112, %dma_wait3A_113] : memref<100000x128xf32, #tpu.memory_space<hbm>> -> memref<320x128xf32, #tpu.memory_space<hbm>>
        tpu.wait_dma2 semaphore(%arg15 : memref<!tpu.dma_semaphore, #tpu.memory_space<semaphore_mem>>) src(%dma_wait3A_114 : memref<320x128xf32, #tpu.memory_space<hbm>>) dst(%dma_wait3A_111 : memref<320x128xf32, #tpu.memory_space<vmem>>)
        %dma_wait3A_115 = arith.constant 0 : i32
        %dma_wait3A_116 = arith.constant 0 : i32
        %dma_wait3A_117 = tpu.memref_slice %arg2[%dma_wait3A_115, %dma_wait3A_116] : memref<100000x128xf32, #tpu.memory_space<hbm>> -> memref<16x128xf32, #tpu.memory_space<hbm>>
        %dma_wait3A_118 = arith.constant 0 : i32
        %dma_wait3A_119 = arith.constant 0 : i32
        %dma_wait3A_120 = tpu.memref_slice %arg2[%dma_wait3A_118, %dma_wait3A_119] : memref<100000x128xf32, #tpu.memory_space<hbm>> -> memref<16x128xf32, #tpu.memory_space<hbm>>
        tpu.wait_dma2 semaphore(%arg15 : memref<!tpu.dma_semaphore, #tpu.memory_space<semaphore_mem>>) src(%dma_wait3A_120 : memref<16x128xf32, #tpu.memory_space<hbm>>) dst(%arg11 : memref<16x128xf32, #tpu.memory_space<vmem>>)
        %gt3A_121 = arith.constant 0 : i32
        %gt3A_122 = arith.cmpi sgt, %scan3A_53, %gt3A_121 : i32
        %convert_element_type3A_123 = arith.extui %gt3A_122 : i1 to i32
        %cond3A_124 = arith.constant 0 : i32
        %cond3A_125 = arith.cmpi ne, %convert_element_type3A_123, %cond3A_124 : i32
        scf.if %cond3A_125 {
          %dma_wait3A_146 = arith.constant 0 : i32
          %dma_wait3A_147 = arith.constant 0 : i32
          %dma_wait3A_148 = tpu.memref_slice %arg5[%dma_wait3A_146, %dma_wait3A_147] : memref<25088x128xi32, #tpu.memory_space<hbm>> -> memref<16x128xi32, #tpu.memory_space<hbm>>
          %dma_wait3A_149 = arith.constant 0 : i32
          %dma_wait3A_150 = arith.constant 0 : i32
          %dma_wait3A_151 = tpu.memref_slice %arg5[%dma_wait3A_149, %dma_wait3A_150] : memref<25088x128xi32, #tpu.memory_space<hbm>> -> memref<16x128xi32, #tpu.memory_space<hbm>>
          tpu.wait_dma2 semaphore(%arg17 : memref<!tpu.dma_semaphore, #tpu.memory_space<semaphore_mem>>) src(%arg13 : memref<16x128xi32, #tpu.memory_space<vmem>>) dst(%dma_wait3A_151 : memref<16x128xi32, #tpu.memory_space<hbm>>)
        } else {
        }
        %scan3A_126 = arith.constant 0 : i32
        %scan3A_127 = arith.constant 0 : i32
        %scan3A_128 = arith.constant 16 : i32
        %scan3A_129 = arith.addi %scan3A_127, %scan3A_128 : i32
        %scan3A_130 = arith.constant 1 : i32
        scf.for %scan3A_146 = %scan3A_127 to %scan3A_129 step %scan3A_130  : i32 {
          %mul3A_147 = arith.constant 20 : i32
          %mul3A_148 = arith.muli %scan3A_146, %mul3A_147 : i32
          %get3A = arith.index_cast %mul3A_148 : i32 to index
          %get3A_149 = arith.constant 0 : index
          %get3A_150 = tpu.vector_load %arg9[%get3A, %get3A_149] {strides = array<i32>} : memref<320x128xf32, #tpu.memory_space<vmem>>, vector<1x16xf32>,
          %get3A_151 = vector.shape_cast %get3A_150 : vector<1x16xf32> to vector<16xf32>
          %mul3A_152 = arith.constant 20 : i32
          %mul3A_153 = arith.muli %scan3A_146, %mul3A_152 : i32
          %get3A_154 = arith.index_cast %mul3A_153 : i32 to index
          %get3A_155 = arith.constant 16 : index
          %get3A_156 = tpu.vector_load %arg9[%get3A_154, %get3A_155] {strides = array<i32>} : memref<320x128xf32, #tpu.memory_space<vmem>>, vector<1x16xf32>,
          %get3A_157 = vector.shape_cast %get3A_156 : vector<1x16xf32> to vector<16xf32>
          %mul3A_158 = arith.constant 20 : i32
          %mul3A_159 = arith.muli %scan3A_146, %mul3A_158 : i32
          %get3A_160 = arith.index_cast %mul3A_159 : i32 to index
          %get3A_161 = arith.constant 32 : index
          %get3A_162 = tpu.vector_load %arg9[%get3A_160, %get3A_161] {strides = array<i32>} : memref<320x128xf32, #tpu.memory_space<vmem>>, vector<1x16xf32>,
          %get3A_163 = vector.shape_cast %get3A_162 : vector<1x16xf32> to vector<16xf32>
          %mul3A_164 = arith.constant 20 : i32
          %mul3A_165 = arith.muli %scan3A_146, %mul3A_164 : i32
          %get3A_166 = arith.index_cast %mul3A_165 : i32 to index
          %get3A_167 = arith.constant 48 : index
          %get3A_168 = tpu.vector_load %arg9[%get3A_166, %get3A_167] {strides = array<i32>} : memref<320x128xf32, #tpu.memory_space<vmem>>, vector<1x16xf32>,
          %get3A_169 = vector.shape_cast %get3A_168 : vector<1x16xf32> to vector<16xf32>
          %mul3A_170 = arith.constant 20 : i32
          %mul3A_171 = arith.muli %scan3A_146, %mul3A_170 : i32
          %get3A_172 = arith.index_cast %mul3A_171 : i32 to index
          %get3A_173 = arith.constant 64 : index
          %get3A_174 = tpu.vector_load %arg9[%get3A_172, %get3A_173] {strides = array<i32>} : memref<320x128xf32, #tpu.memory_space<vmem>>, vector<1x16xf32>,
          %get3A_175 = vector.shape_cast %get3A_174 : vector<1x16xf32> to vector<16xf32>
          %mul3A_176 = arith.constant 20 : i32
          %mul3A_177 = arith.muli %scan3A_146, %mul3A_176 : i32
          %get3A_178 = arith.index_cast %mul3A_177 : i32 to index
          %get3A_179 = arith.constant 80 : index
          %get3A_180 = tpu.vector_load %arg9[%get3A_178, %get3A_179] {strides = array<i32>} : memref<320x128xf32, #tpu.memory_space<vmem>>, vector<1x16xf32>,
          %get3A_181 = vector.shape_cast %get3A_180 : vector<1x16xf32> to vector<16xf32>
          %mul3A_182 = arith.constant 20 : i32
          %mul3A_183 = arith.muli %scan3A_146, %mul3A_182 : i32
          %get3A_184 = arith.index_cast %mul3A_183 : i32 to index
          %get3A_185 = arith.constant 96 : index
          %get3A_186 = tpu.vector_load %arg9[%get3A_184, %get3A_185] {strides = array<i32>} : memref<320x128xf32, #tpu.memory_space<vmem>>, vector<1x16xf32>,
          %get3A_187 = vector.shape_cast %get3A_186 : vector<1x16xf32> to vector<16xf32>
          %mul3A_188 = arith.constant 20 : i32
          %mul3A_189 = arith.muli %scan3A_146, %mul3A_188 : i32
          %get3A_190 = arith.index_cast %mul3A_189 : i32 to index
          %get3A_191 = arith.constant 112 : index
          %get3A_192 = tpu.vector_load %arg9[%get3A_190, %get3A_191] {strides = array<i32>} : memref<320x128xf32, #tpu.memory_space<vmem>>, vector<1x16xf32>,
          %get3A_193 = vector.shape_cast %get3A_192 : vector<1x16xf32> to vector<16xf32>
          %mul3A_194 = arith.constant 20 : i32
          %mul3A_195 = arith.muli %scan3A_146, %mul3A_194 : i32
          %add3A_196 = arith.constant 1 : i32
          %add3A_197 = arith.addi %mul3A_195, %add3A_196 : i32
          %get3A_198 = arith.index_cast %add3A_197 : i32 to index
          %get3A_199 = arith.constant 0 : index
          %get3A_200 = tpu.vector_load %arg9[%get3A_198, %get3A_199] {strides = array<i32>} : memref<320x128xf32, #tpu.memory_space<vmem>>, vector<1x16xf32>,
          %get3A_201 = vector.shape_cast %get3A_200 : vector<1x16xf32> to vector<16xf32>
          %add3A_202 = arith.addf %get3A_151, %get3A_201 : vector<16xf32>
          %mul3A_203 = arith.constant 20 : i32
          %mul3A_204 = arith.muli %scan3A_146, %mul3A_203 : i32
          %add3A_205 = arith.constant 1 : i32
          %add3A_206 = arith.addi %mul3A_204, %add3A_205 : i32
          %get3A_207 = arith.index_cast %add3A_206 : i32 to index
          %get3A_208 = arith.constant 16 : index
          %get3A_209 = tpu.vector_load %arg9[%get3A_207, %get3A_208] {strides = array<i32>} : memref<320x128xf32, #tpu.memory_space<vmem>>, vector<1x16xf32>,
          %get3A_210 = vector.shape_cast %get3A_209 : vector<1x16xf32> to vector<16xf32>
          %add3A_211 = arith.addf %get3A_157, %get3A_210 : vector<16xf32>
          %mul3A_212 = arith.constant 20 : i32
          %mul3A_213 = arith.muli %scan3A_146, %mul3A_212 : i32
          %add3A_214 = arith.constant 1 : i32
          %add3A_215 = arith.addi %mul3A_213, %add3A_214 : i32
          %get3A_216 = arith.index_cast %add3A_215 : i32 to index
          %get3A_217 = arith.constant 32 : index
          %get3A_218 = tpu.vector_load %arg9[%get3A_216, %get3A_217] {strides = array<i32>} : memref<320x128xf32, #tpu.memory_space<vmem>>, vector<1x16xf32>,
          %get3A_219 = vector.shape_cast %get3A_218 : vector<1x16xf32> to vector<16xf32>
          %add3A_220 = arith.addf %get3A_163, %get3A_219 : vector<16xf32>
          %mul3A_221 = arith.constant 20 : i32
          %mul3A_222 = arith.muli %scan3A_146, %mul3A_221 : i32
          %add3A_223 = arith.constant 1 : i32
          %add3A_224 = arith.addi %mul3A_222, %add3A_223 : i32
          %get3A_225 = arith.index_cast %add3A_224 : i32 to index
          %get3A_226 = arith.constant 48 : index
          %get3A_227 = tpu.vector_load %arg9[%get3A_225, %get3A_226] {strides = array<i32>} : memref<320x128xf32, #tpu.memory_space<vmem>>, vector<1x16xf32>,
          %get3A_228 = vector.shape_cast %get3A_227 : vector<1x16xf32> to vector<16xf32>
          %add3A_229 = arith.addf %get3A_169, %get3A_228 : vector<16xf32>
          %mul3A_230 = arith.constant 20 : i32
          %mul3A_231 = arith.muli %scan3A_146, %mul3A_230 : i32
          %add3A_232 = arith.constant 1 : i32
          %add3A_233 = arith.addi %mul3A_231, %add3A_232 : i32
          %get3A_234 = arith.index_cast %add3A_233 : i32 to index
          %get3A_235 = arith.constant 64 : index
          %get3A_236 = tpu.vector_load %arg9[%get3A_234, %get3A_235] {strides = array<i32>} : memref<320x128xf32, #tpu.memory_space<vmem>>, vector<1x16xf32>,
          %get3A_237 = vector.shape_cast %get3A_236 : vector<1x16xf32> to vector<16xf32>
          %add3A_238 = arith.addf %get3A_175, %get3A_237 : vector<16xf32>
          %mul3A_239 = arith.constant 20 : i32
          %mul3A_240 = arith.muli %scan3A_146, %mul3A_239 : i32
          %add3A_241 = arith.constant 1 : i32
          %add3A_242 = arith.addi %mul3A_240, %add3A_241 : i32
          %get3A_243 = arith.index_cast %add3A_242 : i32 to index
          %get3A_244 = arith.constant 80 : index
          %get3A_245 = tpu.vector_load %arg9[%get3A_243, %get3A_244] {strides = array<i32>} : memref<320x128xf32, #tpu.memory_space<vmem>>, vector<1x16xf32>,
          %get3A_246 = vector.shape_cast %get3A_245 : vector<1x16xf32> to vector<16xf32>
          %add3A_247 = arith.addf %get3A_181, %get3A_246 : vector<16xf32>
          %mul3A_248 = arith.constant 20 : i32
          %mul3A_249 = arith.muli %scan3A_146, %mul3A_248 : i32
          %add3A_250 = arith.constant 1 : i32
          %add3A_251 = arith.addi %mul3A_249, %add3A_250 : i32
          %get3A_252 = arith.index_cast %add3A_251 : i32 to index
          %get3A_253 = arith.constant 96 : index
          %get3A_254 = tpu.vector_load %arg9[%get3A_252, %get3A_253] {strides = array<i32>} : memref<320x128xf32, #tpu.memory_space<vmem>>, vector<1x16xf32>,
          %get3A_255 = vector.shape_cast %get3A_254 : vector<1x16xf32> to vector<16xf32>
          %add3A_256 = arith.addf %get3A_187, %get3A_255 : vector<16xf32>
          %mul3A_257 = arith.constant 20 : i32
          %mul3A_258 = arith.muli %scan3A_146, %mul3A_257 : i32
          %add3A_259 = arith.constant 1 : i32
          %add3A_260 = arith.addi %mul3A_258, %add3A_259 : i32
          %get3A_261 = arith.index_cast %add3A_260 : i32 to index
          %get3A_262 = arith.constant 112 : index
          %get3A_263 = tpu.vector_load %arg9[%get3A_261, %get3A_262] {strides = array<i32>} : memref<320x128xf32, #tpu.memory_space<vmem>>, vector<1x16xf32>,
          %get3A_264 = vector.shape_cast %get3A_263 : vector<1x16xf32> to vector<16xf32>
          %add3A_265 = arith.addf %get3A_193, %get3A_264 : vector<16xf32>
          %mul3A_266 = arith.constant 20 : i32
          %mul3A_267 = arith.muli %scan3A_146, %mul3A_266 : i32
          %add3A_268 = arith.constant 2 : i32
          %add3A_269 = arith.addi %mul3A_267, %add3A_268 : i32
          %get3A_270 = arith.index_cast %add3A_269 : i32 to index
          %get3A_271 = arith.constant 0 : index
          %get3A_272 = tpu.vector_load %arg9[%get3A_270, %get3A_271] {strides = array<i32>} : memref<320x128xf32, #tpu.memory_space<vmem>>, vector<1x16xf32>,
          %get3A_273 = vector.shape_cast %get3A_272 : vector<1x16xf32> to vector<16xf32>
          %add3A_274 = arith.addf %add3A_202, %get3A_273 : vector<16xf32>
          %mul3A_275 = arith.constant 20 : i32
          %mul3A_276 = arith.muli %scan3A_146, %mul3A_275 : i32
          %add3A_277 = arith.constant 2 : i32
          %add3A_278 = arith.addi %mul3A_276, %add3A_277 : i32
          %get3A_279 = arith.index_cast %add3A_278 : i32 to index
          %get3A_280 = arith.constant 16 : index
          %get3A_281 = tpu.vector_load %arg9[%get3A_279, %get3A_280] {strides = array<i32>} : memref<320x128xf32, #tpu.memory_space<vmem>>, vector<1x16xf32>,
          %get3A_282 = vector.shape_cast %get3A_281 : vector<1x16xf32> to vector<16xf32>
          %add3A_283 = arith.addf %add3A_211, %get3A_282 : vector<16xf32>
          %mul3A_284 = arith.constant 20 : i32
          %mul3A_285 = arith.muli %scan3A_146, %mul3A_284 : i32
          %add3A_286 = arith.constant 2 : i32
          %add3A_287 = arith.addi %mul3A_285, %add3A_286 : i32
          %get3A_288 = arith.index_cast %add3A_287 : i32 to index
          %get3A_289 = arith.constant 32 : index
          %get3A_290 = tpu.vector_load %arg9[%get3A_288, %get3A_289] {strides = array<i32>} : memref<320x128xf32, #tpu.memory_space<vmem>>, vector<1x16xf32>,
          %get3A_291 = vector.shape_cast %get3A_290 : vector<1x16xf32> to vector<16xf32>
          %add3A_292 = arith.addf %add3A_220, %get3A_291 : vector<16xf32>
          %mul3A_293 = arith.constant 20 : i32
          %mul3A_294 = arith.muli %scan3A_146, %mul3A_293 : i32
          %add3A_295 = arith.constant 2 : i32
          %add3A_296 = arith.addi %mul3A_294, %add3A_295 : i32
          %get3A_297 = arith.index_cast %add3A_296 : i32 to index
          %get3A_298 = arith.constant 48 : index
          %get3A_299 = tpu.vector_load %arg9[%get3A_297, %get3A_298] {strides = array<i32>} : memref<320x128xf32, #tpu.memory_space<vmem>>, vector<1x16xf32>,
          %get3A_300 = vector.shape_cast %get3A_299 : vector<1x16xf32> to vector<16xf32>
          %add3A_301 = arith.addf %add3A_229, %get3A_300 : vector<16xf32>
          %mul3A_302 = arith.constant 20 : i32
          %mul3A_303 = arith.muli %scan3A_146, %mul3A_302 : i32
          %add3A_304 = arith.constant 2 : i32
          %add3A_305 = arith.addi %mul3A_303, %add3A_304 : i32
          %get3A_306 = arith.index_cast %add3A_305 : i32 to index
          %get3A_307 = arith.constant 64 : index
          %get3A_308 = tpu.vector_load %arg9[%get3A_306, %get3A_307] {strides = array<i32>} : memref<320x128xf32, #tpu.memory_space<vmem>>, vector<1x16xf32>,
          %get3A_309 = vector.shape_cast %get3A_308 : vector<1x16xf32> to vector<16xf32>
          %add3A_310 = arith.addf %add3A_238, %get3A_309 : vector<16xf32>
          %mul3A_311 = arith.constant 20 : i32
          %mul3A_312 = arith.muli %scan3A_146, %mul3A_311 : i32
          %add3A_313 = arith.constant 2 : i32
          %add3A_314 = arith.addi %mul3A_312, %add3A_313 : i32
          %get3A_315 = arith.index_cast %add3A_314 : i32 to index
          %get3A_316 = arith.constant 80 : index
          %get3A_317 = tpu.vector_load %arg9[%get3A_315, %get3A_316] {strides = array<i32>} : memref<320x128xf32, #tpu.memory_space<vmem>>, vector<1x16xf32>,
          %get3A_318 = vector.shape_cast %get3A_317 : vector<1x16xf32> to vector<16xf32>
          %add3A_319 = arith.addf %add3A_247, %get3A_318 : vector<16xf32>
          %mul3A_320 = arith.constant 20 : i32
          %mul3A_321 = arith.muli %scan3A_146, %mul3A_320 : i32
          %add3A_322 = arith.constant 2 : i32
          %add3A_323 = arith.addi %mul3A_321, %add3A_322 : i32
          %get3A_324 = arith.index_cast %add3A_323 : i32 to index
          %get3A_325 = arith.constant 96 : index
          %get3A_326 = tpu.vector_load %arg9[%get3A_324, %get3A_325] {strides = array<i32>} : memref<320x128xf32, #tpu.memory_space<vmem>>, vector<1x16xf32>,
          %get3A_327 = vector.shape_cast %get3A_326 : vector<1x16xf32> to vector<16xf32>
          %add3A_328 = arith.addf %add3A_256, %get3A_327 : vector<16xf32>
          %mul3A_329 = arith.constant 20 : i32
          %mul3A_330 = arith.muli %scan3A_146, %mul3A_329 : i32
          %add3A_331 = arith.constant 2 : i32
          %add3A_332 = arith.addi %mul3A_330, %add3A_331 : i32
          %get3A_333 = arith.index_cast %add3A_332 : i32 to index
          %get3A_334 = arith.constant 112 : index
          %get3A_335 = tpu.vector_load %arg9[%get3A_333, %get3A_334] {strides = array<i32>} : memref<320x128xf32, #tpu.memory_space<vmem>>, vector<1x16xf32>,
          %get3A_336 = vector.shape_cast %get3A_335 : vector<1x16xf32> to vector<16xf32>
          %add3A_337 = arith.addf %add3A_265, %get3A_336 : vector<16xf32>
          %mul3A_338 = arith.constant 20 : i32
          %mul3A_339 = arith.muli %scan3A_146, %mul3A_338 : i32
          %add3A_340 = arith.constant 3 : i32
          %add3A_341 = arith.addi %mul3A_339, %add3A_340 : i32
          %get3A_342 = arith.index_cast %add3A_341 : i32 to index
          %get3A_343 = arith.constant 0 : index
          %get3A_344 = tpu.vector_load %arg9[%get3A_342, %get3A_343] {strides = array<i32>} : memref<320x128xf32, #tpu.memory_space<vmem>>, vector<1x16xf32>,
          %get3A_345 = vector.shape_cast %get3A_344 : vector<1x16xf32> to vector<16xf32>
          %add3A_346 = arith.addf %add3A_274, %get3A_345 : vector<16xf32>
          %mul3A_347 = arith.constant 20 : i32
          %mul3A_348 = arith.muli %scan3A_146, %mul3A_347 : i32
          %add3A_349 = arith.constant 3 : i32
          %add3A_350 = arith.addi %mul3A_348, %add3A_349 : i32
          %get3A_351 = arith.index_cast %add3A_350 : i32 to index
          %get3A_352 = arith.constant 16 : index
          %get3A_353 = tpu.vector_load %arg9[%get3A_351, %get3A_352] {strides = array<i32>} : memref<320x128xf32, #tpu.memory_space<vmem>>, vector<1x16xf32>,
          %get3A_354 = vector.shape_cast %get3A_353 : vector<1x16xf32> to vector<16xf32>
          %add3A_355 = arith.addf %add3A_283, %get3A_354 : vector<16xf32>
          %mul3A_356 = arith.constant 20 : i32
          %mul3A_357 = arith.muli %scan3A_146, %mul3A_356 : i32
          %add3A_358 = arith.constant 3 : i32
          %add3A_359 = arith.addi %mul3A_357, %add3A_358 : i32
          %get3A_360 = arith.index_cast %add3A_359 : i32 to index
          %get3A_361 = arith.constant 32 : index
          %get3A_362 = tpu.vector_load %arg9[%get3A_360, %get3A_361] {strides = array<i32>} : memref<320x128xf32, #tpu.memory_space<vmem>>, vector<1x16xf32>,
          %get3A_363 = vector.shape_cast %get3A_362 : vector<1x16xf32> to vector<16xf32>
          %add3A_364 = arith.addf %add3A_292, %get3A_363 : vector<16xf32>
          %mul3A_365 = arith.constant 20 : i32
          %mul3A_366 = arith.muli %scan3A_146, %mul3A_365 : i32
          %add3A_367 = arith.constant 3 : i32
          %add3A_368 = arith.addi %mul3A_366, %add3A_367 : i32
          %get3A_369 = arith.index_cast %add3A_368 : i32 to index
          %get3A_370 = arith.constant 48 : index
          %get3A_371 = tpu.vector_load %arg9[%get3A_369, %get3A_370] {strides = array<i32>} : memref<320x128xf32, #tpu.memory_space<vmem>>, vector<1x16xf32>,
          %get3A_372 = vector.shape_cast %get3A_371 : vector<1x16xf32> to vector<16xf32>
          %add3A_373 = arith.addf %add3A_301, %get3A_372 : vector<16xf32>
          %mul3A_374 = arith.constant 20 : i32
          %mul3A_375 = arith.muli %scan3A_146, %mul3A_374 : i32
          %add3A_376 = arith.constant 3 : i32
          %add3A_377 = arith.addi %mul3A_375, %add3A_376 : i32
          %get3A_378 = arith.index_cast %add3A_377 : i32 to index
          %get3A_379 = arith.constant 64 : index
          %get3A_380 = tpu.vector_load %arg9[%get3A_378, %get3A_379] {strides = array<i32>} : memref<320x128xf32, #tpu.memory_space<vmem>>, vector<1x16xf32>,
          %get3A_381 = vector.shape_cast %get3A_380 : vector<1x16xf32> to vector<16xf32>
          %add3A_382 = arith.addf %add3A_310, %get3A_381 : vector<16xf32>
          %mul3A_383 = arith.constant 20 : i32
          %mul3A_384 = arith.muli %scan3A_146, %mul3A_383 : i32
          %add3A_385 = arith.constant 3 : i32
          %add3A_386 = arith.addi %mul3A_384, %add3A_385 : i32
          %get3A_387 = arith.index_cast %add3A_386 : i32 to index
          %get3A_388 = arith.constant 80 : index
          %get3A_389 = tpu.vector_load %arg9[%get3A_387, %get3A_388] {strides = array<i32>} : memref<320x128xf32, #tpu.memory_space<vmem>>, vector<1x16xf32>,
          %get3A_390 = vector.shape_cast %get3A_389 : vector<1x16xf32> to vector<16xf32>
          %add3A_391 = arith.addf %add3A_319, %get3A_390 : vector<16xf32>
          %mul3A_392 = arith.constant 20 : i32
          %mul3A_393 = arith.muli %scan3A_146, %mul3A_392 : i32
          %add3A_394 = arith.constant 3 : i32
          %add3A_395 = arith.addi %mul3A_393, %add3A_394 : i32
          %get3A_396 = arith.index_cast %add3A_395 : i32 to index
          %get3A_397 = arith.constant 96 : index
          %get3A_398 = tpu.vector_load %arg9[%get3A_396, %get3A_397] {strides = array<i32>} : memref<320x128xf32, #tpu.memory_space<vmem>>, vector<1x16xf32>,
          %get3A_399 = vector.shape_cast %get3A_398 : vector<1x16xf32> to vector<16xf32>
          %add3A_400 = arith.addf %add3A_328, %get3A_399 : vector<16xf32>
          %mul3A_401 = arith.constant 20 : i32
          %mul3A_402 = arith.muli %scan3A_146, %mul3A_401 : i32
          %add3A_403 = arith.constant 3 : i32
          %add3A_404 = arith.addi %mul3A_402, %add3A_403 : i32
          %get3A_405 = arith.index_cast %add3A_404 : i32 to index
          %get3A_406 = arith.constant 112 : index
          %get3A_407 = tpu.vector_load %arg9[%get3A_405, %get3A_406] {strides = array<i32>} : memref<320x128xf32, #tpu.memory_space<vmem>>, vector<1x16xf32>,
          %get3A_408 = vector.shape_cast %get3A_407 : vector<1x16xf32> to vector<16xf32>
          %add3A_409 = arith.addf %add3A_337, %get3A_408 : vector<16xf32>
          %mul3A_410 = arith.constant 20 : i32
          %mul3A_411 = arith.muli %scan3A_146, %mul3A_410 : i32
          %add3A_412 = arith.constant 4 : i32
          %add3A_413 = arith.addi %mul3A_411, %add3A_412 : i32
          %get3A_414 = arith.index_cast %add3A_413 : i32 to index
          %get3A_415 = arith.constant 0 : index
          %get3A_416 = tpu.vector_load %arg9[%get3A_414, %get3A_415] {strides = array<i32>} : memref<320x128xf32, #tpu.memory_space<vmem>>, vector<1x16xf32>,
          %get3A_417 = vector.shape_cast %get3A_416 : vector<1x16xf32> to vector<16xf32>
          %add3A_418 = arith.addf %add3A_346, %get3A_417 : vector<16xf32>
          %mul3A_419 = arith.constant 20 : i32
          %mul3A_420 = arith.muli %scan3A_146, %mul3A_419 : i32
          %add3A_421 = arith.constant 4 : i32
          %add3A_422 = arith.addi %mul3A_420, %add3A_421 : i32
          %get3A_423 = arith.index_cast %add3A_422 : i32 to index
          %get3A_424 = arith.constant 16 : index
          %get3A_425 = tpu.vector_load %arg9[%get3A_423, %get3A_424] {strides = array<i32>} : memref<320x128xf32, #tpu.memory_space<vmem>>, vector<1x16xf32>,
          %get3A_426 = vector.shape_cast %get3A_425 : vector<1x16xf32> to vector<16xf32>
          %add3A_427 = arith.addf %add3A_355, %get3A_426 : vector<16xf32>
          %mul3A_428 = arith.constant 20 : i32
          %mul3A_429 = arith.muli %scan3A_146, %mul3A_428 : i32
          %add3A_430 = arith.constant 4 : i32
          %add3A_431 = arith.addi %mul3A_429, %add3A_430 : i32
          %get3A_432 = arith.index_cast %add3A_431 : i32 to index
          %get3A_433 = arith.constant 32 : index
          %get3A_434 = tpu.vector_load %arg9[%get3A_432, %get3A_433] {strides = array<i32>} : memref<320x128xf32, #tpu.memory_space<vmem>>, vector<1x16xf32>,
          %get3A_435 = vector.shape_cast %get3A_434 : vector<1x16xf32> to vector<16xf32>
          %add3A_436 = arith.addf %add3A_364, %get3A_435 : vector<16xf32>
          %mul3A_437 = arith.constant 20 : i32
          %mul3A_438 = arith.muli %scan3A_146, %mul3A_437 : i32
          %add3A_439 = arith.constant 4 : i32
          %add3A_440 = arith.addi %mul3A_438, %add3A_439 : i32
          %get3A_441 = arith.index_cast %add3A_440 : i32 to index
          %get3A_442 = arith.constant 48 : index
          %get3A_443 = tpu.vector_load %arg9[%get3A_441, %get3A_442] {strides = array<i32>} : memref<320x128xf32, #tpu.memory_space<vmem>>, vector<1x16xf32>,
          %get3A_444 = vector.shape_cast %get3A_443 : vector<1x16xf32> to vector<16xf32>
          %add3A_445 = arith.addf %add3A_373, %get3A_444 : vector<16xf32>
          %mul3A_446 = arith.constant 20 : i32
          %mul3A_447 = arith.muli %scan3A_146, %mul3A_446 : i32
          %add3A_448 = arith.constant 4 : i32
          %add3A_449 = arith.addi %mul3A_447, %add3A_448 : i32
          %get3A_450 = arith.index_cast %add3A_449 : i32 to index
          %get3A_451 = arith.constant 64 : index
          %get3A_452 = tpu.vector_load %arg9[%get3A_450, %get3A_451] {strides = array<i32>} : memref<320x128xf32, #tpu.memory_space<vmem>>, vector<1x16xf32>,
          %get3A_453 = vector.shape_cast %get3A_452 : vector<1x16xf32> to vector<16xf32>
          %add3A_454 = arith.addf %add3A_382, %get3A_453 : vector<16xf32>
          %mul3A_455 = arith.constant 20 : i32
          %mul3A_456 = arith.muli %scan3A_146, %mul3A_455 : i32
          %add3A_457 = arith.constant 4 : i32
          %add3A_458 = arith.addi %mul3A_456, %add3A_457 : i32
          %get3A_459 = arith.index_cast %add3A_458 : i32 to index
          %get3A_460 = arith.constant 80 : index
          %get3A_461 = tpu.vector_load %arg9[%get3A_459, %get3A_460] {strides = array<i32>} : memref<320x128xf32, #tpu.memory_space<vmem>>, vector<1x16xf32>,
          %get3A_462 = vector.shape_cast %get3A_461 : vector<1x16xf32> to vector<16xf32>
          %add3A_463 = arith.addf %add3A_391, %get3A_462 : vector<16xf32>
          %mul3A_464 = arith.constant 20 : i32
          %mul3A_465 = arith.muli %scan3A_146, %mul3A_464 : i32
          %add3A_466 = arith.constant 4 : i32
          %add3A_467 = arith.addi %mul3A_465, %add3A_466 : i32
          %get3A_468 = arith.index_cast %add3A_467 : i32 to index
          %get3A_469 = arith.constant 96 : index
          %get3A_470 = tpu.vector_load %arg9[%get3A_468, %get3A_469] {strides = array<i32>} : memref<320x128xf32, #tpu.memory_space<vmem>>, vector<1x16xf32>,
          %get3A_471 = vector.shape_cast %get3A_470 : vector<1x16xf32> to vector<16xf32>
          %add3A_472 = arith.addf %add3A_400, %get3A_471 : vector<16xf32>
          %mul3A_473 = arith.constant 20 : i32
          %mul3A_474 = arith.muli %scan3A_146, %mul3A_473 : i32
          %add3A_475 = arith.constant 4 : i32
          %add3A_476 = arith.addi %mul3A_474, %add3A_475 : i32
          %get3A_477 = arith.index_cast %add3A_476 : i32 to index
          %get3A_478 = arith.constant 112 : index
          %get3A_479 = tpu.vector_load %arg9[%get3A_477, %get3A_478] {strides = array<i32>} : memref<320x128xf32, #tpu.memory_space<vmem>>, vector<1x16xf32>,
          %get3A_480 = vector.shape_cast %get3A_479 : vector<1x16xf32> to vector<16xf32>
          %add3A_481 = arith.addf %add3A_409, %get3A_480 : vector<16xf32>
          %mul3A_482 = arith.constant 20 : i32
          %mul3A_483 = arith.muli %scan3A_146, %mul3A_482 : i32
          %add3A_484 = arith.constant 5 : i32
          %add3A_485 = arith.addi %mul3A_483, %add3A_484 : i32
          %get3A_486 = arith.index_cast %add3A_485 : i32 to index
          %get3A_487 = arith.constant 0 : index
          %get3A_488 = tpu.vector_load %arg9[%get3A_486, %get3A_487] {strides = array<i32>} : memref<320x128xf32, #tpu.memory_space<vmem>>, vector<1x16xf32>,
          %get3A_489 = vector.shape_cast %get3A_488 : vector<1x16xf32> to vector<16xf32>
          %add3A_490 = arith.addf %add3A_418, %get3A_489 : vector<16xf32>
          %mul3A_491 = arith.constant 20 : i32
          %mul3A_492 = arith.muli %scan3A_146, %mul3A_491 : i32
          %add3A_493 = arith.constant 5 : i32
          %add3A_494 = arith.addi %mul3A_492, %add3A_493 : i32
          %get3A_495 = arith.index_cast %add3A_494 : i32 to index
          %get3A_496 = arith.constant 16 : index
          %get3A_497 = tpu.vector_load %arg9[%get3A_495, %get3A_496] {strides = array<i32>} : memref<320x128xf32, #tpu.memory_space<vmem>>, vector<1x16xf32>,
          %get3A_498 = vector.shape_cast %get3A_497 : vector<1x16xf32> to vector<16xf32>
          %add3A_499 = arith.addf %add3A_427, %get3A_498 : vector<16xf32>
          %mul3A_500 = arith.constant 20 : i32
          %mul3A_501 = arith.muli %scan3A_146, %mul3A_500 : i32
          %add3A_502 = arith.constant 5 : i32
          %add3A_503 = arith.addi %mul3A_501, %add3A_502 : i32
          %get3A_504 = arith.index_cast %add3A_503 : i32 to index
          %get3A_505 = arith.constant 32 : index
          %get3A_506 = tpu.vector_load %arg9[%get3A_504, %get3A_505] {strides = array<i32>} : memref<320x128xf32, #tpu.memory_space<vmem>>, vector<1x16xf32>,
          %get3A_507 = vector.shape_cast %get3A_506 : vector<1x16xf32> to vector<16xf32>
          %add3A_508 = arith.addf %add3A_436, %get3A_507 : vector<16xf32>
          %mul3A_509 = arith.constant 20 : i32
          %mul3A_510 = arith.muli %scan3A_146, %mul3A_509 : i32
          %add3A_511 = arith.constant 5 : i32
          %add3A_512 = arith.addi %mul3A_510, %add3A_511 : i32
          %get3A_513 = arith.index_cast %add3A_512 : i32 to index
          %get3A_514 = arith.constant 48 : index
          %get3A_515 = tpu.vector_load %arg9[%get3A_513, %get3A_514] {strides = array<i32>} : memref<320x128xf32, #tpu.memory_space<vmem>>, vector<1x16xf32>,
          %get3A_516 = vector.shape_cast %get3A_515 : vector<1x16xf32> to vector<16xf32>
          %add3A_517 = arith.addf %add3A_445, %get3A_516 : vector<16xf32>
          %mul3A_518 = arith.constant 20 : i32
          %mul3A_519 = arith.muli %scan3A_146, %mul3A_518 : i32
          %add3A_520 = arith.constant 5 : i32
          %add3A_521 = arith.addi %mul3A_519, %add3A_520 : i32
          %get3A_522 = arith.index_cast %add3A_521 : i32 to index
          %get3A_523 = arith.constant 64 : index
          %get3A_524 = tpu.vector_load %arg9[%get3A_522, %get3A_523] {strides = array<i32>} : memref<320x128xf32, #tpu.memory_space<vmem>>, vector<1x16xf32>,
          %get3A_525 = vector.shape_cast %get3A_524 : vector<1x16xf32> to vector<16xf32>
          %add3A_526 = arith.addf %add3A_454, %get3A_525 : vector<16xf32>
          %mul3A_527 = arith.constant 20 : i32
          %mul3A_528 = arith.muli %scan3A_146, %mul3A_527 : i32
          %add3A_529 = arith.constant 5 : i32
          %add3A_530 = arith.addi %mul3A_528, %add3A_529 : i32
          %get3A_531 = arith.index_cast %add3A_530 : i32 to index
          %get3A_532 = arith.constant 80 : index
          %get3A_533 = tpu.vector_load %arg9[%get3A_531, %get3A_532] {strides = array<i32>} : memref<320x128xf32, #tpu.memory_space<vmem>>, vector<1x16xf32>,
          %get3A_534 = vector.shape_cast %get3A_533 : vector<1x16xf32> to vector<16xf32>
          %add3A_535 = arith.addf %add3A_463, %get3A_534 : vector<16xf32>
          %mul3A_536 = arith.constant 20 : i32
          %mul3A_537 = arith.muli %scan3A_146, %mul3A_536 : i32
          %add3A_538 = arith.constant 5 : i32
          %add3A_539 = arith.addi %mul3A_537, %add3A_538 : i32
          %get3A_540 = arith.index_cast %add3A_539 : i32 to index
          %get3A_541 = arith.constant 96 : index
          %get3A_542 = tpu.vector_load %arg9[%get3A_540, %get3A_541] {strides = array<i32>} : memref<320x128xf32, #tpu.memory_space<vmem>>, vector<1x16xf32>,
          %get3A_543 = vector.shape_cast %get3A_542 : vector<1x16xf32> to vector<16xf32>
          %add3A_544 = arith.addf %add3A_472, %get3A_543 : vector<16xf32>
          %mul3A_545 = arith.constant 20 : i32
          %mul3A_546 = arith.muli %scan3A_146, %mul3A_545 : i32
          %add3A_547 = arith.constant 5 : i32
          %add3A_548 = arith.addi %mul3A_546, %add3A_547 : i32
          %get3A_549 = arith.index_cast %add3A_548 : i32 to index
          %get3A_550 = arith.constant 112 : index
          %get3A_551 = tpu.vector_load %arg9[%get3A_549, %get3A_550] {strides = array<i32>} : memref<320x128xf32, #tpu.memory_space<vmem>>, vector<1x16xf32>,
          %get3A_552 = vector.shape_cast %get3A_551 : vector<1x16xf32> to vector<16xf32>
          %add3A_553 = arith.addf %add3A_481, %get3A_552 : vector<16xf32>
          %mul3A_554 = arith.constant 20 : i32
          %mul3A_555 = arith.muli %scan3A_146, %mul3A_554 : i32
          %add3A_556 = arith.constant 6 : i32
          %add3A_557 = arith.addi %mul3A_555, %add3A_556 : i32
          %get3A_558 = arith.index_cast %add3A_557 : i32 to index
          %get3A_559 = arith.constant 0 : index
          %get3A_560 = tpu.vector_load %arg9[%get3A_558, %get3A_559] {strides = array<i32>} : memref<320x128xf32, #tpu.memory_space<vmem>>, vector<1x16xf32>,
          %get3A_561 = vector.shape_cast %get3A_560 : vector<1x16xf32> to vector<16xf32>
          %add3A_562 = arith.addf %add3A_490, %get3A_561 : vector<16xf32>
          %mul3A_563 = arith.constant 20 : i32
          %mul3A_564 = arith.muli %scan3A_146, %mul3A_563 : i32
          %add3A_565 = arith.constant 6 : i32
          %add3A_566 = arith.addi %mul3A_564, %add3A_565 : i32
          %get3A_567 = arith.index_cast %add3A_566 : i32 to index
          %get3A_568 = arith.constant 16 : index
          %get3A_569 = tpu.vector_load %arg9[%get3A_567, %get3A_568] {strides = array<i32>} : memref<320x128xf32, #tpu.memory_space<vmem>>, vector<1x16xf32>,
          %get3A_570 = vector.shape_cast %get3A_569 : vector<1x16xf32> to vector<16xf32>
          %add3A_571 = arith.addf %add3A_499, %get3A_570 : vector<16xf32>
          %mul3A_572 = arith.constant 20 : i32
          %mul3A_573 = arith.muli %scan3A_146, %mul3A_572 : i32
          %add3A_574 = arith.constant 6 : i32
          %add3A_575 = arith.addi %mul3A_573, %add3A_574 : i32
          %get3A_576 = arith.index_cast %add3A_575 : i32 to index
          %get3A_577 = arith.constant 32 : index
          %get3A_578 = tpu.vector_load %arg9[%get3A_576, %get3A_577] {strides = array<i32>} : memref<320x128xf32, #tpu.memory_space<vmem>>, vector<1x16xf32>,
          %get3A_579 = vector.shape_cast %get3A_578 : vector<1x16xf32> to vector<16xf32>
          %add3A_580 = arith.addf %add3A_508, %get3A_579 : vector<16xf32>
          %mul3A_581 = arith.constant 20 : i32
          %mul3A_582 = arith.muli %scan3A_146, %mul3A_581 : i32
          %add3A_583 = arith.constant 6 : i32
          %add3A_584 = arith.addi %mul3A_582, %add3A_583 : i32
          %get3A_585 = arith.index_cast %add3A_584 : i32 to index
          %get3A_586 = arith.constant 48 : index
          %get3A_587 = tpu.vector_load %arg9[%get3A_585, %get3A_586] {strides = array<i32>} : memref<320x128xf32, #tpu.memory_space<vmem>>, vector<1x16xf32>,
          %get3A_588 = vector.shape_cast %get3A_587 : vector<1x16xf32> to vector<16xf32>
          %add3A_589 = arith.addf %add3A_517, %get3A_588 : vector<16xf32>
          %mul3A_590 = arith.constant 20 : i32
          %mul3A_591 = arith.muli %scan3A_146, %mul3A_590 : i32
          %add3A_592 = arith.constant 6 : i32
          %add3A_593 = arith.addi %mul3A_591, %add3A_592 : i32
          %get3A_594 = arith.index_cast %add3A_593 : i32 to index
          %get3A_595 = arith.constant 64 : index
          %get3A_596 = tpu.vector_load %arg9[%get3A_594, %get3A_595] {strides = array<i32>} : memref<320x128xf32, #tpu.memory_space<vmem>>, vector<1x16xf32>,
          %get3A_597 = vector.shape_cast %get3A_596 : vector<1x16xf32> to vector<16xf32>
          %add3A_598 = arith.addf %add3A_526, %get3A_597 : vector<16xf32>
          %mul3A_599 = arith.constant 20 : i32
          %mul3A_600 = arith.muli %scan3A_146, %mul3A_599 : i32
          %add3A_601 = arith.constant 6 : i32
          %add3A_602 = arith.addi %mul3A_600, %add3A_601 : i32
          %get3A_603 = arith.index_cast %add3A_602 : i32 to index
          %get3A_604 = arith.constant 80 : index
          %get3A_605 = tpu.vector_load %arg9[%get3A_603, %get3A_604] {strides = array<i32>} : memref<320x128xf32, #tpu.memory_space<vmem>>, vector<1x16xf32>,
          %get3A_606 = vector.shape_cast %get3A_605 : vector<1x16xf32> to vector<16xf32>
          %add3A_607 = arith.addf %add3A_535, %get3A_606 : vector<16xf32>
          %mul3A_608 = arith.constant 20 : i32
          %mul3A_609 = arith.muli %scan3A_146, %mul3A_608 : i32
          %add3A_610 = arith.constant 6 : i32
          %add3A_611 = arith.addi %mul3A_609, %add3A_610 : i32
          %get3A_612 = arith.index_cast %add3A_611 : i32 to index
          %get3A_613 = arith.constant 96 : index
          %get3A_614 = tpu.vector_load %arg9[%get3A_612, %get3A_613] {strides = array<i32>} : memref<320x128xf32, #tpu.memory_space<vmem>>, vector<1x16xf32>,
          %get3A_615 = vector.shape_cast %get3A_614 : vector<1x16xf32> to vector<16xf32>
          %add3A_616 = arith.addf %add3A_544, %get3A_615 : vector<16xf32>
          %mul3A_617 = arith.constant 20 : i32
          %mul3A_618 = arith.muli %scan3A_146, %mul3A_617 : i32
          %add3A_619 = arith.constant 6 : i32
          %add3A_620 = arith.addi %mul3A_618, %add3A_619 : i32
          %get3A_621 = arith.index_cast %add3A_620 : i32 to index
          %get3A_622 = arith.constant 112 : index
          %get3A_623 = tpu.vector_load %arg9[%get3A_621, %get3A_622] {strides = array<i32>} : memref<320x128xf32, #tpu.memory_space<vmem>>, vector<1x16xf32>,
          %get3A_624 = vector.shape_cast %get3A_623 : vector<1x16xf32> to vector<16xf32>
          %add3A_625 = arith.addf %add3A_553, %get3A_624 : vector<16xf32>
          %mul3A_626 = arith.constant 20 : i32
          %mul3A_627 = arith.muli %scan3A_146, %mul3A_626 : i32
          %add3A_628 = arith.constant 7 : i32
          %add3A_629 = arith.addi %mul3A_627, %add3A_628 : i32
          %get3A_630 = arith.index_cast %add3A_629 : i32 to index
          %get3A_631 = arith.constant 0 : index
          %get3A_632 = tpu.vector_load %arg9[%get3A_630, %get3A_631] {strides = array<i32>} : memref<320x128xf32, #tpu.memory_space<vmem>>, vector<1x16xf32>,
          %get3A_633 = vector.shape_cast %get3A_632 : vector<1x16xf32> to vector<16xf32>
          %add3A_634 = arith.addf %add3A_562, %get3A_633 : vector<16xf32>
          %mul3A_635 = arith.constant 20 : i32
          %mul3A_636 = arith.muli %scan3A_146, %mul3A_635 : i32
          %add3A_637 = arith.constant 7 : i32
          %add3A_638 = arith.addi %mul3A_636, %add3A_637 : i32
          %get3A_639 = arith.index_cast %add3A_638 : i32 to index
          %get3A_640 = arith.constant 16 : index
          %get3A_641 = tpu.vector_load %arg9[%get3A_639, %get3A_640] {strides = array<i32>} : memref<320x128xf32, #tpu.memory_space<vmem>>, vector<1x16xf32>,
          %get3A_642 = vector.shape_cast %get3A_641 : vector<1x16xf32> to vector<16xf32>
          %add3A_643 = arith.addf %add3A_571, %get3A_642 : vector<16xf32>
          %mul3A_644 = arith.constant 20 : i32
          %mul3A_645 = arith.muli %scan3A_146, %mul3A_644 : i32
          %add3A_646 = arith.constant 7 : i32
          %add3A_647 = arith.addi %mul3A_645, %add3A_646 : i32
          %get3A_648 = arith.index_cast %add3A_647 : i32 to index
          %get3A_649 = arith.constant 32 : index
          %get3A_650 = tpu.vector_load %arg9[%get3A_648, %get3A_649] {strides = array<i32>} : memref<320x128xf32, #tpu.memory_space<vmem>>, vector<1x16xf32>,
          %get3A_651 = vector.shape_cast %get3A_650 : vector<1x16xf32> to vector<16xf32>
          %add3A_652 = arith.addf %add3A_580, %get3A_651 : vector<16xf32>
          %mul3A_653 = arith.constant 20 : i32
          %mul3A_654 = arith.muli %scan3A_146, %mul3A_653 : i32
          %add3A_655 = arith.constant 7 : i32
          %add3A_656 = arith.addi %mul3A_654, %add3A_655 : i32
          %get3A_657 = arith.index_cast %add3A_656 : i32 to index
          %get3A_658 = arith.constant 48 : index
          %get3A_659 = tpu.vector_load %arg9[%get3A_657, %get3A_658] {strides = array<i32>} : memref<320x128xf32, #tpu.memory_space<vmem>>, vector<1x16xf32>,
          %get3A_660 = vector.shape_cast %get3A_659 : vector<1x16xf32> to vector<16xf32>
          %add3A_661 = arith.addf %add3A_589, %get3A_660 : vector<16xf32>
          %mul3A_662 = arith.constant 20 : i32
          %mul3A_663 = arith.muli %scan3A_146, %mul3A_662 : i32
          %add3A_664 = arith.constant 7 : i32
          %add3A_665 = arith.addi %mul3A_663, %add3A_664 : i32
          %get3A_666 = arith.index_cast %add3A_665 : i32 to index
          %get3A_667 = arith.constant 64 : index
          %get3A_668 = tpu.vector_load %arg9[%get3A_666, %get3A_667] {strides = array<i32>} : memref<320x128xf32, #tpu.memory_space<vmem>>, vector<1x16xf32>,
          %get3A_669 = vector.shape_cast %get3A_668 : vector<1x16xf32> to vector<16xf32>
          %add3A_670 = arith.addf %add3A_598, %get3A_669 : vector<16xf32>
          %mul3A_671 = arith.constant 20 : i32
          %mul3A_672 = arith.muli %scan3A_146, %mul3A_671 : i32
          %add3A_673 = arith.constant 7 : i32
          %add3A_674 = arith.addi %mul3A_672, %add3A_673 : i32
          %get3A_675 = arith.index_cast %add3A_674 : i32 to index
          %get3A_676 = arith.constant 80 : index
          %get3A_677 = tpu.vector_load %arg9[%get3A_675, %get3A_676] {strides = array<i32>} : memref<320x128xf32, #tpu.memory_space<vmem>>, vector<1x16xf32>,
          %get3A_678 = vector.shape_cast %get3A_677 : vector<1x16xf32> to vector<16xf32>
          %add3A_679 = arith.addf %add3A_607, %get3A_678 : vector<16xf32>
          %mul3A_680 = arith.constant 20 : i32
          %mul3A_681 = arith.muli %scan3A_146, %mul3A_680 : i32
          %add3A_682 = arith.constant 7 : i32
          %add3A_683 = arith.addi %mul3A_681, %add3A_682 : i32
          %get3A_684 = arith.index_cast %add3A_683 : i32 to index
          %get3A_685 = arith.constant 96 : index
          %get3A_686 = tpu.vector_load %arg9[%get3A_684, %get3A_685] {strides = array<i32>} : memref<320x128xf32, #tpu.memory_space<vmem>>, vector<1x16xf32>,
          %get3A_687 = vector.shape_cast %get3A_686 : vector<1x16xf32> to vector<16xf32>
          %add3A_688 = arith.addf %add3A_616, %get3A_687 : vector<16xf32>
          %mul3A_689 = arith.constant 20 : i32
          %mul3A_690 = arith.muli %scan3A_146, %mul3A_689 : i32
          %add3A_691 = arith.constant 7 : i32
          %add3A_692 = arith.addi %mul3A_690, %add3A_691 : i32
          %get3A_693 = arith.index_cast %add3A_692 : i32 to index
          %get3A_694 = arith.constant 112 : index
          %get3A_695 = tpu.vector_load %arg9[%get3A_693, %get3A_694] {strides = array<i32>} : memref<320x128xf32, #tpu.memory_space<vmem>>, vector<1x16xf32>,
          %get3A_696 = vector.shape_cast %get3A_695 : vector<1x16xf32> to vector<16xf32>
          %add3A_697 = arith.addf %add3A_625, %get3A_696 : vector<16xf32>
          %mul3A_698 = arith.constant 20 : i32
          %mul3A_699 = arith.muli %scan3A_146, %mul3A_698 : i32
          %add3A_700 = arith.constant 8 : i32
          %add3A_701 = arith.addi %mul3A_699, %add3A_700 : i32
          %get3A_702 = arith.index_cast %add3A_701 : i32 to index
          %get3A_703 = arith.constant 0 : index
          %get3A_704 = tpu.vector_load %arg9[%get3A_702, %get3A_703] {strides = array<i32>} : memref<320x128xf32, #tpu.memory_space<vmem>>, vector<1x16xf32>,
          %get3A_705 = vector.shape_cast %get3A_704 : vector<1x16xf32> to vector<16xf32>
          %add3A_706 = arith.addf %add3A_634, %get3A_705 : vector<16xf32>
          %mul3A_707 = arith.constant 20 : i32
          %mul3A_708 = arith.muli %scan3A_146, %mul3A_707 : i32
          %add3A_709 = arith.constant 8 : i32
          %add3A_710 = arith.addi %mul3A_708, %add3A_709 : i32
          %get3A_711 = arith.index_cast %add3A_710 : i32 to index
          %get3A_712 = arith.constant 16 : index
          %get3A_713 = tpu.vector_load %arg9[%get3A_711, %get3A_712] {strides = array<i32>} : memref<320x128xf32, #tpu.memory_space<vmem>>, vector<1x16xf32>,
          %get3A_714 = vector.shape_cast %get3A_713 : vector<1x16xf32> to vector<16xf32>
          %add3A_715 = arith.addf %add3A_643, %get3A_714 : vector<16xf32>
          %mul3A_716 = arith.constant 20 : i32
          %mul3A_717 = arith.muli %scan3A_146, %mul3A_716 : i32
          %add3A_718 = arith.constant 8 : i32
          %add3A_719 = arith.addi %mul3A_717, %add3A_718 : i32
          %get3A_720 = arith.index_cast %add3A_719 : i32 to index
          %get3A_721 = arith.constant 32 : index
          %get3A_722 = tpu.vector_load %arg9[%get3A_720, %get3A_721] {strides = array<i32>} : memref<320x128xf32, #tpu.memory_space<vmem>>, vector<1x16xf32>,
          %get3A_723 = vector.shape_cast %get3A_722 : vector<1x16xf32> to vector<16xf32>
          %add3A_724 = arith.addf %add3A_652, %get3A_723 : vector<16xf32>
          %mul3A_725 = arith.constant 20 : i32
          %mul3A_726 = arith.muli %scan3A_146, %mul3A_725 : i32
          %add3A_727 = arith.constant 8 : i32
          %add3A_728 = arith.addi %mul3A_726, %add3A_727 : i32
          %get3A_729 = arith.index_cast %add3A_728 : i32 to index
          %get3A_730 = arith.constant 48 : index
          %get3A_731 = tpu.vector_load %arg9[%get3A_729, %get3A_730] {strides = array<i32>} : memref<320x128xf32, #tpu.memory_space<vmem>>, vector<1x16xf32>,
          %get3A_732 = vector.shape_cast %get3A_731 : vector<1x16xf32> to vector<16xf32>
          %add3A_733 = arith.addf %add3A_661, %get3A_732 : vector<16xf32>
          %mul3A_734 = arith.constant 20 : i32
          %mul3A_735 = arith.muli %scan3A_146, %mul3A_734 : i32
          %add3A_736 = arith.constant 8 : i32
          %add3A_737 = arith.addi %mul3A_735, %add3A_736 : i32
          %get3A_738 = arith.index_cast %add3A_737 : i32 to index
          %get3A_739 = arith.constant 64 : index
          %get3A_740 = tpu.vector_load %arg9[%get3A_738, %get3A_739] {strides = array<i32>} : memref<320x128xf32, #tpu.memory_space<vmem>>, vector<1x16xf32>,
          %get3A_741 = vector.shape_cast %get3A_740 : vector<1x16xf32> to vector<16xf32>
          %add3A_742 = arith.addf %add3A_670, %get3A_741 : vector<16xf32>
          %mul3A_743 = arith.constant 20 : i32
          %mul3A_744 = arith.muli %scan3A_146, %mul3A_743 : i32
          %add3A_745 = arith.constant 8 : i32
          %add3A_746 = arith.addi %mul3A_744, %add3A_745 : i32
          %get3A_747 = arith.index_cast %add3A_746 : i32 to index
          %get3A_748 = arith.constant 80 : index
          %get3A_749 = tpu.vector_load %arg9[%get3A_747, %get3A_748] {strides = array<i32>} : memref<320x128xf32, #tpu.memory_space<vmem>>, vector<1x16xf32>,
          %get3A_750 = vector.shape_cast %get3A_749 : vector<1x16xf32> to vector<16xf32>
          %add3A_751 = arith.addf %add3A_679, %get3A_750 : vector<16xf32>
          %mul3A_752 = arith.constant 20 : i32
          %mul3A_753 = arith.muli %scan3A_146, %mul3A_752 : i32
          %add3A_754 = arith.constant 8 : i32
          %add3A_755 = arith.addi %mul3A_753, %add3A_754 : i32
          %get3A_756 = arith.index_cast %add3A_755 : i32 to index
          %get3A_757 = arith.constant 96 : index
          %get3A_758 = tpu.vector_load %arg9[%get3A_756, %get3A_757] {strides = array<i32>} : memref<320x128xf32, #tpu.memory_space<vmem>>, vector<1x16xf32>,
          %get3A_759 = vector.shape_cast %get3A_758 : vector<1x16xf32> to vector<16xf32>
          %add3A_760 = arith.addf %add3A_688, %get3A_759 : vector<16xf32>
          %mul3A_761 = arith.constant 20 : i32
          %mul3A_762 = arith.muli %scan3A_146, %mul3A_761 : i32
          %add3A_763 = arith.constant 8 : i32
          %add3A_764 = arith.addi %mul3A_762, %add3A_763 : i32
          %get3A_765 = arith.index_cast %add3A_764 : i32 to index
          %get3A_766 = arith.constant 112 : index
          %get3A_767 = tpu.vector_load %arg9[%get3A_765, %get3A_766] {strides = array<i32>} : memref<320x128xf32, #tpu.memory_space<vmem>>, vector<1x16xf32>,
          %get3A_768 = vector.shape_cast %get3A_767 : vector<1x16xf32> to vector<16xf32>
          %add3A_769 = arith.addf %add3A_697, %get3A_768 : vector<16xf32>
          %mul3A_770 = arith.constant 20 : i32
          %mul3A_771 = arith.muli %scan3A_146, %mul3A_770 : i32
          %add3A_772 = arith.constant 9 : i32
          %add3A_773 = arith.addi %mul3A_771, %add3A_772 : i32
          %get3A_774 = arith.index_cast %add3A_773 : i32 to index
          %get3A_775 = arith.constant 0 : index
          %get3A_776 = tpu.vector_load %arg9[%get3A_774, %get3A_775] {strides = array<i32>} : memref<320x128xf32, #tpu.memory_space<vmem>>, vector<1x16xf32>,
          %get3A_777 = vector.shape_cast %get3A_776 : vector<1x16xf32> to vector<16xf32>
          %add3A_778 = arith.addf %add3A_706, %get3A_777 : vector<16xf32>
          %mul3A_779 = arith.constant 20 : i32
          %mul3A_780 = arith.muli %scan3A_146, %mul3A_779 : i32
          %add3A_781 = arith.constant 9 : i32
          %add3A_782 = arith.addi %mul3A_780, %add3A_781 : i32
          %get3A_783 = arith.index_cast %add3A_782 : i32 to index
          %get3A_784 = arith.constant 16 : index
          %get3A_785 = tpu.vector_load %arg9[%get3A_783, %get3A_784] {strides = array<i32>} : memref<320x128xf32, #tpu.memory_space<vmem>>, vector<1x16xf32>,
          %get3A_786 = vector.shape_cast %get3A_785 : vector<1x16xf32> to vector<16xf32>
          %add3A_787 = arith.addf %add3A_715, %get3A_786 : vector<16xf32>
          %mul3A_788 = arith.constant 20 : i32
          %mul3A_789 = arith.muli %scan3A_146, %mul3A_788 : i32
          %add3A_790 = arith.constant 9 : i32
          %add3A_791 = arith.addi %mul3A_789, %add3A_790 : i32
          %get3A_792 = arith.index_cast %add3A_791 : i32 to index
          %get3A_793 = arith.constant 32 : index
          %get3A_794 = tpu.vector_load %arg9[%get3A_792, %get3A_793] {strides = array<i32>} : memref<320x128xf32, #tpu.memory_space<vmem>>, vector<1x16xf32>,
          %get3A_795 = vector.shape_cast %get3A_794 : vector<1x16xf32> to vector<16xf32>
          %add3A_796 = arith.addf %add3A_724, %get3A_795 : vector<16xf32>
          %mul3A_797 = arith.constant 20 : i32
          %mul3A_798 = arith.muli %scan3A_146, %mul3A_797 : i32
          %add3A_799 = arith.constant 9 : i32
          %add3A_800 = arith.addi %mul3A_798, %add3A_799 : i32
          %get3A_801 = arith.index_cast %add3A_800 : i32 to index
          %get3A_802 = arith.constant 48 : index
          %get3A_803 = tpu.vector_load %arg9[%get3A_801, %get3A_802] {strides = array<i32>} : memref<320x128xf32, #tpu.memory_space<vmem>>, vector<1x16xf32>,
          %get3A_804 = vector.shape_cast %get3A_803 : vector<1x16xf32> to vector<16xf32>
          %add3A_805 = arith.addf %add3A_733, %get3A_804 : vector<16xf32>
          %mul3A_806 = arith.constant 20 : i32
          %mul3A_807 = arith.muli %scan3A_146, %mul3A_806 : i32
          %add3A_808 = arith.constant 9 : i32
          %add3A_809 = arith.addi %mul3A_807, %add3A_808 : i32
          %get3A_810 = arith.index_cast %add3A_809 : i32 to index
          %get3A_811 = arith.constant 64 : index
          %get3A_812 = tpu.vector_load %arg9[%get3A_810, %get3A_811] {strides = array<i32>} : memref<320x128xf32, #tpu.memory_space<vmem>>, vector<1x16xf32>,
          %get3A_813 = vector.shape_cast %get3A_812 : vector<1x16xf32> to vector<16xf32>
          %add3A_814 = arith.addf %add3A_742, %get3A_813 : vector<16xf32>
          %mul3A_815 = arith.constant 20 : i32
          %mul3A_816 = arith.muli %scan3A_146, %mul3A_815 : i32
          %add3A_817 = arith.constant 9 : i32
          %add3A_818 = arith.addi %mul3A_816, %add3A_817 : i32
          %get3A_819 = arith.index_cast %add3A_818 : i32 to index
          %get3A_820 = arith.constant 80 : index
          %get3A_821 = tpu.vector_load %arg9[%get3A_819, %get3A_820] {strides = array<i32>} : memref<320x128xf32, #tpu.memory_space<vmem>>, vector<1x16xf32>,
          %get3A_822 = vector.shape_cast %get3A_821 : vector<1x16xf32> to vector<16xf32>
          %add3A_823 = arith.addf %add3A_751, %get3A_822 : vector<16xf32>
          %mul3A_824 = arith.constant 20 : i32
          %mul3A_825 = arith.muli %scan3A_146, %mul3A_824 : i32
          %add3A_826 = arith.constant 9 : i32
          %add3A_827 = arith.addi %mul3A_825, %add3A_826 : i32
          %get3A_828 = arith.index_cast %add3A_827 : i32 to index
          %get3A_829 = arith.constant 96 : index
          %get3A_830 = tpu.vector_load %arg9[%get3A_828, %get3A_829] {strides = array<i32>} : memref<320x128xf32, #tpu.memory_space<vmem>>, vector<1x16xf32>,
          %get3A_831 = vector.shape_cast %get3A_830 : vector<1x16xf32> to vector<16xf32>
          %add3A_832 = arith.addf %add3A_760, %get3A_831 : vector<16xf32>
          %mul3A_833 = arith.constant 20 : i32
          %mul3A_834 = arith.muli %scan3A_146, %mul3A_833 : i32
          %add3A_835 = arith.constant 9 : i32
          %add3A_836 = arith.addi %mul3A_834, %add3A_835 : i32
          %get3A_837 = arith.index_cast %add3A_836 : i32 to index
          %get3A_838 = arith.constant 112 : index
          %get3A_839 = tpu.vector_load %arg9[%get3A_837, %get3A_838] {strides = array<i32>} : memref<320x128xf32, #tpu.memory_space<vmem>>, vector<1x16xf32>,
          %get3A_840 = vector.shape_cast %get3A_839 : vector<1x16xf32> to vector<16xf32>
          %add3A_841 = arith.addf %add3A_769, %get3A_840 : vector<16xf32>
          %mul3A_842 = arith.constant 20 : i32
          %mul3A_843 = arith.muli %scan3A_146, %mul3A_842 : i32
          %add3A_844 = arith.constant 10 : i32
          %add3A_845 = arith.addi %mul3A_843, %add3A_844 : i32
          %get3A_846 = arith.index_cast %add3A_845 : i32 to index
          %get3A_847 = arith.constant 0 : index
          %get3A_848 = tpu.vector_load %arg9[%get3A_846, %get3A_847] {strides = array<i32>} : memref<320x128xf32, #tpu.memory_space<vmem>>, vector<1x16xf32>,
          %get3A_849 = vector.shape_cast %get3A_848 : vector<1x16xf32> to vector<16xf32>
          %add3A_850 = arith.addf %add3A_778, %get3A_849 : vector<16xf32>
          %mul3A_851 = arith.constant 20 : i32
          %mul3A_852 = arith.muli %scan3A_146, %mul3A_851 : i32
          %add3A_853 = arith.constant 10 : i32
          %add3A_854 = arith.addi %mul3A_852, %add3A_853 : i32
          %get3A_855 = arith.index_cast %add3A_854 : i32 to index
          %get3A_856 = arith.constant 16 : index
          %get3A_857 = tpu.vector_load %arg9[%get3A_855, %get3A_856] {strides = array<i32>} : memref<320x128xf32, #tpu.memory_space<vmem>>, vector<1x16xf32>,
          %get3A_858 = vector.shape_cast %get3A_857 : vector<1x16xf32> to vector<16xf32>
          %add3A_859 = arith.addf %add3A_787, %get3A_858 : vector<16xf32>
          %mul3A_860 = arith.constant 20 : i32
          %mul3A_861 = arith.muli %scan3A_146, %mul3A_860 : i32
          %add3A_862 = arith.constant 10 : i32
          %add3A_863 = arith.addi %mul3A_861, %add3A_862 : i32
          %get3A_864 = arith.index_cast %add3A_863 : i32 to index
          %get3A_865 = arith.constant 32 : index
          %get3A_866 = tpu.vector_load %arg9[%get3A_864, %get3A_865] {strides = array<i32>} : memref<320x128xf32, #tpu.memory_space<vmem>>, vector<1x16xf32>,
          %get3A_867 = vector.shape_cast %get3A_866 : vector<1x16xf32> to vector<16xf32>
          %add3A_868 = arith.addf %add3A_796, %get3A_867 : vector<16xf32>
          %mul3A_869 = arith.constant 20 : i32
          %mul3A_870 = arith.muli %scan3A_146, %mul3A_869 : i32
          %add3A_871 = arith.constant 10 : i32
          %add3A_872 = arith.addi %mul3A_870, %add3A_871 : i32
          %get3A_873 = arith.index_cast %add3A_872 : i32 to index
          %get3A_874 = arith.constant 48 : index
          %get3A_875 = tpu.vector_load %arg9[%get3A_873, %get3A_874] {strides = array<i32>} : memref<320x128xf32, #tpu.memory_space<vmem>>, vector<1x16xf32>,
          %get3A_876 = vector.shape_cast %get3A_875 : vector<1x16xf32> to vector<16xf32>
          %add3A_877 = arith.addf %add3A_805, %get3A_876 : vector<16xf32>
          %mul3A_878 = arith.constant 20 : i32
          %mul3A_879 = arith.muli %scan3A_146, %mul3A_878 : i32
          %add3A_880 = arith.constant 10 : i32
          %add3A_881 = arith.addi %mul3A_879, %add3A_880 : i32
          %get3A_882 = arith.index_cast %add3A_881 : i32 to index
          %get3A_883 = arith.constant 64 : index
          %get3A_884 = tpu.vector_load %arg9[%get3A_882, %get3A_883] {strides = array<i32>} : memref<320x128xf32, #tpu.memory_space<vmem>>, vector<1x16xf32>,
          %get3A_885 = vector.shape_cast %get3A_884 : vector<1x16xf32> to vector<16xf32>
          %add3A_886 = arith.addf %add3A_814, %get3A_885 : vector<16xf32>
          %mul3A_887 = arith.constant 20 : i32
          %mul3A_888 = arith.muli %scan3A_146, %mul3A_887 : i32
          %add3A_889 = arith.constant 10 : i32
          %add3A_890 = arith.addi %mul3A_888, %add3A_889 : i32
          %get3A_891 = arith.index_cast %add3A_890 : i32 to index
          %get3A_892 = arith.constant 80 : index
          %get3A_893 = tpu.vector_load %arg9[%get3A_891, %get3A_892] {strides = array<i32>} : memref<320x128xf32, #tpu.memory_space<vmem>>, vector<1x16xf32>,
          %get3A_894 = vector.shape_cast %get3A_893 : vector<1x16xf32> to vector<16xf32>
          %add3A_895 = arith.addf %add3A_823, %get3A_894 : vector<16xf32>
          %mul3A_896 = arith.constant 20 : i32
          %mul3A_897 = arith.muli %scan3A_146, %mul3A_896 : i32
          %add3A_898 = arith.constant 10 : i32
          %add3A_899 = arith.addi %mul3A_897, %add3A_898 : i32
          %get3A_900 = arith.index_cast %add3A_899 : i32 to index
          %get3A_901 = arith.constant 96 : index
          %get3A_902 = tpu.vector_load %arg9[%get3A_900, %get3A_901] {strides = array<i32>} : memref<320x128xf32, #tpu.memory_space<vmem>>, vector<1x16xf32>,
          %get3A_903 = vector.shape_cast %get3A_902 : vector<1x16xf32> to vector<16xf32>
          %add3A_904 = arith.addf %add3A_832, %get3A_903 : vector<16xf32>
          %mul3A_905 = arith.constant 20 : i32
          %mul3A_906 = arith.muli %scan3A_146, %mul3A_905 : i32
          %add3A_907 = arith.constant 10 : i32
          %add3A_908 = arith.addi %mul3A_906, %add3A_907 : i32
          %get3A_909 = arith.index_cast %add3A_908 : i32 to index
          %get3A_910 = arith.constant 112 : index
          %get3A_911 = tpu.vector_load %arg9[%get3A_909, %get3A_910] {strides = array<i32>} : memref<320x128xf32, #tpu.memory_space<vmem>>, vector<1x16xf32>,
          %get3A_912 = vector.shape_cast %get3A_911 : vector<1x16xf32> to vector<16xf32>
          %add3A_913 = arith.addf %add3A_841, %get3A_912 : vector<16xf32>
          %mul3A_914 = arith.constant 20 : i32
          %mul3A_915 = arith.muli %scan3A_146, %mul3A_914 : i32
          %add3A_916 = arith.constant 11 : i32
          %add3A_917 = arith.addi %mul3A_915, %add3A_916 : i32
          %get3A_918 = arith.index_cast %add3A_917 : i32 to index
          %get3A_919 = arith.constant 0 : index
          %get3A_920 = tpu.vector_load %arg9[%get3A_918, %get3A_919] {strides = array<i32>} : memref<320x128xf32, #tpu.memory_space<vmem>>, vector<1x16xf32>,
          %get3A_921 = vector.shape_cast %get3A_920 : vector<1x16xf32> to vector<16xf32>
          %add3A_922 = arith.addf %add3A_850, %get3A_921 : vector<16xf32>
          %mul3A_923 = arith.constant 20 : i32
          %mul3A_924 = arith.muli %scan3A_146, %mul3A_923 : i32
          %add3A_925 = arith.constant 11 : i32
          %add3A_926 = arith.addi %mul3A_924, %add3A_925 : i32
          %get3A_927 = arith.index_cast %add3A_926 : i32 to index
          %get3A_928 = arith.constant 16 : index
          %get3A_929 = tpu.vector_load %arg9[%get3A_927, %get3A_928] {strides = array<i32>} : memref<320x128xf32, #tpu.memory_space<vmem>>, vector<1x16xf32>,
          %get3A_930 = vector.shape_cast %get3A_929 : vector<1x16xf32> to vector<16xf32>
          %add3A_931 = arith.addf %add3A_859, %get3A_930 : vector<16xf32>
          %mul3A_932 = arith.constant 20 : i32
          %mul3A_933 = arith.muli %scan3A_146, %mul3A_932 : i32
          %add3A_934 = arith.constant 11 : i32
          %add3A_935 = arith.addi %mul3A_933, %add3A_934 : i32
          %get3A_936 = arith.index_cast %add3A_935 : i32 to index
          %get3A_937 = arith.constant 32 : index
          %get3A_938 = tpu.vector_load %arg9[%get3A_936, %get3A_937] {strides = array<i32>} : memref<320x128xf32, #tpu.memory_space<vmem>>, vector<1x16xf32>,
          %get3A_939 = vector.shape_cast %get3A_938 : vector<1x16xf32> to vector<16xf32>
          %add3A_940 = arith.addf %add3A_868, %get3A_939 : vector<16xf32>
          %mul3A_941 = arith.constant 20 : i32
          %mul3A_942 = arith.muli %scan3A_146, %mul3A_941 : i32
          %add3A_943 = arith.constant 11 : i32
          %add3A_944 = arith.addi %mul3A_942, %add3A_943 : i32
          %get3A_945 = arith.index_cast %add3A_944 : i32 to index
          %get3A_946 = arith.constant 48 : index
          %get3A_947 = tpu.vector_load %arg9[%get3A_945, %get3A_946] {strides = array<i32>} : memref<320x128xf32, #tpu.memory_space<vmem>>, vector<1x16xf32>,
          %get3A_948 = vector.shape_cast %get3A_947 : vector<1x16xf32> to vector<16xf32>
          %add3A_949 = arith.addf %add3A_877, %get3A_948 : vector<16xf32>
          %mul3A_950 = arith.constant 20 : i32
          %mul3A_951 = arith.muli %scan3A_146, %mul3A_950 : i32
          %add3A_952 = arith.constant 11 : i32
          %add3A_953 = arith.addi %mul3A_951, %add3A_952 : i32
          %get3A_954 = arith.index_cast %add3A_953 : i32 to index
          %get3A_955 = arith.constant 64 : index
          %get3A_956 = tpu.vector_load %arg9[%get3A_954, %get3A_955] {strides = array<i32>} : memref<320x128xf32, #tpu.memory_space<vmem>>, vector<1x16xf32>,
          %get3A_957 = vector.shape_cast %get3A_956 : vector<1x16xf32> to vector<16xf32>
          %add3A_958 = arith.addf %add3A_886, %get3A_957 : vector<16xf32>
          %mul3A_959 = arith.constant 20 : i32
          %mul3A_960 = arith.muli %scan3A_146, %mul3A_959 : i32
          %add3A_961 = arith.constant 11 : i32
          %add3A_962 = arith.addi %mul3A_960, %add3A_961 : i32
          %get3A_963 = arith.index_cast %add3A_962 : i32 to index
          %get3A_964 = arith.constant 80 : index
          %get3A_965 = tpu.vector_load %arg9[%get3A_963, %get3A_964] {strides = array<i32>} : memref<320x128xf32, #tpu.memory_space<vmem>>, vector<1x16xf32>,
          %get3A_966 = vector.shape_cast %get3A_965 : vector<1x16xf32> to vector<16xf32>
          %add3A_967 = arith.addf %add3A_895, %get3A_966 : vector<16xf32>
          %mul3A_968 = arith.constant 20 : i32
          %mul3A_969 = arith.muli %scan3A_146, %mul3A_968 : i32
          %add3A_970 = arith.constant 11 : i32
          %add3A_971 = arith.addi %mul3A_969, %add3A_970 : i32
          %get3A_972 = arith.index_cast %add3A_971 : i32 to index
          %get3A_973 = arith.constant 96 : index
          %get3A_974 = tpu.vector_load %arg9[%get3A_972, %get3A_973] {strides = array<i32>} : memref<320x128xf32, #tpu.memory_space<vmem>>, vector<1x16xf32>,
          %get3A_975 = vector.shape_cast %get3A_974 : vector<1x16xf32> to vector<16xf32>
          %add3A_976 = arith.addf %add3A_904, %get3A_975 : vector<16xf32>
          %mul3A_977 = arith.constant 20 : i32
          %mul3A_978 = arith.muli %scan3A_146, %mul3A_977 : i32
          %add3A_979 = arith.constant 11 : i32
          %add3A_980 = arith.addi %mul3A_978, %add3A_979 : i32
          %get3A_981 = arith.index_cast %add3A_980 : i32 to index
          %get3A_982 = arith.constant 112 : index
          %get3A_983 = tpu.vector_load %arg9[%get3A_981, %get3A_982] {strides = array<i32>} : memref<320x128xf32, #tpu.memory_space<vmem>>, vector<1x16xf32>,
          %get3A_984 = vector.shape_cast %get3A_983 : vector<1x16xf32> to vector<16xf32>
          %add3A_985 = arith.addf %add3A_913, %get3A_984 : vector<16xf32>
          %mul3A_986 = arith.constant 20 : i32
          %mul3A_987 = arith.muli %scan3A_146, %mul3A_986 : i32
          %add3A_988 = arith.constant 12 : i32
          %add3A_989 = arith.addi %mul3A_987, %add3A_988 : i32
          %get3A_990 = arith.index_cast %add3A_989 : i32 to index
          %get3A_991 = arith.constant 0 : index
          %get3A_992 = tpu.vector_load %arg9[%get3A_990, %get3A_991] {strides = array<i32>} : memref<320x128xf32, #tpu.memory_space<vmem>>, vector<1x16xf32>,
          %get3A_993 = vector.shape_cast %get3A_992 : vector<1x16xf32> to vector<16xf32>
          %add3A_994 = arith.addf %add3A_922, %get3A_993 : vector<16xf32>
          %mul3A_995 = arith.constant 20 : i32
          %mul3A_996 = arith.muli %scan3A_146, %mul3A_995 : i32
          %add3A_997 = arith.constant 12 : i32
          %add3A_998 = arith.addi %mul3A_996, %add3A_997 : i32
          %get3A_999 = arith.index_cast %add3A_998 : i32 to index
          %get3A_1000 = arith.constant 16 : index
          %get3A_1001 = tpu.vector_load %arg9[%get3A_999, %get3A_1000] {strides = array<i32>} : memref<320x128xf32, #tpu.memory_space<vmem>>, vector<1x16xf32>,
          %get3A_1002 = vector.shape_cast %get3A_1001 : vector<1x16xf32> to vector<16xf32>
          %add3A_1003 = arith.addf %add3A_931, %get3A_1002 : vector<16xf32>
          %mul3A_1004 = arith.constant 20 : i32
          %mul3A_1005 = arith.muli %scan3A_146, %mul3A_1004 : i32
          %add3A_1006 = arith.constant 12 : i32
          %add3A_1007 = arith.addi %mul3A_1005, %add3A_1006 : i32
          %get3A_1008 = arith.index_cast %add3A_1007 : i32 to index
          %get3A_1009 = arith.constant 32 : index
          %get3A_1010 = tpu.vector_load %arg9[%get3A_1008, %get3A_1009] {strides = array<i32>} : memref<320x128xf32, #tpu.memory_space<vmem>>, vector<1x16xf32>,
          %get3A_1011 = vector.shape_cast %get3A_1010 : vector<1x16xf32> to vector<16xf32>
          %add3A_1012 = arith.addf %add3A_940, %get3A_1011 : vector<16xf32>
          %mul3A_1013 = arith.constant 20 : i32
          %mul3A_1014 = arith.muli %scan3A_146, %mul3A_1013 : i32
          %add3A_1015 = arith.constant 12 : i32
          %add3A_1016 = arith.addi %mul3A_1014, %add3A_1015 : i32
          %get3A_1017 = arith.index_cast %add3A_1016 : i32 to index
          %get3A_1018 = arith.constant 48 : index
          %get3A_1019 = tpu.vector_load %arg9[%get3A_1017, %get3A_1018] {strides = array<i32>} : memref<320x128xf32, #tpu.memory_space<vmem>>, vector<1x16xf32>,
          %get3A_1020 = vector.shape_cast %get3A_1019 : vector<1x16xf32> to vector<16xf32>
          %add3A_1021 = arith.addf %add3A_949, %get3A_1020 : vector<16xf32>
          %mul3A_1022 = arith.constant 20 : i32
          %mul3A_1023 = arith.muli %scan3A_146, %mul3A_1022 : i32
          %add3A_1024 = arith.constant 12 : i32
          %add3A_1025 = arith.addi %mul3A_1023, %add3A_1024 : i32
          %get3A_1026 = arith.index_cast %add3A_1025 : i32 to index
          %get3A_1027 = arith.constant 64 : index
          %get3A_1028 = tpu.vector_load %arg9[%get3A_1026, %get3A_1027] {strides = array<i32>} : memref<320x128xf32, #tpu.memory_space<vmem>>, vector<1x16xf32>,
          %get3A_1029 = vector.shape_cast %get3A_1028 : vector<1x16xf32> to vector<16xf32>
          %add3A_1030 = arith.addf %add3A_958, %get3A_1029 : vector<16xf32>
          %mul3A_1031 = arith.constant 20 : i32
          %mul3A_1032 = arith.muli %scan3A_146, %mul3A_1031 : i32
          %add3A_1033 = arith.constant 12 : i32
          %add3A_1034 = arith.addi %mul3A_1032, %add3A_1033 : i32
          %get3A_1035 = arith.index_cast %add3A_1034 : i32 to index
          %get3A_1036 = arith.constant 80 : index
          %get3A_1037 = tpu.vector_load %arg9[%get3A_1035, %get3A_1036] {strides = array<i32>} : memref<320x128xf32, #tpu.memory_space<vmem>>, vector<1x16xf32>,
          %get3A_1038 = vector.shape_cast %get3A_1037 : vector<1x16xf32> to vector<16xf32>
          %add3A_1039 = arith.addf %add3A_967, %get3A_1038 : vector<16xf32>
          %mul3A_1040 = arith.constant 20 : i32
          %mul3A_1041 = arith.muli %scan3A_146, %mul3A_1040 : i32
          %add3A_1042 = arith.constant 12 : i32
          %add3A_1043 = arith.addi %mul3A_1041, %add3A_1042 : i32
          %get3A_1044 = arith.index_cast %add3A_1043 : i32 to index
          %get3A_1045 = arith.constant 96 : index
          %get3A_1046 = tpu.vector_load %arg9[%get3A_1044, %get3A_1045] {strides = array<i32>} : memref<320x128xf32, #tpu.memory_space<vmem>>, vector<1x16xf32>,
          %get3A_1047 = vector.shape_cast %get3A_1046 : vector<1x16xf32> to vector<16xf32>
          %add3A_1048 = arith.addf %add3A_976, %get3A_1047 : vector<16xf32>
          %mul3A_1049 = arith.constant 20 : i32
          %mul3A_1050 = arith.muli %scan3A_146, %mul3A_1049 : i32
          %add3A_1051 = arith.constant 12 : i32
          %add3A_1052 = arith.addi %mul3A_1050, %add3A_1051 : i32
          %get3A_1053 = arith.index_cast %add3A_1052 : i32 to index
          %get3A_1054 = arith.constant 112 : index
          %get3A_1055 = tpu.vector_load %arg9[%get3A_1053, %get3A_1054] {strides = array<i32>} : memref<320x128xf32, #tpu.memory_space<vmem>>, vector<1x16xf32>,
          %get3A_1056 = vector.shape_cast %get3A_1055 : vector<1x16xf32> to vector<16xf32>
          %add3A_1057 = arith.addf %add3A_985, %get3A_1056 : vector<16xf32>
          %mul3A_1058 = arith.constant 20 : i32
          %mul3A_1059 = arith.muli %scan3A_146, %mul3A_1058 : i32
          %add3A_1060 = arith.constant 13 : i32
          %add3A_1061 = arith.addi %mul3A_1059, %add3A_1060 : i32
          %get3A_1062 = arith.index_cast %add3A_1061 : i32 to index
          %get3A_1063 = arith.constant 0 : index
          %get3A_1064 = tpu.vector_load %arg9[%get3A_1062, %get3A_1063] {strides = array<i32>} : memref<320x128xf32, #tpu.memory_space<vmem>>, vector<1x16xf32>,
          %get3A_1065 = vector.shape_cast %get3A_1064 : vector<1x16xf32> to vector<16xf32>
          %add3A_1066 = arith.addf %add3A_994, %get3A_1065 : vector<16xf32>
          %mul3A_1067 = arith.constant 20 : i32
          %mul3A_1068 = arith.muli %scan3A_146, %mul3A_1067 : i32
          %add3A_1069 = arith.constant 13 : i32
          %add3A_1070 = arith.addi %mul3A_1068, %add3A_1069 : i32
          %get3A_1071 = arith.index_cast %add3A_1070 : i32 to index
          %get3A_1072 = arith.constant 16 : index
          %get3A_1073 = tpu.vector_load %arg9[%get3A_1071, %get3A_1072] {strides = array<i32>} : memref<320x128xf32, #tpu.memory_space<vmem>>, vector<1x16xf32>,
          %get3A_1074 = vector.shape_cast %get3A_1073 : vector<1x16xf32> to vector<16xf32>
          %add3A_1075 = arith.addf %add3A_1003, %get3A_1074 : vector<16xf32>
          %mul3A_1076 = arith.constant 20 : i32
          %mul3A_1077 = arith.muli %scan3A_146, %mul3A_1076 : i32
          %add3A_1078 = arith.constant 13 : i32
          %add3A_1079 = arith.addi %mul3A_1077, %add3A_1078 : i32
          %get3A_1080 = arith.index_cast %add3A_1079 : i32 to index
          %get3A_1081 = arith.constant 32 : index
          %get3A_1082 = tpu.vector_load %arg9[%get3A_1080, %get3A_1081] {strides = array<i32>} : memref<320x128xf32, #tpu.memory_space<vmem>>, vector<1x16xf32>,
          %get3A_1083 = vector.shape_cast %get3A_1082 : vector<1x16xf32> to vector<16xf32>
          %add3A_1084 = arith.addf %add3A_1012, %get3A_1083 : vector<16xf32>
          %mul3A_1085 = arith.constant 20 : i32
          %mul3A_1086 = arith.muli %scan3A_146, %mul3A_1085 : i32
          %add3A_1087 = arith.constant 13 : i32
          %add3A_1088 = arith.addi %mul3A_1086, %add3A_1087 : i32
          %get3A_1089 = arith.index_cast %add3A_1088 : i32 to index
          %get3A_1090 = arith.constant 48 : index
          %get3A_1091 = tpu.vector_load %arg9[%get3A_1089, %get3A_1090] {strides = array<i32>} : memref<320x128xf32, #tpu.memory_space<vmem>>, vector<1x16xf32>,
          %get3A_1092 = vector.shape_cast %get3A_1091 : vector<1x16xf32> to vector<16xf32>
          %add3A_1093 = arith.addf %add3A_1021, %get3A_1092 : vector<16xf32>
          %mul3A_1094 = arith.constant 20 : i32
          %mul3A_1095 = arith.muli %scan3A_146, %mul3A_1094 : i32
          %add3A_1096 = arith.constant 13 : i32
          %add3A_1097 = arith.addi %mul3A_1095, %add3A_1096 : i32
          %get3A_1098 = arith.index_cast %add3A_1097 : i32 to index
          %get3A_1099 = arith.constant 64 : index
          %get3A_1100 = tpu.vector_load %arg9[%get3A_1098, %get3A_1099] {strides = array<i32>} : memref<320x128xf32, #tpu.memory_space<vmem>>, vector<1x16xf32>,
          %get3A_1101 = vector.shape_cast %get3A_1100 : vector<1x16xf32> to vector<16xf32>
          %add3A_1102 = arith.addf %add3A_1030, %get3A_1101 : vector<16xf32>
          %mul3A_1103 = arith.constant 20 : i32
          %mul3A_1104 = arith.muli %scan3A_146, %mul3A_1103 : i32
          %add3A_1105 = arith.constant 13 : i32
          %add3A_1106 = arith.addi %mul3A_1104, %add3A_1105 : i32
          %get3A_1107 = arith.index_cast %add3A_1106 : i32 to index
          %get3A_1108 = arith.constant 80 : index
          %get3A_1109 = tpu.vector_load %arg9[%get3A_1107, %get3A_1108] {strides = array<i32>} : memref<320x128xf32, #tpu.memory_space<vmem>>, vector<1x16xf32>,
          %get3A_1110 = vector.shape_cast %get3A_1109 : vector<1x16xf32> to vector<16xf32>
          %add3A_1111 = arith.addf %add3A_1039, %get3A_1110 : vector<16xf32>
          %mul3A_1112 = arith.constant 20 : i32
          %mul3A_1113 = arith.muli %scan3A_146, %mul3A_1112 : i32
          %add3A_1114 = arith.constant 13 : i32
          %add3A_1115 = arith.addi %mul3A_1113, %add3A_1114 : i32
          %get3A_1116 = arith.index_cast %add3A_1115 : i32 to index
          %get3A_1117 = arith.constant 96 : index
          %get3A_1118 = tpu.vector_load %arg9[%get3A_1116, %get3A_1117] {strides = array<i32>} : memref<320x128xf32, #tpu.memory_space<vmem>>, vector<1x16xf32>,
          %get3A_1119 = vector.shape_cast %get3A_1118 : vector<1x16xf32> to vector<16xf32>
          %add3A_1120 = arith.addf %add3A_1048, %get3A_1119 : vector<16xf32>
          %mul3A_1121 = arith.constant 20 : i32
          %mul3A_1122 = arith.muli %scan3A_146, %mul3A_1121 : i32
          %add3A_1123 = arith.constant 13 : i32
          %add3A_1124 = arith.addi %mul3A_1122, %add3A_1123 : i32
          %get3A_1125 = arith.index_cast %add3A_1124 : i32 to index
          %get3A_1126 = arith.constant 112 : index
          %get3A_1127 = tpu.vector_load %arg9[%get3A_1125, %get3A_1126] {strides = array<i32>} : memref<320x128xf32, #tpu.memory_space<vmem>>, vector<1x16xf32>,
          %get3A_1128 = vector.shape_cast %get3A_1127 : vector<1x16xf32> to vector<16xf32>
          %add3A_1129 = arith.addf %add3A_1057, %get3A_1128 : vector<16xf32>
          %mul3A_1130 = arith.constant 20 : i32
          %mul3A_1131 = arith.muli %scan3A_146, %mul3A_1130 : i32
          %add3A_1132 = arith.constant 14 : i32
          %add3A_1133 = arith.addi %mul3A_1131, %add3A_1132 : i32
          %get3A_1134 = arith.index_cast %add3A_1133 : i32 to index
          %get3A_1135 = arith.constant 0 : index
          %get3A_1136 = tpu.vector_load %arg9[%get3A_1134, %get3A_1135] {strides = array<i32>} : memref<320x128xf32, #tpu.memory_space<vmem>>, vector<1x16xf32>,
          %get3A_1137 = vector.shape_cast %get3A_1136 : vector<1x16xf32> to vector<16xf32>
          %add3A_1138 = arith.addf %add3A_1066, %get3A_1137 : vector<16xf32>
          %mul3A_1139 = arith.constant 20 : i32
          %mul3A_1140 = arith.muli %scan3A_146, %mul3A_1139 : i32
          %add3A_1141 = arith.constant 14 : i32
          %add3A_1142 = arith.addi %mul3A_1140, %add3A_1141 : i32
          %get3A_1143 = arith.index_cast %add3A_1142 : i32 to index
          %get3A_1144 = arith.constant 16 : index
          %get3A_1145 = tpu.vector_load %arg9[%get3A_1143, %get3A_1144] {strides = array<i32>} : memref<320x128xf32, #tpu.memory_space<vmem>>, vector<1x16xf32>,
          %get3A_1146 = vector.shape_cast %get3A_1145 : vector<1x16xf32> to vector<16xf32>
          %add3A_1147 = arith.addf %add3A_1075, %get3A_1146 : vector<16xf32>
          %mul3A_1148 = arith.constant 20 : i32
          %mul3A_1149 = arith.muli %scan3A_146, %mul3A_1148 : i32
          %add3A_1150 = arith.constant 14 : i32
          %add3A_1151 = arith.addi %mul3A_1149, %add3A_1150 : i32
          %get3A_1152 = arith.index_cast %add3A_1151 : i32 to index
          %get3A_1153 = arith.constant 32 : index
          %get3A_1154 = tpu.vector_load %arg9[%get3A_1152, %get3A_1153] {strides = array<i32>} : memref<320x128xf32, #tpu.memory_space<vmem>>, vector<1x16xf32>,
          %get3A_1155 = vector.shape_cast %get3A_1154 : vector<1x16xf32> to vector<16xf32>
          %add3A_1156 = arith.addf %add3A_1084, %get3A_1155 : vector<16xf32>
          %mul3A_1157 = arith.constant 20 : i32
          %mul3A_1158 = arith.muli %scan3A_146, %mul3A_1157 : i32
          %add3A_1159 = arith.constant 14 : i32
          %add3A_1160 = arith.addi %mul3A_1158, %add3A_1159 : i32
          %get3A_1161 = arith.index_cast %add3A_1160 : i32 to index
          %get3A_1162 = arith.constant 48 : index
          %get3A_1163 = tpu.vector_load %arg9[%get3A_1161, %get3A_1162] {strides = array<i32>} : memref<320x128xf32, #tpu.memory_space<vmem>>, vector<1x16xf32>,
          %get3A_1164 = vector.shape_cast %get3A_1163 : vector<1x16xf32> to vector<16xf32>
          %add3A_1165 = arith.addf %add3A_1093, %get3A_1164 : vector<16xf32>
          %mul3A_1166 = arith.constant 20 : i32
          %mul3A_1167 = arith.muli %scan3A_146, %mul3A_1166 : i32
          %add3A_1168 = arith.constant 14 : i32
          %add3A_1169 = arith.addi %mul3A_1167, %add3A_1168 : i32
          %get3A_1170 = arith.index_cast %add3A_1169 : i32 to index
          %get3A_1171 = arith.constant 64 : index
          %get3A_1172 = tpu.vector_load %arg9[%get3A_1170, %get3A_1171] {strides = array<i32>} : memref<320x128xf32, #tpu.memory_space<vmem>>, vector<1x16xf32>,
          %get3A_1173 = vector.shape_cast %get3A_1172 : vector<1x16xf32> to vector<16xf32>
          %add3A_1174 = arith.addf %add3A_1102, %get3A_1173 : vector<16xf32>
          %mul3A_1175 = arith.constant 20 : i32
          %mul3A_1176 = arith.muli %scan3A_146, %mul3A_1175 : i32
          %add3A_1177 = arith.constant 14 : i32
          %add3A_1178 = arith.addi %mul3A_1176, %add3A_1177 : i32
          %get3A_1179 = arith.index_cast %add3A_1178 : i32 to index
          %get3A_1180 = arith.constant 80 : index
          %get3A_1181 = tpu.vector_load %arg9[%get3A_1179, %get3A_1180] {strides = array<i32>} : memref<320x128xf32, #tpu.memory_space<vmem>>, vector<1x16xf32>,
          %get3A_1182 = vector.shape_cast %get3A_1181 : vector<1x16xf32> to vector<16xf32>
          %add3A_1183 = arith.addf %add3A_1111, %get3A_1182 : vector<16xf32>
          %mul3A_1184 = arith.constant 20 : i32
          %mul3A_1185 = arith.muli %scan3A_146, %mul3A_1184 : i32
          %add3A_1186 = arith.constant 14 : i32
          %add3A_1187 = arith.addi %mul3A_1185, %add3A_1186 : i32
          %get3A_1188 = arith.index_cast %add3A_1187 : i32 to index
          %get3A_1189 = arith.constant 96 : index
          %get3A_1190 = tpu.vector_load %arg9[%get3A_1188, %get3A_1189] {strides = array<i32>} : memref<320x128xf32, #tpu.memory_space<vmem>>, vector<1x16xf32>,
          %get3A_1191 = vector.shape_cast %get3A_1190 : vector<1x16xf32> to vector<16xf32>
          %add3A_1192 = arith.addf %add3A_1120, %get3A_1191 : vector<16xf32>
          %mul3A_1193 = arith.constant 20 : i32
          %mul3A_1194 = arith.muli %scan3A_146, %mul3A_1193 : i32
          %add3A_1195 = arith.constant 14 : i32
          %add3A_1196 = arith.addi %mul3A_1194, %add3A_1195 : i32
          %get3A_1197 = arith.index_cast %add3A_1196 : i32 to index
          %get3A_1198 = arith.constant 112 : index
          %get3A_1199 = tpu.vector_load %arg9[%get3A_1197, %get3A_1198] {strides = array<i32>} : memref<320x128xf32, #tpu.memory_space<vmem>>, vector<1x16xf32>,
          %get3A_1200 = vector.shape_cast %get3A_1199 : vector<1x16xf32> to vector<16xf32>
          %add3A_1201 = arith.addf %add3A_1129, %get3A_1200 : vector<16xf32>
          %mul3A_1202 = arith.constant 20 : i32
          %mul3A_1203 = arith.muli %scan3A_146, %mul3A_1202 : i32
          %add3A_1204 = arith.constant 15 : i32
          %add3A_1205 = arith.addi %mul3A_1203, %add3A_1204 : i32
          %get3A_1206 = arith.index_cast %add3A_1205 : i32 to index
          %get3A_1207 = arith.constant 0 : index
          %get3A_1208 = tpu.vector_load %arg9[%get3A_1206, %get3A_1207] {strides = array<i32>} : memref<320x128xf32, #tpu.memory_space<vmem>>, vector<1x16xf32>,
          %get3A_1209 = vector.shape_cast %get3A_1208 : vector<1x16xf32> to vector<16xf32>
          %add3A_1210 = arith.addf %add3A_1138, %get3A_1209 : vector<16xf32>
          %mul3A_1211 = arith.constant 20 : i32
          %mul3A_1212 = arith.muli %scan3A_146, %mul3A_1211 : i32
          %add3A_1213 = arith.constant 15 : i32
          %add3A_1214 = arith.addi %mul3A_1212, %add3A_1213 : i32
          %get3A_1215 = arith.index_cast %add3A_1214 : i32 to index
          %get3A_1216 = arith.constant 16 : index
          %get3A_1217 = tpu.vector_load %arg9[%get3A_1215, %get3A_1216] {strides = array<i32>} : memref<320x128xf32, #tpu.memory_space<vmem>>, vector<1x16xf32>,
          %get3A_1218 = vector.shape_cast %get3A_1217 : vector<1x16xf32> to vector<16xf32>
          %add3A_1219 = arith.addf %add3A_1147, %get3A_1218 : vector<16xf32>
          %mul3A_1220 = arith.constant 20 : i32
          %mul3A_1221 = arith.muli %scan3A_146, %mul3A_1220 : i32
          %add3A_1222 = arith.constant 15 : i32
          %add3A_1223 = arith.addi %mul3A_1221, %add3A_1222 : i32
          %get3A_1224 = arith.index_cast %add3A_1223 : i32 to index
          %get3A_1225 = arith.constant 32 : index
          %get3A_1226 = tpu.vector_load %arg9[%get3A_1224, %get3A_1225] {strides = array<i32>} : memref<320x128xf32, #tpu.memory_space<vmem>>, vector<1x16xf32>,
          %get3A_1227 = vector.shape_cast %get3A_1226 : vector<1x16xf32> to vector<16xf32>
          %add3A_1228 = arith.addf %add3A_1156, %get3A_1227 : vector<16xf32>
          %mul3A_1229 = arith.constant 20 : i32
          %mul3A_1230 = arith.muli %scan3A_146, %mul3A_1229 : i32
          %add3A_1231 = arith.constant 15 : i32
          %add3A_1232 = arith.addi %mul3A_1230, %add3A_1231 : i32
          %get3A_1233 = arith.index_cast %add3A_1232 : i32 to index
          %get3A_1234 = arith.constant 48 : index
          %get3A_1235 = tpu.vector_load %arg9[%get3A_1233, %get3A_1234] {strides = array<i32>} : memref<320x128xf32, #tpu.memory_space<vmem>>, vector<1x16xf32>,
          %get3A_1236 = vector.shape_cast %get3A_1235 : vector<1x16xf32> to vector<16xf32>
          %add3A_1237 = arith.addf %add3A_1165, %get3A_1236 : vector<16xf32>
          %mul3A_1238 = arith.constant 20 : i32
          %mul3A_1239 = arith.muli %scan3A_146, %mul3A_1238 : i32
          %add3A_1240 = arith.constant 15 : i32
          %add3A_1241 = arith.addi %mul3A_1239, %add3A_1240 : i32
          %get3A_1242 = arith.index_cast %add3A_1241 : i32 to index
          %get3A_1243 = arith.constant 64 : index
          %get3A_1244 = tpu.vector_load %arg9[%get3A_1242, %get3A_1243] {strides = array<i32>} : memref<320x128xf32, #tpu.memory_space<vmem>>, vector<1x16xf32>,
          %get3A_1245 = vector.shape_cast %get3A_1244 : vector<1x16xf32> to vector<16xf32>
          %add3A_1246 = arith.addf %add3A_1174, %get3A_1245 : vector<16xf32>
          %mul3A_1247 = arith.constant 20 : i32
          %mul3A_1248 = arith.muli %scan3A_146, %mul3A_1247 : i32
          %add3A_1249 = arith.constant 15 : i32
          %add3A_1250 = arith.addi %mul3A_1248, %add3A_1249 : i32
          %get3A_1251 = arith.index_cast %add3A_1250 : i32 to index
          %get3A_1252 = arith.constant 80 : index
          %get3A_1253 = tpu.vector_load %arg9[%get3A_1251, %get3A_1252] {strides = array<i32>} : memref<320x128xf32, #tpu.memory_space<vmem>>, vector<1x16xf32>,
          %get3A_1254 = vector.shape_cast %get3A_1253 : vector<1x16xf32> to vector<16xf32>
          %add3A_1255 = arith.addf %add3A_1183, %get3A_1254 : vector<16xf32>
          %mul3A_1256 = arith.constant 20 : i32
          %mul3A_1257 = arith.muli %scan3A_146, %mul3A_1256 : i32
          %add3A_1258 = arith.constant 15 : i32
          %add3A_1259 = arith.addi %mul3A_1257, %add3A_1258 : i32
          %get3A_1260 = arith.index_cast %add3A_1259 : i32 to index
          %get3A_1261 = arith.constant 96 : index
          %get3A_1262 = tpu.vector_load %arg9[%get3A_1260, %get3A_1261] {strides = array<i32>} : memref<320x128xf32, #tpu.memory_space<vmem>>, vector<1x16xf32>,
          %get3A_1263 = vector.shape_cast %get3A_1262 : vector<1x16xf32> to vector<16xf32>
          %add3A_1264 = arith.addf %add3A_1192, %get3A_1263 : vector<16xf32>
          %mul3A_1265 = arith.constant 20 : i32
          %mul3A_1266 = arith.muli %scan3A_146, %mul3A_1265 : i32
          %add3A_1267 = arith.constant 15 : i32
          %add3A_1268 = arith.addi %mul3A_1266, %add3A_1267 : i32
          %get3A_1269 = arith.index_cast %add3A_1268 : i32 to index
          %get3A_1270 = arith.constant 112 : index
          %get3A_1271 = tpu.vector_load %arg9[%get3A_1269, %get3A_1270] {strides = array<i32>} : memref<320x128xf32, #tpu.memory_space<vmem>>, vector<1x16xf32>,
          %get3A_1272 = vector.shape_cast %get3A_1271 : vector<1x16xf32> to vector<16xf32>
          %add3A_1273 = arith.addf %add3A_1201, %get3A_1272 : vector<16xf32>
          %mul3A_1274 = arith.constant 20 : i32
          %mul3A_1275 = arith.muli %scan3A_146, %mul3A_1274 : i32
          %add3A_1276 = arith.constant 16 : i32
          %add3A_1277 = arith.addi %mul3A_1275, %add3A_1276 : i32
          %get3A_1278 = arith.index_cast %add3A_1277 : i32 to index
          %get3A_1279 = arith.constant 0 : index
          %get3A_1280 = tpu.vector_load %arg9[%get3A_1278, %get3A_1279] {strides = array<i32>} : memref<320x128xf32, #tpu.memory_space<vmem>>, vector<1x16xf32>,
          %get3A_1281 = vector.shape_cast %get3A_1280 : vector<1x16xf32> to vector<16xf32>
          %add3A_1282 = arith.addf %add3A_1210, %get3A_1281 : vector<16xf32>
          %mul3A_1283 = arith.constant 20 : i32
          %mul3A_1284 = arith.muli %scan3A_146, %mul3A_1283 : i32
          %add3A_1285 = arith.constant 16 : i32
          %add3A_1286 = arith.addi %mul3A_1284, %add3A_1285 : i32
          %get3A_1287 = arith.index_cast %add3A_1286 : i32 to index
          %get3A_1288 = arith.constant 16 : index
          %get3A_1289 = tpu.vector_load %arg9[%get3A_1287, %get3A_1288] {strides = array<i32>} : memref<320x128xf32, #tpu.memory_space<vmem>>, vector<1x16xf32>,
          %get3A_1290 = vector.shape_cast %get3A_1289 : vector<1x16xf32> to vector<16xf32>
          %add3A_1291 = arith.addf %add3A_1219, %get3A_1290 : vector<16xf32>
          %mul3A_1292 = arith.constant 20 : i32
          %mul3A_1293 = arith.muli %scan3A_146, %mul3A_1292 : i32
          %add3A_1294 = arith.constant 16 : i32
          %add3A_1295 = arith.addi %mul3A_1293, %add3A_1294 : i32
          %get3A_1296 = arith.index_cast %add3A_1295 : i32 to index
          %get3A_1297 = arith.constant 32 : index
          %get3A_1298 = tpu.vector_load %arg9[%get3A_1296, %get3A_1297] {strides = array<i32>} : memref<320x128xf32, #tpu.memory_space<vmem>>, vector<1x16xf32>,
          %get3A_1299 = vector.shape_cast %get3A_1298 : vector<1x16xf32> to vector<16xf32>
          %add3A_1300 = arith.addf %add3A_1228, %get3A_1299 : vector<16xf32>
          %mul3A_1301 = arith.constant 20 : i32
          %mul3A_1302 = arith.muli %scan3A_146, %mul3A_1301 : i32
          %add3A_1303 = arith.constant 16 : i32
          %add3A_1304 = arith.addi %mul3A_1302, %add3A_1303 : i32
          %get3A_1305 = arith.index_cast %add3A_1304 : i32 to index
          %get3A_1306 = arith.constant 48 : index
          %get3A_1307 = tpu.vector_load %arg9[%get3A_1305, %get3A_1306] {strides = array<i32>} : memref<320x128xf32, #tpu.memory_space<vmem>>, vector<1x16xf32>,
          %get3A_1308 = vector.shape_cast %get3A_1307 : vector<1x16xf32> to vector<16xf32>
          %add3A_1309 = arith.addf %add3A_1237, %get3A_1308 : vector<16xf32>
          %mul3A_1310 = arith.constant 20 : i32
          %mul3A_1311 = arith.muli %scan3A_146, %mul3A_1310 : i32
          %add3A_1312 = arith.constant 16 : i32
          %add3A_1313 = arith.addi %mul3A_1311, %add3A_1312 : i32
          %get3A_1314 = arith.index_cast %add3A_1313 : i32 to index
          %get3A_1315 = arith.constant 64 : index
          %get3A_1316 = tpu.vector_load %arg9[%get3A_1314, %get3A_1315] {strides = array<i32>} : memref<320x128xf32, #tpu.memory_space<vmem>>, vector<1x16xf32>,
          %get3A_1317 = vector.shape_cast %get3A_1316 : vector<1x16xf32> to vector<16xf32>
          %add3A_1318 = arith.addf %add3A_1246, %get3A_1317 : vector<16xf32>
          %mul3A_1319 = arith.constant 20 : i32
          %mul3A_1320 = arith.muli %scan3A_146, %mul3A_1319 : i32
          %add3A_1321 = arith.constant 16 : i32
          %add3A_1322 = arith.addi %mul3A_1320, %add3A_1321 : i32
          %get3A_1323 = arith.index_cast %add3A_1322 : i32 to index
          %get3A_1324 = arith.constant 80 : index
          %get3A_1325 = tpu.vector_load %arg9[%get3A_1323, %get3A_1324] {strides = array<i32>} : memref<320x128xf32, #tpu.memory_space<vmem>>, vector<1x16xf32>,
          %get3A_1326 = vector.shape_cast %get3A_1325 : vector<1x16xf32> to vector<16xf32>
          %add3A_1327 = arith.addf %add3A_1255, %get3A_1326 : vector<16xf32>
          %mul3A_1328 = arith.constant 20 : i32
          %mul3A_1329 = arith.muli %scan3A_146, %mul3A_1328 : i32
          %add3A_1330 = arith.constant 16 : i32
          %add3A_1331 = arith.addi %mul3A_1329, %add3A_1330 : i32
          %get3A_1332 = arith.index_cast %add3A_1331 : i32 to index
          %get3A_1333 = arith.constant 96 : index
          %get3A_1334 = tpu.vector_load %arg9[%get3A_1332, %get3A_1333] {strides = array<i32>} : memref<320x128xf32, #tpu.memory_space<vmem>>, vector<1x16xf32>,
          %get3A_1335 = vector.shape_cast %get3A_1334 : vector<1x16xf32> to vector<16xf32>
          %add3A_1336 = arith.addf %add3A_1264, %get3A_1335 : vector<16xf32>
          %mul3A_1337 = arith.constant 20 : i32
          %mul3A_1338 = arith.muli %scan3A_146, %mul3A_1337 : i32
          %add3A_1339 = arith.constant 16 : i32
          %add3A_1340 = arith.addi %mul3A_1338, %add3A_1339 : i32
          %get3A_1341 = arith.index_cast %add3A_1340 : i32 to index
          %get3A_1342 = arith.constant 112 : index
          %get3A_1343 = tpu.vector_load %arg9[%get3A_1341, %get3A_1342] {strides = array<i32>} : memref<320x128xf32, #tpu.memory_space<vmem>>, vector<1x16xf32>,
          %get3A_1344 = vector.shape_cast %get3A_1343 : vector<1x16xf32> to vector<16xf32>
          %add3A_1345 = arith.addf %add3A_1273, %get3A_1344 : vector<16xf32>
          %mul3A_1346 = arith.constant 20 : i32
          %mul3A_1347 = arith.muli %scan3A_146, %mul3A_1346 : i32
          %add3A_1348 = arith.constant 17 : i32
          %add3A_1349 = arith.addi %mul3A_1347, %add3A_1348 : i32
          %get3A_1350 = arith.index_cast %add3A_1349 : i32 to index
          %get3A_1351 = arith.constant 0 : index
          %get3A_1352 = tpu.vector_load %arg9[%get3A_1350, %get3A_1351] {strides = array<i32>} : memref<320x128xf32, #tpu.memory_space<vmem>>, vector<1x16xf32>,
          %get3A_1353 = vector.shape_cast %get3A_1352 : vector<1x16xf32> to vector<16xf32>
          %add3A_1354 = arith.addf %add3A_1282, %get3A_1353 : vector<16xf32>
          %mul3A_1355 = arith.constant 20 : i32
          %mul3A_1356 = arith.muli %scan3A_146, %mul3A_1355 : i32
          %add3A_1357 = arith.constant 17 : i32
          %add3A_1358 = arith.addi %mul3A_1356, %add3A_1357 : i32
          %get3A_1359 = arith.index_cast %add3A_1358 : i32 to index
          %get3A_1360 = arith.constant 16 : index
          %get3A_1361 = tpu.vector_load %arg9[%get3A_1359, %get3A_1360] {strides = array<i32>} : memref<320x128xf32, #tpu.memory_space<vmem>>, vector<1x16xf32>,
          %get3A_1362 = vector.shape_cast %get3A_1361 : vector<1x16xf32> to vector<16xf32>
          %add3A_1363 = arith.addf %add3A_1291, %get3A_1362 : vector<16xf32>
          %mul3A_1364 = arith.constant 20 : i32
          %mul3A_1365 = arith.muli %scan3A_146, %mul3A_1364 : i32
          %add3A_1366 = arith.constant 17 : i32
          %add3A_1367 = arith.addi %mul3A_1365, %add3A_1366 : i32
          %get3A_1368 = arith.index_cast %add3A_1367 : i32 to index
          %get3A_1369 = arith.constant 32 : index
          %get3A_1370 = tpu.vector_load %arg9[%get3A_1368, %get3A_1369] {strides = array<i32>} : memref<320x128xf32, #tpu.memory_space<vmem>>, vector<1x16xf32>,
          %get3A_1371 = vector.shape_cast %get3A_1370 : vector<1x16xf32> to vector<16xf32>
          %add3A_1372 = arith.addf %add3A_1300, %get3A_1371 : vector<16xf32>
          %mul3A_1373 = arith.constant 20 : i32
          %mul3A_1374 = arith.muli %scan3A_146, %mul3A_1373 : i32
          %add3A_1375 = arith.constant 17 : i32
          %add3A_1376 = arith.addi %mul3A_1374, %add3A_1375 : i32
          %get3A_1377 = arith.index_cast %add3A_1376 : i32 to index
          %get3A_1378 = arith.constant 48 : index
          %get3A_1379 = tpu.vector_load %arg9[%get3A_1377, %get3A_1378] {strides = array<i32>} : memref<320x128xf32, #tpu.memory_space<vmem>>, vector<1x16xf32>,
          %get3A_1380 = vector.shape_cast %get3A_1379 : vector<1x16xf32> to vector<16xf32>
          %add3A_1381 = arith.addf %add3A_1309, %get3A_1380 : vector<16xf32>
          %mul3A_1382 = arith.constant 20 : i32
          %mul3A_1383 = arith.muli %scan3A_146, %mul3A_1382 : i32
          %add3A_1384 = arith.constant 17 : i32
          %add3A_1385 = arith.addi %mul3A_1383, %add3A_1384 : i32
          %get3A_1386 = arith.index_cast %add3A_1385 : i32 to index
          %get3A_1387 = arith.constant 64 : index
          %get3A_1388 = tpu.vector_load %arg9[%get3A_1386, %get3A_1387] {strides = array<i32>} : memref<320x128xf32, #tpu.memory_space<vmem>>, vector<1x16xf32>,
          %get3A_1389 = vector.shape_cast %get3A_1388 : vector<1x16xf32> to vector<16xf32>
          %add3A_1390 = arith.addf %add3A_1318, %get3A_1389 : vector<16xf32>
          %mul3A_1391 = arith.constant 20 : i32
          %mul3A_1392 = arith.muli %scan3A_146, %mul3A_1391 : i32
          %add3A_1393 = arith.constant 17 : i32
          %add3A_1394 = arith.addi %mul3A_1392, %add3A_1393 : i32
          %get3A_1395 = arith.index_cast %add3A_1394 : i32 to index
          %get3A_1396 = arith.constant 80 : index
          %get3A_1397 = tpu.vector_load %arg9[%get3A_1395, %get3A_1396] {strides = array<i32>} : memref<320x128xf32, #tpu.memory_space<vmem>>, vector<1x16xf32>,
          %get3A_1398 = vector.shape_cast %get3A_1397 : vector<1x16xf32> to vector<16xf32>
          %add3A_1399 = arith.addf %add3A_1327, %get3A_1398 : vector<16xf32>
          %mul3A_1400 = arith.constant 20 : i32
          %mul3A_1401 = arith.muli %scan3A_146, %mul3A_1400 : i32
          %add3A_1402 = arith.constant 17 : i32
          %add3A_1403 = arith.addi %mul3A_1401, %add3A_1402 : i32
          %get3A_1404 = arith.index_cast %add3A_1403 : i32 to index
          %get3A_1405 = arith.constant 96 : index
          %get3A_1406 = tpu.vector_load %arg9[%get3A_1404, %get3A_1405] {strides = array<i32>} : memref<320x128xf32, #tpu.memory_space<vmem>>, vector<1x16xf32>,
          %get3A_1407 = vector.shape_cast %get3A_1406 : vector<1x16xf32> to vector<16xf32>
          %add3A_1408 = arith.addf %add3A_1336, %get3A_1407 : vector<16xf32>
          %mul3A_1409 = arith.constant 20 : i32
          %mul3A_1410 = arith.muli %scan3A_146, %mul3A_1409 : i32
          %add3A_1411 = arith.constant 17 : i32
          %add3A_1412 = arith.addi %mul3A_1410, %add3A_1411 : i32
          %get3A_1413 = arith.index_cast %add3A_1412 : i32 to index
          %get3A_1414 = arith.constant 112 : index
          %get3A_1415 = tpu.vector_load %arg9[%get3A_1413, %get3A_1414] {strides = array<i32>} : memref<320x128xf32, #tpu.memory_space<vmem>>, vector<1x16xf32>,
          %get3A_1416 = vector.shape_cast %get3A_1415 : vector<1x16xf32> to vector<16xf32>
          %add3A_1417 = arith.addf %add3A_1345, %get3A_1416 : vector<16xf32>
          %mul3A_1418 = arith.constant 20 : i32
          %mul3A_1419 = arith.muli %scan3A_146, %mul3A_1418 : i32
          %add3A_1420 = arith.constant 18 : i32
          %add3A_1421 = arith.addi %mul3A_1419, %add3A_1420 : i32
          %get3A_1422 = arith.index_cast %add3A_1421 : i32 to index
          %get3A_1423 = arith.constant 0 : index
          %get3A_1424 = tpu.vector_load %arg9[%get3A_1422, %get3A_1423] {strides = array<i32>} : memref<320x128xf32, #tpu.memory_space<vmem>>, vector<1x16xf32>,
          %get3A_1425 = vector.shape_cast %get3A_1424 : vector<1x16xf32> to vector<16xf32>
          %add3A_1426 = arith.addf %add3A_1354, %get3A_1425 : vector<16xf32>
          %mul3A_1427 = arith.constant 20 : i32
          %mul3A_1428 = arith.muli %scan3A_146, %mul3A_1427 : i32
          %add3A_1429 = arith.constant 18 : i32
          %add3A_1430 = arith.addi %mul3A_1428, %add3A_1429 : i32
          %get3A_1431 = arith.index_cast %add3A_1430 : i32 to index
          %get3A_1432 = arith.constant 16 : index
          %get3A_1433 = tpu.vector_load %arg9[%get3A_1431, %get3A_1432] {strides = array<i32>} : memref<320x128xf32, #tpu.memory_space<vmem>>, vector<1x16xf32>,
          %get3A_1434 = vector.shape_cast %get3A_1433 : vector<1x16xf32> to vector<16xf32>
          %add3A_1435 = arith.addf %add3A_1363, %get3A_1434 : vector<16xf32>
          %mul3A_1436 = arith.constant 20 : i32
          %mul3A_1437 = arith.muli %scan3A_146, %mul3A_1436 : i32
          %add3A_1438 = arith.constant 18 : i32
          %add3A_1439 = arith.addi %mul3A_1437, %add3A_1438 : i32
          %get3A_1440 = arith.index_cast %add3A_1439 : i32 to index
          %get3A_1441 = arith.constant 32 : index
          %get3A_1442 = tpu.vector_load %arg9[%get3A_1440, %get3A_1441] {strides = array<i32>} : memref<320x128xf32, #tpu.memory_space<vmem>>, vector<1x16xf32>,
          %get3A_1443 = vector.shape_cast %get3A_1442 : vector<1x16xf32> to vector<16xf32>
          %add3A_1444 = arith.addf %add3A_1372, %get3A_1443 : vector<16xf32>
          %mul3A_1445 = arith.constant 20 : i32
          %mul3A_1446 = arith.muli %scan3A_146, %mul3A_1445 : i32
          %add3A_1447 = arith.constant 18 : i32
          %add3A_1448 = arith.addi %mul3A_1446, %add3A_1447 : i32
          %get3A_1449 = arith.index_cast %add3A_1448 : i32 to index
          %get3A_1450 = arith.constant 48 : index
          %get3A_1451 = tpu.vector_load %arg9[%get3A_1449, %get3A_1450] {strides = array<i32>} : memref<320x128xf32, #tpu.memory_space<vmem>>, vector<1x16xf32>,
          %get3A_1452 = vector.shape_cast %get3A_1451 : vector<1x16xf32> to vector<16xf32>
          %add3A_1453 = arith.addf %add3A_1381, %get3A_1452 : vector<16xf32>
          %mul3A_1454 = arith.constant 20 : i32
          %mul3A_1455 = arith.muli %scan3A_146, %mul3A_1454 : i32
          %add3A_1456 = arith.constant 18 : i32
          %add3A_1457 = arith.addi %mul3A_1455, %add3A_1456 : i32
          %get3A_1458 = arith.index_cast %add3A_1457 : i32 to index
          %get3A_1459 = arith.constant 64 : index
          %get3A_1460 = tpu.vector_load %arg9[%get3A_1458, %get3A_1459] {strides = array<i32>} : memref<320x128xf32, #tpu.memory_space<vmem>>, vector<1x16xf32>,
          %get3A_1461 = vector.shape_cast %get3A_1460 : vector<1x16xf32> to vector<16xf32>
          %add3A_1462 = arith.addf %add3A_1390, %get3A_1461 : vector<16xf32>
          %mul3A_1463 = arith.constant 20 : i32
          %mul3A_1464 = arith.muli %scan3A_146, %mul3A_1463 : i32
          %add3A_1465 = arith.constant 18 : i32
          %add3A_1466 = arith.addi %mul3A_1464, %add3A_1465 : i32
          %get3A_1467 = arith.index_cast %add3A_1466 : i32 to index
          %get3A_1468 = arith.constant 80 : index
          %get3A_1469 = tpu.vector_load %arg9[%get3A_1467, %get3A_1468] {strides = array<i32>} : memref<320x128xf32, #tpu.memory_space<vmem>>, vector<1x16xf32>,
          %get3A_1470 = vector.shape_cast %get3A_1469 : vector<1x16xf32> to vector<16xf32>
          %add3A_1471 = arith.addf %add3A_1399, %get3A_1470 : vector<16xf32>
          %mul3A_1472 = arith.constant 20 : i32
          %mul3A_1473 = arith.muli %scan3A_146, %mul3A_1472 : i32
          %add3A_1474 = arith.constant 18 : i32
          %add3A_1475 = arith.addi %mul3A_1473, %add3A_1474 : i32
          %get3A_1476 = arith.index_cast %add3A_1475 : i32 to index
          %get3A_1477 = arith.constant 96 : index
          %get3A_1478 = tpu.vector_load %arg9[%get3A_1476, %get3A_1477] {strides = array<i32>} : memref<320x128xf32, #tpu.memory_space<vmem>>, vector<1x16xf32>,
          %get3A_1479 = vector.shape_cast %get3A_1478 : vector<1x16xf32> to vector<16xf32>
          %add3A_1480 = arith.addf %add3A_1408, %get3A_1479 : vector<16xf32>
          %mul3A_1481 = arith.constant 20 : i32
          %mul3A_1482 = arith.muli %scan3A_146, %mul3A_1481 : i32
          %add3A_1483 = arith.constant 18 : i32
          %add3A_1484 = arith.addi %mul3A_1482, %add3A_1483 : i32
          %get3A_1485 = arith.index_cast %add3A_1484 : i32 to index
          %get3A_1486 = arith.constant 112 : index
          %get3A_1487 = tpu.vector_load %arg9[%get3A_1485, %get3A_1486] {strides = array<i32>} : memref<320x128xf32, #tpu.memory_space<vmem>>, vector<1x16xf32>,
          %get3A_1488 = vector.shape_cast %get3A_1487 : vector<1x16xf32> to vector<16xf32>
          %add3A_1489 = arith.addf %add3A_1417, %get3A_1488 : vector<16xf32>
          %mul3A_1490 = arith.constant 20 : i32
          %mul3A_1491 = arith.muli %scan3A_146, %mul3A_1490 : i32
          %add3A_1492 = arith.constant 19 : i32
          %add3A_1493 = arith.addi %mul3A_1491, %add3A_1492 : i32
          %get3A_1494 = arith.index_cast %add3A_1493 : i32 to index
          %get3A_1495 = arith.constant 0 : index
          %get3A_1496 = tpu.vector_load %arg9[%get3A_1494, %get3A_1495] {strides = array<i32>} : memref<320x128xf32, #tpu.memory_space<vmem>>, vector<1x16xf32>,
          %get3A_1497 = vector.shape_cast %get3A_1496 : vector<1x16xf32> to vector<16xf32>
          %add3A_1498 = arith.addf %add3A_1426, %get3A_1497 : vector<16xf32>
          %mul3A_1499 = arith.constant 20 : i32
          %mul3A_1500 = arith.muli %scan3A_146, %mul3A_1499 : i32
          %add3A_1501 = arith.constant 19 : i32
          %add3A_1502 = arith.addi %mul3A_1500, %add3A_1501 : i32
          %get3A_1503 = arith.index_cast %add3A_1502 : i32 to index
          %get3A_1504 = arith.constant 16 : index
          %get3A_1505 = tpu.vector_load %arg9[%get3A_1503, %get3A_1504] {strides = array<i32>} : memref<320x128xf32, #tpu.memory_space<vmem>>, vector<1x16xf32>,
          %get3A_1506 = vector.shape_cast %get3A_1505 : vector<1x16xf32> to vector<16xf32>
          %add3A_1507 = arith.addf %add3A_1435, %get3A_1506 : vector<16xf32>
          %mul3A_1508 = arith.constant 20 : i32
          %mul3A_1509 = arith.muli %scan3A_146, %mul3A_1508 : i32
          %add3A_1510 = arith.constant 19 : i32
          %add3A_1511 = arith.addi %mul3A_1509, %add3A_1510 : i32
          %get3A_1512 = arith.index_cast %add3A_1511 : i32 to index
          %get3A_1513 = arith.constant 32 : index
          %get3A_1514 = tpu.vector_load %arg9[%get3A_1512, %get3A_1513] {strides = array<i32>} : memref<320x128xf32, #tpu.memory_space<vmem>>, vector<1x16xf32>,
          %get3A_1515 = vector.shape_cast %get3A_1514 : vector<1x16xf32> to vector<16xf32>
          %add3A_1516 = arith.addf %add3A_1444, %get3A_1515 : vector<16xf32>
          %mul3A_1517 = arith.constant 20 : i32
          %mul3A_1518 = arith.muli %scan3A_146, %mul3A_1517 : i32
          %add3A_1519 = arith.constant 19 : i32
          %add3A_1520 = arith.addi %mul3A_1518, %add3A_1519 : i32
          %get3A_1521 = arith.index_cast %add3A_1520 : i32 to index
          %get3A_1522 = arith.constant 48 : index
          %get3A_1523 = tpu.vector_load %arg9[%get3A_1521, %get3A_1522] {strides = array<i32>} : memref<320x128xf32, #tpu.memory_space<vmem>>, vector<1x16xf32>,
          %get3A_1524 = vector.shape_cast %get3A_1523 : vector<1x16xf32> to vector<16xf32>
          %add3A_1525 = arith.addf %add3A_1453, %get3A_1524 : vector<16xf32>
          %mul3A_1526 = arith.constant 20 : i32
          %mul3A_1527 = arith.muli %scan3A_146, %mul3A_1526 : i32
          %add3A_1528 = arith.constant 19 : i32
          %add3A_1529 = arith.addi %mul3A_1527, %add3A_1528 : i32
          %get3A_1530 = arith.index_cast %add3A_1529 : i32 to index
          %get3A_1531 = arith.constant 64 : index
          %get3A_1532 = tpu.vector_load %arg9[%get3A_1530, %get3A_1531] {strides = array<i32>} : memref<320x128xf32, #tpu.memory_space<vmem>>, vector<1x16xf32>,
          %get3A_1533 = vector.shape_cast %get3A_1532 : vector<1x16xf32> to vector<16xf32>
          %add3A_1534 = arith.addf %add3A_1462, %get3A_1533 : vector<16xf32>
          %mul3A_1535 = arith.constant 20 : i32
          %mul3A_1536 = arith.muli %scan3A_146, %mul3A_1535 : i32
          %add3A_1537 = arith.constant 19 : i32
          %add3A_1538 = arith.addi %mul3A_1536, %add3A_1537 : i32
          %get3A_1539 = arith.index_cast %add3A_1538 : i32 to index
          %get3A_1540 = arith.constant 80 : index
          %get3A_1541 = tpu.vector_load %arg9[%get3A_1539, %get3A_1540] {strides = array<i32>} : memref<320x128xf32, #tpu.memory_space<vmem>>, vector<1x16xf32>,
          %get3A_1542 = vector.shape_cast %get3A_1541 : vector<1x16xf32> to vector<16xf32>
          %add3A_1543 = arith.addf %add3A_1471, %get3A_1542 : vector<16xf32>
          %mul3A_1544 = arith.constant 20 : i32
          %mul3A_1545 = arith.muli %scan3A_146, %mul3A_1544 : i32
          %add3A_1546 = arith.constant 19 : i32
          %add3A_1547 = arith.addi %mul3A_1545, %add3A_1546 : i32
          %get3A_1548 = arith.index_cast %add3A_1547 : i32 to index
          %get3A_1549 = arith.constant 96 : index
          %get3A_1550 = tpu.vector_load %arg9[%get3A_1548, %get3A_1549] {strides = array<i32>} : memref<320x128xf32, #tpu.memory_space<vmem>>, vector<1x16xf32>,
          %get3A_1551 = vector.shape_cast %get3A_1550 : vector<1x16xf32> to vector<16xf32>
          %add3A_1552 = arith.addf %add3A_1480, %get3A_1551 : vector<16xf32>
          %mul3A_1553 = arith.constant 20 : i32
          %mul3A_1554 = arith.muli %scan3A_146, %mul3A_1553 : i32
          %add3A_1555 = arith.constant 19 : i32
          %add3A_1556 = arith.addi %mul3A_1554, %add3A_1555 : i32
          %get3A_1557 = arith.index_cast %add3A_1556 : i32 to index
          %get3A_1558 = arith.constant 112 : index
          %get3A_1559 = tpu.vector_load %arg9[%get3A_1557, %get3A_1558] {strides = array<i32>} : memref<320x128xf32, #tpu.memory_space<vmem>>, vector<1x16xf32>,
          %get3A_1560 = vector.shape_cast %get3A_1559 : vector<1x16xf32> to vector<16xf32>
          %add3A_1561 = arith.addf %add3A_1489, %get3A_1560 : vector<16xf32>
          %get3A_1562 = arith.index_cast %scan3A_146 : i32 to index
          %get3A_1563 = arith.constant 0 : index
          %get3A_1564 = tpu.vector_load %arg11[%get3A_1562, %get3A_1563] {strides = array<i32>} : memref<16x128xf32, #tpu.memory_space<vmem>>, vector<1x16xf32>,
          %get3A_1565 = vector.shape_cast %get3A_1564 : vector<1x16xf32> to vector<16xf32>
          %bitcast_convert_type3A = tpu.bitcast %get3A_1565 : vector<16xf32> -> vector<16xi32>
          %shift_right_logical3A = arith.constant 16 : i32
          %shift_right_logical3A_1566 = vector.broadcast %shift_right_logical3A : i32 to vector<16xi32>
          %shift_right_logical3A_1567 = arith.shrui %bitcast_convert_type3A, %shift_right_logical3A_1566 : vector<16xi32>
          %and3A = arith.constant 1 : i32
          %and3A_1568 = vector.broadcast %and3A : i32 to vector<16xi32>
          %and3A_1569 = arith.andi %shift_right_logical3A_1567, %and3A_1568 : vector<16xi32>
          %add3A_1570 = arith.constant 32767 : i32
          %add3A_1571 = vector.broadcast %add3A_1570 : i32 to vector<16xi32>
          %add3A_1572 = arith.addi %bitcast_convert_type3A, %add3A_1571 : vector<16xi32>
          %add3A_1573 = arith.addi %add3A_1572, %and3A_1569 : vector<16xi32>
          %shift_right_logical3A_1574 = arith.constant 16 : i32
          %shift_right_logical3A_1575 = vector.broadcast %shift_right_logical3A_1574 : i32 to vector<16xi32>
          %shift_right_logical3A_1576 = arith.shrui %add3A_1573, %shift_right_logical3A_1575 : vector<16xi32>
          %mul3A_1577 = arith.constant 5.000000e-02 : f32
          %mul3A_1578 = vector.broadcast %mul3A_1577 : f32 to vector<16xf32>
          %mul3A_1579 = arith.mulf %add3A_1498, %mul3A_1578 : vector<16xf32>
          %bitcast_convert_type3A_1580 = tpu.bitcast %mul3A_1579 : vector<16xf32> -> vector<16xi32>
          %shift_right_logical3A_1581 = arith.constant 16 : i32
          %shift_right_logical3A_1582 = vector.broadcast %shift_right_logical3A_1581 : i32 to vector<16xi32>
          %shift_right_logical3A_1583 = arith.shrui %bitcast_convert_type3A_1580, %shift_right_logical3A_1582 : vector<16xi32>
          %and3A_1584 = arith.constant 1 : i32
          %and3A_1585 = vector.broadcast %and3A_1584 : i32 to vector<16xi32>
          %and3A_1586 = arith.andi %shift_right_logical3A_1583, %and3A_1585 : vector<16xi32>
          %add3A_1587 = arith.constant 32767 : i32
          %add3A_1588 = vector.broadcast %add3A_1587 : i32 to vector<16xi32>
          %add3A_1589 = arith.addi %bitcast_convert_type3A_1580, %add3A_1588 : vector<16xi32>
          %add3A_1590 = arith.addi %add3A_1589, %and3A_1586 : vector<16xi32>
          %shift_right_logical3A_1591 = arith.constant 16 : i32
          %shift_right_logical3A_1592 = vector.broadcast %shift_right_logical3A_1591 : i32 to vector<16xi32>
          %shift_right_logical3A_1593 = arith.shrui %add3A_1590, %shift_right_logical3A_1592 : vector<16xi32>
          %shift_left3A = arith.constant 16 : i32
          %shift_left3A_1594 = vector.broadcast %shift_left3A : i32 to vector<16xi32>
          %shift_left3A_1595 = arith.shli %shift_right_logical3A_1593, %shift_left3A_1594 : vector<16xi32>
          %or3A = arith.ori %shift_right_logical3A_1576, %shift_left3A_1595 : vector<16xi32>
          %swap3A = arith.index_cast %scan3A_146 : i32 to index
          %swap3A_1596 = arith.constant 0 : index
          %swap3A_1597 = tpu.vector_load %arg13[%swap3A, %swap3A_1596] {strides = array<i32>} : memref<16x128xi32, #tpu.memory_space<vmem>>, vector<1x16xi32>,
          %swap3A_1598 = vector.shape_cast %swap3A_1597 : vector<1x16xi32> to vector<16xi32>
          %swap3A_1599 = vector.shape_cast %or3A : vector<16xi32> to vector<1x16xi32>
          tpu.vector_store %arg13[%swap3A, %swap3A_1596], %swap3A_1599 {strides = array<i32>} : memref<16x128xi32, #tpu.memory_space<vmem>>, vector<1x16xi32>,
          %get3A_1600 = arith.index_cast %scan3A_146 : i32 to index
          %get3A_1601 = arith.constant 16 : index
          %get3A_1602 = tpu.vector_load %arg11[%get3A_1600, %get3A_1601] {strides = array<i32>} : memref<16x128xf32, #tpu.memory_space<vmem>>, vector<1x16xf32>,
          %get3A_1603 = vector.shape_cast %get3A_1602 : vector<1x16xf32> to vector<16xf32>
          %bitcast_convert_type3A_1604 = tpu.bitcast %get3A_1603 : vector<16xf32> -> vector<16xi32>
          %shift_right_logical3A_1605 = arith.constant 16 : i32
          %shift_right_logical3A_1606 = vector.broadcast %shift_right_logical3A_1605 : i32 to vector<16xi32>
          %shift_right_logical3A_1607 = arith.shrui %bitcast_convert_type3A_1604, %shift_right_logical3A_1606 : vector<16xi32>
          %and3A_1608 = arith.constant 1 : i32
          %and3A_1609 = vector.broadcast %and3A_1608 : i32 to vector<16xi32>
          %and3A_1610 = arith.andi %shift_right_logical3A_1607, %and3A_1609 : vector<16xi32>
          %add3A_1611 = arith.constant 32767 : i32
          %add3A_1612 = vector.broadcast %add3A_1611 : i32 to vector<16xi32>
          %add3A_1613 = arith.addi %bitcast_convert_type3A_1604, %add3A_1612 : vector<16xi32>
          %add3A_1614 = arith.addi %add3A_1613, %and3A_1610 : vector<16xi32>
          %shift_right_logical3A_1615 = arith.constant 16 : i32
          %shift_right_logical3A_1616 = vector.broadcast %shift_right_logical3A_1615 : i32 to vector<16xi32>
          %shift_right_logical3A_1617 = arith.shrui %add3A_1614, %shift_right_logical3A_1616 : vector<16xi32>
          %mul3A_1618 = arith.constant 5.000000e-02 : f32
          %mul3A_1619 = vector.broadcast %mul3A_1618 : f32 to vector<16xf32>
          %mul3A_1620 = arith.mulf %add3A_1507, %mul3A_1619 : vector<16xf32>
          %bitcast_convert_type3A_1621 = tpu.bitcast %mul3A_1620 : vector<16xf32> -> vector<16xi32>
          %shift_right_logical3A_1622 = arith.constant 16 : i32
          %shift_right_logical3A_1623 = vector.broadcast %shift_right_logical3A_1622 : i32 to vector<16xi32>
          %shift_right_logical3A_1624 = arith.shrui %bitcast_convert_type3A_1621, %shift_right_logical3A_1623 : vector<16xi32>
          %and3A_1625 = arith.constant 1 : i32
          %and3A_1626 = vector.broadcast %and3A_1625 : i32 to vector<16xi32>
          %and3A_1627 = arith.andi %shift_right_logical3A_1624, %and3A_1626 : vector<16xi32>
          %add3A_1628 = arith.constant 32767 : i32
          %add3A_1629 = vector.broadcast %add3A_1628 : i32 to vector<16xi32>
          %add3A_1630 = arith.addi %bitcast_convert_type3A_1621, %add3A_1629 : vector<16xi32>
          %add3A_1631 = arith.addi %add3A_1630, %and3A_1627 : vector<16xi32>
          %shift_right_logical3A_1632 = arith.constant 16 : i32
          %shift_right_logical3A_1633 = vector.broadcast %shift_right_logical3A_1632 : i32 to vector<16xi32>
          %shift_right_logical3A_1634 = arith.shrui %add3A_1631, %shift_right_logical3A_1633 : vector<16xi32>
          %shift_left3A_1635 = arith.constant 16 : i32
          %shift_left3A_1636 = vector.broadcast %shift_left3A_1635 : i32 to vector<16xi32>
          %shift_left3A_1637 = arith.shli %shift_right_logical3A_1634, %shift_left3A_1636 : vector<16xi32>
          %or3A_1638 = arith.ori %shift_right_logical3A_1617, %shift_left3A_1637 : vector<16xi32>
          %swap3A_1639 = arith.index_cast %scan3A_146 : i32 to index
          %swap3A_1640 = arith.constant 16 : index
          %swap3A_1641 = tpu.vector_load %arg13[%swap3A_1639, %swap3A_1640] {strides = array<i32>} : memref<16x128xi32, #tpu.memory_space<vmem>>, vector<1x16xi32>,
          %swap3A_1642 = vector.shape_cast %swap3A_1641 : vector<1x16xi32> to vector<16xi32>
          %swap3A_1643 = vector.shape_cast %or3A_1638 : vector<16xi32> to vector<1x16xi32>
          tpu.vector_store %arg13[%swap3A_1639, %swap3A_1640], %swap3A_1643 {strides = array<i32>} : memref<16x128xi32, #tpu.memory_space<vmem>>, vector<1x16xi32>,
          %get3A_1644 = arith.index_cast %scan3A_146 : i32 to index
          %get3A_1645 = arith.constant 32 : index
          %get3A_1646 = tpu.vector_load %arg11[%get3A_1644, %get3A_1645] {strides = array<i32>} : memref<16x128xf32, #tpu.memory_space<vmem>>, vector<1x16xf32>,
          %get3A_1647 = vector.shape_cast %get3A_1646 : vector<1x16xf32> to vector<16xf32>
          %bitcast_convert_type3A_1648 = tpu.bitcast %get3A_1647 : vector<16xf32> -> vector<16xi32>
          %shift_right_logical3A_1649 = arith.constant 16 : i32
          %shift_right_logical3A_1650 = vector.broadcast %shift_right_logical3A_1649 : i32 to vector<16xi32>
          %shift_right_logical3A_1651 = arith.shrui %bitcast_convert_type3A_1648, %shift_right_logical3A_1650 : vector<16xi32>
          %and3A_1652 = arith.constant 1 : i32
          %and3A_1653 = vector.broadcast %and3A_1652 : i32 to vector<16xi32>
          %and3A_1654 = arith.andi %shift_right_logical3A_1651, %and3A_1653 : vector<16xi32>
          %add3A_1655 = arith.constant 32767 : i32
          %add3A_1656 = vector.broadcast %add3A_1655 : i32 to vector<16xi32>
          %add3A_1657 = arith.addi %bitcast_convert_type3A_1648, %add3A_1656 : vector<16xi32>
          %add3A_1658 = arith.addi %add3A_1657, %and3A_1654 : vector<16xi32>
          %shift_right_logical3A_1659 = arith.constant 16 : i32
          %shift_right_logical3A_1660 = vector.broadcast %shift_right_logical3A_1659 : i32 to vector<16xi32>
          %shift_right_logical3A_1661 = arith.shrui %add3A_1658, %shift_right_logical3A_1660 : vector<16xi32>
          %mul3A_1662 = arith.constant 5.000000e-02 : f32
          %mul3A_1663 = vector.broadcast %mul3A_1662 : f32 to vector<16xf32>
          %mul3A_1664 = arith.mulf %add3A_1516, %mul3A_1663 : vector<16xf32>
          %bitcast_convert_type3A_1665 = tpu.bitcast %mul3A_1664 : vector<16xf32> -> vector<16xi32>
          %shift_right_logical3A_1666 = arith.constant 16 : i32
          %shift_right_logical3A_1667 = vector.broadcast %shift_right_logical3A_1666 : i32 to vector<16xi32>
          %shift_right_logical3A_1668 = arith.shrui %bitcast_convert_type3A_1665, %shift_right_logical3A_1667 : vector<16xi32>
          %and3A_1669 = arith.constant 1 : i32
          %and3A_1670 = vector.broadcast %and3A_1669 : i32 to vector<16xi32>
          %and3A_1671 = arith.andi %shift_right_logical3A_1668, %and3A_1670 : vector<16xi32>
          %add3A_1672 = arith.constant 32767 : i32
          %add3A_1673 = vector.broadcast %add3A_1672 : i32 to vector<16xi32>
          %add3A_1674 = arith.addi %bitcast_convert_type3A_1665, %add3A_1673 : vector<16xi32>
          %add3A_1675 = arith.addi %add3A_1674, %and3A_1671 : vector<16xi32>
          %shift_right_logical3A_1676 = arith.constant 16 : i32
          %shift_right_logical3A_1677 = vector.broadcast %shift_right_logical3A_1676 : i32 to vector<16xi32>
          %shift_right_logical3A_1678 = arith.shrui %add3A_1675, %shift_right_logical3A_1677 : vector<16xi32>
          %shift_left3A_1679 = arith.constant 16 : i32
          %shift_left3A_1680 = vector.broadcast %shift_left3A_1679 : i32 to vector<16xi32>
          %shift_left3A_1681 = arith.shli %shift_right_logical3A_1678, %shift_left3A_1680 : vector<16xi32>
          %or3A_1682 = arith.ori %shift_right_logical3A_1661, %shift_left3A_1681 : vector<16xi32>
          %swap3A_1683 = arith.index_cast %scan3A_146 : i32 to index
          %swap3A_1684 = arith.constant 32 : index
          %swap3A_1685 = tpu.vector_load %arg13[%swap3A_1683, %swap3A_1684] {strides = array<i32>} : memref<16x128xi32, #tpu.memory_space<vmem>>, vector<1x16xi32>,
          %swap3A_1686 = vector.shape_cast %swap3A_1685 : vector<1x16xi32> to vector<16xi32>
          %swap3A_1687 = vector.shape_cast %or3A_1682 : vector<16xi32> to vector<1x16xi32>
          tpu.vector_store %arg13[%swap3A_1683, %swap3A_1684], %swap3A_1687 {strides = array<i32>} : memref<16x128xi32, #tpu.memory_space<vmem>>, vector<1x16xi32>,
          %get3A_1688 = arith.index_cast %scan3A_146 : i32 to index
          %get3A_1689 = arith.constant 48 : index
          %get3A_1690 = tpu.vector_load %arg11[%get3A_1688, %get3A_1689] {strides = array<i32>} : memref<16x128xf32, #tpu.memory_space<vmem>>, vector<1x16xf32>,
          %get3A_1691 = vector.shape_cast %get3A_1690 : vector<1x16xf32> to vector<16xf32>
          %bitcast_convert_type3A_1692 = tpu.bitcast %get3A_1691 : vector<16xf32> -> vector<16xi32>
          %shift_right_logical3A_1693 = arith.constant 16 : i32
          %shift_right_logical3A_1694 = vector.broadcast %shift_right_logical3A_1693 : i32 to vector<16xi32>
          %shift_right_logical3A_1695 = arith.shrui %bitcast_convert_type3A_1692, %shift_right_logical3A_1694 : vector<16xi32>
          %and3A_1696 = arith.constant 1 : i32
          %and3A_1697 = vector.broadcast %and3A_1696 : i32 to vector<16xi32>
          %and3A_1698 = arith.andi %shift_right_logical3A_1695, %and3A_1697 : vector<16xi32>
          %add3A_1699 = arith.constant 32767 : i32
          %add3A_1700 = vector.broadcast %add3A_1699 : i32 to vector<16xi32>
          %add3A_1701 = arith.addi %bitcast_convert_type3A_1692, %add3A_1700 : vector<16xi32>
          %add3A_1702 = arith.addi %add3A_1701, %and3A_1698 : vector<16xi32>
          %shift_right_logical3A_1703 = arith.constant 16 : i32
          %shift_right_logical3A_1704 = vector.broadcast %shift_right_logical3A_1703 : i32 to vector<16xi32>
          %shift_right_logical3A_1705 = arith.shrui %add3A_1702, %shift_right_logical3A_1704 : vector<16xi32>
          %mul3A_1706 = arith.constant 5.000000e-02 : f32
          %mul3A_1707 = vector.broadcast %mul3A_1706 : f32 to vector<16xf32>
          %mul3A_1708 = arith.mulf %add3A_1525, %mul3A_1707 : vector<16xf32>
          %bitcast_convert_type3A_1709 = tpu.bitcast %mul3A_1708 : vector<16xf32> -> vector<16xi32>
          %shift_right_logical3A_1710 = arith.constant 16 : i32
          %shift_right_logical3A_1711 = vector.broadcast %shift_right_logical3A_1710 : i32 to vector<16xi32>
          %shift_right_logical3A_1712 = arith.shrui %bitcast_convert_type3A_1709, %shift_right_logical3A_1711 : vector<16xi32>
          %and3A_1713 = arith.constant 1 : i32
          %and3A_1714 = vector.broadcast %and3A_1713 : i32 to vector<16xi32>
          %and3A_1715 = arith.andi %shift_right_logical3A_1712, %and3A_1714 : vector<16xi32>
          %add3A_1716 = arith.constant 32767 : i32
          %add3A_1717 = vector.broadcast %add3A_1716 : i32 to vector<16xi32>
          %add3A_1718 = arith.addi %bitcast_convert_type3A_1709, %add3A_1717 : vector<16xi32>
          %add3A_1719 = arith.addi %add3A_1718, %and3A_1715 : vector<16xi32>
          %shift_right_logical3A_1720 = arith.constant 16 : i32
          %shift_right_logical3A_1721 = vector.broadcast %shift_right_logical3A_1720 : i32 to vector<16xi32>
          %shift_right_logical3A_1722 = arith.shrui %add3A_1719, %shift_right_logical3A_1721 : vector<16xi32>
          %shift_left3A_1723 = arith.constant 16 : i32
          %shift_left3A_1724 = vector.broadcast %shift_left3A_1723 : i32 to vector<16xi32>
          %shift_left3A_1725 = arith.shli %shift_right_logical3A_1722, %shift_left3A_1724 : vector<16xi32>
          %or3A_1726 = arith.ori %shift_right_logical3A_1705, %shift_left3A_1725 : vector<16xi32>
          %swap3A_1727 = arith.index_cast %scan3A_146 : i32 to index
          %swap3A_1728 = arith.constant 48 : index
          %swap3A_1729 = tpu.vector_load %arg13[%swap3A_1727, %swap3A_1728] {strides = array<i32>} : memref<16x128xi32, #tpu.memory_space<vmem>>, vector<1x16xi32>,
          %swap3A_1730 = vector.shape_cast %swap3A_1729 : vector<1x16xi32> to vector<16xi32>
          %swap3A_1731 = vector.shape_cast %or3A_1726 : vector<16xi32> to vector<1x16xi32>
          tpu.vector_store %arg13[%swap3A_1727, %swap3A_1728], %swap3A_1731 {strides = array<i32>} : memref<16x128xi32, #tpu.memory_space<vmem>>, vector<1x16xi32>,
          %get3A_1732 = arith.index_cast %scan3A_146 : i32 to index
          %get3A_1733 = arith.constant 64 : index
          %get3A_1734 = tpu.vector_load %arg11[%get3A_1732, %get3A_1733] {strides = array<i32>} : memref<16x128xf32, #tpu.memory_space<vmem>>, vector<1x16xf32>,
          %get3A_1735 = vector.shape_cast %get3A_1734 : vector<1x16xf32> to vector<16xf32>
          %bitcast_convert_type3A_1736 = tpu.bitcast %get3A_1735 : vector<16xf32> -> vector<16xi32>
          %shift_right_logical3A_1737 = arith.constant 16 : i32
          %shift_right_logical3A_1738 = vector.broadcast %shift_right_logical3A_1737 : i32 to vector<16xi32>
          %shift_right_logical3A_1739 = arith.shrui %bitcast_convert_type3A_1736, %shift_right_logical3A_1738 : vector<16xi32>
          %and3A_1740 = arith.constant 1 : i32
          %and3A_1741 = vector.broadcast %and3A_1740 : i32 to vector<16xi32>
          %and3A_1742 = arith.andi %shift_right_logical3A_1739, %and3A_1741 : vector<16xi32>
          %add3A_1743 = arith.constant 32767 : i32
          %add3A_1744 = vector.broadcast %add3A_1743 : i32 to vector<16xi32>
          %add3A_1745 = arith.addi %bitcast_convert_type3A_1736, %add3A_1744 : vector<16xi32>
          %add3A_1746 = arith.addi %add3A_1745, %and3A_1742 : vector<16xi32>
          %shift_right_logical3A_1747 = arith.constant 16 : i32
          %shift_right_logical3A_1748 = vector.broadcast %shift_right_logical3A_1747 : i32 to vector<16xi32>
          %shift_right_logical3A_1749 = arith.shrui %add3A_1746, %shift_right_logical3A_1748 : vector<16xi32>
          %mul3A_1750 = arith.constant 5.000000e-02 : f32
          %mul3A_1751 = vector.broadcast %mul3A_1750 : f32 to vector<16xf32>
          %mul3A_1752 = arith.mulf %add3A_1534, %mul3A_1751 : vector<16xf32>
          %bitcast_convert_type3A_1753 = tpu.bitcast %mul3A_1752 : vector<16xf32> -> vector<16xi32>
          %shift_right_logical3A_1754 = arith.constant 16 : i32
          %shift_right_logical3A_1755 = vector.broadcast %shift_right_logical3A_1754 : i32 to vector<16xi32>
          %shift_right_logical3A_1756 = arith.shrui %bitcast_convert_type3A_1753, %shift_right_logical3A_1755 : vector<16xi32>
          %and3A_1757 = arith.constant 1 : i32
          %and3A_1758 = vector.broadcast %and3A_1757 : i32 to vector<16xi32>
          %and3A_1759 = arith.andi %shift_right_logical3A_1756, %and3A_1758 : vector<16xi32>
          %add3A_1760 = arith.constant 32767 : i32
          %add3A_1761 = vector.broadcast %add3A_1760 : i32 to vector<16xi32>
          %add3A_1762 = arith.addi %bitcast_convert_type3A_1753, %add3A_1761 : vector<16xi32>
          %add3A_1763 = arith.addi %add3A_1762, %and3A_1759 : vector<16xi32>
          %shift_right_logical3A_1764 = arith.constant 16 : i32
          %shift_right_logical3A_1765 = vector.broadcast %shift_right_logical3A_1764 : i32 to vector<16xi32>
          %shift_right_logical3A_1766 = arith.shrui %add3A_1763, %shift_right_logical3A_1765 : vector<16xi32>
          %shift_left3A_1767 = arith.constant 16 : i32
          %shift_left3A_1768 = vector.broadcast %shift_left3A_1767 : i32 to vector<16xi32>
          %shift_left3A_1769 = arith.shli %shift_right_logical3A_1766, %shift_left3A_1768 : vector<16xi32>
          %or3A_1770 = arith.ori %shift_right_logical3A_1749, %shift_left3A_1769 : vector<16xi32>
          %swap3A_1771 = arith.index_cast %scan3A_146 : i32 to index
          %swap3A_1772 = arith.constant 64 : index
          %swap3A_1773 = tpu.vector_load %arg13[%swap3A_1771, %swap3A_1772] {strides = array<i32>} : memref<16x128xi32, #tpu.memory_space<vmem>>, vector<1x16xi32>,
          %swap3A_1774 = vector.shape_cast %swap3A_1773 : vector<1x16xi32> to vector<16xi32>
          %swap3A_1775 = vector.shape_cast %or3A_1770 : vector<16xi32> to vector<1x16xi32>
          tpu.vector_store %arg13[%swap3A_1771, %swap3A_1772], %swap3A_1775 {strides = array<i32>} : memref<16x128xi32, #tpu.memory_space<vmem>>, vector<1x16xi32>,
          %get3A_1776 = arith.index_cast %scan3A_146 : i32 to index
          %get3A_1777 = arith.constant 80 : index
          %get3A_1778 = tpu.vector_load %arg11[%get3A_1776, %get3A_1777] {strides = array<i32>} : memref<16x128xf32, #tpu.memory_space<vmem>>, vector<1x16xf32>,
          %get3A_1779 = vector.shape_cast %get3A_1778 : vector<1x16xf32> to vector<16xf32>
          %bitcast_convert_type3A_1780 = tpu.bitcast %get3A_1779 : vector<16xf32> -> vector<16xi32>
          %shift_right_logical3A_1781 = arith.constant 16 : i32
          %shift_right_logical3A_1782 = vector.broadcast %shift_right_logical3A_1781 : i32 to vector<16xi32>
          %shift_right_logical3A_1783 = arith.shrui %bitcast_convert_type3A_1780, %shift_right_logical3A_1782 : vector<16xi32>
          %and3A_1784 = arith.constant 1 : i32
          %and3A_1785 = vector.broadcast %and3A_1784 : i32 to vector<16xi32>
          %and3A_1786 = arith.andi %shift_right_logical3A_1783, %and3A_1785 : vector<16xi32>
          %add3A_1787 = arith.constant 32767 : i32
          %add3A_1788 = vector.broadcast %add3A_1787 : i32 to vector<16xi32>
          %add3A_1789 = arith.addi %bitcast_convert_type3A_1780, %add3A_1788 : vector<16xi32>
          %add3A_1790 = arith.addi %add3A_1789, %and3A_1786 : vector<16xi32>
          %shift_right_logical3A_1791 = arith.constant 16 : i32
          %shift_right_logical3A_1792 = vector.broadcast %shift_right_logical3A_1791 : i32 to vector<16xi32>
          %shift_right_logical3A_1793 = arith.shrui %add3A_1790, %shift_right_logical3A_1792 : vector<16xi32>
          %mul3A_1794 = arith.constant 5.000000e-02 : f32
          %mul3A_1795 = vector.broadcast %mul3A_1794 : f32 to vector<16xf32>
          %mul3A_1796 = arith.mulf %add3A_1543, %mul3A_1795 : vector<16xf32>
          %bitcast_convert_type3A_1797 = tpu.bitcast %mul3A_1796 : vector<16xf32> -> vector<16xi32>
          %shift_right_logical3A_1798 = arith.constant 16 : i32
          %shift_right_logical3A_1799 = vector.broadcast %shift_right_logical3A_1798 : i32 to vector<16xi32>
          %shift_right_logical3A_1800 = arith.shrui %bitcast_convert_type3A_1797, %shift_right_logical3A_1799 : vector<16xi32>
          %and3A_1801 = arith.constant 1 : i32
          %and3A_1802 = vector.broadcast %and3A_1801 : i32 to vector<16xi32>
          %and3A_1803 = arith.andi %shift_right_logical3A_1800, %and3A_1802 : vector<16xi32>
          %add3A_1804 = arith.constant 32767 : i32
          %add3A_1805 = vector.broadcast %add3A_1804 : i32 to vector<16xi32>
          %add3A_1806 = arith.addi %bitcast_convert_type3A_1797, %add3A_1805 : vector<16xi32>
          %add3A_1807 = arith.addi %add3A_1806, %and3A_1803 : vector<16xi32>
          %shift_right_logical3A_1808 = arith.constant 16 : i32
          %shift_right_logical3A_1809 = vector.broadcast %shift_right_logical3A_1808 : i32 to vector<16xi32>
          %shift_right_logical3A_1810 = arith.shrui %add3A_1807, %shift_right_logical3A_1809 : vector<16xi32>
          %shift_left3A_1811 = arith.constant 16 : i32
          %shift_left3A_1812 = vector.broadcast %shift_left3A_1811 : i32 to vector<16xi32>
          %shift_left3A_1813 = arith.shli %shift_right_logical3A_1810, %shift_left3A_1812 : vector<16xi32>
          %or3A_1814 = arith.ori %shift_right_logical3A_1793, %shift_left3A_1813 : vector<16xi32>
          %swap3A_1815 = arith.index_cast %scan3A_146 : i32 to index
          %swap3A_1816 = arith.constant 80 : index
          %swap3A_1817 = tpu.vector_load %arg13[%swap3A_1815, %swap3A_1816] {strides = array<i32>} : memref<16x128xi32, #tpu.memory_space<vmem>>, vector<1x16xi32>,
          %swap3A_1818 = vector.shape_cast %swap3A_1817 : vector<1x16xi32> to vector<16xi32>
          %swap3A_1819 = vector.shape_cast %or3A_1814 : vector<16xi32> to vector<1x16xi32>
          tpu.vector_store %arg13[%swap3A_1815, %swap3A_1816], %swap3A_1819 {strides = array<i32>} : memref<16x128xi32, #tpu.memory_space<vmem>>, vector<1x16xi32>,
          %get3A_1820 = arith.index_cast %scan3A_146 : i32 to index
          %get3A_1821 = arith.constant 96 : index
          %get3A_1822 = tpu.vector_load %arg11[%get3A_1820, %get3A_1821] {strides = array<i32>} : memref<16x128xf32, #tpu.memory_space<vmem>>, vector<1x16xf32>,
          %get3A_1823 = vector.shape_cast %get3A_1822 : vector<1x16xf32> to vector<16xf32>
          %bitcast_convert_type3A_1824 = tpu.bitcast %get3A_1823 : vector<16xf32> -> vector<16xi32>
          %shift_right_logical3A_1825 = arith.constant 16 : i32
          %shift_right_logical3A_1826 = vector.broadcast %shift_right_logical3A_1825 : i32 to vector<16xi32>
          %shift_right_logical3A_1827 = arith.shrui %bitcast_convert_type3A_1824, %shift_right_logical3A_1826 : vector<16xi32>
          %and3A_1828 = arith.constant 1 : i32
          %and3A_1829 = vector.broadcast %and3A_1828 : i32 to vector<16xi32>
          %and3A_1830 = arith.andi %shift_right_logical3A_1827, %and3A_1829 : vector<16xi32>
          %add3A_1831 = arith.constant 32767 : i32
          %add3A_1832 = vector.broadcast %add3A_1831 : i32 to vector<16xi32>
          %add3A_1833 = arith.addi %bitcast_convert_type3A_1824, %add3A_1832 : vector<16xi32>
          %add3A_1834 = arith.addi %add3A_1833, %and3A_1830 : vector<16xi32>
          %shift_right_logical3A_1835 = arith.constant 16 : i32
          %shift_right_logical3A_1836 = vector.broadcast %shift_right_logical3A_1835 : i32 to vector<16xi32>
          %shift_right_logical3A_1837 = arith.shrui %add3A_1834, %shift_right_logical3A_1836 : vector<16xi32>
          %mul3A_1838 = arith.constant 5.000000e-02 : f32
          %mul3A_1839 = vector.broadcast %mul3A_1838 : f32 to vector<16xf32>
          %mul3A_1840 = arith.mulf %add3A_1552, %mul3A_1839 : vector<16xf32>
          %bitcast_convert_type3A_1841 = tpu.bitcast %mul3A_1840 : vector<16xf32> -> vector<16xi32>
          %shift_right_logical3A_1842 = arith.constant 16 : i32
          %shift_right_logical3A_1843 = vector.broadcast %shift_right_logical3A_1842 : i32 to vector<16xi32>
          %shift_right_logical3A_1844 = arith.shrui %bitcast_convert_type3A_1841, %shift_right_logical3A_1843 : vector<16xi32>
          %and3A_1845 = arith.constant 1 : i32
          %and3A_1846 = vector.broadcast %and3A_1845 : i32 to vector<16xi32>
          %and3A_1847 = arith.andi %shift_right_logical3A_1844, %and3A_1846 : vector<16xi32>
          %add3A_1848 = arith.constant 32767 : i32
          %add3A_1849 = vector.broadcast %add3A_1848 : i32 to vector<16xi32>
          %add3A_1850 = arith.addi %bitcast_convert_type3A_1841, %add3A_1849 : vector<16xi32>
          %add3A_1851 = arith.addi %add3A_1850, %and3A_1847 : vector<16xi32>
          %shift_right_logical3A_1852 = arith.constant 16 : i32
          %shift_right_logical3A_1853 = vector.broadcast %shift_right_logical3A_1852 : i32 to vector<16xi32>
          %shift_right_logical3A_1854 = arith.shrui %add3A_1851, %shift_right_logical3A_1853 : vector<16xi32>
          %shift_left3A_1855 = arith.constant 16 : i32
          %shift_left3A_1856 = vector.broadcast %shift_left3A_1855 : i32 to vector<16xi32>
          %shift_left3A_1857 = arith.shli %shift_right_logical3A_1854, %shift_left3A_1856 : vector<16xi32>
          %or3A_1858 = arith.ori %shift_right_logical3A_1837, %shift_left3A_1857 : vector<16xi32>
          %swap3A_1859 = arith.index_cast %scan3A_146 : i32 to index
          %swap3A_1860 = arith.constant 96 : index
          %swap3A_1861 = tpu.vector_load %arg13[%swap3A_1859, %swap3A_1860] {strides = array<i32>} : memref<16x128xi32, #tpu.memory_space<vmem>>, vector<1x16xi32>,
          %swap3A_1862 = vector.shape_cast %swap3A_1861 : vector<1x16xi32> to vector<16xi32>
          %swap3A_1863 = vector.shape_cast %or3A_1858 : vector<16xi32> to vector<1x16xi32>
          tpu.vector_store %arg13[%swap3A_1859, %swap3A_1860], %swap3A_1863 {strides = array<i32>} : memref<16x128xi32, #tpu.memory_space<vmem>>, vector<1x16xi32>,
          %get3A_1864 = arith.index_cast %scan3A_146 : i32 to index
          %get3A_1865 = arith.constant 112 : index
          %get3A_1866 = tpu.vector_load %arg11[%get3A_1864, %get3A_1865] {strides = array<i32>} : memref<16x128xf32, #tpu.memory_space<vmem>>, vector<1x16xf32>,
          %get3A_1867 = vector.shape_cast %get3A_1866 : vector<1x16xf32> to vector<16xf32>
          %bitcast_convert_type3A_1868 = tpu.bitcast %get3A_1867 : vector<16xf32> -> vector<16xi32>
          %shift_right_logical3A_1869 = arith.constant 16 : i32
          %shift_right_logical3A_1870 = vector.broadcast %shift_right_logical3A_1869 : i32 to vector<16xi32>
          %shift_right_logical3A_1871 = arith.shrui %bitcast_convert_type3A_1868, %shift_right_logical3A_1870 : vector<16xi32>
          %and3A_1872 = arith.constant 1 : i32
          %and3A_1873 = vector.broadcast %and3A_1872 : i32 to vector<16xi32>
          %and3A_1874 = arith.andi %shift_right_logical3A_1871, %and3A_1873 : vector<16xi32>
          %add3A_1875 = arith.constant 32767 : i32
          %add3A_1876 = vector.broadcast %add3A_1875 : i32 to vector<16xi32>
          %add3A_1877 = arith.addi %bitcast_convert_type3A_1868, %add3A_1876 : vector<16xi32>
          %add3A_1878 = arith.addi %add3A_1877, %and3A_1874 : vector<16xi32>
          %shift_right_logical3A_1879 = arith.constant 16 : i32
          %shift_right_logical3A_1880 = vector.broadcast %shift_right_logical3A_1879 : i32 to vector<16xi32>
          %shift_right_logical3A_1881 = arith.shrui %add3A_1878, %shift_right_logical3A_1880 : vector<16xi32>
          %mul3A_1882 = arith.constant 5.000000e-02 : f32
          %mul3A_1883 = vector.broadcast %mul3A_1882 : f32 to vector<16xf32>
          %mul3A_1884 = arith.mulf %add3A_1561, %mul3A_1883 : vector<16xf32>
          %bitcast_convert_type3A_1885 = tpu.bitcast %mul3A_1884 : vector<16xf32> -> vector<16xi32>
          %shift_right_logical3A_1886 = arith.constant 16 : i32
          %shift_right_logical3A_1887 = vector.broadcast %shift_right_logical3A_1886 : i32 to vector<16xi32>
          %shift_right_logical3A_1888 = arith.shrui %bitcast_convert_type3A_1885, %shift_right_logical3A_1887 : vector<16xi32>
          %and3A_1889 = arith.constant 1 : i32
          %and3A_1890 = vector.broadcast %and3A_1889 : i32 to vector<16xi32>
          %and3A_1891 = arith.andi %shift_right_logical3A_1888, %and3A_1890 : vector<16xi32>
          %add3A_1892 = arith.constant 32767 : i32
          %add3A_1893 = vector.broadcast %add3A_1892 : i32 to vector<16xi32>
          %add3A_1894 = arith.addi %bitcast_convert_type3A_1885, %add3A_1893 : vector<16xi32>
          %add3A_1895 = arith.addi %add3A_1894, %and3A_1891 : vector<16xi32>
          %shift_right_logical3A_1896 = arith.constant 16 : i32
          %shift_right_logical3A_1897 = vector.broadcast %shift_right_logical3A_1896 : i32 to vector<16xi32>
          %shift_right_logical3A_1898 = arith.shrui %add3A_1895, %shift_right_logical3A_1897 : vector<16xi32>
          %shift_left3A_1899 = arith.constant 16 : i32
          %shift_left3A_1900 = vector.broadcast %shift_left3A_1899 : i32 to vector<16xi32>
          %shift_left3A_1901 = arith.shli %shift_right_logical3A_1898, %shift_left3A_1900 : vector<16xi32>
          %or3A_1902 = arith.ori %shift_right_logical3A_1881, %shift_left3A_1901 : vector<16xi32>
          %swap3A_1903 = arith.index_cast %scan3A_146 : i32 to index
          %swap3A_1904 = arith.constant 112 : index
          %swap3A_1905 = tpu.vector_load %arg13[%swap3A_1903, %swap3A_1904] {strides = array<i32>} : memref<16x128xi32, #tpu.memory_space<vmem>>, vector<1x16xi32>,
          %swap3A_1906 = vector.shape_cast %swap3A_1905 : vector<1x16xi32> to vector<16xi32>
          %swap3A_1907 = vector.shape_cast %or3A_1902 : vector<16xi32> to vector<1x16xi32>
          tpu.vector_store %arg13[%swap3A_1903, %swap3A_1904], %swap3A_1907 {strides = array<i32>} : memref<16x128xi32, #tpu.memory_space<vmem>>, vector<1x16xi32>,
        }
        %scan3A_131 = arith.constant 16 : i32
        %mul3A_132 = arith.constant 16 : i32
        %mul3A_133 = arith.muli %add3A_102, %mul3A_132 : i32
        %add3A_134 = arith.addi %mul3A_2, %mul3A_133 : i32
        %dma_start3A_135 = arith.constant 0 : i32
        %dma_start3A_136 = tpu.memref_slice %arg5[%add3A_134, %dma_start3A_135] : memref<25088x128xi32, #tpu.memory_space<hbm>> -> memref<16x128xi32, #tpu.memory_space<hbm>>
        %dma_start3A_137 = arith.constant 0 : i32
        %dma_start3A_138 = tpu.memref_slice %arg5[%add3A_134, %dma_start3A_137] : memref<25088x128xi32, #tpu.memory_space<hbm>> -> memref<16x128xi32, #tpu.memory_space<hbm>>
        tpu.enqueue_dma source(%arg13 : memref<16x128xi32, #tpu.memory_space<vmem>>) target(%dma_start3A_138 : memref<16x128xi32, #tpu.memory_space<hbm>>) target_semaphore(%arg17 : memref<!tpu.dma_semaphore, #tpu.memory_space<semaphore_mem>>)
        %add3A_139 = arith.constant 2 : i32
        %add3A_140 = arith.addi %add3A_102, %add3A_139 : i32
        %lt3A_141 = arith.constant 98 : i32
        %lt3A_142 = arith.cmpi slt, %add3A_140, %lt3A_141 : i32
        %convert_element_type3A_143 = arith.extui %lt3A_142 : i1 to i32
        %cond3A_144 = arith.constant 0 : i32
        %cond3A_145 = arith.cmpi ne, %convert_element_type3A_143, %cond3A_144 : i32
        scf.if %cond3A_145 {
          %mul3A_146 = arith.constant 320 : i32
          %mul3A_147 = arith.muli %add3A_140, %mul3A_146 : i32
          %add3A_148 = arith.constant 0 : i32
          %add3A_149 = arith.addi %mul3A_147, %add3A_148 : i32
          %dma_start3A_150 = arith.constant 0 : i32
          %dma_start3A_151 = arith.constant 0 : i32
          %dma_start3A_152 = tpu.memref_slice %arg9[%dma_start3A_150, %dma_start3A_151] : memref<320x128xf32, #tpu.memory_space<vmem>> -> memref<320x128xf32, #tpu.memory_space<vmem>>
          %dma_start3A_153 = tpu.memref_slice %arg7[%add3A_149] : memref<31360xi32, #tpu.memory_space<vmem>> -> memref<320xi32, #tpu.memory_space<vmem>>
          %dma_start3A_154 = arith.constant 0 : i32
          %dma_start3A_155 = arith.constant 0 : i32
          %dma_start3A_156 = tpu.memref_slice %arg2[%dma_start3A_154, %dma_start3A_155] : memref<100000x128xf32, #tpu.memory_space<hbm>> -> memref<100000x128xf32, #tpu.memory_space<hbm>>
          tpu.enqueue_indirect_dma source(%dma_start3A_156 : memref<100000x128xf32, #tpu.memory_space<hbm>>) target(%dma_start3A_152 : memref<320x128xf32, #tpu.memory_space<vmem>>) offsets(%dma_start3A_153 : memref<320xi32, #tpu.memory_space<vmem>>) semaphore(%arg15 : memref<!tpu.dma_semaphore, #tpu.memory_space<semaphore_mem>>)
          %mul3A_157 = arith.constant 16 : i32
          %mul3A_158 = arith.muli %add3A_140, %mul3A_157 : i32
          %dma_start3A_159 = tpu.memref_slice %arg6[%mul3A_158] : memref<1568xi32, #tpu.memory_space<vmem>> -> memref<16xi32, #tpu.memory_space<vmem>>
          %dma_start3A_160 = arith.constant 0 : i32
          %dma_start3A_161 = arith.constant 0 : i32
          %dma_start3A_162 = tpu.memref_slice %arg2[%dma_start3A_160, %dma_start3A_161] : memref<100000x128xf32, #tpu.memory_space<hbm>> -> memref<100000x128xf32, #tpu.memory_space<hbm>>
          tpu.enqueue_indirect_dma source(%dma_start3A_162 : memref<100000x128xf32, #tpu.memory_space<hbm>>) target(%arg11 : memref<16x128xf32, #tpu.memory_space<vmem>>) offsets(%dma_start3A_159 : memref<16xi32, #tpu.memory_space<vmem>>) semaphore(%arg15 : memref<!tpu.dma_semaphore, #tpu.memory_space<semaphore_mem>>)
        } else {
        }
      }
      %scan3A_41 = arith.constant 49 : i32
      %dma_wait3A = arith.constant 0 : i32
      %dma_wait3A_42 = arith.constant 0 : i32
      %dma_wait3A_43 = tpu.memref_slice %arg5[%dma_wait3A, %dma_wait3A_42] : memref<25088x128xi32, #tpu.memory_space<hbm>> -> memref<16x128xi32, #tpu.memory_space<hbm>>
      %dma_wait3A_44 = arith.constant 0 : i32
      %dma_wait3A_45 = arith.constant 0 : i32
      %dma_wait3A_46 = tpu.memref_slice %arg5[%dma_wait3A_44, %dma_wait3A_45] : memref<25088x128xi32, #tpu.memory_space<hbm>> -> memref<16x128xi32, #tpu.memory_space<hbm>>
      tpu.wait_dma2 semaphore(%arg16 : memref<!tpu.dma_semaphore, #tpu.memory_space<semaphore_mem>>) src(%arg12 : memref<16x128xi32, #tpu.memory_space<vmem>>) dst(%dma_wait3A_46 : memref<16x128xi32, #tpu.memory_space<hbm>>)
      %dma_wait3A_47 = arith.constant 0 : i32
      %dma_wait3A_48 = arith.constant 0 : i32
      %dma_wait3A_49 = tpu.memref_slice %arg5[%dma_wait3A_47, %dma_wait3A_48] : memref<25088x128xi32, #tpu.memory_space<hbm>> -> memref<16x128xi32, #tpu.memory_space<hbm>>
      %dma_wait3A_50 = arith.constant 0 : i32
      %dma_wait3A_51 = arith.constant 0 : i32
      %dma_wait3A_52 = tpu.memref_slice %arg5[%dma_wait3A_50, %dma_wait3A_51] : memref<25088x128xi32, #tpu.memory_space<hbm>> -> memref<16x128xi32, #tpu.memory_space<hbm>>
      tpu.wait_dma2 semaphore(%arg17 : memref<!tpu.dma_semaphore, #tpu.memory_space<semaphore_mem>>) src(%arg13 : memref<16x128xi32, #tpu.memory_space<vmem>>) dst(%dma_wait3A_52 : memref<16x128xi32, #tpu.memory_space<hbm>>)
    } else {
    }
    return
  }
}

module attributes {stable_mosaic.version = 14 : i64} {
  func.func @_mm_body(%arg0: i32, %arg1: memref<5000x128xi32, #tpu.memory_space<vmem>>, %arg2: memref<2x128x128xf32, #tpu.memory_space<vmem>>, %arg3: memref<5000x128xf32, #tpu.memory_space<vmem>>) attributes {dimension_semantics = [#tpu.dimension_semantics<arbitrary>], iteration_bounds = array<i64: 5>, scalar_prefetch = 0 : i64, scratch_operands = 0 : i64, tpu.core_type = #tpu.core_type<tc>, window_params = [{transform_indices = @transform_0, window_bounds = array<i64: 5000, 128>}, {pipeline_mode = #tpu.pipeline_mode<synchronous>, transform_indices = @transform_1, window_bounds = array<i64: 2, 128, 128>}, {transform_indices = @transform_2, window_bounds = array<i64: 5000, 128>}]} {
    %get3A = arith.constant 0 : index
    %get3A_0 = arith.constant 0 : index
    %get3A_1 = vector.load %arg1[%get3A, %get3A_0] : memref<5000x128xi32, #tpu.memory_space<vmem>>, vector<5000x128xi32>
    %bitcast3A = tpu.bitcast %get3A_1 : vector<5000x128xi32> -> vector<10000x128xbf16>
    %reshape3A = vector.shape_cast %bitcast3A : vector<10000x128xbf16> to vector<5000x2x128xbf16>
    %get3A_2 = arith.constant 0 : index
    %get3A_3 = arith.constant 0 : index
    %get3A_4 = arith.constant 0 : index
    %get3A_5 = vector.load %arg2[%get3A_2, %get3A_3, %get3A_4] : memref<2x128x128xf32, #tpu.memory_space<vmem>>, vector<2x128x128xf32>
    %dot_general3A = arith.constant dense<0.000000e+00> : vector<2x5000x128xf32>
    %dot_general3A_6 = tpu.matmul %reshape3A, %get3A_5, %dot_general3A {dimension_numbers = #tpu.dot_dimension_numbers<[2], [1], [0], [2], [0, 1, 0, 0, 1, 2], [1], [0]>, transpose_lhs_hint = false} : vector<5000x2x128xbf16>, vector<2x128x128xf32>, vector<2x5000x128xf32> -> vector<2x5000x128xf32>
    %slice3A = vector.extract_strided_slice %dot_general3A_6 {offsets = [0, 0, 0], sizes = [1, 5000, 128], strides = [1, 1, 1]} : vector<2x5000x128xf32> to vector<1x5000x128xf32>
    %squeeze3A = vector.shape_cast %slice3A : vector<1x5000x128xf32> to vector<5000x128xf32>
    %slice3A_7 = vector.extract_strided_slice %dot_general3A_6 {offsets = [1, 0, 0], sizes = [1, 5000, 128], strides = [1, 1, 1]} : vector<2x5000x128xf32> to vector<1x5000x128xf32>
    %squeeze3A_8 = vector.shape_cast %slice3A_7 : vector<1x5000x128xf32> to vector<5000x128xf32>
    %add3A = arith.addf %squeeze3A, %squeeze3A_8 : vector<5000x128xf32>
    %max3A = arith.constant 0.000000e+00 : f32
    %max3A_9 = vector.broadcast %max3A : f32 to vector<5000x128xf32>
    %max3A_10 = arith.maximumf %add3A, %max3A_9 : vector<5000x128xf32>
    %swap3A = arith.constant 0 : index
    %swap3A_11 = arith.constant 0 : index
    %swap3A_12 = vector.load %arg3[%swap3A, %swap3A_11] : memref<5000x128xf32, #tpu.memory_space<vmem>>, vector<5000x128xf32>
    tpu.vector_store %arg3[%swap3A, %swap3A_11], %max3A_10 {strides = array<i32>} : memref<5000x128xf32, #tpu.memory_space<vmem>>, vector<5000x128xf32>,
    return
  }
  func.func @transform_0(%arg0: i32) -> (i32, i32) {
    %c0_i32 = arith.constant 0 : i32
    %c0_i32_0 = arith.constant 0 : i32
    return %arg0, %c0_i32 : i32, i32
  }
  func.func @transform_1(%arg0: i32) -> (i32, i32, i32) {
    %c0_i32 = arith.constant 0 : i32
    %c0_i32_0 = arith.constant 0 : i32
    %c0_i32_1 = arith.constant 0 : i32
    %c0_i32_2 = arith.constant 0 : i32
    return %c0_i32, %c0_i32_0, %c0_i32_1 : i32, i32, i32
  }
  func.func @transform_2(%arg0: i32) -> (i32, i32) {
    %c0_i32 = arith.constant 0 : i32
    %c0_i32_0 = arith.constant 0 : i32
    return %arg0, %c0_i32 : i32, i32
  }
}

</mosaic_0001>

<sc_bundles>
// kernel: kernel.4.cloned.1.call-start
scs
__scs_entry_jumppad:
0x0: {  	(pc) =	sbr.rel $0x88, $3  }
0x1: {  	(tag) =	ssettag $0x0;
	lr =	simm.s32 $0x1  }
0x2: {  	[smem:$0x3F9D] =	sst lr;
	_ =	strace $0xD0000000  }
0x3: {  	_ = 	snop  }
0x4: {  	_ = 	snop  }
0x5: {  	_ = 	snop  }
0x6: {  	_ = 	snop  }
0x7: {  	_ = 	snop  }
__scs_overlays_trampoline_lowered:
0x8: {  	[smem:$0x3FAC] =	sst s0  }
0x9: {  	[smem:$0x3FAD] =	sst s1  }
0xa: {  	[smem:$0x3FAE] =	sst s2  }
0xb: {  	[smem:$0x3FAF] =	sst s3  }
0xc: {  	[smem:$0x3FB0] =	sst s4  }
0xd: {  	[smem:$0x3FB1] =	sst s5  }
0xe: {  	[smem:$0x3FB2] =	sst s6  }
0xf: {  	[smem:$0x3FB3] =	sst s7  }
0x10: {  	[smem:$0x3FB4] =	sst s8  }
0x11: {  	[smem:$0x3FB5] =	sst s9;
	s0 =	simm.s32 @!p0 $0x0  }
0x12: {  	s1 =	sld [smem:$0x3F9B];
	s0 =	simm.s32 @p0 $0x1  }
0x13: {  	[smem:$0x3FB6] =	sst s0;
	s0 =	simm.s32 @!p1 $0x0  }
0x14: {  	s2 =	sld [smem:$0x3F9A];
	s0 =	simm.s32 @p1 $0x1  }
0x15: {  	[smem:$0x3FB7] =	sst s0;
	s0 =	simm.s32 @!p2 $0x0  }
0x16: {  	s3 =	sld [smem:$0x3FDB];
	s0 =	simm.s32 @p2 $0x1  }
0x17: {  	s4 =	simm.s32 $0x1BF5;
	[smem:$0x3FB9] =	sst s0  }
0x18: {  	s0 =	sld [smem:$0x3F9C];
	_ =	swait.ge [sflag:s4], $0x0  }
0x19: {  	s7 =	sld [smem:$0x3F9D]  }
0x1a: {  	s8 =	sadd.s32 $0xFFFFE003, lr  }
0x1b: {  	s9 =	sadd.s32 $0xFFFFFEF7, lr;
	s5 =	simm.s32 $0xFFFFFFFF;
	p2 =	slt.u32 s8, $0xFFFFF086  }
0x1c: {  	p1 =	slt.u32 s9, $0xF7A;
	s5 =	simm.s32 @!p2 $0x0  }
0x1d: {  	s5 =	simm.s32 @p1 $0x1;
	p0 =	seq.s32 s7, s2  }
0x1e: {  	s7 =	smul.u32 @!p0 $0xF7A, s2;
	p2 =	seq.s32 @!p0 s5, $0x0  }
0x1f: {  	s9 =	smul.u32 $0xF7A, s1;
	s8 =	simm.s32 @!p0 $0x1BF5;
	p2 =	por !p2, p0  }
0x20: {  	[sflag:s8] =	ssyncset.s32 @!p0 $0xFFFFF086;
	s6 =	sadd.s32 @!p0 s3, s7;
	s7 =	simm.s32 @!p0 $0x108  }
0x21: {  	s3 =	sadd.s32 s3, s9;
	s6 =	sadd.s32 @!p0 $0x88, s6;
	s7 =	simm.s32 @p2 $0x1082  }
0x22: {  	[simem:s7], [sflag:s8] =	dma.local @!p0 [hbm:s6], $0xF7A  }
0x23: {  	s9 =	sor.u32 $0xD0000000, s2;
	s6 =	simm.s32 $0x108;
	_ =	swait.ge @!p0 [sflag:s8], $0x0  }
0x24: {  	s3 =	sadd.s32 $0x88, s3;
	s6 =	simm.s32 @!p1 $0x1082;
	[sflag:s4] =	ssyncset.s32 $0xFFFFF086  }
0x25: {  	[simem:s6], [sflag:s4] =	dma.local [hbm:s3], $0xF7A  }
0x26: {  	[smem:$0x3F9D] =	sst s1;
	(tag) =	ssettag s2;
	_ =	strace s9  }
0x27: {  	s1 =	sld [smem:$0x3FAD]  }
0x28: {  	s2 =	sld [smem:$0x3FAE]  }
0x29: {  	s4 =	sld [smem:$0x3FB0]  }
0x2a: {  	p0 =	seq.s32 s5, $0x0;
	s5 =	sld [smem:$0x3FB1]  }
0x2b: {  	s6 =	sld [smem:$0x3FB2]  }
0x2c: {  	s7 =	sld [smem:$0x3FB3]  }
0x2d: {  	s3 =	simm.s32 $0x108;
	s8 =	sld [smem:$0x3FB4]  }
0x2e: {  	s3 =	simm.s32 @!p0 $0x1082;
	s9 =	sld [smem:$0x3FB5]  }
0x2f: {  	lr =	sadd.s32 s0, s3;
	s0 =	sld [smem:$0x3FAC]  }
0x30: {  	s3 =	sld [smem:$0x3FAF]  }
0x31: {  	[smem:$0x3FB8] =	sst s10  }
0x32: {  	s10 =	sld [smem:$0x3FB6];
	_ =	sdelay $0x3  }
0x33: {  	p0 =	seq.s32 s10, $0x1;
	s10 =	sld [smem:$0x3FB8];
	_ =	sdelay $0x3  }
0x34: {  	[smem:$0x3FB8] =	sst s10  }
0x35: {  	s10 =	sld [smem:$0x3FB7];
	_ =	sdelay $0x3  }
0x36: {  	p1 =	seq.s32 s10, $0x1;
	s10 =	sld [smem:$0x3FB8];
	_ =	sdelay $0x3  }
0x37: {  	[smem:$0x3FB8] =	sst s10  }
0x38: {  	s10 =	sld [smem:$0x3FB9]  }
0x39: {  	_ = 	snop;
	(pc) =	sbr.ind lr, $3  }
0x3a: {  	_ = 	snop  }
0x3b: {  	_ = 	snop  }
0x3c: {  	p2 =	seq.s32 s10, $0x1;
	s10 =	sld [smem:$0x3FB8]  }
0x3d: {  	_ =	shalt  }
0x3e: {  	_ =	shalt  }
0x3f: {  	_ =	shalt  }
0x40: {  	_ =	shalt  }
0x41: {  	_ =	shalt  }
0x42: {  	_ =	shalt  }
0x43: {  	_ =	shalt  }
0x44: {  	_ =	shalt  }
0x45: {  	_ =	shalt  }
0x46: {  	_ =	shalt  }
0x47: {  	_ =	shalt  }
0x48: {  	_ =	shalt  }
0x49: {  	_ =	shalt  }
0x4a: {  	_ =	shalt  }
0x4b: {  	_ =	shalt  }
0x4c: {  	_ =	shalt  }
0x4d: {  	_ =	shalt  }
0x4e: {  	_ =	shalt  }
0x4f: {  	_ =	shalt  }
0x50: {  	_ =	shalt  }
0x51: {  	_ =	shalt  }
0x52: {  	_ =	shalt  }
0x53: {  	_ =	shalt  }
0x54: {  	_ =	shalt  }
0x55: {  	_ =	shalt  }
0x56: {  	_ =	shalt  }
0x57: {  	_ =	shalt  }
0x58: {  	_ =	shalt  }
0x59: {  	_ =	shalt  }
0x5a: {  	_ =	shalt  }
0x5b: {  	_ =	shalt  }
0x5c: {  	_ =	shalt  }
0x5d: {  	_ =	shalt  }
0x5e: {  	_ =	shalt  }
0x5f: {  	_ =	shalt  }
0x60: {  	_ =	shalt  }
0x61: {  	_ =	shalt  }
0x62: {  	_ =	shalt  }
0x63: {  	_ =	shalt  }
0x64: {  	_ =	shalt  }
0x65: {  	_ =	shalt  }
0x66: {  	_ =	shalt  }
0x67: {  	_ =	shalt  }
0x68: {  	_ =	shalt  }
0x69: {  	_ =	shalt  }
0x6a: {  	_ =	shalt  }
0x6b: {  	_ =	shalt  }
0x6c: {  	_ =	shalt  }
0x6d: {  	_ =	shalt  }
0x6e: {  	_ =	shalt  }
0x6f: {  	_ =	shalt  }
0x70: {  	_ =	shalt  }
0x71: {  	_ =	shalt  }
0x72: {  	_ =	shalt  }
0x73: {  	_ =	shalt  }
0x74: {  	_ =	shalt  }
0x75: {  	_ =	shalt  }
0x76: {  	_ =	shalt  }
0x77: {  	_ =	shalt  }
0x78: {  	_ =	shalt  }
0x79: {  	_ =	shalt  }
0x7a: {  	_ =	shalt  }
0x7b: {  	_ =	shalt  }
0x7c: {  	_ =	shalt  }
0x7d: {  	_ =	shalt  }
0x7e: {  	_ =	shalt  }
0x7f: {  	_ =	shalt  }
0x80: {  	_ =	shalt  }
0x81: {  	_ =	shalt  }
0x82: {  	_ =	shalt  }
0x83: {  	_ =	shalt  }
0x84: {  	_ =	shalt  }
0x85: {  	_ =	shalt  }
0x86: {  	_ =	shalt  }
0x87: {  	_ =	shalt  }
.Lfunc_end0:
.L_simem_size_0:
called_computation_lowered:
.L_overlay_start_0:
0x88: {  	s2 =	sld [smem:$0x3FD9]  }
0x89: {  	s3 =	sld [smem:$0x3FFE];
	_ =	sdelay $0x1  }
0x8a: {  	s1 =	srdreg.scid  }
0x8b: {  	s0 =	sand.u32 $0x1, s1  }
0x8c: {  	s17 =	sshll.u32 s0, $0xA;
	s2 =	sadd.s32 s3, s2  }
0x8d: {  	s2 =	sadd.s32 s2, s17  }
0x8e: {  	[smem:$0x3FC4] =	sst s2  }
0x8f: {  	_ = 	snop  }
0x90: {  	s2 =	sld [smem:$0x3FC9]  }
0x91: {  	s18 =	sld [smem:$0x3FC7]  }
0x92: {  	s4 =	sld [smem:$0x3FD0];
	(tm) =	ssettm $0x1  }
0x93: {  	s5 =	sld [smem:$0x3FFB];
	_ =	sdelay $0x3  }
0x94: {  	_ =	strace s5  }
0x95: {  	s5 =	sld [smem:$0x3FFC];
	_ =	sdelay $0x3  }
0x96: {  	_ =	strace s5  }
0x97: {  	s5 =	sld [smem:$0x3FFD];
	_ =	sdelay $0x3  }
0x98: {  	_ =	strace s5  }
0x99: {  	_ =	strace $0x8FFFFFFF  }
0x9a: {  	s19 =	sld [smem:$0x3FDB];
	_ =	sdelay $0x1  }
0x9b: {  	s6 =	simm.s32 $_scs_section_size  }
0x9c: {  	s7 =	simm.s32 $_size__tile_overlayer_lowered;
	s8 =	simm.s32 $_tile_overlayer_lowered  }
0x9d: {  	s22 =	simm.s32 $0x1BFF;
	s21 =	sshll.u32 s8, $0x1;
	s5 =	sadd.s32 s6, s19  }
0x9e: {  	s9 =	simm.s32 $0x0;
	s20 =	sshll.u32 s7, $0x1;
	s7 =	sadd.s32 s21, s5  }
0x9f: {  	[timem:s9], [sflag:s22] =	dma.local [hbm:s7], s20  }
0xa0: {  	_ =	swait.ge [sflag:s22], s20  }
0xa1: {  	s6 =	ssub.s32 $0x0, s20;
	[sflag:s22] =	ssyncset.done $0x0  }
0xa2: {  	[sflag:s22] =	ssyncadd.s32 s6;
	_ =	sdelay $0x1  }
0xa3: {  	s23 =	simm.s32 $0x1B8B  }
0xa4: {  	_ =	swait.ge [sflag:s23], $0x1  }
0xa5: {  	[sflag:s23] =	ssyncset.done $0x0  }
0xa6: {  	s25 =	simm.s32 $0x1B8E;
	s24 =	sld [smem:$0x3FFE];
	[sflag:s23] =	ssyncadd.s32 $0xFFFFFFFF  }
0xa7: {  	s26 =	simm.s32 $execute0_lowered;
	[smem:$0x3FD2] =	sst s25  }
0xa8: {  	s7 =	sshll.u32 s26, $0x1;
	_ =	strace $0x80000046;
	[dreg:$0x1] =	wrdreg $0xFFFFFFFF  }
0xa9: {  	s28 =	simm.s32 $_size_execute0_lowered;
	s5 =	sadd.s32 s5, s7;
	[dreg:$0x0] =	wrdreg $0x0  }
0xaa: {  	s7 =	sshll.u32 s28, $0x1;
	[dreg:$0x2] =	wrdreg s5  }
0xab: {  	[dreg:$0x3] =	wrdreg s7  }
0xac: {  	[dreg:$0x4] =	wrdreg $0xC0  }
0xad: {  	_ =	task [dreg:s9], $0x5FFFF  }
0xae: {  	[dreg:$0x1] =	wrdreg $0xFFFFFFFF  }
0xaf: {  	[dreg:$0x0] =	wrdreg $0x60  }
0xb0: {  	[dreg:$0x2] =	wrdreg s18  }
0xb1: {  	[dreg:$0x3] =	wrdreg s2  }
0xb2: {  	[dreg:$0x4] =	wrdreg s4  }
0xb3: {  	[dreg:$0x5] =	wrdreg s24  }
0xb4: {  	[dreg:$0x6] =	wrdreg $0x9  }
0xb5: {  	_ =	task.clear_ibuf [dreg:s9], $0x7FFFF;
	_ =	strace $0x90000046  }
0xb6: {  	s29 =	simm.s32 $0x9;
	_ =	strace $0x80000048  }
0xb7: {  	_ =	swait.ge [sflag:s29], $0x1  }
0xb8: {  	[sflag:s29] =	ssyncadd.s32 $0xFFFFFFFF  }
0xb9: {  	_ =	strace $0x90000048  }
0xba: {  	_ =	sfence  }
0xbb: {  	s30 =	sld [smem:$0x0];
	_ =	sdelay $0x2  }
0xbc: {  	s31 =	sshll.u32 s1, $0xD;
	s1 =	sshrl.u32 s1, $0x2  }
0xbd: {  	s3 =	sand.u32 $0x4000, s31;
	s1 =	sadd.s32 s1, s30  }
0xbe: {  	s0 =	sor.u32 s3, s0;
	s1 =	sshll.u32 s1, $0x11  }
0xbf: {  	s0 =	sor.u32 s1, s0  }
0xc0: {  	s0 =	sadd.s32 $0x8F2B, s0  }
0xc1: {  	[sflag:s0] =	ssyncadd.remote.s32 $0x1  }
0xc2: {  	_ =	sfence.sel $0xFFFF  }
0xc3: {  	[dreg:$0x0] =	wrdreg $0xFFFFFFFF;
	(pc) =	sbr.abs _section_cstart, $3  }
0xc4: {  	[dreg:$0x1] =	wrdreg $0xFFFFFFFF  }
0xc5: {  	_ =	task.clear_ibuf [dreg:s9], $0x2FFFF;
	_ =	strace $0x9FFFFFFF  }
0xc6: {  	(tm) =	ssettm $0x7FFFFFFF  }
0xc7: {  	_ =	shalt  }
tec
execute0_lowered:
.L_overlay_start_1:
0x0: {  	(tag) =	ssettag $0x1  }
0x1: {  	s1 =	srdreg.scid  }
0x2: {  	s1 =	sand.u32 $0x1, s1  }
0x3: {  	s2 =	rddreg [dreg:$0x0];
	p0 =	seq.s32 s1, $0x1  }
.Ltmp0:
0x4: {  	s5 =	rddreg [dreg:$0x1];
	(pc) =	sbr.rel @p0 .LBB2_15-.Ltmp0, $4  }
0x5: {  	s4 =	rddreg [dreg:$0x2]  }
0x6: {  	s3 =	rddreg [dreg:$0x3];
	s6 =	simm.s32 $0x0  }
0x7: {  	[smem:$0x7FF] =	sst s6  }
0x8: {  	s0 =	rddreg [dreg:$0x4];
	_ =	strace $0x80000047;
	s1 =	stileid.u32  }
0x9: {  	p0 =	seq.s32 s1, $0xF  }
.Ltmp1:
0xa: {  	_ = 	snop;
	(pc) =	sbr.rel @!p0 .LBB2_16-.Ltmp1, $4  }
0xb: {  	_ = 	snop  }
0xc: {  	s7 =	smul.u32 $0x6200, s1  }
0xd: {  	s3 =	sadd.s32 $0xA00, s3  }
0xe: {  	s10 =	sadd.s32 s7, s3  }
0xf: {  	s5 =	sadd.s32 $0xB7C, s5;
	s4 =	sadd.s32 $0xE5B0, s4;
	v0 =	vimm.s32 $0x0  }
.LBB2_3:
0x10: {  	p0 =	sne.s32 s6, $0x1E9C0  }
.Ltmp2:
0x11: {  	_ = 	snop;
	(pc) =	sbr.rel @p0 .LBB2_3-.Ltmp2, $3  }
0x12: {  	_ =	sdelay $0x1  }
0x13: {  	s7 =	sshra.s32 s6, $0x2  }
0x14: {  	s6 =	sadd.s32 $0x40, s6;
	[tilespmem:s7+$0x680] =	vst v0  }
0x15: {  	v0 =	vimm.s32 $0x0;
	s6 =	simm.s32 $0x40;
	s7 =	simm.s32 $0x0  }
.LBB2_5:
0x16: {  	p0 =	sne.s32 s6, $0x1840;
	[tilespmem:s7+$0x0] =	vst v0;
	s7 =	smov.u32 s6;
	s6 =	sadd.s32 $0x40, s6  }
.Ltmp3:
0x17: {  	(pc) =	sbr.rel @p0 .LBB2_5-.Ltmp3, $2  }
0x18: {  	_ =	sdelay $0x2  }
0x19: {  	s7 =	sshra.s32 s7, $0x2  }
0x1a: {  	[tilespmem:s7+$0x0] =	vst v0;
	s6 =	simm.s32 $0x0;
	s30 =	simm.s32 $0x5  }
0x1b: {  	[tilespmem:s6], [sflag:$0x5] =	stream.linear.gather [hbm4b:s5+s6], $0x5C8, $0x38;
	[tilespmem:$0x1E100] =	vst v63  }
0x1c: {  	_ =	swait.ge [sflag:s30], $0x5C8  }
0x1d: {  	[sflag:s30] =	ssyncset.done $0x0  }
.Ltmp4:
0x1e: {  	s31 =	simm.s32 $0x680;
	[sflag:s30] =	ssyncadd.s32 $0xFFFFFA38;
	(pc) =	sbr.rel .LBB2_7-.Ltmp4, $4  }
0x1f: {  	[tilespmem:s31], [sflag:$0x5] =	stream.linear.gather [hbm4b:s4+s6], $0x73A0, $0x38;
	[tilespmem:$0x1E100] =	vst v63  }
0x20: {  	_ =	swait.ge [sflag:s30], $0x73A0  }
0x21: {  	[sflag:s30] =	ssyncset.done $0x0  }
0x22: {  	[sflag:s30] =	ssyncadd.s32 $0xFFFF8C60  }
.LBB2_16:
0x23: {  	s6 =	smul.u32 $0xC4, s1;
	_ =	sdelay $0x1  }
0x24: {  	s29 =	simm.s32 $0x0;
	s30 =	simm.s32 $0x5;
	s5 =	sadd.s32 s5, s6  }
0x25: {  	[tilespmem:s29], [sflag:$0x5] =	stream.linear.gather [hbm4b:s5+s29], $0x620, $0x38;
	[tilespmem:$0x1E100] =	vst v63  }
0x26: {  	s7 =	smul.u32 $0xF50, s1;
	_ =	swait.ge [sflag:s30], $0x620  }
0x27: {  	[sflag:s30] =	ssyncset.done $0x0  }
0x28: {  	s31 =	simm.s32 $0x680;
	s4 =	sadd.s32 s4, s7;
	[sflag:s30] =	ssyncadd.s32 $0xFFFFF9E0  }
0x29: {  	[tilespmem:s31], [sflag:$0x5] =	stream.linear.gather [hbm4b:s4+s29], $0x7A80, $0x38;
	[tilespmem:$0x1E100] =	vst v63  }
0x2a: {  	_ =	swait.ge [sflag:s30], $0x7A80  }
0x2b: {  	[sflag:s30] =	ssyncset.done $0x0  }
0x2c: {  	[sflag:s30] =	ssyncadd.s32 $0xFFFF8580  }
.LBB2_7:
0x2d: {  	s4 =	simm.s32 $0x140  }
0x2e: {  	s5 =	simm.s32 $0x680;
	s6 =	simm.s32 $0x8100;
	s7 =	simm.s32 $0x1C100  }
0x2f: {  	s8 =	simm.s32 $0x7C0;
	s9 =	simm.s32 $0x1C900;
	s10 =	sadd.s32 $0x100, s10  }
0x30: {  	[tilespmem:s6], [sflag:$0x1] =	stream.indirect.gather [hbm4b:s2+s4], $0x80, s5, s4, $0xb8;
	[tilespmem:$0x1E100] =	vst v63  }
0x31: {  	s11 =	simm.s32 $0x1;
	s5 =	simm.s32 $0x10;
	s6 =	simm.s32 $0x0  }
0x32: {  	[tilespmem:s7], [sflag:$0x1] =	stream.indirect.gather [hbm4b:s2+s5], $0x80, s6, s5, $0xb8;
	[tilespmem:$0x1E100] =	vst v63  }
0x33: {  	s12 =	simm.s32 $0x1D100;
	s13 =	simm.s32 $0x2;
	s7 =	simm.s32 $0x12100  }
0x34: {  	[tilespmem:s7], [sflag:$0x2] =	stream.indirect.gather [hbm4b:s2+s4], $0x80, s8, s4, $0xb8;
	[tilespmem:$0x1E100] =	vst v63  }
0x35: {  	s14 =	simm.s32 $0x1D900;
	s15 =	simm.s32 $0x0;
	s8 =	smul.u32 $0x31000, s1  }
0x36: {  	[tilespmem:s9], [sflag:$0x2] =	stream.indirect.gather [hbm4b:s2+s5], $0x80, s5, s5, $0xb8;
	[tilespmem:$0x1E100] =	vst v63  }
.LBB2_8:
0x37: {  	_ =	swait.ge [sflag:s11], $0xA000  }
0x38: {  	[sflag:s11] =	ssyncset.done $0x0  }
0x39: {  	[sflag:s11] =	ssyncadd.s32 $0xFFFF6000  }
0x3a: {  	_ =	swait.ge [sflag:s11], $0x800  }
0x3b: {  	p0 =	seq.s32 s15, $0x0;
	[sflag:s11] =	ssyncset.done $0x0  }
0x3c: {  	s17 =	simm.s32 @!p0 $0x3;
	[sflag:s11] =	ssyncadd.s32 $0xFFFFF800  }
0x3d: {  	_ =	swait.ge @!p0 [sflag:s17], $0x800  }
0x3e: {  	s16 =	sshll.u32 s15, $0x1;
	[sflag:s17] =	ssyncset.done @!p0 $0x0  }
0x3f: {  	s18 =	simm.s32 $0x0;
	[sflag:s17] =	ssyncadd.s32 @!p0 $0xFFFFF800;
	s17 =	simm.s32 $0x8600  }
.LBB2_9:
0x40: {  	v0 =	vld [tilespmem:s17+$0xFFFFFB00]  }
0x41: {  	v1 =	vld [tilespmem:s17+$0xFFFFFB10]  }
0x42: {  	v2 =	vld [tilespmem:s17+$0xFFFFFB20]  }
0x43: {  	v3 =	vld [tilespmem:s17+$0xFFFFFB30]  }
0x44: {  	v4 =	vld [tilespmem:s17+$0xFFFFFB40]  }
0x45: {  	v5 =	vld [tilespmem:s17+$0xFFFFFB50]  }
0x46: {  	v6 =	vld [tilespmem:s17+$0xFFFFFB60]  }
0x47: {  	v7 =	vld [tilespmem:s17+$0xFFFFFB70]  }
0x48: {  	v8 =	vld [tilespmem:s17+$0xFFFFFB80]  }
0x49: {  	v9 =	vld [tilespmem:s17+$0xFFFFFB90]  }
0x4a: {  	v10 =	vld [tilespmem:s17+$0xFFFFFBA0]  }
0x4b: {  	v11 =	vld [tilespmem:s17+$0xFFFFFBB0]  }
0x4c: {  	v12 =	vld [tilespmem:s17+$0xFFFFFBC0]  }
0x4d: {  	v13 =	vld [tilespmem:s17+$0xFFFFFBD0]  }
0x4e: {  	v14 =	vld [tilespmem:s17+$0xFFFFFBE0]  }
0x4f: {  	v15 =	vld [tilespmem:s17+$0xFFFFFBF0]  }
0x50: {  	v16 =	vld [tilespmem:s17+$0xFFFFFC00]  }
0x51: {  	v17 =	vld [tilespmem:s17+$0xFFFFFC10]  }
0x52: {  	v18 =	vld [tilespmem:s17+$0xFFFFFC20]  }
0x53: {  	v19 =	vld [tilespmem:s17+$0xFFFFFC30]  }
0x54: {  	v20 =	vld [tilespmem:s17+$0xFFFFFC40]  }
0x55: {  	v21 =	vld [tilespmem:s17+$0xFFFFFC50]  }
0x56: {  	v22 =	vld [tilespmem:s17+$0xFFFFFC60]  }
0x57: {  	v23 =	vld [tilespmem:s17+$0xFFFFFC70]  }
0x58: {  	v24 =	vld [tilespmem:s17+$0xFFFFFC80]  }
0x59: {  	v25 =	vld [tilespmem:s17+$0xFFFFFC90]  }
0x5a: {  	v26 =	vld [tilespmem:s17+$0xFFFFFCA0]  }
0x5b: {  	v27 =	vld [tilespmem:s17+$0xFFFFFCB0]  }
0x5c: {  	v28 =	vld [tilespmem:s17+$0xFFFFFCC0]  }
0x5d: {  	v29 =	vld [tilespmem:s17+$0xFFFFFCD0]  }
0x5e: {  	v30 =	vld [tilespmem:s17+$0xFFFFFCE0]  }
0x5f: {  	v31 =	vld [tilespmem:s17+$0xFFFFFCF0]  }
0x60: {  	v32 =	vld [tilespmem:s17+$0xFFFFFD00]  }
0x61: {  	v33 =	vld [tilespmem:s17+$0xFFFFFD10]  }
0x62: {  	v34 =	vld [tilespmem:s17+$0xFFFFFD20]  }
0x63: {  	v35 =	vld [tilespmem:s17+$0xFFFFFD30]  }
0x64: {  	v36 =	vld [tilespmem:s17+$0xFFFFFD40]  }
0x65: {  	v37 =	vld [tilespmem:s17+$0xFFFFFD50]  }
0x66: {  	v38 =	vld [tilespmem:s17+$0xFFFFFD60]  }
0x67: {  	v39 =	vld [tilespmem:s17+$0xFFFFFD70]  }
0x68: {  	v40 =	vld [tilespmem:s17+$0xFFFFFD80]  }
0x69: {  	v41 =	vld [tilespmem:s17+$0xFFFFFD90]  }
0x6a: {  	v63 =	vld [tilespmem:s17+$0xFFFFFEF0]  }
0x6b: {  	v42 =	vld [tilespmem:s17+$0xFFFFFDA0]  }
0x6c: {  	v43 =	vld [tilespmem:s17+$0xFFFFFDB0]  }
0x6d: {  	v44 =	vld [tilespmem:s17+$0xFFFFFDC0]  }
0x6e: {  	v45 =	vld [tilespmem:s17+$0xFFFFFDD0]  }
0x6f: {  	[tilespmem:$0x1FE70] =	vst v63;
	v63 =	vld [tilespmem:s17+$0xFFFFFF00]  }
0x70: {  	v46 =	vld [tilespmem:s17+$0xFFFFFDE0]  }
0x71: {  	v47 =	vld [tilespmem:s17+$0xFFFFFDF0]  }
0x72: {  	v48 =	vld [tilespmem:s17+$0xFFFFFE00]  }
0x73: {  	v49 =	vld [tilespmem:s17+$0xFFFFFE10]  }
0x74: {  	[tilespmem:$0x1FE80] =	vst v63;
	v63 =	vld [tilespmem:s17+$0xFFFFFF10]  }
0x75: {  	v50 =	vld [tilespmem:s17+$0xFFFFFE20]  }
0x76: {  	v51 =	vld [tilespmem:s17+$0xFFFFFE30]  }
0x77: {  	v52 =	vld [tilespmem:s17+$0xFFFFFE40]  }
0x78: {  	v53 =	vld [tilespmem:s17+$0xFFFFFE50]  }
0x79: {  	[tilespmem:$0x1FE90] =	vst v63;
	v63 =	vld [tilespmem:s17+$0xFFFFFF20]  }
0x7a: {  	v54 =	vld [tilespmem:s17+$0xFFFFFE60]  }
0x7b: {  	v55 =	vld [tilespmem:s17+$0xFFFFFE70]  }
0x7c: {  	v56 =	vld [tilespmem:s17+$0xFFFFFE80]  }
0x7d: {  	v57 =	vld [tilespmem:s17+$0xFFFFFE90]  }
0x7e: {  	[tilespmem:$0x1FEA0] =	vst v63;
	v63 =	vld [tilespmem:s17+$0xFFFFFF30]  }
0x7f: {  	v58 =	vld [tilespmem:s17+$0xFFFFFEA0]  }
0x80: {  	v59 =	vld [tilespmem:s17+$0xFFFFFEB0]  }
0x81: {  	v60 =	vld [tilespmem:s17+$0xFFFFFEC0]  }
0x82: {  	v61 =	vld [tilespmem:s17+$0xFFFFFED0]  }
0x83: {  	[tilespmem:$0x1FEB0] =	vst v63;
	v63 =	vld [tilespmem:s17+$0xFFFFFF40]  }
0x84: {  	v62 =	vld [tilespmem:s17+$0xFFFFFEE0]  }
0x85: {  	v0 =	vadd.f32 v8, v0;
	v8 =	vld [tilespmem:s17+$0x80]  }
0x86: {  	v1 =	vadd.f32 v9, v1;
	v9 =	vld [tilespmem:s17+$0x90]  }
0x87: {  	v2 =	vadd.f32 v10, v2;
	v10 =	vld [tilespmem:s17+$0xA0]  }
0x88: {  	[tilespmem:$0x1FEC0] =	vst v63;
	v63 =	vld [tilespmem:s17+$0xFFFFFF50]  }
0x89: {  	v3 =	vadd.f32 v11, v3;
	v11 =	vld [tilespmem:s17+$0xB0]  }
0x8a: {  	v4 =	vadd.f32 v12, v4;
	v12 =	vld [tilespmem:s17+$0xC0]  }
0x8b: {  	v5 =	vadd.f32 v13, v5;
	v13 =	vld [tilespmem:s17+$0xD0]  }
0x8c: {  	v6 =	vadd.f32 v14, v6;
	v14 =	vld [tilespmem:s17+$0xE0]  }
0x8d: {  	[tilespmem:$0x1FED0] =	vst v63;
	v63 =	vld [tilespmem:s17+$0xFFFFFF60]  }
0x8e: {  	v7 =	vadd.f32 v15, v7;
	v15 =	vld [tilespmem:s17+$0xF0]  }
0x8f: {  	v0 =	vadd.f32 v16, v0;
	v16 =	vld [tilespmem:s17+$0x100]  }
0x90: {  	v1 =	vadd.f32 v17, v1;
	v17 =	vld [tilespmem:s17+$0x110]  }
0x91: {  	v2 =	vadd.f32 v18, v2;
	v18 =	vld [tilespmem:s17+$0x120]  }
0x92: {  	[tilespmem:$0x1FEE0] =	vst v63;
	v63 =	vld [tilespmem:s17+$0xFFFFFF70]  }
0x93: {  	v3 =	vadd.f32 v19, v3;
	v19 =	vld [tilespmem:s17+$0x130]  }
0x94: {  	v4 =	vadd.f32 v20, v4;
	v20 =	vld [tilespmem:s17+$0x140]  }
0x95: {  	v5 =	vadd.f32 v21, v5;
	v21 =	vld [tilespmem:s17+$0x150]  }
0x96: {  	v6 =	vadd.f32 v22, v6;
	v22 =	vld [tilespmem:s17+$0x160]  }
0x97: {  	[tilespmem:$0x1FEF0] =	vst v63;
	v63 =	vld [tilespmem:s17+$0xFFFFFF80]  }
0x98: {  	v7 =	vadd.f32 v23, v7;
	v23 =	vld [tilespmem:s17+$0x170]  }
0x99: {  	v0 =	vadd.f32 v24, v0;
	v24 =	vld [tilespmem:s17+$0x180]  }
0x9a: {  	v1 =	vadd.f32 v25, v1;
	v25 =	vld [tilespmem:s17+$0x190]  }
0x9b: {  	v2 =	vadd.f32 v26, v2;
	v26 =	vld [tilespmem:s17+$0x1A0]  }
0x9c: {  	[tilespmem:$0x1FF00] =	vst v63;
	v63 =	vld [tilespmem:s17+$0xFFFFFF90]  }
0x9d: {  	v3 =	vadd.f32 v27, v3;
	v27 =	vld [tilespmem:s17+$0x1B0]  }
0x9e: {  	v4 =	vadd.f32 v28, v4;
	v28 =	vld [tilespmem:s17+$0x1C0]  }
0x9f: {  	v5 =	vadd.f32 v29, v5;
	v29 =	vld [tilespmem:s17+$0x1D0]  }
0xa0: {  	v6 =	vadd.f32 v30, v6;
	v30 =	vld [tilespmem:s17+$0x1E0]  }
0xa1: {  	[tilespmem:$0x1FF10] =	vst v63;
	v63 =	vld [tilespmem:s17+$0xFFFFFFA0]  }
0xa2: {  	v7 =	vadd.f32 v31, v7;
	v31 =	vld [tilespmem:s17+$0x1F0]  }
0xa3: {  	v0 =	vadd.f32 v32, v0;
	v32 =	vld [tilespmem:s17+$0x200]  }
0xa4: {  	v1 =	vadd.f32 v33, v1;
	v33 =	vld [tilespmem:s17+$0x210]  }
0xa5: {  	v2 =	vadd.f32 v34, v2;
	v34 =	vld [tilespmem:s17+$0x220]  }
0xa6: {  	[tilespmem:$0x1FF20] =	vst v63;
	v63 =	vld [tilespmem:s17+$0xFFFFFFB0]  }
0xa7: {  	v3 =	vadd.f32 v35, v3;
	v35 =	vld [tilespmem:s17+$0x230]  }
0xa8: {  	v4 =	vadd.f32 v36, v4;
	v36 =	vld [tilespmem:s17+$0x240]  }
0xa9: {  	v5 =	vadd.f32 v37, v5;
	v37 =	vld [tilespmem:s17+$0x250]  }
0xaa: {  	v6 =	vadd.f32 v38, v6;
	v38 =	vld [tilespmem:s17+$0x260]  }
0xab: {  	[tilespmem:$0x1FF30] =	vst v63;
	v63 =	vld [tilespmem:s17+$0xFFFFFFC0]  }
0xac: {  	v7 =	vadd.f32 v39, v7;
	v39 =	vld [tilespmem:s17+$0x270]  }
0xad: {  	v6 =	vadd.f32 v46, v6;
	v46 =	vld [tilespmem:$0x1FE70]  }
0xae: {  	v7 =	vadd.f32 v47, v7;
	v47 =	vld [tilespmem:$0x1FE80]  }
0xaf: {  	v0 =	vadd.f32 v40, v0;
	v40 =	vld [tilespmem:s17+$0x280]  }
0xb0: {  	[tilespmem:$0x1FF40] =	vst v63;
	v63 =	vld [tilespmem:s17+$0xFFFFFFD0]  }
0xb1: {  	v1 =	vadd.f32 v41, v1;
	v41 =	vld [tilespmem:s17+$0x290]  }
0xb2: {  	v2 =	vadd.f32 v42, v2;
	v42 =	vld [tilespmem:s17+$0x2A0]  }
0xb3: {  	v3 =	vadd.f32 v43, v3;
	v43 =	vld [tilespmem:s17+$0x2B0]  }
0xb4: {  	v4 =	vadd.f32 v44, v4;
	v44 =	vld [tilespmem:s17+$0x2C0]  }
0xb5: {  	v0 =	vadd.f32 v48, v0;
	[tilespmem:$0x1FF50] =	vst v63;
	v63 =	vld [tilespmem:s17+$0xFFFFFFE0]  }
0xb6: {  	v5 =	vadd.f32 v45, v5;
	v45 =	vld [tilespmem:s17+$0x2D0];
	v7 =	vadd.f32 v55, v7  }
0xb7: {  	v48 =	vld [tilespmem:$0x1FE90];
	v0 =	vadd.f32 v56, v0  }
0xb8: {  	v7 =	vadd.f32 v46, v7;
	v46 =	vld [tilespmem:s17+$0x2E0]  }
0xb9: {  	v0 =	vadd.f32 v47, v0;
	v47 =	vld [tilespmem:s17+$0x2F0]  }
0xba: {  	[tilespmem:$0x1FF60] =	vst v63;
	v63 =	vld [tilespmem:s17+$0xFFFFFFF0]  }
0xbb: {  	v1 =	vadd.f32 v49, v1;
	v49 =	vld [tilespmem:$0x1FEA0]  }
0xbc: {  	v2 =	vadd.f32 v50, v2;
	v50 =	vld [tilespmem:$0x1FEB0]  }
0xbd: {  	v3 =	vadd.f32 v51, v3;
	v51 =	vld [tilespmem:$0x1FEC0]  }
0xbe: {  	v4 =	vadd.f32 v52, v4;
	v52 =	vld [tilespmem:$0x1FED0]  }
0xbf: {  	[tilespmem:$0x1FF70] =	vst v63;
	v63 =	vld [tilespmem:s17+$0x0]  }
0xc0: {  	v5 =	vadd.f32 v53, v5;
	v53 =	vld [tilespmem:$0x1FEE0]  }
0xc1: {  	v55 =	vld [tilespmem:$0x1FF00]  }
0xc2: {  	v6 =	vadd.f32 v54, v6;
	v54 =	vld [tilespmem:$0x1FEF0]  }
0xc3: {  	v56 =	vld [tilespmem:$0x1FF10]  }
0xc4: {  	v1 =	vadd.f32 v57, v1;
	[tilespmem:$0x1FF80] =	vst v63;
	v63 =	vld [tilespmem:s17+$0x10]  }
0xc5: {  	v2 =	vadd.f32 v58, v2;
	v57 =	vld [tilespmem:$0x1FF20]  }
0xc6: {  	v1 =	vadd.f32 v48, v1;
	v0 =	vadd.f32 v55, v0;
	v55 =	vld [tilespmem:s17+$0x300]  }
0xc7: {  	v3 =	vadd.f32 v59, v3;
	v58 =	vld [tilespmem:$0x1FF30]  }
0xc8: {  	v2 =	vadd.f32 v49, v2;
	v1 =	vadd.f32 v56, v1;
	v56 =	vld [tilespmem:s17+$0x320]  }
0xc9: {  	[tilespmem:$0x1FF90] =	vst v63;
	v63 =	vld [tilespmem:s17+$0x20]  }
0xca: {  	v3 =	vadd.f32 v50, v3;
	v2 =	vadd.f32 v57, v2;
	v57 =	vld [tilespmem:s17+$0x340]  }
0xcb: {  	v59 =	vld [tilespmem:$0x1FF40]  }
0xcc: {  	v4 =	vadd.f32 v60, v4;
	v3 =	vadd.f32 v58, v3;
	v58 =	vld [tilespmem:s17+$0x350]  }
0xcd: {  	v60 =	vld [tilespmem:$0x1FF50]  }
0xce: {  	v4 =	vadd.f32 v51, v4;
	[tilespmem:$0x1FFA0] =	vst v63;
	v63 =	vld [tilespmem:s17+$0x30]  }
0xcf: {  	v48 =	vld [tilespmem:$0x1FF90]  }
0xd0: {  	v4 =	vadd.f32 v59, v4;
	v59 =	vld [tilespmem:s17+$0x360]  }
0xd1: {  	v5 =	vadd.f32 v61, v5;
	v61 =	vld [tilespmem:$0x1FF60]  }
0xd2: {  	v6 =	vadd.f32 v62, v6;
	v62 =	vld [tilespmem:$0x1FF70]  }
0xd3: {  	v5 =	vadd.f32 v52, v5;
	[tilespmem:$0x1FFB0] =	vst v63;
	v63 =	vld [tilespmem:s17+$0x40]  }
0xd4: {  	v6 =	vadd.f32 v53, v6;
	v1 =	vadd.f32 v48, v1;
	v49 =	vld [tilespmem:$0x1FFA0]  }
0xd5: {  	v5 =	vadd.f32 v60, v5;
	v60 =	vld [tilespmem:s17+$0x370]  }
0xd6: {  	v6 =	vadd.f32 v61, v6;
	v61 =	vld [tilespmem:s17+$0x380];
	v1 =	vadd.f32 v9, v1  }
0xd7: {  	v7 =	vadd.f32 v54, v7;
	v50 =	vld [tilespmem:$0x1FFB0]  }
0xd8: {  	v1 =	vadd.f32 v17, v1;
	[tilespmem:$0x1FFC0] =	vst v63;
	v63 =	vld [tilespmem:s17+$0x50]  }
0xd9: {  	v7 =	vadd.f32 v62, v7;
	v62 =	vld [tilespmem:s17+$0x390];
	v2 =	vadd.f32 v49, v2  }
0xda: {  	v1 =	vadd.f32 v25, v1;
	v51 =	vld [tilespmem:$0x1FFC0]  }
0xdb: {  	v9 =	vld [tilespmem:s17+$0x310];
	v2 =	vadd.f32 v10, v2  }
0xdc: {  	v48 =	vld [tilespmem:s17+$0x3D0];
	v1 =	vadd.f32 v33, v1;
	v3 =	vadd.f32 v50, v3  }
0xdd: {  	v2 =	vadd.f32 v18, v2;
	[tilespmem:$0x1FFD0] =	vst v63;
	v63 =	vld [tilespmem:s17+$0x60]  }
0xde: {  	v1 =	vadd.f32 v41, v1;
	v3 =	vadd.f32 v11, v3;
	v52 =	vld [tilespmem:$0x1FFD0]  }
0xdf: {  	v49 =	vld [tilespmem:s17+$0x3E0];
	v2 =	vadd.f32 v26, v2;
	v4 =	vadd.f32 v51, v4  }
0xe0: {  	v50 =	vld [tilespmem:s17+$0x3F0];
	v1 =	vadd.f32 v9, v1;
	v3 =	vadd.f32 v19, v3  }
0xe1: {  	v11 =	vld [tilespmem:s17+$0x330];
	v2 =	vadd.f32 v34, v2;
	v4 =	vadd.f32 v12, v4  }
0xe2: {  	v1 =	vadd.f32 v62, v1;
	v3 =	vadd.f32 v27, v3;
	[tilespmem:$0x1FFE0] =	vst v63;
	v63 =	vld [tilespmem:s17+$0x70]  }
0xe3: {  	v4 =	vadd.f32 v20, v4;
	v5 =	vadd.f32 v52, v5;
	v53 =	vld [tilespmem:$0x1FFE0]  }
0xe4: {  	v62 =	vld [tilespmem:s17+$0x4B0];
	v2 =	vadd.f32 v42, v2;
	v3 =	vadd.f32 v35, v3  }
0xe5: {  	v52 =	vld [tilespmem:s17+$0x410];
	v4 =	vadd.f32 v28, v4;
	v5 =	vadd.f32 v13, v5  }
0xe6: {  	v2 =	vadd.f32 v56, v2;
	v56 =	vld [tilespmem:s17+$0x450];
	v3 =	vadd.f32 v43, v3  }
0xe7: {  	v4 =	vadd.f32 v36, v4;
	[tilespmem:$0x1FFF0] =	vst v63;
	v63 =	vld [tilespmem:$0x1FF80];
	v5 =	vadd.f32 v21, v5  }
0xe8: {  	s19 =	sshra.s32 s18, $0x2;
	v3 =	vadd.f32 v11, v3;
	v6 =	vadd.f32 v53, v6;
	v54 =	vld [tilespmem:$0x1FFF0]  }
0xe9: {  	v20 =	vld [tilespmem:s19+$0x1C100];
	v4 =	vadd.f32 v44, v4;
	v5 =	vadd.f32 v29, v5  }
0xea: {  	v43 =	vld [tilespmem:s19+$0x1C150];
	v1 =	vadd.f32 v52, v1;
	v6 =	vadd.f32 v14, v6  }
0xeb: {  	v36 =	vld [tilespmem:s19+$0x1C130];
	v4 =	vadd.f32 v57, v4;
	v5 =	vadd.f32 v37, v5  }
0xec: {  	v0 =	vadd.f32 v63, v0;
	v6 =	vadd.f32 v22, v6;
	v63 =	vld [tilespmem:s17+$0x3A0]  }
0xed: {  	v29 =	vld [tilespmem:s19+$0x1C120];
	v7 =	vadd.f32 v54, v7;
	v5 =	vadd.f32 v45, v5  }
0xee: {  	v53 =	vld [tilespmem:s17+$0x420];
	v0 =	vadd.f32 v8, v0;
	v6 =	vadd.f32 v30, v6  }
0xef: {  	v25 =	vshrl.u32 v20, $0x10;
	v30 =	vld [tilespmem:s17+$0x3B0];
	v7 =	vadd.f32 v15, v7;
	v5 =	vadd.f32 v58, v5  }
0xf0: {  	v21 =	vld [tilespmem:s17+$0x4D0];
	v26 =	vand.u32 $0x1, v25;
	v0 =	vadd.f32 v16, v0;
	v6 =	vadd.f32 v38, v6  }
0xf1: {  	v54 =	vld [tilespmem:s17+$0x430];
	v8 =	vadd.s32 v26, v20;
	v7 =	vadd.f32 v23, v7;
	v2 =	vadd.f32 v63, v2  }
0xf2: {  	v45 =	vld [tilespmem:s19+$0x1C160];
	v34 =	vshrl.u32 v29, $0x10;
	v5 =	vadd.f32 v48, v5;
	v0 =	vadd.f32 v24, v0  }
0xf3: {  	v37 =	vld [tilespmem:s19+$0x1C140];
	v8 =	vadd.s32 $0x7FFF, v8;
	v6 =	vadd.f32 v46, v6;
	v7 =	vadd.f32 v31, v7  }
0xf4: {  	v8 =	vshrl.u32 v8, $0x10;
	v24 =	vld [tilespmem:s19+$0x1C110];
	v3 =	vadd.f32 v30, v3;
	v2 =	vadd.f32 v53, v2  }
0xf5: {  	v51 =	vld [tilespmem:s17+$0x400];
	v38 =	vshrl.u32 v36, $0x10;
	v5 =	vadd.f32 v56, v5;
	v0 =	vadd.f32 v32, v0  }
0xf6: {  	v57 =	vld [tilespmem:s17+$0x460];
	v46 =	vshrl.u32 v43, $0x10;
	v6 =	vadd.f32 v59, v6;
	v7 =	vadd.f32 v39, v7  }
0xf7: {  	v48 =	vshrl.u32 v45, $0x10;
	v32 =	vld [tilespmem:s17+$0x3C0];
	v3 =	vadd.f32 v54, v3;
	v5 =	vadd.f32 v21, v5  }
0xf8: {  	v22 =	vld [tilespmem:s17+$0x4E0];
	v0 =	vadd.f32 v40, v0;
	v6 =	vadd.f32 v49, v6;
	v40 =	vshrl.u32 v37, $0x10  }
0xf9: {  	v58 =	vld [tilespmem:s17+$0x470];
	v7 =	vadd.f32 v47, v7;
	v3 =	vadd.f32 v62, v3;
	v30 =	vshrl.u32 v24, $0x10  }
0xfa: {  	v63 =	vld [tilespmem:s17+$0x4C0];
	v41 =	vand.u32 $0x1, v40;
	v5 =	vmul.f32 $5.000000070e-02, v5;
	v0 =	vadd.f32 v55, v0  }
0xfb: {  	v59 =	vld [tilespmem:s17+$0x480];
	v6 =	vadd.f32 v57, v6;
	v10 =	vand.u32 $0x1, v30;
	v7 =	vadd.f32 v60, v7  }
0xfc: {  	v55 =	vld [tilespmem:s17+$0x440];
	v4 =	vadd.f32 v32, v4;
	v10 =	vadd.s32 v10, v24;
	v3 =	vmul.f32 $5.000000070e-02, v3  }
0xfd: {  	v49 =	vld [tilespmem:s19+$0x1C170];
	v47 =	vshrl.u32 v5, $0x10;
	v0 =	vadd.f32 v61, v0;
	v6 =	vadd.f32 v22, v6  }
0xfe: {  	v60 =	vld [tilespmem:s17+$0x490];
	v32 =	vadd.s32 $0x7FFF, v10;
	v10 =	vand.u32 $0x1, v34;
	v7 =	vadd.f32 v50, v7  }
0xff: {  	v61 =	vld [tilespmem:s17+$0x4A0];
	v9 =	vadd.s32 v10, v29;
	v39 =	vshrl.u32 v3, $0x10;
	v10 =	vand.u32 $0x1, v48  }
0x100: {  	v23 =	vld [tilespmem:s17+$0x4F0];
	v0 =	vadd.f32 v51, v0;
	v9 =	vadd.s32 $0x7FFF, v9;
	v50 =	vadd.s32 v10, v45  }
0x101: {  	v6 =	vmul.f32 $5.000000070e-02, v6;
	v4 =	vadd.f32 v55, v4;
	v7 =	vadd.f32 v58, v7  }
0x102: {  	v9 =	vshrl.u32 v9, $0x10;
	v55 =	vshrl.u32 v49, $0x10;
	v0 =	vadd.f32 v59, v0  }
0x103: {  	v1 =	vadd.f32 v60, v1;
	v53 =	vshrl.u32 v6, $0x10;
	v57 =	vand.u32 $0x1, v55  }
0x104: {  	v2 =	vadd.f32 v61, v2;
	v4 =	vadd.f32 v63, v4;
	v0 =	vmul.f32 $5.000000070e-02, v0  }
0x105: {  	v7 =	vadd.f32 v23, v7;
	v54 =	vand.u32 $0x1, v53;
	v1 =	vmul.f32 $5.000000070e-02, v1  }
0x106: {  	v2 =	vmul.f32 $5.000000070e-02, v2;
	v4 =	vmul.f32 $5.000000070e-02, v4;
	v27 =	vshrl.u32 v0, $0x10  }
0x107: {  	v7 =	vmul.f32 $5.000000070e-02, v7;
	v31 =	vshrl.u32 v1, $0x10;
	v28 =	vand.u32 $0x1, v27  }
0x108: {  	v33 =	vand.u32 $0x1, v31;
	v35 =	vshrl.u32 v2, $0x10;
	v42 =	vshrl.u32 v4, $0x10  }
0x109: {  	v56 =	vshrl.u32 v7, $0x10;
	v0 =	vadd.s32 v28, v0;
	v1 =	vadd.s32 v33, v1  }
0x10a: {  	v11 =	vand.u32 $0x1, v35;
	v44 =	vand.u32 $0x1, v42;
	v58 =	vand.u32 $0x1, v56  }
0x10b: {  	v0 =	vadd.s32 $0x7FFF, v0;
	v1 =	vadd.s32 $0x7FFF, v1;
	v2 =	vadd.s32 v11, v2  }
0x10c: {  	v4 =	vadd.s32 v44, v4;
	v59 =	vadd.s32 v58, v7;
	v0 =	vand.u32 $0xFFFF0000, v0  }
0x10d: {  	v1 =	vand.u32 $0xFFFF0000, v1;
	v2 =	vadd.s32 $0x7FFF, v2;
	v4 =	vadd.s32 $0x7FFF, v4  }
0x10e: {  	v0 =	vor.u32 v0, v8;
	v8 =	vshrl.u32 v32, $0x10;
	v2 =	vand.u32 $0xFFFF0000, v2  }
0x10f: {  	v4 =	vand.u32 $0xFFFF0000, v4;
	v1 =	vor.u32 v1, v8;
	v8 =	vand.u32 $0x1, v38  }
0x110: {  	v2 =	vor.u32 v2, v9;
	v9 =	vand.u32 $0x1, v39;
	v8 =	vadd.s32 v8, v36  }
0x111: {  	v3 =	vadd.s32 v9, v3;
	v9 =	vadd.s32 v41, v37;
	[tilespmem:s19+$0x1D110] =	vst v1;
	v1 =	vadd.s32 v54, v6  }
0x112: {  	[tilespmem:s19+$0x1D120] =	vst v2;
	v2 =	vadd.s32 v57, v49;
	v8 =	vadd.s32 $0x7FFF, v8;
	v3 =	vadd.s32 $0x7FFF, v3  }
0x113: {  	v9 =	vadd.s32 $0x7FFF, v9;
	v1 =	vadd.s32 $0x7FFF, v1;
	v2 =	vadd.s32 $0x7FFF, v2  }
0x114: {  	v8 =	vshrl.u32 v8, $0x10;
	v3 =	vand.u32 $0xFFFF0000, v3;
	v9 =	vshrl.u32 v9, $0x10  }
0x115: {  	v1 =	vand.u32 $0xFFFF0000, v1;
	v61 =	vshrl.u32 v2, $0x10;
	v3 =	vor.u32 v3, v8  }
0x116: {  	v4 =	vor.u32 v4, v9;
	v8 =	vand.u32 $0x1, v46;
	v9 =	vand.u32 $0x1, v47  }
0x117: {  	p1 =	sne.s32 s18, $0x1E00;
	[tilespmem:s19+$0x1D100] =	vst v0;
	v8 =	vadd.s32 v8, v43;
	v5 =	vadd.s32 v9, v5;
	v9 =	vadd.s32 $0x7FFF, v50  }
.Ltmp5:
0x118: {  	[tilespmem:s19+$0x1D130] =	vst v3;
	v3 =	vadd.s32 $0x7FFF, v59;
	v8 =	vadd.s32 $0x7FFF, v8;
	v52 =	vshrl.u32 v9, $0x10;
	(pc) =	sbr.rel @p1 .LBB2_9-.Ltmp5, $4  }
0x119: {  	[tilespmem:s19+$0x1D140] =	vst v4;
	v5 =	vadd.s32 $0x7FFF, v5;
	v62 =	vand.u32 $0xFFFF0000, v3;
	v60 =	vor.u32 v1, v52  }
0x11a: {  	v8 =	vshrl.u32 v8, $0x10;
	v5 =	vand.u32 $0xFFFF0000, v5;
	v63 =	vor.u32 v62, v61;
	[tilespmem:s19+$0x1D160] =	vst v60  }
0x11b: {  	v51 =	vor.u32 v5, v8;
	[tilespmem:s19+$0x1D170] =	vst v63  }
0x11c: {  	s18 =	sadd.s32 $0x200, s18;
	s17 =	sadd.s32 $0xA00, s17;
	[tilespmem:s19+$0x1D150] =	vst v51  }
0x11d: {  	s17 =	sshll.u32 s15, $0xC  }
0x11e: {  	p1 =	seq.s32 s15, $0x30;
	s17 =	sadd.s32 s8, s17  }
0x11f: {  	s18 =	sadd.s32 @!p1 $0x2, s16;
	s17 =	sshrl.u32 s17, $0x3  }
0x120: {  	s19 =	smul.u32 @!p1 $0x500, s18;
	s17 =	sadd.s32 s3, s17  }
0x121: {  	[hbm4b:s17+s6] =	stream.linear.scatter [tilespmem:s12], [sflag:$0x3], $0x800, $0x38;
	[tilespmem:$0x1E100] =	vst v63  }
0x122: {  	s17 =	sshra.s32 @!p1 s19, $0x2  }
0x123: {  	s20 =	simm.s32 @!p1 $0x8100;
	s19 =	simm.s32 @!p1 $0x140;
	s17 =	sadd.s32 @!p1 $0x680, s17  }
0x124: {  	[tilespmem:s20], [sflag:$0x1] =	stream.indirect.gather @!p1 [hbm4b:s2+s19], $0x80, s17, s19, $0xb8;
	[tilespmem:$0x1E100] =	vst v63  }
0x125: {  	s17 =	sshll.u32 @!p1 s18, $0x4  }
0x126: {  	s18 =	simm.s32 @!p1 $0x10;
	s19 =	simm.s32 @!p1 $0x1C100;
	s17 =	sand.u32 @!p1 $0x3FFFFFF0, s17  }
0x127: {  	[tilespmem:s19], [sflag:$0x1] =	stream.indirect.gather @!p1 [hbm4b:s2+s18], $0x80, s17, s18, $0xb8;
	[tilespmem:$0x1E100] =	vst v63  }
0x128: {  	_ =	swait.ge [sflag:s13], $0xA000  }
0x129: {  	[sflag:s13] =	ssyncset.done $0x0  }
0x12a: {  	[sflag:s13] =	ssyncadd.s32 $0xFFFF6000  }
0x12b: {  	_ =	swait.ge [sflag:s13], $0x800  }
0x12c: {  	[sflag:s13] =	ssyncset.done $0x0  }
0x12d: {  	s17 =	simm.s32 @!p0 $0x4;
	[sflag:s13] =	ssyncadd.s32 $0xFFFFF800  }
0x12e: {  	_ =	swait.ge @!p0 [sflag:s17], $0x800  }
0x12f: {  	[sflag:s17] =	ssyncset.done @!p0 $0x0  }
0x130: {  	s18 =	simm.s32 $0x12600;
	[sflag:s17] =	ssyncadd.s32 @!p0 $0xFFFFF800;
	s17 =	simm.s32 $0x0  }
.LBB2_11:
0x131: {  	v0 =	vld [tilespmem:s18+$0xFFFFFB00]  }
0x132: {  	v1 =	vld [tilespmem:s18+$0xFFFFFB10]  }
0x133: {  	v2 =	vld [tilespmem:s18+$0xFFFFFB20]  }
0x134: {  	v3 =	vld [tilespmem:s18+$0xFFFFFB30]  }
0x135: {  	v4 =	vld [tilespmem:s18+$0xFFFFFB40]  }
0x136: {  	v5 =	vld [tilespmem:s18+$0xFFFFFB50]  }
0x137: {  	v6 =	vld [tilespmem:s18+$0xFFFFFB60]  }
0x138: {  	v7 =	vld [tilespmem:s18+$0xFFFFFB70]  }
0x139: {  	v8 =	vld [tilespmem:s18+$0xFFFFFB80]  }
0x13a: {  	v9 =	vld [tilespmem:s18+$0xFFFFFB90]  }
0x13b: {  	v10 =	vld [tilespmem:s18+$0xFFFFFBA0]  }
0x13c: {  	v11 =	vld [tilespmem:s18+$0xFFFFFBB0]  }
0x13d: {  	v12 =	vld [tilespmem:s18+$0xFFFFFBC0]  }
0x13e: {  	v13 =	vld [tilespmem:s18+$0xFFFFFBD0]  }
0x13f: {  	v14 =	vld [tilespmem:s18+$0xFFFFFBE0]  }
0x140: {  	v15 =	vld [tilespmem:s18+$0xFFFFFBF0]  }
0x141: {  	v16 =	vld [tilespmem:s18+$0xFFFFFC00]  }
0x142: {  	v17 =	vld [tilespmem:s18+$0xFFFFFC10]  }
0x143: {  	v18 =	vld [tilespmem:s18+$0xFFFFFC20]  }
0x144: {  	v19 =	vld [tilespmem:s18+$0xFFFFFC30]  }
0x145: {  	v20 =	vld [tilespmem:s18+$0xFFFFFC40]  }
0x146: {  	v21 =	vld [tilespmem:s18+$0xFFFFFC50]  }
0x147: {  	v22 =	vld [tilespmem:s18+$0xFFFFFC60]  }
0x148: {  	v23 =	vld [tilespmem:s18+$0xFFFFFC70]  }
0x149: {  	v24 =	vld [tilespmem:s18+$0xFFFFFC80]  }
0x14a: {  	v25 =	vld [tilespmem:s18+$0xFFFFFC90]  }
0x14b: {  	v26 =	vld [tilespmem:s18+$0xFFFFFCA0]  }
0x14c: {  	v27 =	vld [tilespmem:s18+$0xFFFFFCB0]  }
0x14d: {  	v28 =	vld [tilespmem:s18+$0xFFFFFCC0]  }
0x14e: {  	v29 =	vld [tilespmem:s18+$0xFFFFFCD0]  }
0x14f: {  	v30 =	vld [tilespmem:s18+$0xFFFFFCE0]  }
0x150: {  	v31 =	vld [tilespmem:s18+$0xFFFFFCF0]  }
0x151: {  	v32 =	vld [tilespmem:s18+$0xFFFFFD00]  }
0x152: {  	v33 =	vld [tilespmem:s18+$0xFFFFFD10]  }
0x153: {  	v34 =	vld [tilespmem:s18+$0xFFFFFD20]  }
0x154: {  	v35 =	vld [tilespmem:s18+$0xFFFFFD30]  }
0x155: {  	v36 =	vld [tilespmem:s18+$0xFFFFFD40]  }
0x156: {  	v37 =	vld [tilespmem:s18+$0xFFFFFD50]  }
0x157: {  	v38 =	vld [tilespmem:s18+$0xFFFFFD60]  }
0x158: {  	v39 =	vld [tilespmem:s18+$0xFFFFFD70]  }
0x159: {  	v40 =	vld [tilespmem:s18+$0xFFFFFD80]  }
0x15a: {  	v41 =	vld [tilespmem:s18+$0xFFFFFD90]  }
0x15b: {  	v63 =	vld [tilespmem:s18+$0xFFFFFEF0]  }
0x15c: {  	v42 =	vld [tilespmem:s18+$0xFFFFFDA0]  }
0x15d: {  	v43 =	vld [tilespmem:s18+$0xFFFFFDB0]  }
0x15e: {  	v44 =	vld [tilespmem:s18+$0xFFFFFDC0]  }
0x15f: {  	v45 =	vld [tilespmem:s18+$0xFFFFFDD0]  }
0x160: {  	[tilespmem:$0x1FCE0] =	vst v63;
	v63 =	vld [tilespmem:s18+$0xFFFFFF00]  }
0x161: {  	v46 =	vld [tilespmem:s18+$0xFFFFFDE0]  }
0x162: {  	v47 =	vld [tilespmem:s18+$0xFFFFFDF0]  }
0x163: {  	v48 =	vld [tilespmem:s18+$0xFFFFFE00]  }
0x164: {  	v49 =	vld [tilespmem:s18+$0xFFFFFE10]  }
0x165: {  	[tilespmem:$0x1FCF0] =	vst v63;
	v63 =	vld [tilespmem:s18+$0xFFFFFF10]  }
0x166: {  	v50 =	vld [tilespmem:s18+$0xFFFFFE20]  }
0x167: {  	v51 =	vld [tilespmem:s18+$0xFFFFFE30]  }
0x168: {  	v52 =	vld [tilespmem:s18+$0xFFFFFE40]  }
0x169: {  	v53 =	vld [tilespmem:s18+$0xFFFFFE50]  }
0x16a: {  	[tilespmem:$0x1FD00] =	vst v63;
	v63 =	vld [tilespmem:s18+$0xFFFFFF20]  }
0x16b: {  	v54 =	vld [tilespmem:s18+$0xFFFFFE60]  }
0x16c: {  	v55 =	vld [tilespmem:s18+$0xFFFFFE70]  }
0x16d: {  	v56 =	vld [tilespmem:s18+$0xFFFFFE80]  }
0x16e: {  	v57 =	vld [tilespmem:s18+$0xFFFFFE90]  }
0x16f: {  	[tilespmem:$0x1FD10] =	vst v63;
	v63 =	vld [tilespmem:s18+$0xFFFFFF30]  }
0x170: {  	v58 =	vld [tilespmem:s18+$0xFFFFFEA0]  }
0x171: {  	v59 =	vld [tilespmem:s18+$0xFFFFFEB0]  }
0x172: {  	v60 =	vld [tilespmem:s18+$0xFFFFFEC0]  }
0x173: {  	v61 =	vld [tilespmem:s18+$0xFFFFFED0]  }
0x174: {  	[tilespmem:$0x1FD20] =	vst v63;
	v63 =	vld [tilespmem:s18+$0xFFFFFF40]  }
0x175: {  	v62 =	vld [tilespmem:s18+$0xFFFFFEE0]  }
0x176: {  	v0 =	vadd.f32 v8, v0;
	v8 =	vld [tilespmem:s18+$0x80]  }
0x177: {  	v1 =	vadd.f32 v9, v1;
	v9 =	vld [tilespmem:s18+$0x90]  }
0x178: {  	v2 =	vadd.f32 v10, v2;
	v10 =	vld [tilespmem:s18+$0xA0]  }
0x179: {  	[tilespmem:$0x1FD30] =	vst v63;
	v63 =	vld [tilespmem:s18+$0xFFFFFF50]  }
0x17a: {  	v3 =	vadd.f32 v11, v3;
	v11 =	vld [tilespmem:s18+$0xB0]  }
0x17b: {  	v4 =	vadd.f32 v12, v4;
	v12 =	vld [tilespmem:s18+$0xC0]  }
0x17c: {  	v5 =	vadd.f32 v13, v5;
	v13 =	vld [tilespmem:s18+$0xD0]  }
0x17d: {  	v6 =	vadd.f32 v14, v6;
	v14 =	vld [tilespmem:s18+$0xE0]  }
0x17e: {  	[tilespmem:$0x1FD40] =	vst v63;
	v63 =	vld [tilespmem:s18+$0xFFFFFF60]  }
0x17f: {  	v7 =	vadd.f32 v15, v7;
	v15 =	vld [tilespmem:s18+$0xF0]  }
0x180: {  	v0 =	vadd.f32 v16, v0;
	v16 =	vld [tilespmem:s18+$0x100]  }
0x181: {  	v1 =	vadd.f32 v17, v1;
	v17 =	vld [tilespmem:s18+$0x110]  }
0x182: {  	v2 =	vadd.f32 v18, v2;
	v18 =	vld [tilespmem:s18+$0x120]  }
0x183: {  	[tilespmem:$0x1FD50] =	vst v63;
	v63 =	vld [tilespmem:s18+$0xFFFFFF70]  }
0x184: {  	v3 =	vadd.f32 v19, v3;
	v19 =	vld [tilespmem:s18+$0x130]  }
0x185: {  	v4 =	vadd.f32 v20, v4;
	v20 =	vld [tilespmem:s18+$0x140]  }
0x186: {  	v5 =	vadd.f32 v21, v5;
	v21 =	vld [tilespmem:s18+$0x150]  }
0x187: {  	v6 =	vadd.f32 v22, v6;
	v22 =	vld [tilespmem:s18+$0x160]  }
0x188: {  	[tilespmem:$0x1FD60] =	vst v63;
	v63 =	vld [tilespmem:s18+$0xFFFFFF80]  }
0x189: {  	v7 =	vadd.f32 v23, v7;
	v23 =	vld [tilespmem:s18+$0x170]  }
0x18a: {  	v0 =	vadd.f32 v24, v0;
	v24 =	vld [tilespmem:s18+$0x180]  }
0x18b: {  	v1 =	vadd.f32 v25, v1;
	v25 =	vld [tilespmem:s18+$0x190]  }
0x18c: {  	v2 =	vadd.f32 v26, v2;
	v26 =	vld [tilespmem:s18+$0x1A0]  }
0x18d: {  	[tilespmem:$0x1FD70] =	vst v63;
	v63 =	vld [tilespmem:s18+$0xFFFFFF90]  }
0x18e: {  	v3 =	vadd.f32 v27, v3;
	v27 =	vld [tilespmem:s18+$0x1B0]  }
0x18f: {  	v4 =	vadd.f32 v28, v4;
	v28 =	vld [tilespmem:s18+$0x1C0]  }
0x190: {  	v5 =	vadd.f32 v29, v5;
	v29 =	vld [tilespmem:s18+$0x1D0]  }
0x191: {  	v6 =	vadd.f32 v30, v6;
	v30 =	vld [tilespmem:s18+$0x1E0]  }
0x192: {  	[tilespmem:$0x1FD80] =	vst v63;
	v63 =	vld [tilespmem:s18+$0xFFFFFFA0]  }
0x193: {  	v7 =	vadd.f32 v31, v7;
	v31 =	vld [tilespmem:s18+$0x1F0]  }
0x194: {  	v0 =	vadd.f32 v32, v0;
	v32 =	vld [tilespmem:s18+$0x200]  }
0x195: {  	v1 =	vadd.f32 v33, v1;
	v33 =	vld [tilespmem:s18+$0x210]  }
0x196: {  	v2 =	vadd.f32 v34, v2;
	v34 =	vld [tilespmem:s18+$0x220]  }
0x197: {  	[tilespmem:$0x1FD90] =	vst v63;
	v63 =	vld [tilespmem:s18+$0xFFFFFFB0]  }
0x198: {  	v3 =	vadd.f32 v35, v3;
	v35 =	vld [tilespmem:s18+$0x230]  }
0x199: {  	v4 =	vadd.f32 v36, v4;
	v36 =	vld [tilespmem:s18+$0x240]  }
0x19a: {  	v5 =	vadd.f32 v37, v5;
	v37 =	vld [tilespmem:s18+$0x250]  }
0x19b: {  	v6 =	vadd.f32 v38, v6;
	v38 =	vld [tilespmem:s18+$0x260]  }
0x19c: {  	[tilespmem:$0x1FDA0] =	vst v63;
	v63 =	vld [tilespmem:s18+$0xFFFFFFC0]  }
0x19d: {  	v7 =	vadd.f32 v39, v7;
	v39 =	vld [tilespmem:s18+$0x270]  }
0x19e: {  	v6 =	vadd.f32 v46, v6;
	v46 =	vld [tilespmem:$0x1FCE0]  }
0x19f: {  	v7 =	vadd.f32 v47, v7;
	v47 =	vld [tilespmem:$0x1FCF0]  }
0x1a0: {  	v0 =	vadd.f32 v40, v0;
	v40 =	vld [tilespmem:s18+$0x280]  }
0x1a1: {  	[tilespmem:$0x1FDB0] =	vst v63;
	v63 =	vld [tilespmem:s18+$0xFFFFFFD0]  }
0x1a2: {  	v1 =	vadd.f32 v41, v1;
	v41 =	vld [tilespmem:s18+$0x290]  }
0x1a3: {  	v2 =	vadd.f32 v42, v2;
	v42 =	vld [tilespmem:s18+$0x2A0]  }
0x1a4: {  	v3 =	vadd.f32 v43, v3;
	v43 =	vld [tilespmem:s18+$0x2B0]  }
0x1a5: {  	v4 =	vadd.f32 v44, v4;
	v44 =	vld [tilespmem:s18+$0x2C0]  }
0x1a6: {  	v0 =	vadd.f32 v48, v0;
	[tilespmem:$0x1FDC0] =	vst v63;
	v63 =	vld [tilespmem:s18+$0xFFFFFFE0]  }
0x1a7: {  	v5 =	vadd.f32 v45, v5;
	v45 =	vld [tilespmem:s18+$0x2D0];
	v7 =	vadd.f32 v55, v7  }
0x1a8: {  	v48 =	vld [tilespmem:$0x1FD00];
	v0 =	vadd.f32 v56, v0  }
0x1a9: {  	v7 =	vadd.f32 v46, v7;
	v46 =	vld [tilespmem:s18+$0x2E0]  }
0x1aa: {  	v0 =	vadd.f32 v47, v0;
	v47 =	vld [tilespmem:s18+$0x2F0]  }
0x1ab: {  	[tilespmem:$0x1FDD0] =	vst v63;
	v63 =	vld [tilespmem:s18+$0xFFFFFFF0]  }
0x1ac: {  	v1 =	vadd.f32 v49, v1;
	v49 =	vld [tilespmem:$0x1FD10]  }
0x1ad: {  	v2 =	vadd.f32 v50, v2;
	v50 =	vld [tilespmem:$0x1FD20]  }
0x1ae: {  	v3 =	vadd.f32 v51, v3;
	v51 =	vld [tilespmem:$0x1FD30]  }
0x1af: {  	v4 =	vadd.f32 v52, v4;
	v52 =	vld [tilespmem:$0x1FD40]  }
0x1b0: {  	[tilespmem:$0x1FDE0] =	vst v63;
	v63 =	vld [tilespmem:s18+$0x0]  }
0x1b1: {  	v5 =	vadd.f32 v53, v5;
	v53 =	vld [tilespmem:$0x1FD50]  }
0x1b2: {  	v55 =	vld [tilespmem:$0x1FD70]  }
0x1b3: {  	v6 =	vadd.f32 v54, v6;
	v54 =	vld [tilespmem:$0x1FD60]  }
0x1b4: {  	v56 =	vld [tilespmem:$0x1FD80]  }
0x1b5: {  	v1 =	vadd.f32 v57, v1;
	[tilespmem:$0x1FDF0] =	vst v63;
	v63 =	vld [tilespmem:s18+$0x10]  }
0x1b6: {  	v2 =	vadd.f32 v58, v2;
	v57 =	vld [tilespmem:$0x1FD90]  }
0x1b7: {  	v1 =	vadd.f32 v48, v1;
	v0 =	vadd.f32 v55, v0;
	v55 =	vld [tilespmem:s18+$0x300]  }
0x1b8: {  	v3 =	vadd.f32 v59, v3;
	v58 =	vld [tilespmem:$0x1FDA0]  }
0x1b9: {  	v2 =	vadd.f32 v49, v2;
	v1 =	vadd.f32 v56, v1;
	v56 =	vld [tilespmem:s18+$0x320]  }
0x1ba: {  	[tilespmem:$0x1FE00] =	vst v63;
	v63 =	vld [tilespmem:s18+$0x20]  }
0x1bb: {  	v3 =	vadd.f32 v50, v3;
	v2 =	vadd.f32 v57, v2;
	v57 =	vld [tilespmem:s18+$0x340]  }
0x1bc: {  	v59 =	vld [tilespmem:$0x1FDB0]  }
0x1bd: {  	v4 =	vadd.f32 v60, v4;
	v3 =	vadd.f32 v58, v3;
	v58 =	vld [tilespmem:s18+$0x350]  }
0x1be: {  	v60 =	vld [tilespmem:$0x1FDC0]  }
0x1bf: {  	v4 =	vadd.f32 v51, v4;
	[tilespmem:$0x1FE10] =	vst v63;
	v63 =	vld [tilespmem:s18+$0x30]  }
0x1c0: {  	v48 =	vld [tilespmem:$0x1FE00]  }
0x1c1: {  	v4 =	vadd.f32 v59, v4;
	v59 =	vld [tilespmem:s18+$0x360]  }
0x1c2: {  	v5 =	vadd.f32 v61, v5;
	v61 =	vld [tilespmem:$0x1FDD0]  }
0x1c3: {  	v6 =	vadd.f32 v62, v6;
	v62 =	vld [tilespmem:$0x1FDE0]  }
0x1c4: {  	v5 =	vadd.f32 v52, v5;
	[tilespmem:$0x1FE20] =	vst v63;
	v63 =	vld [tilespmem:s18+$0x40]  }
0x1c5: {  	v6 =	vadd.f32 v53, v6;
	v1 =	vadd.f32 v48, v1;
	v49 =	vld [tilespmem:$0x1FE10]  }
0x1c6: {  	v5 =	vadd.f32 v60, v5;
	v60 =	vld [tilespmem:s18+$0x370]  }
0x1c7: {  	v6 =	vadd.f32 v61, v6;
	v61 =	vld [tilespmem:s18+$0x380];
	v1 =	vadd.f32 v9, v1  }
0x1c8: {  	v7 =	vadd.f32 v54, v7;
	v50 =	vld [tilespmem:$0x1FE20]  }
0x1c9: {  	v1 =	vadd.f32 v17, v1;
	[tilespmem:$0x1FE30] =	vst v63;
	v63 =	vld [tilespmem:s18+$0x50]  }
0x1ca: {  	v7 =	vadd.f32 v62, v7;
	v62 =	vld [tilespmem:s18+$0x390];
	v2 =	vadd.f32 v49, v2  }
0x1cb: {  	v1 =	vadd.f32 v25, v1;
	v51 =	vld [tilespmem:$0x1FE30]  }
0x1cc: {  	v9 =	vld [tilespmem:s18+$0x310];
	v2 =	vadd.f32 v10, v2  }
0x1cd: {  	v48 =	vld [tilespmem:s18+$0x3D0];
	v1 =	vadd.f32 v33, v1;
	v3 =	vadd.f32 v50, v3  }
0x1ce: {  	v2 =	vadd.f32 v18, v2;
	[tilespmem:$0x1FE40] =	vst v63;
	v63 =	vld [tilespmem:s18+$0x60]  }
0x1cf: {  	v1 =	vadd.f32 v41, v1;
	v3 =	vadd.f32 v11, v3;
	v52 =	vld [tilespmem:$0x1FE40]  }
0x1d0: {  	v49 =	vld [tilespmem:s18+$0x3E0];
	v2 =	vadd.f32 v26, v2;
	v4 =	vadd.f32 v51, v4  }
0x1d1: {  	v50 =	vld [tilespmem:s18+$0x3F0];
	v1 =	vadd.f32 v9, v1;
	v3 =	vadd.f32 v19, v3  }
0x1d2: {  	v11 =	vld [tilespmem:s18+$0x330];
	v2 =	vadd.f32 v34, v2;
	v4 =	vadd.f32 v12, v4  }
0x1d3: {  	v1 =	vadd.f32 v62, v1;
	v3 =	vadd.f32 v27, v3;
	[tilespmem:$0x1FE50] =	vst v63;
	v63 =	vld [tilespmem:s18+$0x70]  }
0x1d4: {  	v4 =	vadd.f32 v20, v4;
	v5 =	vadd.f32 v52, v5;
	v53 =	vld [tilespmem:$0x1FE50]  }
0x1d5: {  	v62 =	vld [tilespmem:s18+$0x4B0];
	v2 =	vadd.f32 v42, v2;
	v3 =	vadd.f32 v35, v3  }
0x1d6: {  	v52 =	vld [tilespmem:s18+$0x410];
	v4 =	vadd.f32 v28, v4;
	v5 =	vadd.f32 v13, v5  }
0x1d7: {  	v2 =	vadd.f32 v56, v2;
	v56 =	vld [tilespmem:s18+$0x450];
	v3 =	vadd.f32 v43, v3  }
0x1d8: {  	v4 =	vadd.f32 v36, v4;
	[tilespmem:$0x1FE60] =	vst v63;
	v63 =	vld [tilespmem:$0x1FDF0];
	v5 =	vadd.f32 v21, v5  }
0x1d9: {  	s19 =	sshra.s32 s17, $0x2;
	v3 =	vadd.f32 v11, v3;
	v6 =	vadd.f32 v53, v6;
	v54 =	vld [tilespmem:$0x1FE60]  }
0x1da: {  	v20 =	vld [tilespmem:s19+$0x1C900];
	v4 =	vadd.f32 v44, v4;
	v5 =	vadd.f32 v29, v5  }
0x1db: {  	v43 =	vld [tilespmem:s19+$0x1C950];
	v1 =	vadd.f32 v52, v1;
	v6 =	vadd.f32 v14, v6  }
0x1dc: {  	v36 =	vld [tilespmem:s19+$0x1C930];
	v4 =	vadd.f32 v57, v4;
	v5 =	vadd.f32 v37, v5  }
0x1dd: {  	v0 =	vadd.f32 v63, v0;
	v6 =	vadd.f32 v22, v6;
	v63 =	vld [tilespmem:s18+$0x3A0]  }
0x1de: {  	v29 =	vld [tilespmem:s19+$0x1C920];
	v7 =	vadd.f32 v54, v7;
	v5 =	vadd.f32 v45, v5  }
0x1df: {  	v53 =	vld [tilespmem:s18+$0x420];
	v0 =	vadd.f32 v8, v0;
	v6 =	vadd.f32 v30, v6  }
0x1e0: {  	v25 =	vshrl.u32 v20, $0x10;
	v30 =	vld [tilespmem:s18+$0x3B0];
	v7 =	vadd.f32 v15, v7;
	v5 =	vadd.f32 v58, v5  }
0x1e1: {  	v21 =	vld [tilespmem:s18+$0x4D0];
	v26 =	vand.u32 $0x1, v25;
	v0 =	vadd.f32 v16, v0;
	v6 =	vadd.f32 v38, v6  }
0x1e2: {  	v54 =	vld [tilespmem:s18+$0x430];
	v8 =	vadd.s32 v26, v20;
	v7 =	vadd.f32 v23, v7;
	v2 =	vadd.f32 v63, v2  }
0x1e3: {  	v45 =	vld [tilespmem:s19+$0x1C960];
	v34 =	vshrl.u32 v29, $0x10;
	v5 =	vadd.f32 v48, v5;
	v0 =	vadd.f32 v24, v0  }
0x1e4: {  	v37 =	vld [tilespmem:s19+$0x1C940];
	v8 =	vadd.s32 $0x7FFF, v8;
	v6 =	vadd.f32 v46, v6;
	v7 =	vadd.f32 v31, v7  }
0x1e5: {  	v8 =	vshrl.u32 v8, $0x10;
	v24 =	vld [tilespmem:s19+$0x1C910];
	v3 =	vadd.f32 v30, v3;
	v2 =	vadd.f32 v53, v2  }
0x1e6: {  	v51 =	vld [tilespmem:s18+$0x400];
	v38 =	vshrl.u32 v36, $0x10;
	v5 =	vadd.f32 v56, v5;
	v0 =	vadd.f32 v32, v0  }
0x1e7: {  	v57 =	vld [tilespmem:s18+$0x460];
	v46 =	vshrl.u32 v43, $0x10;
	v6 =	vadd.f32 v59, v6;
	v7 =	vadd.f32 v39, v7  }
0x1e8: {  	v48 =	vshrl.u32 v45, $0x10;
	v32 =	vld [tilespmem:s18+$0x3C0];
	v3 =	vadd.f32 v54, v3;
	v5 =	vadd.f32 v21, v5  }
0x1e9: {  	v22 =	vld [tilespmem:s18+$0x4E0];
	v0 =	vadd.f32 v40, v0;
	v6 =	vadd.f32 v49, v6;
	v40 =	vshrl.u32 v37, $0x10  }
0x1ea: {  	v58 =	vld [tilespmem:s18+$0x470];
	v7 =	vadd.f32 v47, v7;
	v3 =	vadd.f32 v62, v3;
	v30 =	vshrl.u32 v24, $0x10  }
0x1eb: {  	v63 =	vld [tilespmem:s18+$0x4C0];
	v41 =	vand.u32 $0x1, v40;
	v5 =	vmul.f32 $5.000000070e-02, v5;
	v0 =	vadd.f32 v55, v0  }
0x1ec: {  	v59 =	vld [tilespmem:s18+$0x480];
	v6 =	vadd.f32 v57, v6;
	v10 =	vand.u32 $0x1, v30;
	v7 =	vadd.f32 v60, v7  }
0x1ed: {  	v55 =	vld [tilespmem:s18+$0x440];
	v4 =	vadd.f32 v32, v4;
	v10 =	vadd.s32 v10, v24;
	v3 =	vmul.f32 $5.000000070e-02, v3  }
0x1ee: {  	v49 =	vld [tilespmem:s19+$0x1C970];
	v47 =	vshrl.u32 v5, $0x10;
	v0 =	vadd.f32 v61, v0;
	v6 =	vadd.f32 v22, v6  }
0x1ef: {  	v60 =	vld [tilespmem:s18+$0x490];
	v32 =	vadd.s32 $0x7FFF, v10;
	v10 =	vand.u32 $0x1, v34;
	v7 =	vadd.f32 v50, v7  }
0x1f0: {  	v61 =	vld [tilespmem:s18+$0x4A0];
	v9 =	vadd.s32 v10, v29;
	v39 =	vshrl.u32 v3, $0x10;
	v10 =	vand.u32 $0x1, v48  }
0x1f1: {  	v23 =	vld [tilespmem:s18+$0x4F0];
	v0 =	vadd.f32 v51, v0;
	v9 =	vadd.s32 $0x7FFF, v9;
	v50 =	vadd.s32 v10, v45  }
0x1f2: {  	v6 =	vmul.f32 $5.000000070e-02, v6;
	v4 =	vadd.f32 v55, v4;
	v7 =	vadd.f32 v58, v7  }
0x1f3: {  	v9 =	vshrl.u32 v9, $0x10;
	v55 =	vshrl.u32 v49, $0x10;
	v0 =	vadd.f32 v59, v0  }
0x1f4: {  	v1 =	vadd.f32 v60, v1;
	v53 =	vshrl.u32 v6, $0x10;
	v57 =	vand.u32 $0x1, v55  }
0x1f5: {  	v2 =	vadd.f32 v61, v2;
	v4 =	vadd.f32 v63, v4;
	v0 =	vmul.f32 $5.000000070e-02, v0  }
0x1f6: {  	v7 =	vadd.f32 v23, v7;
	v54 =	vand.u32 $0x1, v53;
	v1 =	vmul.f32 $5.000000070e-02, v1  }
0x1f7: {  	v2 =	vmul.f32 $5.000000070e-02, v2;
	v4 =	vmul.f32 $5.000000070e-02, v4;
	v27 =	vshrl.u32 v0, $0x10  }
0x1f8: {  	v7 =	vmul.f32 $5.000000070e-02, v7;
	v31 =	vshrl.u32 v1, $0x10;
	v28 =	vand.u32 $0x1, v27  }
0x1f9: {  	v33 =	vand.u32 $0x1, v31;
	v35 =	vshrl.u32 v2, $0x10;
	v42 =	vshrl.u32 v4, $0x10  }
0x1fa: {  	v56 =	vshrl.u32 v7, $0x10;
	v0 =	vadd.s32 v28, v0;
	v1 =	vadd.s32 v33, v1  }
0x1fb: {  	v11 =	vand.u32 $0x1, v35;
	v44 =	vand.u32 $0x1, v42;
	v58 =	vand.u32 $0x1, v56  }
0x1fc: {  	v0 =	vadd.s32 $0x7FFF, v0;
	v1 =	vadd.s32 $0x7FFF, v1;
	v2 =	vadd.s32 v11, v2  }
0x1fd: {  	v4 =	vadd.s32 v44, v4;
	v59 =	vadd.s32 v58, v7;
	v0 =	vand.u32 $0xFFFF0000, v0  }
0x1fe: {  	v1 =	vand.u32 $0xFFFF0000, v1;
	v2 =	vadd.s32 $0x7FFF, v2;
	v4 =	vadd.s32 $0x7FFF, v4  }
0x1ff: {  	v0 =	vor.u32 v0, v8;
	v8 =	vshrl.u32 v32, $0x10;
	v2 =	vand.u32 $0xFFFF0000, v2  }
0x200: {  	v4 =	vand.u32 $0xFFFF0000, v4;
	v1 =	vor.u32 v1, v8;
	v8 =	vand.u32 $0x1, v38  }
0x201: {  	v2 =	vor.u32 v2, v9;
	v9 =	vand.u32 $0x1, v39;
	v8 =	vadd.s32 v8, v36  }
0x202: {  	v3 =	vadd.s32 v9, v3;
	v9 =	vadd.s32 v41, v37;
	[tilespmem:s19+$0x1D910] =	vst v1;
	v1 =	vadd.s32 v54, v6  }
0x203: {  	[tilespmem:s19+$0x1D920] =	vst v2;
	v2 =	vadd.s32 v57, v49;
	v8 =	vadd.s32 $0x7FFF, v8;
	v3 =	vadd.s32 $0x7FFF, v3  }
0x204: {  	v9 =	vadd.s32 $0x7FFF, v9;
	v1 =	vadd.s32 $0x7FFF, v1;
	v2 =	vadd.s32 $0x7FFF, v2  }
0x205: {  	v8 =	vshrl.u32 v8, $0x10;
	v3 =	vand.u32 $0xFFFF0000, v3;
	v9 =	vshrl.u32 v9, $0x10  }
0x206: {  	v1 =	vand.u32 $0xFFFF0000, v1;
	v61 =	vshrl.u32 v2, $0x10;
	v3 =	vor.u32 v3, v8  }
0x207: {  	v4 =	vor.u32 v4, v9;
	v8 =	vand.u32 $0x1, v46;
	v9 =	vand.u32 $0x1, v47  }
0x208: {  	p0 =	sne.s32 s17, $0x1E00;
	[tilespmem:s19+$0x1D900] =	vst v0;
	v8 =	vadd.s32 v8, v43;
	v5 =	vadd.s32 v9, v5;
	v9 =	vadd.s32 $0x7FFF, v50  }
.Ltmp6:
0x209: {  	[tilespmem:s19+$0x1D930] =	vst v3;
	v3 =	vadd.s32 $0x7FFF, v59;
	v8 =	vadd.s32 $0x7FFF, v8;
	v52 =	vshrl.u32 v9, $0x10;
	(pc) =	sbr.rel @p0 .LBB2_11-.Ltmp6, $4  }
0x20a: {  	[tilespmem:s19+$0x1D940] =	vst v4;
	v5 =	vadd.s32 $0x7FFF, v5;
	v62 =	vand.u32 $0xFFFF0000, v3;
	v60 =	vor.u32 v1, v52  }
0x20b: {  	v8 =	vshrl.u32 v8, $0x10;
	v5 =	vand.u32 $0xFFFF0000, v5;
	v63 =	vor.u32 v62, v61;
	[tilespmem:s19+$0x1D960] =	vst v60  }
0x20c: {  	v51 =	vor.u32 v5, v8;
	[tilespmem:s19+$0x1D970] =	vst v63  }
0x20d: {  	s17 =	sadd.s32 $0x200, s17;
	s18 =	sadd.s32 $0xA00, s18;
	[tilespmem:s19+$0x1D950] =	vst v51  }
.Ltmp7:
0x20e: {  	(pc) =	sbr.rel @p1 .LBB2_14-.Ltmp7, $4  }
0x20f: {  	_ = 	snop  }
0x210: {  	s17 =	sshll.u32 s15, $0x9  }
0x211: {  	s17 =	sadd.s32 s10, s17  }
0x212: {  	[hbm4b:s17+s6] =	stream.linear.scatter [tilespmem:s14], [sflag:$0x4], $0x800, $0x38;
	[tilespmem:$0x1E100] =	vst v63  }
0x213: {  	s16 =	sadd.s32 $0x3, s16  }
0x214: {  	s17 =	smul.u32 $0x500, s16;
	_ =	sdelay $0x1  }
.Ltmp8:
0x215: {  	s17 =	sshra.s32 s17, $0x2;
	(pc) =	sbr.rel .LBB2_8-.Ltmp8, $4  }
0x216: {  	s16 =	sshll.u32 s16, $0x4;
	s17 =	sadd.s32 $0x680, s17  }
0x217: {  	[tilespmem:s7], [sflag:$0x2] =	stream.indirect.gather [hbm4b:s2+s4], $0x80, s17, s4, $0xb8;
	[tilespmem:$0x1E100] =	vst v63  }
0x218: {  	s15 =	sadd.s32 $0x1, s15;
	s16 =	sand.u32 $0x3FFFFFF0, s16  }
0x219: {  	[tilespmem:s9], [sflag:$0x2] =	stream.indirect.gather [hbm4b:s2+s5], $0x80, s16, s5, $0xb8;
	[tilespmem:$0x1E100] =	vst v63  }
.LBB2_14:
0x21a: {  	s2 =	simm.s32 $0x3  }
0x21b: {  	_ =	swait.ge [sflag:s2], $0x800  }
0x21c: {  	[sflag:s2] =	ssyncset.done $0x0  }
0x21d: {  	s31 =	simm.s32 $0x4;
	[sflag:s2] =	ssyncadd.s32 $0xFFFFF800  }
0x21e: {  	_ =	swait.ge [sflag:s31], $0x800  }
0x21f: {  	[sflag:s31] =	ssyncset.done $0x0  }
0x220: {  	[sflag:s31] =	ssyncadd.s32 $0xFFFFF800  }
.LBB2_15:
0x221: {  	_ =	sfence.sel $0x180000  }
0x222: {  	[bflag:$0x0] =	sbarrier.arrive $0xFFFF  }
0x223: {  	p0 =	sne.s32 s1, $0x0;
	_ =	strace $0x90000047  }
0x224: {  	s0 =	sadd.s32 @!p0 $0x100000, s0;
	[bflag:$0x2] =	sbarrier.arrive $0xFFFF  }
0x225: {  	[sflag:s0] =	ssyncadd.tile.s32 @!p0 $0x1;
	_ =	shalt  }
.Lfunc_end2:
_tile_overlayer_lowered:
.L_overlay_start_2:
0x226: {  	(tag) =	ssettag $0x2  }
0x227: {  	s0 =	rddreg [dreg:$0x0];
	s2 =	stileid.u32  }
0x228: {  	s1 =	rddreg [dreg:$0x1];
	p0 =	sne.s32 s2, $0x0  }
0x229: {  	s3 =	rddreg [dreg:$0x2];
	[bflag:$0x3] =	sbarrier.arrive $0xFFFF;
	s2 =	simm.s32 @!p0 $0x1C05  }
0x22a: {  	[timem:s3], [sflag:s2] =	dma.local @!p0 [hbm:s0], s1  }
0x22b: {  	s0 =	simm.s32 @!p0 $0x5  }
0x22c: {  	_ =	swait.ge @!p0 [sflag:s0], s1  }
0x22d: {  	s1 =	ssub.s32 @!p0 $0x0, s1;
	[sflag:s0] =	ssyncset.done @!p0 $0x0  }
0x22e: {  	[sflag:s0] =	ssyncadd.s32 @!p0 s1  }
0x22f: {  	[bflag:$0x3] =	sbarrier.arrive $0xFFFF  }
0x230: {  	_ =	shalt  }

</sc_bundles>
